<compile_context>
chip_gen: v7x
topology: tpu7x:2x2x1
jax: 0.10.2.dev20260603
libtpu: 0.0.44.dev20260713+nightly
codegen_flags: <defaults>
</compile_context>

<pallas_src>
import functools

import jax
import jax.numpy as jnp
from jax import lax
from jax.experimental import pallas as pl
from jax.experimental.pallas import tpu as pltpu
from jax.experimental.pallas import tpu_sc as plsc

N_NODES = 10000
N_EDGES = 320000
H = 128
HEADS = 8
DH = 16

_BN_SCALE = 1.0 / (1.0 + 1e-5) ** 0.5

ROWS_BLK = 2000

_NC = 2
_NS = 16
_NW = _NC * _NS
_EPW = N_EDGES // _NW
_BE = 80
_NB = _EPW // _BE
_NG = 5
_NBG = 25
_RZ = 1000
_NZ = N_NODES // _RZ

_sc_mesh = plsc.VectorSubcoreMesh(core_axis_name="c", subcore_axis_name="s")


def _sc_deg_body(dst_hbm, ones_hbm, zeros_hbm, out_hbm, idx_v, ones_v, acc_sh):
    c = lax.axis_index("c")
    s = lax.axis_index("s")
    w = s * _NC + c

    @pl.when(s < _NZ)
    def _():
        pltpu.sync_copy(zeros_hbm, acc_sh.at[pl.ds(s * _RZ, _RZ)])

    pltpu.sync_copy(ones_hbm, ones_v)
    pltpu.sync_copy(dst_hbm.at[w], idx_v)
    plsc.subcore_barrier()

    def step(i, carry):
        pltpu.sync_copy(ones_v, acc_sh.at[idx_v.at[i]], add=True)
        return carry

    lax.fori_loop(0, _NB, step, 0)
    plsc.subcore_barrier()

    @pl.when(s < _NZ)
    def _():
        pltpu.sync_copy(acc_sh.at[pl.ds(s * _RZ, _RZ)],
                        out_hbm.at[c, pl.ds(s * _RZ, _RZ)])


def _sc_deg(dst_r):
    ones = jnp.ones((_BE, H), jnp.float32)
    zeros = jnp.zeros((_RZ, H), jnp.float32)
    return pl.kernel(
        _sc_deg_body,
        name="sc_deg",
        out_type=jax.ShapeDtypeStruct((_NC, N_NODES, H), jnp.float32),
        mesh=_sc_mesh,
        scratch_types=[
            pltpu.VMEM((_NB, _BE), jnp.int32),
            pltpu.VMEM((_BE, H), jnp.float32),
            pltpu.VMEM_SHARED((N_NODES, H), jnp.float32),
        ],
    )(dst_r, ones, zeros)


def _sc_gather_add_body(tab_hbm, src_hbm, dst_hbm, zeros_hbm, out_hbm,
                        sidx_v, didx_v, rows_v, acc_sh, sem):
    c = lax.axis_index("c")
    s = lax.axis_index("s")
    w = s * _NC + c

    @pl.when(s < _NZ)
    def _():
        pltpu.sync_copy(zeros_hbm, acc_sh.at[pl.ds(s * _RZ, _RZ)])

    pltpu.sync_copy(src_hbm.at[w], sidx_v)
    pltpu.sync_copy(dst_hbm.at[w], didx_v)
    plsc.subcore_barrier()

    def step(i, carry):
        pltpu.async_copy(tab_hbm.at[sidx_v.at[i]], rows_v, sem).wait()
        pltpu.sync_copy(rows_v, acc_sh.at[didx_v.at[i]], add=True)
        return carry

    lax.fori_loop(0, _NB, step, 0)
    plsc.subcore_barrier()

    @pl.when(s < _NZ)
    def _():
        pltpu.sync_copy(acc_sh.at[pl.ds(s * _RZ, _RZ)],
                        out_hbm.at[c, pl.ds(s * _RZ, _RZ)])


def _sc_gather_add(tab, src_r, dst_r):
    zeros = jnp.zeros((_RZ, H), jnp.float32)
    return pl.kernel(
        _sc_gather_add_body,
        name="sc_gcn",
        out_type=jax.ShapeDtypeStruct((_NC, N_NODES, H), jnp.float32),
        mesh=_sc_mesh,
        scratch_types=[
            pltpu.VMEM((_NB, _BE), jnp.int32),
            pltpu.VMEM((_NB, _BE), jnp.int32),
            pltpu.VMEM((_BE, H), jnp.float32),
            pltpu.VMEM_SHARED((N_NODES, H), jnp.float32),
            pltpu.SemaphoreType.DMA,
        ],
    )(tab, src_r, dst_r, zeros)


def _sc_gat1_body(asrc_hbm, adst_hbm, src_hbm, dst_hbm, gmax_hbm, zeros_hbm,
                  den_hbm, ee_hbm, sidx_v, didx_v, arow_v, brow_v,
                  eepk_v, gm_v, den_sh, sem, sem2):
    c = lax.axis_index("c")
    s = lax.axis_index("s")
    w = s * _NC + c

    @pl.when(s < _NZ)
    def _():
        pltpu.sync_copy(zeros_hbm, den_sh.at[pl.ds(s * _RZ, _RZ)])

    pltpu.sync_copy(gmax_hbm, gm_v)
    plsc.subcore_barrier()
    gv = gm_v[0, pl.ds(0, 16)]

    def group(g, carry):
        pltpu.sync_copy(src_hbm.at[w, g], sidx_v)
        pltpu.sync_copy(dst_hbm.at[w, g], didx_v)

        def step(i, carry1):
            cpa = pltpu.async_copy(asrc_hbm.at[sidx_v.at[i]], arow_v, sem)
            cpb = pltpu.async_copy(adst_hbm.at[didx_v.at[i]], brow_v, sem2)
            cpa.wait()
            cpb.wait()

            def edge(j, carry2):
                e = arow_v[j, pl.ds(0, 16)] + brow_v[j, pl.ds(0, 16)]
                e = jnp.maximum(e, 0.2 * e)
                ee = jnp.exp(e - gv)
                brow_v[j, pl.ds(0, 16)] = ee
                eepk_v[j // 8, pl.ds((j % 8) * 16, 16)] = ee
                return carry2

            lax.fori_loop(0, _BE, edge, 0)
            pltpu.sync_copy(brow_v, den_sh.at[didx_v.at[i]], add=True)
            pltpu.sync_copy(eepk_v, ee_hbm.at[w * _NB + g * _NBG + i])
            return carry1

        lax.fori_loop(0, _NBG, step, 0)
        return carry

    lax.fori_loop(0, _NG, group, 0)
    plsc.subcore_barrier()

    @pl.when(s < _NZ)
    def _():
        pltpu.sync_copy(den_sh.at[pl.ds(s * _RZ, _RZ)],
                        den_hbm.at[c, pl.ds(s * _RZ, _RZ)])


def _sc_gat1(asrc128, adst128, src_r4, dst_r4, gmax_arr):
    zeros = jnp.zeros((_RZ, H), jnp.float32)
    return pl.kernel(
        _sc_gat1_body,
        name="sc_gat1",
        out_type=[
            jax.ShapeDtypeStruct((_NC, N_NODES, H), jnp.float32),
            jax.ShapeDtypeStruct((_NW * _NB, _BE // 8, H), jnp.float32),
        ],
        mesh=_sc_mesh,
        scratch_types=[
            pltpu.VMEM((_NBG, _BE), jnp.int32),
            pltpu.VMEM((_NBG, _BE), jnp.int32),
            pltpu.VMEM((_BE, H), jnp.float32),
            pltpu.VMEM((_BE, H), jnp.float32),
            pltpu.VMEM((_BE // 8, H), jnp.float32),
            pltpu.VMEM((8, H), jnp.float32),
            pltpu.VMEM_SHARED((N_NODES, H), jnp.float32),
            pltpu.SemaphoreType.DMA,
            pltpu.SemaphoreType.DMA,
        ],
    )(asrc128, adst128, src_r4, dst_r4, gmax_arr, zeros)


def _sc_gat2_body(hg_hbm, ee_hbm, src_hbm, dst_hbm, zeros_hbm, out_hbm,
                  sidx_v, didx_v, rows_v, ee_v, acc_sh, sem):
    c = lax.axis_index("c")
    s = lax.axis_index("s")
    w = s * _NC + c

    @pl.when(s < _NZ)
    def _():
        pltpu.sync_copy(zeros_hbm, acc_sh.at[pl.ds(s * _RZ, _RZ)])

    plsc.subcore_barrier()

    def group(g, carry):
        pltpu.sync_copy(src_hbm.at[w, g], sidx_v)
        pltpu.sync_copy(dst_hbm.at[w, g], didx_v)

        def step(i, carry1):
            cp = pltpu.async_copy(hg_hbm.at[sidx_v.at[i]], rows_v, sem)
            pltpu.sync_copy(ee_hbm.at[w * _NB + g * _NBG + i], ee_v)
            cp.wait()

            def edge(j, carry2):
                eev = ee_v[j // 8, pl.ds((j % 8) * 16, 16)]
                for k in range(HEADS):
                    rows_v[j, pl.ds(k * 16, 16)] = (
                        rows_v[j, pl.ds(k * 16, 16)] * eev[k])
                return carry2

            lax.fori_loop(0, _BE, edge, 0)
            pltpu.sync_copy(rows_v, acc_sh.at[didx_v.at[i]], add=True)
            return carry1

        lax.fori_loop(0, _NBG, step, 0)
        return carry

    lax.fori_loop(0, _NG, group, 0)
    plsc.subcore_barrier()

    @pl.when(s < _NZ)
    def _():
        pltpu.sync_copy(acc_sh.at[pl.ds(s * _RZ, _RZ)],
                        out_hbm.at[c, pl.ds(s * _RZ, _RZ)])


def _sc_gat2(hg, eebuf, src_r4, dst_r4):
    zeros = jnp.zeros((_RZ, H), jnp.float32)
    return pl.kernel(
        _sc_gat2_body,
        name="sc_gat2",
        out_type=jax.ShapeDtypeStruct((_NC, N_NODES, H), jnp.float32),
        mesh=_sc_mesh,
        scratch_types=[
            pltpu.VMEM((_NBG, _BE), jnp.int32),
            pltpu.VMEM((_NBG, _BE), jnp.int32),
            pltpu.VMEM((_BE, H), jnp.float32),
            pltpu.VMEM((_BE // 8, H), jnp.float32),
            pltpu.VMEM_SHARED((N_NODES, H), jnp.float32),
            pltpu.SemaphoreType.DMA,
        ],
    )(hg, eebuf, src_r4, dst_r4, zeros)


def _prelude_body(x_ref, w_ref, b_ref, g_ref, bb_ref, gw_ref, degp_ref,
                  x1_ref, hp_ref):
    h = jnp.dot(x_ref[...], w_ref[...], preferred_element_type=jnp.float32, precision=lax.Precision.HIGHEST)
    h = (h + b_ref[...]) * (_BN_SCALE * g_ref[...]) + bb_ref[...]
    x1 = jnp.maximum(h, 0.0)
    x1_ref[...] = x1
    d = degp_ref[...]
    deg = d[0, :, 0:1] + d[1, :, 0:1] + 1.0
    dinv = lax.rsqrt(deg)
    hp_ref[...] = jnp.dot(x1, gw_ref[...],
                          preferred_element_type=jnp.float32, precision=lax.Precision.HIGHEST) * dinv


def _prelude(x, w, b, g, bb, gw, degp):
    grid = (N_NODES // ROWS_BLK,)
    return pl.pallas_call(
        _prelude_body,
        grid=grid,
        in_specs=[
            pl.BlockSpec((ROWS_BLK, H), lambda i: (i, 0)),
            pl.BlockSpec((H, H), lambda i: (0, 0)),
            pl.BlockSpec((1, H), lambda i: (0, 0)),
            pl.BlockSpec((1, H), lambda i: (0, 0)),
            pl.BlockSpec((1, H), lambda i: (0, 0)),
            pl.BlockSpec((H, H), lambda i: (0, 0)),
            pl.BlockSpec((_NC, ROWS_BLK, H), lambda i: (0, i, 0)),
        ],
        out_specs=[
            pl.BlockSpec((ROWS_BLK, H), lambda i: (i, 0)),
            pl.BlockSpec((ROWS_BLK, H), lambda i: (i, 0)),
        ],
        out_shape=[
            jax.ShapeDtypeStruct((N_NODES, H), jnp.float32),
            jax.ShapeDtypeStruct((N_NODES, H), jnp.float32),
        ],
    )(x, w, b.reshape(1, H), g.reshape(1, H), bb.reshape(1, H), gw, degp)


def _ln(h, g, b):
    m = h.mean(-1, keepdims=True)
    v = h.var(-1, keepdims=True)
    return (h - m) / jnp.sqrt(v + 1e-5) * g + b


def _bn(h, g, b):
    return h * (_BN_SCALE * g) + b


def _nspec():
    return pl.BlockSpec((ROWS_BLK, H), lambda i: (i, 0))


def _full(shape):
    return pl.BlockSpec(shape, lambda i: tuple(0 for _ in shape))


_NBLK = N_NODES // ROWS_BLK


def _prep_tail(x2, w_ref, as_ref, ad_ref, padv_ref,
               hg_ref, asrc_ref, adst_ref, msb_ref, mdb_ref):
    hg = jnp.dot(x2, w_ref[...], preferred_element_type=jnp.float32, precision=lax.Precision.HIGHEST)
    hg_ref[...] = hg
    als16 = jnp.dot(hg, as_ref[...], preferred_element_type=jnp.float32, precision=lax.Precision.HIGHEST) + padv_ref[...]
    ald16 = jnp.dot(hg, ad_ref[...], preferred_element_type=jnp.float32, precision=lax.Precision.HIGHEST) + padv_ref[...]
    fill = jnp.full((ROWS_BLK, H - 16), -1e30, jnp.float32)
    asrc_ref[...] = jnp.concatenate([als16, fill], axis=-1)
    adst_ref[...] = jnp.concatenate([ald16, fill], axis=-1)
    msb_ref[...] = als16.max(0).reshape(1, 1, 16)
    mdb_ref[...] = ald16.max(0).reshape(1, 1, 16)


def _gcn_post_pre_body(acc_ref, hp_ref, x1_ref, degp_ref, gcnb_ref, g_ref,
                       b_ref, w_ref, as_ref, ad_ref, padv_ref,
                       x2_ref, hg_ref, asrc_ref, adst_ref, msb_ref, mdb_ref):
    a = acc_ref[...]
    d = degp_ref[...]
    deg = d[0, :, 0:1] + d[1, :, 0:1] + 1.0
    dinv = lax.rsqrt(deg)
    gcn = dinv * (a[0] + a[1] + hp_ref[...]) + gcnb_ref[...]
    t = _ln(gcn, g_ref[...], b_ref[...]) + x1_ref[...]
    x2 = jnp.maximum(t, 0.0)
    x2_ref[...] = x2
    _prep_tail(x2, w_ref, as_ref, ad_ref, padv_ref,
               hg_ref, asrc_ref, adst_ref, msb_ref, mdb_ref)


_PREP_OUTS = [
    jax.ShapeDtypeStruct((N_NODES, H), jnp.float32),
    jax.ShapeDtypeStruct((N_NODES, H), jnp.float32),
    jax.ShapeDtypeStruct((N_NODES, H), jnp.float32),
    jax.ShapeDtypeStruct((N_NODES, H), jnp.float32),
    jax.ShapeDtypeStruct((N_NODES // ROWS_BLK, 1, 16), jnp.float32),
    jax.ShapeDtypeStruct((N_NODES // ROWS_BLK, 1, 16), jnp.float32),
]


def _prep_out_specs():
    return [
        _nspec(), _nspec(), _nspec(), _nspec(),
        pl.BlockSpec((1, 1, 16), lambda i: (i, 0, 0)),
        pl.BlockSpec((1, 1, 16), lambda i: (i, 0, 0)),
    ]


def _gcn_post_pre(acc, hp, x1, degp, gcnb, g, b, w, as16, ad16, padv):
    return pl.pallas_call(
        _gcn_post_pre_body,
        grid=(_NBLK,),
        in_specs=[
            pl.BlockSpec((_NC, ROWS_BLK, H), lambda i: (0, i, 0)),
            _nspec(), _nspec(),
            pl.BlockSpec((_NC, ROWS_BLK, H), lambda i: (0, i, 0)),
            _full((1, H)), _full((1, H)), _full((1, H)),
            _full((H, H)), _full((H, 16)), _full((H, 16)), _full((1, 16)),
        ],
        out_specs=_prep_out_specs(),
        out_shape=_PREP_OUTS,
    )(acc, hp, x1, degp, gcnb.reshape(1, H), g.reshape(1, H),
      b.reshape(1, H), w, as16, ad16, padv)


def _gat_post(accp_ref, denp_ref, asrc_ref, adst_ref, gmax_ref, hg_ref,
              xp_ref, gatb_ref, g_ref, b_ref, b16_ref):
    al = asrc_ref[...][:, 0:16]
    ad_ = adst_ref[...][:, 0:16]
    z = al + ad_
    el = jnp.maximum(z, 0.2 * z)
    gm = gmax_ref[...][0:1, 0:16]
    eel = jnp.exp(el - gm)
    dn = denp_ref[...]
    den16 = dn[0, :, 0:16] + dn[1, :, 0:16] + eel + 1e-16
    b16 = b16_ref[...]
    ap = accp_ref[...]
    acc = ap[0] + ap[1] + jnp.dot(
        eel, b16, preferred_element_type=jnp.float32, precision=lax.Precision.HIGHEST) * hg_ref[...]
    out = acc / jnp.dot(den16, b16, preferred_element_type=jnp.float32, precision=lax.Precision.HIGHEST)
    out = out + gatb_ref[...]
    t = _ln(out, g_ref[...], b_ref[...]) + xp_ref[...]
    return jnp.maximum(t, 0.0)


def _gat_post_pre_body(accp_ref, denp_ref, asrc_ref, adst_ref, gmax_ref,
                       hg_ref, xp_ref, gatb_ref, g_ref, b_ref, b16_ref,
                       w_ref, as_ref, ad_ref, padv_ref,
                       xn_ref, hgn_ref, asrcn_ref, adstn_ref, msb_ref, mdb_ref):
    xn = _gat_post(accp_ref, denp_ref, asrc_ref, adst_ref, gmax_ref, hg_ref,
                   xp_ref, gatb_ref, g_ref, b_ref, b16_ref)
    xn_ref[...] = xn
    _prep_tail(xn, w_ref, as_ref, ad_ref, padv_ref,
               hgn_ref, asrcn_ref, adstn_ref, msb_ref, mdb_ref)


def _gat_post_pre(accp, denp, asrc, adst, gmax_arr, hg, xp, gatb, g, b, b16,
                  w, as16, ad16, padv):
    return pl.pallas_call(
        _gat_post_pre_body,
        grid=(_NBLK,),
        in_specs=[
            pl.BlockSpec((_NC, ROWS_BLK, H), lambda i: (0, i, 0)),
            pl.BlockSpec((_NC, ROWS_BLK, H), lambda i: (0, i, 0)),
            _nspec(), _nspec(), _full((8, H)), _nspec(), _nspec(),
            _full((1, H)), _full((1, H)), _full((1, H)), _full((16, H)),
            _full((H, H)), _full((H, 16)), _full((H, 16)), _full((1, 16)),
        ],
        out_specs=_prep_out_specs(),
        out_shape=_PREP_OUTS,
    )(accp, denp, asrc, adst, gmax_arr, hg, xp, gatb.reshape(1, H),
      g.reshape(1, H), b.reshape(1, H), b16, w, as16, ad16, padv)


def _gat_post_final_body(accp_ref, denp_ref, asrc_ref, adst_ref, gmax_ref,
                         hg_ref, xp_ref, gatb_ref, g_ref, b_ref, b16_ref,
                         xx_ref, psum_ref, pmax_ref):
    xn = _gat_post(accp_ref, denp_ref, asrc_ref, adst_ref, gmax_ref, hg_ref,
                   xp_ref, gatb_ref, g_ref, b_ref, b16_ref)
    xx_ref[...] = xn
    psum_ref[...] = xn.reshape(1, 8, ROWS_BLK // 8, H).sum(2)
    pmax_ref[...] = xn.max(0).reshape(1, 1, H)


def _gat_post_final(accp, denp, asrc, adst, gmax_arr, hg, xp, gatb, g, b, b16):
    return pl.pallas_call(
        _gat_post_final_body,
        grid=(_NBLK,),
        in_specs=[
            pl.BlockSpec((_NC, ROWS_BLK, H), lambda i: (0, i, 0)),
            pl.BlockSpec((_NC, ROWS_BLK, H), lambda i: (0, i, 0)),
            _nspec(), _nspec(), _full((8, H)), _nspec(), _nspec(),
            _full((1, H)), _full((1, H)), _full((1, H)), _full((16, H)),
        ],
        out_specs=[
            _nspec(),
            pl.BlockSpec((1, 8, H), lambda i: (i, 0, 0)),
            pl.BlockSpec((1, 1, H), lambda i: (i, 0, 0)),
        ],
        out_shape=[
            jax.ShapeDtypeStruct((N_NODES, H), jnp.float32),
            jax.ShapeDtypeStruct((N_NODES // ROWS_BLK, 8, H), jnp.float32),
            jax.ShapeDtypeStruct((N_NODES // ROWS_BLK, 1, H), jnp.float32),
        ],
    )(accp, denp, asrc, adst, gmax_arr, hg, xp, gatb.reshape(1, H),
      g.reshape(1, H), b.reshape(1, H), b16)


def _head_small_body(gf_ref, mean_ref, c1w_ref, c1b_ref, c2w_ref, c2b_ref,
                     h1w_ref, h1b_ref, h1g_ref, h1bb_ref, h2w_ref, h2b_ref,
                     h2g_ref, h2bb_ref, h3w_ref, h3b_ref, h4w_ref, h4b_ref,
                     logits_ref, ctx_ref):
    ctx = jnp.maximum(jnp.dot(mean_ref[...], c1w_ref[...],
                              preferred_element_type=jnp.float32, precision=lax.Precision.HIGHEST)
                      + c1b_ref[...], 0.0)
    ctx_ref[...] = jnp.dot(ctx, c2w_ref[...],
                           preferred_element_type=jnp.float32, precision=lax.Precision.HIGHEST) + c2b_ref[...]
    c = jnp.dot(gf_ref[...], h1w_ref[...],
                preferred_element_type=jnp.float32, precision=lax.Precision.HIGHEST) + h1b_ref[...]
    c = jnp.maximum(_bn(c, h1g_ref[...], h1bb_ref[...]), 0.0)
    c = jnp.dot(c, h2w_ref[...], preferred_element_type=jnp.float32, precision=lax.Precision.HIGHEST) + h2b_ref[...]
    c = jnp.maximum(_bn(c, h2g_ref[...], h2bb_ref[...]), 0.0)
    c = jnp.maximum(jnp.dot(c, h3w_ref[...],
                            preferred_element_type=jnp.float32, precision=lax.Precision.HIGHEST) + h3b_ref[...], 0.0)
    logits_ref[...] = jnp.dot(c, h4w_ref[...],
                              preferred_element_type=jnp.float32, precision=lax.Precision.HIGHEST) + h4b_ref[...]


def _head_small(gf, mean, P):
    args = (gf, mean,
            P['c1_W'], P['c1_b'].reshape(1, 64),
            P['c2_W'], P['c2_b'].reshape(1, 32),
            P['h1_W'], P['h1_b'].reshape(1, 256),
            P['h1_bn_g'].reshape(1, 256), P['h1_bn_b'].reshape(1, 256),
            P['h2_W'], P['h2_b'].reshape(1, 128),
            P['h2_bn_g'].reshape(1, 128), P['h2_bn_b'].reshape(1, 128),
            P['h3_W'], P['h3_b'].reshape(1, 64),
            P['h4_W'], P['h4_b'].reshape(1, 2))
    return pl.pallas_call(
        _head_small_body,
        out_shape=[
            jax.ShapeDtypeStruct((1, 2), jnp.float32),
            jax.ShapeDtypeStruct((1, 32), jnp.float32),
        ],
    )(*args)


def _node_final_body(xx_ref, ctx_ref, s1wa_ref, s1wb_ref, s1b_ref, s1g_ref,
                     s1bb_ref, s2w_ref, s2b_ref, s3w_ref, s3b_ref,
                     p1w_ref, p1b_ref, p2w_ref, p2b_ref,
                     sc_ref, fp_ref):
    xx = xx_ref[...]
    s = (jnp.dot(xx, s1wa_ref[...], preferred_element_type=jnp.float32, precision=lax.Precision.HIGHEST)
         + jnp.dot(ctx_ref[...], s1wb_ref[...],
                   preferred_element_type=jnp.float32, precision=lax.Precision.HIGHEST) + s1b_ref[...])
    s = jnp.maximum(_bn(s, s1g_ref[...], s1bb_ref[...]), 0.0)
    s = jnp.maximum(jnp.dot(s, s2w_ref[...],
                            preferred_element_type=jnp.float32, precision=lax.Precision.HIGHEST) + s2b_ref[...], 0.0)
    s = jnp.dot(s, s3w_ref[...], preferred_element_type=jnp.float32, precision=lax.Precision.HIGHEST) + s3b_ref[...]
    sc_ref[...] = jax.nn.sigmoid(s)
    f = jnp.maximum(jnp.dot(xx, p1w_ref[...],
                            preferred_element_type=jnp.float32, precision=lax.Precision.HIGHEST) + p1b_ref[...], 0.0)
    fp_ref[...] = jnp.dot(f, p2w_ref[...],
                          preferred_element_type=jnp.float32, precision=lax.Precision.HIGHEST) + p2b_ref[...]


def _node_final(xx, ctx, P):
    return pl.pallas_call(
        _node_final_body,
        grid=(_NBLK,),
        in_specs=[
            _nspec(), _full((1, 32)),
            _full((H, 64)), _full((32, 64)), _full((1, 64)),
            _full((1, 64)), _full((1, 64)),
            _full((64, 32)), _full((1, 32)),
            _full((32, 1)), _full((1, 1)),
            _full((H, 64)), _full((1, 64)), _full((64, 32)), _full((1, 32)),
        ],
        out_specs=[
            pl.BlockSpec((ROWS_BLK, 1), lambda i: (i, 0)),
            pl.BlockSpec((ROWS_BLK, 32), lambda i: (i, 0)),
        ],
        out_shape=[
            jax.ShapeDtypeStruct((N_NODES, 1), jnp.float32),
            jax.ShapeDtypeStruct((N_NODES, 32), jnp.float32),
        ],
    )(xx, ctx, P['s1_W'][:H], P['s1_W'][H:], P['s1_b'].reshape(1, 64),
      P['s1_bn_g'].reshape(1, 64), P['s1_bn_b'].reshape(1, 64),
      P['s2_W'], P['s2_b'].reshape(1, 32), P['s3_W'], P['s3_b'].reshape(1, 1),
      P['p1_W'], P['p1_b'].reshape(1, 64), P['p2_W'], P['p2_b'].reshape(1, 32))


def _attn_consts(a_s, a_d):
    lane = jnp.arange(H)
    head = lane // DH
    as16 = jnp.zeros((H, 16), jnp.float32).at[lane, head].set(a_s.reshape(H))
    ad16 = jnp.zeros((H, 16), jnp.float32).at[lane, head].set(a_d.reshape(H))
    return as16, ad16


def kernel(x, edge_index, params):
    P = params
    src = edge_index[0]
    dst = edge_index[1]
    src_r = src.reshape(_NW, _NB, _BE).astype(jnp.int32)
    dst_r = dst.reshape(_NW, _NB, _BE).astype(jnp.int32)
    src_r4 = src_r.reshape(_NW, _NG, _NBG, _BE)
    dst_r4 = dst_r.reshape(_NW, _NG, _NBG, _BE)

    degp = _sc_deg(dst_r)
    x1, hp = _prelude(x, P['np_W'], P['np_b'], P['np_bn_g'], P['np_bn_b'],
                      P['gcn_W'], degp)
    acc = _sc_gather_add(hp, src_r, dst_r)

    padv = jnp.concatenate([jnp.zeros((8,), jnp.float32),
                            jnp.full((8,), -1e30, jnp.float32)]).reshape(1, 16)
    b16 = (jnp.arange(16)[:, None] == (jnp.arange(H) // DH)[None, :]
           ).astype(jnp.float32)

    as1, ad1 = _attn_consts(P['gat1_as'], P['gat1_ad'])
    xcur, hg, asrc, adst, msb, mdb = _gcn_post_pre(
        acc, hp, x1, degp, P['gcn_b'], P['ln0_g'], P['ln0_b'],
        P['gat1_W'], as1, ad1, padv)

    for i in range(1, 4):
        gmax8 = jax.nn.leaky_relu(
            msb.max(axis=(0, 1))[:8] + mdb.max(axis=(0, 1))[:8], 0.2) - 60.0
        gmax_arr = jnp.zeros((8, H), jnp.float32).at[0, :8].set(gmax8)
        denp, eebuf = _sc_gat1(asrc, adst, src_r4, dst_r4, gmax_arr)
        accp = _sc_gat2(hg, eebuf, src_r4, dst_r4)
        if i < 3:
            asn, adn = _attn_consts(P['gat%d_as' % (i + 1)],
                                    P['gat%d_ad' % (i + 1)])
            xcur, hg, asrc, adst, msb, mdb = _gat_post_pre(
                accp, denp, asrc, adst, gmax_arr, hg, xcur,
                P['gat%d_b' % i], P['ln%d_g' % i], P['ln%d_b' % i], b16,
                P['gat%d_W' % (i + 1)], asn, adn, padv)
        else:
            xx, psum, pmax = _gat_post_final(
                accp, denp, asrc, adst, gmax_arr, hg, xcur,
                P['gat3_b'], P['ln3_g'], P['ln3_b'], b16)

    nsum = psum.reshape(-1, H).sum(axis=0).reshape(1, H)
    nmax = pmax.max(axis=(0, 1)).reshape(1, H)
    mean = nsum / N_NODES
    pw = jax.nn.softmax(P['pool_w'])
    gf = jnp.concatenate([mean * pw[0], nmax * pw[1], nsum * pw[2]], axis=1)

    logits, ctx = _head_small(gf, mean, P)
    sc2d, fp = _node_final(xx, ctx, P)
    scores = sc2d[:, 0]
    return logits, scores, gf, xx, fp

# --- scband reference (transcript-rebuilt; emitter-appended) ---
"""Pipeline reference for scband-hub-detection-discriminator-40905268527665 (READ-ONLY COPY).

The authoritative reference and input builder live on the scoring server;
editing this copy changes nothing except your own understanding.
"""

import jax, jax.numpy as jnp
import numpy as np

N_NODES = 10000
N_EDGES = 320000
H = 128
HEADS = 8
DH = 16

def _lin(key, fi, fo):
    return jax.random.normal(key, (fi, fo), jnp.float32) / np.sqrt(fi), jnp.zeros((fo,), jnp.float32)

def make_params(key):
    ks = jax.random.split(key, 32)
    P = {}
    P['np_W'], P['np_b'] = _lin(ks[0], H, H)
    P['np_bn_g'] = jnp.ones((H,), jnp.float32); P['np_bn_b'] = jnp.zeros((H,), jnp.float32)
    P['gcn_W'], P['gcn_b'] = _lin(ks[1], H, H)
    P['ln0_g'] = jnp.ones((H,), jnp.float32); P['ln0_b'] = jnp.zeros((H,), jnp.float32)
    for i in range(1, 4):
        P['gat%d_W' % i], P['gat%d_b' % i] = _lin(ks[1 + i], H, H)
        P['gat%d_as' % i] = jax.random.normal(ks[4 + i], (HEADS, DH), jnp.float32) * 0.1
        P['gat%d_ad' % i] = jax.random.normal(ks[7 + i], (HEADS, DH), jnp.float32) * 0.1
        P['ln%d_g' % i] = jnp.ones((H,), jnp.float32); P['ln%d_b' % i] = jnp.zeros((H,), jnp.float32)
    P['pool_w'] = jnp.ones((3,), jnp.float32)
    P['c1_W'], P['c1_b'] = _lin(ks[11], H, H // 2)
    P['c2_W'], P['c2_b'] = _lin(ks[12], H // 2, H // 4)
    P['s1_W'], P['s1_b'] = _lin(ks[13], H + H // 4, H // 2)
    P['s1_bn_g'] = jnp.ones((H // 2,), jnp.float32); P['s1_bn_b'] = jnp.zeros((H // 2,), jnp.float32)
    P['s2_W'], P['s2_b'] = _lin(ks[14], H // 2, H // 4)
    P['s3_W'], P['s3_b'] = _lin(ks[15], H // 4, 1)
    P['h1_W'], P['h1_b'] = _lin(ks[16], H * 3, H * 2)
    P['h1_bn_g'] = jnp.ones((H * 2,), jnp.float32); P['h1_bn_b'] = jnp.zeros((H * 2,), jnp.float32)
    P['h2_W'], P['h2_b'] = _lin(ks[17], H * 2, H)
    P['h2_bn_g'] = jnp.ones((H,), jnp.float32); P['h2_bn_b'] = jnp.zeros((H,), jnp.float32)
    P['h3_W'], P['h3_b'] = _lin(ks[18], H, H // 2)
    P['h4_W'], P['h4_b'] = _lin(ks[19], H // 2, 2)
    P['p1_W'], P['p1_b'] = _lin(ks[20], H, H // 2)
    P['p2_W'], P['p2_b'] = _lin(ks[21], H // 2, H // 4)
    return P

def setup_inputs(seed: int = 0):
    key = jax.random.key(seed)
    k1, k2, k3 = jax.random.split(key, 3)
    x = jax.random.normal(k1, (N_NODES, H), jnp.float32)
    edge_index = jax.random.randint(k2, (2, N_EDGES), 0, N_NODES)
    params = make_params(k3)
    return {'x': x, 'edge_index': edge_index, 'params': params}

def _bn(h, g, b):
    # eval-mode BatchNorm1d with running_mean=0, running_var=1
    return h / np.sqrt(1.0 + 1e-5) * g + b

def _ln(h, g, b):
    m = h.mean(-1, keepdims=True)
    v = h.var(-1, keepdims=True)
    return (h - m) / jnp.sqrt(v + 1e-5) * g + b

def _gcn(x, src, dst, W, b):
    N = x.shape[0]
    deg = jnp.zeros((N,), x.dtype).at[dst].add(1.0)
    dinv = jax.lax.rsqrt(jnp.maximum(deg, 1.0))
    h = x @ W
    coef = (dinv[src] * dinv[dst])[:, None]
    out = jnp.zeros_like(h).at[dst].add(h[src] * coef)
    return out + b

def _gat(x, src, dst, W, a_s, a_d, b):
    N = x.shape[0]
    h = (x @ W).reshape(N, HEADS, DH)
    als = (h * a_s[None]).sum(-1)
    ald = (h * a_d[None]).sum(-1)
    e = jax.nn.leaky_relu(als[src] + ald[dst], 0.2)
    emax = jax.ops.segment_max(e, dst, num_segments=N)
    ee = jnp.exp(e - emax[dst])
    den = jax.ops.segment_sum(ee, dst, num_segments=N)
    alpha = ee / (den[dst] + 1e-16)
    out = jax.ops.segment_sum(h[src] * alpha[:, :, None], dst, num_segments=N)
    return out.reshape(N, H) + b

def _forward(x, params, src, dst):
    P = params
    h = _bn(x @ P['np_W'] + P['np_b'], P['np_bn_g'], P['np_bn_b'])
    x = jax.nn.relu(h)
    h = _gcn(x, src, dst, P['gcn_W'], P['gcn_b'])
    h = _ln(h, P['ln0_g'], P['ln0_b']) + x
    x = jax.nn.relu(h)
    for i in range(1, 4):
        h = _gat(x, src, dst, P['gat%d_W' % i], P['gat%d_as' % i], P['gat%d_ad' % i], P['gat%d_b' % i])
        h = _ln(h, P['ln%d_g' % i], P['ln%d_b' % i]) + x
        x = jax.nn.relu(h)
    pw = jax.nn.softmax(P['pool_w'])
    gm = x.mean(0, keepdims=True) * pw[0]
    gx = x.max(0, keepdims=True) * pw[1]
    ga = x.sum(0, keepdims=True) * pw[2]
    gf = jnp.concatenate([gm, gx, ga], axis=1)
    ctx = x.mean(0, keepdims=True)
    ctx = jax.nn.relu(ctx @ P['c1_W'] + P['c1_b'])
    ctx = ctx @ P['c2_W'] + P['c2_b']
    ctx = jnp.broadcast_to(ctx, (x.shape[0], ctx.shape[1]))
    nwc = jnp.concatenate([x, ctx], axis=1)
    s = jax.nn.relu(_bn(nwc @ P['s1_W'] + P['s1_b'], P['s1_bn_g'], P['s1_bn_b']))
    s = jax.nn.relu(s @ P['s2_W'] + P['s2_b'])
    s = s @ P['s3_W'] + P['s3_b']
    scores = jax.nn.sigmoid(s[:, 0])
    c = jax.nn.relu(_bn(gf @ P['h1_W'] + P['h1_b'], P['h1_bn_g'], P['h1_bn_b']))
    c = jax.nn.relu(_bn(c @ P['h2_W'] + P['h2_b'], P['h2_bn_g'], P['h2_bn_b']))
    c = jax.nn.relu(c @ P['h3_W'] + P['h3_b'])
    logits = c @ P['h4_W'] + P['h4_b']
    fp = jax.nn.relu(x @ P['p1_W'] + P['p1_b'])
    fp = fp @ P['p2_W'] + P['p2_b']
    return logits, scores, gf, x, fp

def reference(x, edge_index, params):
    loop = jnp.arange(x.shape[0], dtype=edge_index.dtype)
    src = jnp.concatenate([edge_index[0], loop])
    dst = jnp.concatenate([edge_index[1], loop])
    return _forward(x, params, src, dst)

if __name__ == "__main__":
    import jax
    _d = setup_inputs()
    print(jax.jit(kernel)(*tuple(_d.values())))

</pallas_src>

<mosaic_0001>
#map = affine_map<(d0, d1) -> (0, 0, 0)>
#map1 = affine_map<(d0, d1) -> (0, 0)>
module attributes {stable_mosaic.version = 14 : i64} {
  func.func @sc_deg(%arg0: i32, %arg1: i32, %arg2: memref<32x125x80xi32, #tpu.memory_space<hbm>>, %arg3: memref<80x128xf32, #tpu.memory_space<hbm>>, %arg4: memref<1000x128xf32, #tpu.memory_space<hbm>>, %arg5: memref<2x10000x128xf32, #tpu.memory_space<hbm>>, %arg6: memref<125x80xi32, #tpu.memory_space<vmem>>, %arg7: memref<80x128xf32, #tpu.memory_space<vmem>>, %arg8: memref<10000x128xf32, #tpu.memory_space<vmem_shared>>) attributes {dimension_semantics = [#tpu.dimension_semantics<core_parallel>, #tpu.dimension_semantics<subcore_parallel>], iteration_bounds = array<i64: 2, 16>, scalar_prefetch = 0 : i64, scratch_operands = 3 : i64, tpu.core_type = #tpu.core_type<sc_vector_subcore>, window_params = [{transform_indices = #map}, {transform_indices = #map1}, {transform_indices = #map1}, {transform_indices = #map}]} {
    %mul3A = arith.constant 2 : i32
    %mul3A_0 = arith.muli %arg1, %mul3A : i32
    %add3A = arith.addi %mul3A_0, %arg0 : i32
    %lt3A = arith.constant 10 : i32
    %lt3A_1 = arith.cmpi slt, %arg1, %lt3A : i32
    %convert_element_type3A = arith.extui %lt3A_1 : i1 to i32
    %cond3A = arith.constant 0 : i32
    %cond3A_2 = arith.cmpi ne, %convert_element_type3A, %cond3A : i32
    scf.if %cond3A_2 {
      %mul3A_14 = arith.constant 1000 : i32
      %mul3A_15 = arith.muli %arg1, %mul3A_14 : i32
      "tpu.region"() ({
        %run_scoped3A = tpu.sem_alloc : memref<!tpu.dma_semaphore, #tpu.memory_space<semaphore_mem>>
        %dma_start3A = arith.constant 0 : i32
        %dma_start3A_16 = tpu.memref_slice %arg8[%mul3A_15, %dma_start3A] : memref<10000x128xf32, #tpu.memory_space<vmem_shared>> -> memref<1000x128xf32, #tpu.memory_space<vmem_shared>>
        tpu.enqueue_dma source(%arg4 : memref<1000x128xf32, #tpu.memory_space<hbm>>) target(%dma_start3A_16 : memref<1000x128xf32, #tpu.memory_space<vmem_shared>>) target_semaphore(%run_scoped3A : memref<!tpu.dma_semaphore, #tpu.memory_space<semaphore_mem>>)
        %dma_wait3A = arith.constant 0 : i32
        %dma_wait3A_17 = tpu.memref_slice %arg8[%mul3A_15, %dma_wait3A] : memref<10000x128xf32, #tpu.memory_space<vmem_shared>> -> memref<1000x128xf32, #tpu.memory_space<vmem_shared>>
        tpu.wait_dma2 semaphore(%run_scoped3A : memref<!tpu.dma_semaphore, #tpu.memory_space<semaphore_mem>>) src(%arg4 : memref<1000x128xf32, #tpu.memory_space<hbm>>) dst(%dma_wait3A_17 : memref<1000x128xf32, #tpu.memory_space<vmem_shared>>)
        tpu.yield
      }) : () -> ()
    } else {
    }
    "tpu.region"() ({
      %run_scoped3A = tpu.sem_alloc : memref<!tpu.dma_semaphore, #tpu.memory_space<semaphore_mem>>
      tpu.enqueue_dma source(%arg3 : memref<80x128xf32, #tpu.memory_space<hbm>>) target(%arg7 : memref<80x128xf32, #tpu.memory_space<vmem>>) target_semaphore(%run_scoped3A : memref<!tpu.dma_semaphore, #tpu.memory_space<semaphore_mem>>)
      tpu.wait_dma2 semaphore(%run_scoped3A : memref<!tpu.dma_semaphore, #tpu.memory_space<semaphore_mem>>) src(%arg3 : memref<80x128xf32, #tpu.memory_space<hbm>>) dst(%arg7 : memref<80x128xf32, #tpu.memory_space<vmem>>)
      tpu.yield
    }) : () -> ()
    "tpu.region"() ({
      %run_scoped3A = tpu.sem_alloc : memref<!tpu.dma_semaphore, #tpu.memory_space<semaphore_mem>>
      %dma_start3A = arith.constant 0 : i32
      %dma_start3A_14 = arith.constant 0 : i32
      %dma_start3A_15 = tpu.memref_slice %arg2[%add3A, %dma_start3A, %dma_start3A_14] : memref<32x125x80xi32, #tpu.memory_space<hbm>> -> memref<1x125x80xi32, #tpu.memory_space<hbm>>
      %dma_start3A_16 = tpu.memref_squeeze %dma_start3A_15 : memref<1x125x80xi32, #tpu.memory_space<hbm>> -> memref<125x80xi32, #tpu.memory_space<hbm>>
      %dma_start3A_17 = arith.constant 0 : i32
      %dma_start3A_18 = arith.constant 0 : i32
      %dma_start3A_19 = tpu.memref_slice %arg2[%add3A, %dma_start3A_17, %dma_start3A_18] : memref<32x125x80xi32, #tpu.memory_space<hbm>> -> memref<1x125x80xi32, #tpu.memory_space<hbm>>
      %dma_start3A_20 = tpu.memref_squeeze %dma_start3A_19 : memref<1x125x80xi32, #tpu.memory_space<hbm>> -> memref<125x80xi32, #tpu.memory_space<hbm>>
      tpu.enqueue_dma source(%dma_start3A_20 : memref<125x80xi32, #tpu.memory_space<hbm>>) target(%arg6 : memref<125x80xi32, #tpu.memory_space<vmem>>) target_semaphore(%run_scoped3A : memref<!tpu.dma_semaphore, #tpu.memory_space<semaphore_mem>>)
      %dma_wait3A = arith.constant 0 : i32
      %dma_wait3A_21 = arith.constant 0 : i32
      %dma_wait3A_22 = tpu.memref_slice %arg2[%add3A, %dma_wait3A, %dma_wait3A_21] : memref<32x125x80xi32, #tpu.memory_space<hbm>> -> memref<1x125x80xi32, #tpu.memory_space<hbm>>
      %dma_wait3A_23 = tpu.memref_squeeze %dma_wait3A_22 : memref<1x125x80xi32, #tpu.memory_space<hbm>> -> memref<125x80xi32, #tpu.memory_space<hbm>>
      %dma_wait3A_24 = arith.constant 0 : i32
      %dma_wait3A_25 = arith.constant 0 : i32
      %dma_wait3A_26 = tpu.memref_slice %arg2[%add3A, %dma_wait3A_24, %dma_wait3A_25] : memref<32x125x80xi32, #tpu.memory_space<hbm>> -> memref<1x125x80xi32, #tpu.memory_space<hbm>>
      %dma_wait3A_27 = tpu.memref_squeeze %dma_wait3A_26 : memref<1x125x80xi32, #tpu.memory_space<hbm>> -> memref<125x80xi32, #tpu.memory_space<hbm>>
      tpu.wait_dma2 semaphore(%run_scoped3A : memref<!tpu.dma_semaphore, #tpu.memory_space<semaphore_mem>>) src(%dma_wait3A_27 : memref<125x80xi32, #tpu.memory_space<hbm>>) dst(%arg6 : memref<125x80xi32, #tpu.memory_space<vmem>>)
      tpu.yield
    }) : () -> ()
    %barrier3A = arith.constant 0 : index
    tpu.barrier barrier_id(%barrier3A)
    %scan3A = arith.constant 0 : i32
    %scan3A_3 = arith.constant 0 : i32
    %scan3A_4 = arith.constant 125 : i32
    %scan3A_5 = arith.addi %scan3A_3, %scan3A_4 : i32
    %scan3A_6 = arith.constant 1 : i32
    scf.for %scan3A_14 = %scan3A_3 to %scan3A_5 step %scan3A_6  : i32 {
      "tpu.region"() ({
        %run_scoped3A = tpu.sem_alloc : memref<!tpu.dma_semaphore, #tpu.memory_space<semaphore_mem>>
        %dma_start3A = arith.constant 0 : i32
        %dma_start3A_15 = tpu.memref_slice %arg6[%scan3A_14, %dma_start3A] : memref<125x80xi32, #tpu.memory_space<vmem>> -> memref<1x80xi32, #tpu.memory_space<vmem>>
        %dma_start3A_16 = tpu.memref_squeeze %dma_start3A_15 : memref<1x80xi32, #tpu.memory_space<vmem>> -> memref<80xi32, #tpu.memory_space<vmem>>
        %dma_start3A_17 = arith.constant 0 : i32
        %dma_start3A_18 = arith.constant 0 : i32
        %dma_start3A_19 = tpu.memref_slice %arg8[%dma_start3A_17, %dma_start3A_18] : memref<10000x128xf32, #tpu.memory_space<vmem_shared>> -> memref<10000x128xf32, #tpu.memory_space<vmem_shared>>
        tpu.enqueue_indirect_dma source(%arg7 : memref<80x128xf32, #tpu.memory_space<vmem>>) target(%dma_start3A_19 : memref<10000x128xf32, #tpu.memory_space<vmem_shared>>) offsets(%dma_start3A_16 : memref<80xi32, #tpu.memory_space<vmem>>) semaphore(%run_scoped3A : memref<!tpu.dma_semaphore, #tpu.memory_space<semaphore_mem>>) {add = true}
        %dma_wait3A = arith.constant 0 : i32
        %dma_wait3A_20 = tpu.memref_slice %arg6[%scan3A_14, %dma_wait3A] : memref<125x80xi32, #tpu.memory_space<vmem>> -> memref<1x80xi32, #tpu.memory_space<vmem>>
        %dma_wait3A_21 = tpu.memref_squeeze %dma_wait3A_20 : memref<1x80xi32, #tpu.memory_space<vmem>> -> memref<80xi32, #tpu.memory_space<vmem>>
        %dma_wait3A_22 = arith.constant 0 : i32
        %dma_wait3A_23 = arith.constant 0 : i32
        %dma_wait3A_24 = tpu.memref_slice %arg8[%dma_wait3A_22, %dma_wait3A_23] : memref<10000x128xf32, #tpu.memory_space<vmem_shared>> -> memref<10000x128xf32, #tpu.memory_space<vmem_shared>>
        tpu.wait_indirect_dma semaphore(%run_scoped3A : memref<!tpu.dma_semaphore, #tpu.memory_space<semaphore_mem>>) src(%arg7 : memref<80x128xf32, #tpu.memory_space<vmem>>) dst(%dma_wait3A_24 : memref<10000x128xf32, #tpu.memory_space<vmem_shared>>)
        tpu.yield
      }) : () -> ()
    }
    %scan3A_7 = arith.constant 125 : i32
    %barrier3A_8 = arith.constant 0 : index
    tpu.barrier barrier_id(%barrier3A_8)
    %lt3A_9 = arith.constant 10 : i32
    %lt3A_10 = arith.cmpi slt, %arg1, %lt3A_9 : i32
    %convert_element_type3A_11 = arith.extui %lt3A_10 : i1 to i32
    %cond3A_12 = arith.constant 0 : i32
    %cond3A_13 = arith.cmpi ne, %convert_element_type3A_11, %cond3A_12 : i32
    scf.if %cond3A_13 {
      %mul3A_14 = arith.constant 1000 : i32
      %mul3A_15 = arith.muli %arg1, %mul3A_14 : i32
      %mul3A_16 = arith.constant 1000 : i32
      %mul3A_17 = arith.muli %arg1, %mul3A_16 : i32
      "tpu.region"() ({
        %run_scoped3A = tpu.sem_alloc : memref<!tpu.dma_semaphore, #tpu.memory_space<semaphore_mem>>
        %dma_start3A = arith.constant 0 : i32
        %dma_start3A_18 = tpu.memref_slice %arg5[%arg0, %mul3A_17, %dma_start3A] : memref<2x10000x128xf32, #tpu.memory_space<hbm>> -> memref<1x1000x128xf32, #tpu.memory_space<hbm>>
        %dma_start3A_19 = tpu.memref_squeeze %dma_start3A_18 : memref<1x1000x128xf32, #tpu.memory_space<hbm>> -> memref<1000x128xf32, #tpu.memory_space<hbm>>
        %dma_start3A_20 = arith.constant 0 : i32
        %dma_start3A_21 = tpu.memref_slice %arg8[%mul3A_15, %dma_start3A_20] : memref<10000x128xf32, #tpu.memory_space<vmem_shared>> -> memref<1000x128xf32, #tpu.memory_space<vmem_shared>>
        tpu.enqueue_dma source(%dma_start3A_21 : memref<1000x128xf32, #tpu.memory_space<vmem_shared>>) target(%dma_start3A_19 : memref<1000x128xf32, #tpu.memory_space<hbm>>) target_semaphore(%run_scoped3A : memref<!tpu.dma_semaphore, #tpu.memory_space<semaphore_mem>>)
        %dma_wait3A = arith.constant 0 : i32
        %dma_wait3A_22 = tpu.memref_slice %arg5[%arg0, %mul3A_17, %dma_wait3A] : memref<2x10000x128xf32, #tpu.memory_space<hbm>> -> memref<1x1000x128xf32, #tpu.memory_space<hbm>>
        %dma_wait3A_23 = tpu.memref_squeeze %dma_wait3A_22 : memref<1x1000x128xf32, #tpu.memory_space<hbm>> -> memref<1000x128xf32, #tpu.memory_space<hbm>>
        %dma_wait3A_24 = arith.constant 0 : i32
        %dma_wait3A_25 = tpu.memref_slice %arg8[%mul3A_15, %dma_wait3A_24] : memref<10000x128xf32, #tpu.memory_space<vmem_shared>> -> memref<1000x128xf32, #tpu.memory_space<vmem_shared>>
        tpu.wait_dma2 semaphore(%run_scoped3A : memref<!tpu.dma_semaphore, #tpu.memory_space<semaphore_mem>>) src(%dma_wait3A_25 : memref<1000x128xf32, #tpu.memory_space<vmem_shared>>) dst(%dma_wait3A_23 : memref<1000x128xf32, #tpu.memory_space<hbm>>)
        tpu.yield
      }) : () -> ()
    } else {
    }
    return
  }
}

#map = affine_map<(d0, d1) -> (0, 0)>
#map1 = affine_map<(d0, d1) -> (0, 0, 0)>
module attributes {stable_mosaic.version = 14 : i64} {
  func.func @sc_gcn(%arg0: i32, %arg1: i32, %arg2: memref<10000x128xf32, #tpu.memory_space<hbm>>, %arg3: memref<32x125x80xi32, #tpu.memory_space<hbm>>, %arg4: memref<32x125x80xi32, #tpu.memory_space<hbm>>, %arg5: memref<1000x128xf32, #tpu.memory_space<hbm>>, %arg6: memref<2x10000x128xf32, #tpu.memory_space<hbm>>, %arg7: memref<125x80xi32, #tpu.memory_space<vmem>>, %arg8: memref<125x80xi32, #tpu.memory_space<vmem>>, %arg9: memref<80x128xf32, #tpu.memory_space<vmem>>, %arg10: memref<10000x128xf32, #tpu.memory_space<vmem_shared>>, %arg11: memref<!tpu.dma_semaphore, #tpu.memory_space<semaphore_mem>>) attributes {dimension_semantics = [#tpu.dimension_semantics<core_parallel>, #tpu.dimension_semantics<subcore_parallel>], iteration_bounds = array<i64: 2, 16>, scalar_prefetch = 0 : i64, scratch_operands = 5 : i64, tpu.core_type = #tpu.core_type<sc_vector_subcore>, window_params = [{transform_indices = #map}, {transform_indices = #map1}, {transform_indices = #map1}, {transform_indices = #map}, {transform_indices = #map1}]} {
    %mul3A = arith.constant 2 : i32
    %mul3A_0 = arith.muli %arg1, %mul3A : i32
    %add3A = arith.addi %mul3A_0, %arg0 : i32
    %lt3A = arith.constant 10 : i32
    %lt3A_1 = arith.cmpi slt, %arg1, %lt3A : i32
    %convert_element_type3A = arith.extui %lt3A_1 : i1 to i32
    %cond3A = arith.constant 0 : i32
    %cond3A_2 = arith.cmpi ne, %convert_element_type3A, %cond3A : i32
    scf.if %cond3A_2 {
      %mul3A_14 = arith.constant 1000 : i32
      %mul3A_15 = arith.muli %arg1, %mul3A_14 : i32
      "tpu.region"() ({
        %run_scoped3A = tpu.sem_alloc : memref<!tpu.dma_semaphore, #tpu.memory_space<semaphore_mem>>
        %dma_start3A = arith.constant 0 : i32
        %dma_start3A_16 = tpu.memref_slice %arg10[%mul3A_15, %dma_start3A] : memref<10000x128xf32, #tpu.memory_space<vmem_shared>> -> memref<1000x128xf32, #tpu.memory_space<vmem_shared>>
        tpu.enqueue_dma source(%arg5 : memref<1000x128xf32, #tpu.memory_space<hbm>>) target(%dma_start3A_16 : memref<1000x128xf32, #tpu.memory_space<vmem_shared>>) target_semaphore(%run_scoped3A : memref<!tpu.dma_semaphore, #tpu.memory_space<semaphore_mem>>)
        %dma_wait3A = arith.constant 0 : i32
        %dma_wait3A_17 = tpu.memref_slice %arg10[%mul3A_15, %dma_wait3A] : memref<10000x128xf32, #tpu.memory_space<vmem_shared>> -> memref<1000x128xf32, #tpu.memory_space<vmem_shared>>
        tpu.wait_dma2 semaphore(%run_scoped3A : memref<!tpu.dma_semaphore, #tpu.memory_space<semaphore_mem>>) src(%arg5 : memref<1000x128xf32, #tpu.memory_space<hbm>>) dst(%dma_wait3A_17 : memref<1000x128xf32, #tpu.memory_space<vmem_shared>>)
        tpu.yield
      }) : () -> ()
    } else {
    }
    "tpu.region"() ({
      %run_scoped3A = tpu.sem_alloc : memref<!tpu.dma_semaphore, #tpu.memory_space<semaphore_mem>>
      %dma_start3A = arith.constant 0 : i32
      %dma_start3A_14 = arith.constant 0 : i32
      %dma_start3A_15 = tpu.memref_slice %arg3[%add3A, %dma_start3A, %dma_start3A_14] : memref<32x125x80xi32, #tpu.memory_space<hbm>> -> memref<1x125x80xi32, #tpu.memory_space<hbm>>
      %dma_start3A_16 = tpu.memref_squeeze %dma_start3A_15 : memref<1x125x80xi32, #tpu.memory_space<hbm>> -> memref<125x80xi32, #tpu.memory_space<hbm>>
      %dma_start3A_17 = arith.constant 0 : i32
      %dma_start3A_18 = arith.constant 0 : i32
      %dma_start3A_19 = tpu.memref_slice %arg3[%add3A, %dma_start3A_17, %dma_start3A_18] : memref<32x125x80xi32, #tpu.memory_space<hbm>> -> memref<1x125x80xi32, #tpu.memory_space<hbm>>
      %dma_start3A_20 = tpu.memref_squeeze %dma_start3A_19 : memref<1x125x80xi32, #tpu.memory_space<hbm>> -> memref<125x80xi32, #tpu.memory_space<hbm>>
      tpu.enqueue_dma source(%dma_start3A_20 : memref<125x80xi32, #tpu.memory_space<hbm>>) target(%arg7 : memref<125x80xi32, #tpu.memory_space<vmem>>) target_semaphore(%run_scoped3A : memref<!tpu.dma_semaphore, #tpu.memory_space<semaphore_mem>>)
      %dma_wait3A = arith.constant 0 : i32
      %dma_wait3A_21 = arith.constant 0 : i32
      %dma_wait3A_22 = tpu.memref_slice %arg3[%add3A, %dma_wait3A, %dma_wait3A_21] : memref<32x125x80xi32, #tpu.memory_space<hbm>> -> memref<1x125x80xi32, #tpu.memory_space<hbm>>
      %dma_wait3A_23 = tpu.memref_squeeze %dma_wait3A_22 : memref<1x125x80xi32, #tpu.memory_space<hbm>> -> memref<125x80xi32, #tpu.memory_space<hbm>>
      %dma_wait3A_24 = arith.constant 0 : i32
      %dma_wait3A_25 = arith.constant 0 : i32
      %dma_wait3A_26 = tpu.memref_slice %arg3[%add3A, %dma_wait3A_24, %dma_wait3A_25] : memref<32x125x80xi32, #tpu.memory_space<hbm>> -> memref<1x125x80xi32, #tpu.memory_space<hbm>>
      %dma_wait3A_27 = tpu.memref_squeeze %dma_wait3A_26 : memref<1x125x80xi32, #tpu.memory_space<hbm>> -> memref<125x80xi32, #tpu.memory_space<hbm>>
      tpu.wait_dma2 semaphore(%run_scoped3A : memref<!tpu.dma_semaphore, #tpu.memory_space<semaphore_mem>>) src(%dma_wait3A_27 : memref<125x80xi32, #tpu.memory_space<hbm>>) dst(%arg7 : memref<125x80xi32, #tpu.memory_space<vmem>>)
      tpu.yield
    }) : () -> ()
    "tpu.region"() ({
      %run_scoped3A = tpu.sem_alloc : memref<!tpu.dma_semaphore, #tpu.memory_space<semaphore_mem>>
      %dma_start3A = arith.constant 0 : i32
      %dma_start3A_14 = arith.constant 0 : i32
      %dma_start3A_15 = tpu.memref_slice %arg4[%add3A, %dma_start3A, %dma_start3A_14] : memref<32x125x80xi32, #tpu.memory_space<hbm>> -> memref<1x125x80xi32, #tpu.memory_space<hbm>>
      %dma_start3A_16 = tpu.memref_squeeze %dma_start3A_15 : memref<1x125x80xi32, #tpu.memory_space<hbm>> -> memref<125x80xi32, #tpu.memory_space<hbm>>
      %dma_start3A_17 = arith.constant 0 : i32
      %dma_start3A_18 = arith.constant 0 : i32
      %dma_start3A_19 = tpu.memref_slice %arg4[%add3A, %dma_start3A_17, %dma_start3A_18] : memref<32x125x80xi32, #tpu.memory_space<hbm>> -> memref<1x125x80xi32, #tpu.memory_space<hbm>>
      %dma_start3A_20 = tpu.memref_squeeze %dma_start3A_19 : memref<1x125x80xi32, #tpu.memory_space<hbm>> -> memref<125x80xi32, #tpu.memory_space<hbm>>
      tpu.enqueue_dma source(%dma_start3A_20 : memref<125x80xi32, #tpu.memory_space<hbm>>) target(%arg8 : memref<125x80xi32, #tpu.memory_space<vmem>>) target_semaphore(%run_scoped3A : memref<!tpu.dma_semaphore, #tpu.memory_space<semaphore_mem>>)
      %dma_wait3A = arith.constant 0 : i32
      %dma_wait3A_21 = arith.constant 0 : i32
      %dma_wait3A_22 = tpu.memref_slice %arg4[%add3A, %dma_wait3A, %dma_wait3A_21] : memref<32x125x80xi32, #tpu.memory_space<hbm>> -> memref<1x125x80xi32, #tpu.memory_space<hbm>>
      %dma_wait3A_23 = tpu.memref_squeeze %dma_wait3A_22 : memref<1x125x80xi32, #tpu.memory_space<hbm>> -> memref<125x80xi32, #tpu.memory_space<hbm>>
      %dma_wait3A_24 = arith.constant 0 : i32
      %dma_wait3A_25 = arith.constant 0 : i32
      %dma_wait3A_26 = tpu.memref_slice %arg4[%add3A, %dma_wait3A_24, %dma_wait3A_25] : memref<32x125x80xi32, #tpu.memory_space<hbm>> -> memref<1x125x80xi32, #tpu.memory_space<hbm>>
      %dma_wait3A_27 = tpu.memref_squeeze %dma_wait3A_26 : memref<1x125x80xi32, #tpu.memory_space<hbm>> -> memref<125x80xi32, #tpu.memory_space<hbm>>
      tpu.wait_dma2 semaphore(%run_scoped3A : memref<!tpu.dma_semaphore, #tpu.memory_space<semaphore_mem>>) src(%dma_wait3A_27 : memref<125x80xi32, #tpu.memory_space<hbm>>) dst(%arg8 : memref<125x80xi32, #tpu.memory_space<vmem>>)
      tpu.yield
    }) : () -> ()
    %barrier3A = arith.constant 0 : index
    tpu.barrier barrier_id(%barrier3A)
    %scan3A = arith.constant 0 : i32
    %scan3A_3 = arith.constant 0 : i32
    %scan3A_4 = arith.constant 125 : i32
    %scan3A_5 = arith.addi %scan3A_3, %scan3A_4 : i32
    %scan3A_6 = arith.constant 1 : i32
    scf.for %scan3A_14 = %scan3A_3 to %scan3A_5 step %scan3A_6  : i32 {
      %dma_start3A = arith.constant 0 : i32
      %dma_start3A_15 = tpu.memref_slice %arg7[%scan3A_14, %dma_start3A] : memref<125x80xi32, #tpu.memory_space<vmem>> -> memref<1x80xi32, #tpu.memory_space<vmem>>
      %dma_start3A_16 = tpu.memref_squeeze %dma_start3A_15 : memref<1x80xi32, #tpu.memory_space<vmem>> -> memref<80xi32, #tpu.memory_space<vmem>>
      %dma_start3A_17 = arith.constant 0 : i32
      %dma_start3A_18 = arith.constant 0 : i32
      %dma_start3A_19 = tpu.memref_slice %arg2[%dma_start3A_17, %dma_start3A_18] : memref<10000x128xf32, #tpu.memory_space<hbm>> -> memref<10000x128xf32, #tpu.memory_space<hbm>>
      tpu.enqueue_indirect_dma source(%dma_start3A_19 : memref<10000x128xf32, #tpu.memory_space<hbm>>) target(%arg9 : memref<80x128xf32, #tpu.memory_space<vmem>>) offsets(%dma_start3A_16 : memref<80xi32, #tpu.memory_space<vmem>>) semaphore(%arg11 : memref<!tpu.dma_semaphore, #tpu.memory_space<semaphore_mem>>)
      %dma_wait3A = arith.constant 0 : i32
      %dma_wait3A_20 = tpu.memref_slice %arg7[%scan3A_14, %dma_wait3A] : memref<125x80xi32, #tpu.memory_space<vmem>> -> memref<1x80xi32, #tpu.memory_space<vmem>>
      %dma_wait3A_21 = tpu.memref_squeeze %dma_wait3A_20 : memref<1x80xi32, #tpu.memory_space<vmem>> -> memref<80xi32, #tpu.memory_space<vmem>>
      %dma_wait3A_22 = arith.constant 0 : i32
      %dma_wait3A_23 = arith.constant 0 : i32
      %dma_wait3A_24 = tpu.memref_slice %arg2[%dma_wait3A_22, %dma_wait3A_23] : memref<10000x128xf32, #tpu.memory_space<hbm>> -> memref<10000x128xf32, #tpu.memory_space<hbm>>
      tpu.wait_indirect_dma semaphore(%arg11 : memref<!tpu.dma_semaphore, #tpu.memory_space<semaphore_mem>>) src(%dma_wait3A_24 : memref<10000x128xf32, #tpu.memory_space<hbm>>) dst(%arg9 : memref<80x128xf32, #tpu.memory_space<vmem>>)
      "tpu.region"() ({
        %run_scoped3A = tpu.sem_alloc : memref<!tpu.dma_semaphore, #tpu.memory_space<semaphore_mem>>
        %dma_start3A_25 = arith.constant 0 : i32
        %dma_start3A_26 = tpu.memref_slice %arg8[%scan3A_14, %dma_start3A_25] : memref<125x80xi32, #tpu.memory_space<vmem>> -> memref<1x80xi32, #tpu.memory_space<vmem>>
        %dma_start3A_27 = tpu.memref_squeeze %dma_start3A_26 : memref<1x80xi32, #tpu.memory_space<vmem>> -> memref<80xi32, #tpu.memory_space<vmem>>
        %dma_start3A_28 = arith.constant 0 : i32
        %dma_start3A_29 = arith.constant 0 : i32
        %dma_start3A_30 = tpu.memref_slice %arg10[%dma_start3A_28, %dma_start3A_29] : memref<10000x128xf32, #tpu.memory_space<vmem_shared>> -> memref<10000x128xf32, #tpu.memory_space<vmem_shared>>
        tpu.enqueue_indirect_dma source(%arg9 : memref<80x128xf32, #tpu.memory_space<vmem>>) target(%dma_start3A_30 : memref<10000x128xf32, #tpu.memory_space<vmem_shared>>) offsets(%dma_start3A_27 : memref<80xi32, #tpu.memory_space<vmem>>) semaphore(%run_scoped3A : memref<!tpu.dma_semaphore, #tpu.memory_space<semaphore_mem>>) {add = true}
        %dma_wait3A_31 = arith.constant 0 : i32
        %dma_wait3A_32 = tpu.memref_slice %arg8[%scan3A_14, %dma_wait3A_31] : memref<125x80xi32, #tpu.memory_space<vmem>> -> memref<1x80xi32, #tpu.memory_space<vmem>>
        %dma_wait3A_33 = tpu.memref_squeeze %dma_wait3A_32 : memref<1x80xi32, #tpu.memory_space<vmem>> -> memref<80xi32, #tpu.memory_space<vmem>>
        %dma_wait3A_34 = arith.constant 0 : i32
        %dma_wait3A_35 = arith.constant 0 : i32
        %dma_wait3A_36 = tpu.memref_slice %arg10[%dma_wait3A_34, %dma_wait3A_35] : memref<10000x128xf32, #tpu.memory_space<vmem_shared>> -> memref<10000x128xf32, #tpu.memory_space<vmem_shared>>
        tpu.wait_indirect_dma semaphore(%run_scoped3A : memref<!tpu.dma_semaphore, #tpu.memory_space<semaphore_mem>>) src(%arg9 : memref<80x128xf32, #tpu.memory_space<vmem>>) dst(%dma_wait3A_36 : memref<10000x128xf32, #tpu.memory_space<vmem_shared>>)
        tpu.yield
      }) : () -> ()
    }
    %scan3A_7 = arith.constant 125 : i32
    %barrier3A_8 = arith.constant 0 : index
    tpu.barrier barrier_id(%barrier3A_8)
    %lt3A_9 = arith.constant 10 : i32
    %lt3A_10 = arith.cmpi slt, %arg1, %lt3A_9 : i32
    %convert_element_type3A_11 = arith.extui %lt3A_10 : i1 to i32
    %cond3A_12 = arith.constant 0 : i32
    %cond3A_13 = arith.cmpi ne, %convert_element_type3A_11, %cond3A_12 : i32
    scf.if %cond3A_13 {
      %mul3A_14 = arith.constant 1000 : i32
      %mul3A_15 = arith.muli %arg1, %mul3A_14 : i32
      %mul3A_16 = arith.constant 1000 : i32
      %mul3A_17 = arith.muli %arg1, %mul3A_16 : i32
      "tpu.region"() ({
        %run_scoped3A = tpu.sem_alloc : memref<!tpu.dma_semaphore, #tpu.memory_space<semaphore_mem>>
        %dma_start3A = arith.constant 0 : i32
        %dma_start3A_18 = tpu.memref_slice %arg6[%arg0, %mul3A_17, %dma_start3A] : memref<2x10000x128xf32, #tpu.memory_space<hbm>> -> memref<1x1000x128xf32, #tpu.memory_space<hbm>>
        %dma_start3A_19 = tpu.memref_squeeze %dma_start3A_18 : memref<1x1000x128xf32, #tpu.memory_space<hbm>> -> memref<1000x128xf32, #tpu.memory_space<hbm>>
        %dma_start3A_20 = arith.constant 0 : i32
        %dma_start3A_21 = tpu.memref_slice %arg10[%mul3A_15, %dma_start3A_20] : memref<10000x128xf32, #tpu.memory_space<vmem_shared>> -> memref<1000x128xf32, #tpu.memory_space<vmem_shared>>
        tpu.enqueue_dma source(%dma_start3A_21 : memref<1000x128xf32, #tpu.memory_space<vmem_shared>>) target(%dma_start3A_19 : memref<1000x128xf32, #tpu.memory_space<hbm>>) target_semaphore(%run_scoped3A : memref<!tpu.dma_semaphore, #tpu.memory_space<semaphore_mem>>)
        %dma_wait3A = arith.constant 0 : i32
        %dma_wait3A_22 = tpu.memref_slice %arg6[%arg0, %mul3A_17, %dma_wait3A] : memref<2x10000x128xf32, #tpu.memory_space<hbm>> -> memref<1x1000x128xf32, #tpu.memory_space<hbm>>
        %dma_wait3A_23 = tpu.memref_squeeze %dma_wait3A_22 : memref<1x1000x128xf32, #tpu.memory_space<hbm>> -> memref<1000x128xf32, #tpu.memory_space<hbm>>
        %dma_wait3A_24 = arith.constant 0 : i32
        %dma_wait3A_25 = tpu.memref_slice %arg10[%mul3A_15, %dma_wait3A_24] : memref<10000x128xf32, #tpu.memory_space<vmem_shared>> -> memref<1000x128xf32, #tpu.memory_space<vmem_shared>>
        tpu.wait_dma2 semaphore(%run_scoped3A : memref<!tpu.dma_semaphore, #tpu.memory_space<semaphore_mem>>) src(%dma_wait3A_25 : memref<1000x128xf32, #tpu.memory_space<vmem_shared>>) dst(%dma_wait3A_23 : memref<1000x128xf32, #tpu.memory_space<hbm>>)
        tpu.yield
      }) : () -> ()
    } else {
    }
    return
  }
}

#map = affine_map<(d0, d1) -> (0, 0)>
#map1 = affine_map<(d0, d1) -> (0, 0, 0)>
#map2 = affine_map<(d0, d1) -> (0, 0, 0, 0)>
module attributes {stable_mosaic.version = 14 : i64} {
  func.func @sc_gat2(%arg0: i32, %arg1: i32, %arg2: memref<10000x128xf32, #tpu.memory_space<hbm>>, %arg3: memref<4000x10x128xf32, #tpu.memory_space<hbm>>, %arg4: memref<32x5x25x80xi32, #tpu.memory_space<hbm>>, %arg5: memref<32x5x25x80xi32, #tpu.memory_space<hbm>>, %arg6: memref<1000x128xf32, #tpu.memory_space<hbm>>, %arg7: memref<2x10000x128xf32, #tpu.memory_space<hbm>>, %arg8: memref<25x80xi32, #tpu.memory_space<vmem>>, %arg9: memref<25x80xi32, #tpu.memory_space<vmem>>, %arg10: memref<80x128xf32, #tpu.memory_space<vmem>>, %arg11: memref<10x128xf32, #tpu.memory_space<vmem>>, %arg12: memref<10000x128xf32, #tpu.memory_space<vmem_shared>>, %arg13: memref<!tpu.dma_semaphore, #tpu.memory_space<semaphore_mem>>) attributes {dimension_semantics = [#tpu.dimension_semantics<core_parallel>, #tpu.dimension_semantics<subcore_parallel>], iteration_bounds = array<i64: 2, 16>, scalar_prefetch = 0 : i64, scratch_operands = 6 : i64, tpu.core_type = #tpu.core_type<sc_vector_subcore>, window_params = [{transform_indices = #map}, {transform_indices = #map1}, {transform_indices = #map2}, {transform_indices = #map2}, {transform_indices = #map}, {transform_indices = #map1}]} {
    %mul3A = arith.constant 2 : i32
    %mul3A_0 = arith.muli %arg1, %mul3A : i32
    %add3A = arith.addi %mul3A_0, %arg0 : i32
    %lt3A = arith.constant 10 : i32
    %lt3A_1 = arith.cmpi slt, %arg1, %lt3A : i32
    %convert_element_type3A = arith.extui %lt3A_1 : i1 to i32
    %cond3A = arith.constant 0 : i32
    %cond3A_2 = arith.cmpi ne, %convert_element_type3A, %cond3A : i32
    scf.if %cond3A_2 {
      %mul3A_14 = arith.constant 1000 : i32
      %mul3A_15 = arith.muli %arg1, %mul3A_14 : i32
      "tpu.region"() ({
        %run_scoped3A = tpu.sem_alloc : memref<!tpu.dma_semaphore, #tpu.memory_space<semaphore_mem>>
        %dma_start3A = arith.constant 0 : i32
        %dma_start3A_16 = tpu.memref_slice %arg12[%mul3A_15, %dma_start3A] : memref<10000x128xf32, #tpu.memory_space<vmem_shared>> -> memref<1000x128xf32, #tpu.memory_space<vmem_shared>>
        tpu.enqueue_dma source(%arg6 : memref<1000x128xf32, #tpu.memory_space<hbm>>) target(%dma_start3A_16 : memref<1000x128xf32, #tpu.memory_space<vmem_shared>>) target_semaphore(%run_scoped3A : memref<!tpu.dma_semaphore, #tpu.memory_space<semaphore_mem>>)
        %dma_wait3A = arith.constant 0 : i32
        %dma_wait3A_17 = tpu.memref_slice %arg12[%mul3A_15, %dma_wait3A] : memref<10000x128xf32, #tpu.memory_space<vmem_shared>> -> memref<1000x128xf32, #tpu.memory_space<vmem_shared>>
        tpu.wait_dma2 semaphore(%run_scoped3A : memref<!tpu.dma_semaphore, #tpu.memory_space<semaphore_mem>>) src(%arg6 : memref<1000x128xf32, #tpu.memory_space<hbm>>) dst(%dma_wait3A_17 : memref<1000x128xf32, #tpu.memory_space<vmem_shared>>)
        tpu.yield
      }) : () -> ()
    } else {
    }
    %barrier3A = arith.constant 0 : index
    tpu.barrier barrier_id(%barrier3A)
    %scan3A = arith.constant 0 : i32
    %scan3A_3 = arith.constant 0 : i32
    %scan3A_4 = arith.constant 5 : i32
    %scan3A_5 = arith.addi %scan3A_3, %scan3A_4 : i32
    %scan3A_6 = arith.constant 1 : i32
    scf.for %scan3A_14 = %scan3A_3 to %scan3A_5 step %scan3A_6  : i32 {
      "tpu.region"() ({
        %run_scoped3A = tpu.sem_alloc : memref<!tpu.dma_semaphore, #tpu.memory_space<semaphore_mem>>
        %dma_start3A = arith.constant 0 : i32
        %dma_start3A_21 = arith.constant 0 : i32
        %dma_start3A_22 = tpu.memref_slice %arg4[%add3A, %scan3A_14, %dma_start3A, %dma_start3A_21] : memref<32x5x25x80xi32, #tpu.memory_space<hbm>> -> memref<1x1x25x80xi32, #tpu.memory_space<hbm>>
        %dma_start3A_23 = tpu.memref_squeeze %dma_start3A_22 : memref<1x1x25x80xi32, #tpu.memory_space<hbm>> -> memref<25x80xi32, #tpu.memory_space<hbm>>
        %dma_start3A_24 = arith.constant 0 : i32
        %dma_start3A_25 = arith.constant 0 : i32
        %dma_start3A_26 = tpu.memref_slice %arg4[%add3A, %scan3A_14, %dma_start3A_24, %dma_start3A_25] : memref<32x5x25x80xi32, #tpu.memory_space<hbm>> -> memref<1x1x25x80xi32, #tpu.memory_space<hbm>>
        %dma_start3A_27 = tpu.memref_squeeze %dma_start3A_26 : memref<1x1x25x80xi32, #tpu.memory_space<hbm>> -> memref<25x80xi32, #tpu.memory_space<hbm>>
        tpu.enqueue_dma source(%dma_start3A_27 : memref<25x80xi32, #tpu.memory_space<hbm>>) target(%arg8 : memref<25x80xi32, #tpu.memory_space<vmem>>) target_semaphore(%run_scoped3A : memref<!tpu.dma_semaphore, #tpu.memory_space<semaphore_mem>>)
        %dma_wait3A = arith.constant 0 : i32
        %dma_wait3A_28 = arith.constant 0 : i32
        %dma_wait3A_29 = tpu.memref_slice %arg4[%add3A, %scan3A_14, %dma_wait3A, %dma_wait3A_28] : memref<32x5x25x80xi32, #tpu.memory_space<hbm>> -> memref<1x1x25x80xi32, #tpu.memory_space<hbm>>
        %dma_wait3A_30 = tpu.memref_squeeze %dma_wait3A_29 : memref<1x1x25x80xi32, #tpu.memory_space<hbm>> -> memref<25x80xi32, #tpu.memory_space<hbm>>
        %dma_wait3A_31 = arith.constant 0 : i32
        %dma_wait3A_32 = arith.constant 0 : i32
        %dma_wait3A_33 = tpu.memref_slice %arg4[%add3A, %scan3A_14, %dma_wait3A_31, %dma_wait3A_32] : memref<32x5x25x80xi32, #tpu.memory_space<hbm>> -> memref<1x1x25x80xi32, #tpu.memory_space<hbm>>
        %dma_wait3A_34 = tpu.memref_squeeze %dma_wait3A_33 : memref<1x1x25x80xi32, #tpu.memory_space<hbm>> -> memref<25x80xi32, #tpu.memory_space<hbm>>
        tpu.wait_dma2 semaphore(%run_scoped3A : memref<!tpu.dma_semaphore, #tpu.memory_space<semaphore_mem>>) src(%dma_wait3A_34 : memref<25x80xi32, #tpu.memory_space<hbm>>) dst(%arg8 : memref<25x80xi32, #tpu.memory_space<vmem>>)
        tpu.yield
      }) : () -> ()
      "tpu.region"() ({
        %run_scoped3A = tpu.sem_alloc : memref<!tpu.dma_semaphore, #tpu.memory_space<semaphore_mem>>
        %dma_start3A = arith.constant 0 : i32
        %dma_start3A_21 = arith.constant 0 : i32
        %dma_start3A_22 = tpu.memref_slice %arg5[%add3A, %scan3A_14, %dma_start3A, %dma_start3A_21] : memref<32x5x25x80xi32, #tpu.memory_space<hbm>> -> memref<1x1x25x80xi32, #tpu.memory_space<hbm>>
        %dma_start3A_23 = tpu.memref_squeeze %dma_start3A_22 : memref<1x1x25x80xi32, #tpu.memory_space<hbm>> -> memref<25x80xi32, #tpu.memory_space<hbm>>
        %dma_start3A_24 = arith.constant 0 : i32
        %dma_start3A_25 = arith.constant 0 : i32
        %dma_start3A_26 = tpu.memref_slice %arg5[%add3A, %scan3A_14, %dma_start3A_24, %dma_start3A_25] : memref<32x5x25x80xi32, #tpu.memory_space<hbm>> -> memref<1x1x25x80xi32, #tpu.memory_space<hbm>>
        %dma_start3A_27 = tpu.memref_squeeze %dma_start3A_26 : memref<1x1x25x80xi32, #tpu.memory_space<hbm>> -> memref<25x80xi32, #tpu.memory_space<hbm>>
        tpu.enqueue_dma source(%dma_start3A_27 : memref<25x80xi32, #tpu.memory_space<hbm>>) target(%arg9 : memref<25x80xi32, #tpu.memory_space<vmem>>) target_semaphore(%run_scoped3A : memref<!tpu.dma_semaphore, #tpu.memory_space<semaphore_mem>>)
        %dma_wait3A = arith.constant 0 : i32
        %dma_wait3A_28 = arith.constant 0 : i32
        %dma_wait3A_29 = tpu.memref_slice %arg5[%add3A, %scan3A_14, %dma_wait3A, %dma_wait3A_28] : memref<32x5x25x80xi32, #tpu.memory_space<hbm>> -> memref<1x1x25x80xi32, #tpu.memory_space<hbm>>
        %dma_wait3A_30 = tpu.memref_squeeze %dma_wait3A_29 : memref<1x1x25x80xi32, #tpu.memory_space<hbm>> -> memref<25x80xi32, #tpu.memory_space<hbm>>
        %dma_wait3A_31 = arith.constant 0 : i32
        %dma_wait3A_32 = arith.constant 0 : i32
        %dma_wait3A_33 = tpu.memref_slice %arg5[%add3A, %scan3A_14, %dma_wait3A_31, %dma_wait3A_32] : memref<32x5x25x80xi32, #tpu.memory_space<hbm>> -> memref<1x1x25x80xi32, #tpu.memory_space<hbm>>
        %dma_wait3A_34 = tpu.memref_squeeze %dma_wait3A_33 : memref<1x1x25x80xi32, #tpu.memory_space<hbm>> -> memref<25x80xi32, #tpu.memory_space<hbm>>
        tpu.wait_dma2 semaphore(%run_scoped3A : memref<!tpu.dma_semaphore, #tpu.memory_space<semaphore_mem>>) src(%dma_wait3A_34 : memref<25x80xi32, #tpu.memory_space<hbm>>) dst(%arg9 : memref<25x80xi32, #tpu.memory_space<vmem>>)
        tpu.yield
      }) : () -> ()
      %scan3A_15 = arith.constant 0 : i32
      %scan3A_16 = arith.constant 0 : i32
      %scan3A_17 = arith.constant 25 : i32
      %scan3A_18 = arith.addi %scan3A_16, %scan3A_17 : i32
      %scan3A_19 = arith.constant 1 : i32
      scf.for %scan3A_21 = %scan3A_16 to %scan3A_18 step %scan3A_19  : i32 {
        %dma_start3A = arith.constant 0 : i32
        %dma_start3A_22 = tpu.memref_slice %arg8[%scan3A_21, %dma_start3A] : memref<25x80xi32, #tpu.memory_space<vmem>> -> memref<1x80xi32, #tpu.memory_space<vmem>>
        %dma_start3A_23 = tpu.memref_squeeze %dma_start3A_22 : memref<1x80xi32, #tpu.memory_space<vmem>> -> memref<80xi32, #tpu.memory_space<vmem>>
        %dma_start3A_24 = arith.constant 0 : i32
        %dma_start3A_25 = arith.constant 0 : i32
        %dma_start3A_26 = tpu.memref_slice %arg2[%dma_start3A_24, %dma_start3A_25] : memref<10000x128xf32, #tpu.memory_space<hbm>> -> memref<10000x128xf32, #tpu.memory_space<hbm>>
        tpu.enqueue_indirect_dma source(%dma_start3A_26 : memref<10000x128xf32, #tpu.memory_space<hbm>>) target(%arg10 : memref<80x128xf32, #tpu.memory_space<vmem>>) offsets(%dma_start3A_23 : memref<80xi32, #tpu.memory_space<vmem>>) semaphore(%arg13 : memref<!tpu.dma_semaphore, #tpu.memory_space<semaphore_mem>>)
        %mul3A_27 = arith.constant 125 : i32
        %mul3A_28 = arith.muli %add3A, %mul3A_27 : i32
        %mul3A_29 = arith.constant 25 : i32
        %mul3A_30 = arith.muli %scan3A_14, %mul3A_29 : i32
        %add3A_31 = arith.addi %mul3A_28, %mul3A_30 : i32
        %add3A_32 = arith.addi %add3A_31, %scan3A_21 : i32
        "tpu.region"() ({
          %run_scoped3A = tpu.sem_alloc : memref<!tpu.dma_semaphore, #tpu.memory_space<semaphore_mem>>
          %dma_start3A_44 = arith.constant 0 : i32
          %dma_start3A_45 = arith.constant 0 : i32
          %dma_start3A_46 = tpu.memref_slice %arg3[%add3A_32, %dma_start3A_44, %dma_start3A_45] : memref<4000x10x128xf32, #tpu.memory_space<hbm>> -> memref<1x10x128xf32, #tpu.memory_space<hbm>>
          %dma_start3A_47 = tpu.memref_squeeze %dma_start3A_46 : memref<1x10x128xf32, #tpu.memory_space<hbm>> -> memref<10x128xf32, #tpu.memory_space<hbm>>
          %dma_start3A_48 = arith.constant 0 : i32
          %dma_start3A_49 = arith.constant 0 : i32
          %dma_start3A_50 = tpu.memref_slice %arg3[%add3A_32, %dma_start3A_48, %dma_start3A_49] : memref<4000x10x128xf32, #tpu.memory_space<hbm>> -> memref<1x10x128xf32, #tpu.memory_space<hbm>>
          %dma_start3A_51 = tpu.memref_squeeze %dma_start3A_50 : memref<1x10x128xf32, #tpu.memory_space<hbm>> -> memref<10x128xf32, #tpu.memory_space<hbm>>
          tpu.enqueue_dma source(%dma_start3A_51 : memref<10x128xf32, #tpu.memory_space<hbm>>) target(%arg11 : memref<10x128xf32, #tpu.memory_space<vmem>>) target_semaphore(%run_scoped3A : memref<!tpu.dma_semaphore, #tpu.memory_space<semaphore_mem>>)
          %dma_wait3A_52 = arith.constant 0 : i32
          %dma_wait3A_53 = arith.constant 0 : i32
          %dma_wait3A_54 = tpu.memref_slice %arg3[%add3A_32, %dma_wait3A_52, %dma_wait3A_53] : memref<4000x10x128xf32, #tpu.memory_space<hbm>> -> memref<1x10x128xf32, #tpu.memory_space<hbm>>
          %dma_wait3A_55 = tpu.memref_squeeze %dma_wait3A_54 : memref<1x10x128xf32, #tpu.memory_space<hbm>> -> memref<10x128xf32, #tpu.memory_space<hbm>>
          %dma_wait3A_56 = arith.constant 0 : i32
          %dma_wait3A_57 = arith.constant 0 : i32
          %dma_wait3A_58 = tpu.memref_slice %arg3[%add3A_32, %dma_wait3A_56, %dma_wait3A_57] : memref<4000x10x128xf32, #tpu.memory_space<hbm>> -> memref<1x10x128xf32, #tpu.memory_space<hbm>>
          %dma_wait3A_59 = tpu.memref_squeeze %dma_wait3A_58 : memref<1x10x128xf32, #tpu.memory_space<hbm>> -> memref<10x128xf32, #tpu.memory_space<hbm>>
          tpu.wait_dma2 semaphore(%run_scoped3A : memref<!tpu.dma_semaphore, #tpu.memory_space<semaphore_mem>>) src(%dma_wait3A_59 : memref<10x128xf32, #tpu.memory_space<hbm>>) dst(%arg11 : memref<10x128xf32, #tpu.memory_space<vmem>>)
          tpu.yield
        }) : () -> ()
        %dma_wait3A = arith.constant 0 : i32
        %dma_wait3A_33 = tpu.memref_slice %arg8[%scan3A_21, %dma_wait3A] : memref<25x80xi32, #tpu.memory_space<vmem>> -> memref<1x80xi32, #tpu.memory_space<vmem>>
        %dma_wait3A_34 = tpu.memref_squeeze %dma_wait3A_33 : memref<1x80xi32, #tpu.memory_space<vmem>> -> memref<80xi32, #tpu.memory_space<vmem>>
        %dma_wait3A_35 = arith.constant 0 : i32
        %dma_wait3A_36 = arith.constant 0 : i32
        %dma_wait3A_37 = tpu.memref_slice %arg2[%dma_wait3A_35, %dma_wait3A_36] : memref<10000x128xf32, #tpu.memory_space<hbm>> -> memref<10000x128xf32, #tpu.memory_space<hbm>>
        tpu.wait_indirect_dma semaphore(%arg13 : memref<!tpu.dma_semaphore, #tpu.memory_space<semaphore_mem>>) src(%dma_wait3A_37 : memref<10000x128xf32, #tpu.memory_space<hbm>>) dst(%arg10 : memref<80x128xf32, #tpu.memory_space<vmem>>)
        %scan3A_38 = arith.constant 0 : i32
        %scan3A_39 = arith.constant 0 : i32
        %scan3A_40 = arith.constant 80 : i32
        %scan3A_41 = arith.addi %scan3A_39, %scan3A_40 : i32
        %scan3A_42 = arith.constant 1 : i32
        scf.for %scan3A_44 = %scan3A_39 to %scan3A_41 step %scan3A_42  : i32 {
          %jit3A = arith.constant 8 : i32
          %div3A = arith.divsi %scan3A_44, %jit3A : i32
          %sign3A = arith.constant 0 : i32
          %sign3A_45 = arith.cmpi sgt, %scan3A_44, %sign3A : i32
          %sign3A_46 = arith.extui %sign3A_45 : i1 to i32
          %sign3A_47 = arith.constant 0 : i32
          %sign3A_48 = arith.cmpi slt, %scan3A_44, %sign3A_47 : i32
          %sign3A_49 = arith.extui %sign3A_48 : i1 to i32
          %sign3A_50 = arith.subi %sign3A_46, %sign3A_49 : i32
          %sign3A_51 = arith.constant 0 : i32
          %sign3A_52 = arith.cmpi sgt, %jit3A, %sign3A_51 : i32
          %sign3A_53 = arith.extui %sign3A_52 : i1 to i32
          %sign3A_54 = arith.constant 0 : i32
          %sign3A_55 = arith.cmpi slt, %jit3A, %sign3A_54 : i32
          %sign3A_56 = arith.extui %sign3A_55 : i1 to i32
          %sign3A_57 = arith.subi %sign3A_53, %sign3A_56 : i32
          %ne3A = arith.cmpi ne, %sign3A_50, %sign3A_57 : i32
          %rem3A = arith.remsi %scan3A_44, %jit3A : i32
          %ne3A_58 = arith.constant 0 : i32
          %ne3A_59 = arith.cmpi ne, %rem3A, %ne3A_58 : i32
          %and3A = arith.andi %ne3A, %ne3A_59 : i1
          %sub3A = arith.constant 1 : i32
          %sub3A_60 = arith.subi %div3A, %sub3A : i32
          %select_n3A = arith.select %and3A, %sub3A_60, %div3A : i32
          %jit3A_61 = arith.constant 8 : i32
          %eq3A = arith.constant 0 : i32
          %eq3A_62 = arith.cmpi eq, %jit3A_61, %eq3A : i32
          %jit3A_63 = arith.constant 1 : i32
          %select_n3A_64 = arith.select %eq3A_62, %jit3A_63, %jit3A_61 : i32
          %rem3A_65 = arith.remsi %scan3A_44, %select_n3A_64 : i32
          %ne3A_66 = arith.constant 0 : i32
          %ne3A_67 = arith.cmpi ne, %rem3A_65, %ne3A_66 : i32
          %lt3A_68 = arith.constant 0 : i32
          %lt3A_69 = arith.cmpi slt, %rem3A_65, %lt3A_68 : i32
          %lt3A_70 = arith.constant 0 : i32
          %lt3A_71 = arith.cmpi slt, %select_n3A_64, %lt3A_70 : i32
          %ne3A_72 = arith.xori %lt3A_69, %lt3A_71 : i1
          %and3A_73 = arith.andi %ne3A_72, %ne3A_67 : i1
          %add3A_74 = arith.addi %rem3A_65, %select_n3A_64 : i32
          %select_n3A_75 = arith.select %and3A_73, %add3A_74, %rem3A_65 : i32
          %mul3A_76 = arith.constant 16 : i32
          %mul3A_77 = arith.muli %select_n3A_75, %mul3A_76 : i32
          %get3A = arith.index_cast %select_n3A : i32 to index
          %get3A_78 = arith.index_cast %mul3A_77 : i32 to index
          %get3A_79 = tpu.vector_load %arg11[%get3A, %get3A_78] {strides = array<i32>} : memref<10x128xf32, #tpu.memory_space<vmem>>, vector<1x16xf32>,
          %get3A_80 = vector.shape_cast %get3A_79 : vector<1x16xf32> to vector<16xf32>
          %get3A_81 = arith.index_cast %scan3A_44 : i32 to index
          %get3A_82 = arith.constant 0 : index
          %get3A_83 = tpu.vector_load %arg10[%get3A_81, %get3A_82] {strides = array<i32>} : memref<80x128xf32, #tpu.memory_space<vmem>>, vector<1x16xf32>,
          %get3A_84 = vector.shape_cast %get3A_83 : vector<1x16xf32> to vector<16xf32>
          %slice3A = vector.extract_strided_slice %get3A_80 {offsets = [0], sizes = [1], strides = [1]} : vector<16xf32> to vector<1xf32>
          %squeeze3A = vector.extract %slice3A[0] : f32 from vector<1xf32>
          %mul3A_85 = vector.broadcast %squeeze3A : f32 to vector<16xf32>
          %mul3A_86 = arith.mulf %get3A_84, %mul3A_85 : vector<16xf32>
          %swap3A = arith.index_cast %scan3A_44 : i32 to index
          %swap3A_87 = arith.constant 0 : index
          %swap3A_88 = tpu.vector_load %arg10[%swap3A, %swap3A_87] {strides = array<i32>} : memref<80x128xf32, #tpu.memory_space<vmem>>, vector<1x16xf32>,
          %swap3A_89 = vector.shape_cast %swap3A_88 : vector<1x16xf32> to vector<16xf32>
          %swap3A_90 = vector.shape_cast %mul3A_86 : vector<16xf32> to vector<1x16xf32>
          tpu.vector_store %arg10[%swap3A, %swap3A_87], %swap3A_90 {strides = array<i32>} : memref<80x128xf32, #tpu.memory_space<vmem>>, vector<1x16xf32>,
          %get3A_91 = arith.index_cast %scan3A_44 : i32 to index
          %get3A_92 = arith.constant 16 : index
          %get3A_93 = tpu.vector_load %arg10[%get3A_91, %get3A_92] {strides = array<i32>} : memref<80x128xf32, #tpu.memory_space<vmem>>, vector<1x16xf32>,
          %get3A_94 = vector.shape_cast %get3A_93 : vector<1x16xf32> to vector<16xf32>
          %slice3A_95 = vector.extract_strided_slice %get3A_80 {offsets = [1], sizes = [1], strides = [1]} : vector<16xf32> to vector<1xf32>
          %squeeze3A_96 = vector.extract %slice3A_95[0] : f32 from vector<1xf32>
          %mul3A_97 = vector.broadcast %squeeze3A_96 : f32 to vector<16xf32>
          %mul3A_98 = arith.mulf %get3A_94, %mul3A_97 : vector<16xf32>
          %swap3A_99 = arith.index_cast %scan3A_44 : i32 to index
          %swap3A_100 = arith.constant 16 : index
          %swap3A_101 = tpu.vector_load %arg10[%swap3A_99, %swap3A_100] {strides = array<i32>} : memref<80x128xf32, #tpu.memory_space<vmem>>, vector<1x16xf32>,
          %swap3A_102 = vector.shape_cast %swap3A_101 : vector<1x16xf32> to vector<16xf32>
          %swap3A_103 = vector.shape_cast %mul3A_98 : vector<16xf32> to vector<1x16xf32>
          tpu.vector_store %arg10[%swap3A_99, %swap3A_100], %swap3A_103 {strides = array<i32>} : memref<80x128xf32, #tpu.memory_space<vmem>>, vector<1x16xf32>,
          %get3A_104 = arith.index_cast %scan3A_44 : i32 to index
          %get3A_105 = arith.constant 32 : index
          %get3A_106 = tpu.vector_load %arg10[%get3A_104, %get3A_105] {strides = array<i32>} : memref<80x128xf32, #tpu.memory_space<vmem>>, vector<1x16xf32>,
          %get3A_107 = vector.shape_cast %get3A_106 : vector<1x16xf32> to vector<16xf32>
          %slice3A_108 = vector.extract_strided_slice %get3A_80 {offsets = [2], sizes = [1], strides = [1]} : vector<16xf32> to vector<1xf32>
          %squeeze3A_109 = vector.extract %slice3A_108[0] : f32 from vector<1xf32>
          %mul3A_110 = vector.broadcast %squeeze3A_109 : f32 to vector<16xf32>
          %mul3A_111 = arith.mulf %get3A_107, %mul3A_110 : vector<16xf32>
          %swap3A_112 = arith.index_cast %scan3A_44 : i32 to index
          %swap3A_113 = arith.constant 32 : index
          %swap3A_114 = tpu.vector_load %arg10[%swap3A_112, %swap3A_113] {strides = array<i32>} : memref<80x128xf32, #tpu.memory_space<vmem>>, vector<1x16xf32>,
          %swap3A_115 = vector.shape_cast %swap3A_114 : vector<1x16xf32> to vector<16xf32>
          %swap3A_116 = vector.shape_cast %mul3A_111 : vector<16xf32> to vector<1x16xf32>
          tpu.vector_store %arg10[%swap3A_112, %swap3A_113], %swap3A_116 {strides = array<i32>} : memref<80x128xf32, #tpu.memory_space<vmem>>, vector<1x16xf32>,
          %get3A_117 = arith.index_cast %scan3A_44 : i32 to index
          %get3A_118 = arith.constant 48 : index
          %get3A_119 = tpu.vector_load %arg10[%get3A_117, %get3A_118] {strides = array<i32>} : memref<80x128xf32, #tpu.memory_space<vmem>>, vector<1x16xf32>,
          %get3A_120 = vector.shape_cast %get3A_119 : vector<1x16xf32> to vector<16xf32>
          %slice3A_121 = vector.extract_strided_slice %get3A_80 {offsets = [3], sizes = [1], strides = [1]} : vector<16xf32> to vector<1xf32>
          %squeeze3A_122 = vector.extract %slice3A_121[0] : f32 from vector<1xf32>
          %mul3A_123 = vector.broadcast %squeeze3A_122 : f32 to vector<16xf32>
          %mul3A_124 = arith.mulf %get3A_120, %mul3A_123 : vector<16xf32>
          %swap3A_125 = arith.index_cast %scan3A_44 : i32 to index
          %swap3A_126 = arith.constant 48 : index
          %swap3A_127 = tpu.vector_load %arg10[%swap3A_125, %swap3A_126] {strides = array<i32>} : memref<80x128xf32, #tpu.memory_space<vmem>>, vector<1x16xf32>,
          %swap3A_128 = vector.shape_cast %swap3A_127 : vector<1x16xf32> to vector<16xf32>
          %swap3A_129 = vector.shape_cast %mul3A_124 : vector<16xf32> to vector<1x16xf32>
          tpu.vector_store %arg10[%swap3A_125, %swap3A_126], %swap3A_129 {strides = array<i32>} : memref<80x128xf32, #tpu.memory_space<vmem>>, vector<1x16xf32>,
          %get3A_130 = arith.index_cast %scan3A_44 : i32 to index
          %get3A_131 = arith.constant 64 : index
          %get3A_132 = tpu.vector_load %arg10[%get3A_130, %get3A_131] {strides = array<i32>} : memref<80x128xf32, #tpu.memory_space<vmem>>, vector<1x16xf32>,
          %get3A_133 = vector.shape_cast %get3A_132 : vector<1x16xf32> to vector<16xf32>
          %slice3A_134 = vector.extract_strided_slice %get3A_80 {offsets = [4], sizes = [1], strides = [1]} : vector<16xf32> to vector<1xf32>
          %squeeze3A_135 = vector.extract %slice3A_134[0] : f32 from vector<1xf32>
          %mul3A_136 = vector.broadcast %squeeze3A_135 : f32 to vector<16xf32>
          %mul3A_137 = arith.mulf %get3A_133, %mul3A_136 : vector<16xf32>
          %swap3A_138 = arith.index_cast %scan3A_44 : i32 to index
          %swap3A_139 = arith.constant 64 : index
          %swap3A_140 = tpu.vector_load %arg10[%swap3A_138, %swap3A_139] {strides = array<i32>} : memref<80x128xf32, #tpu.memory_space<vmem>>, vector<1x16xf32>,
          %swap3A_141 = vector.shape_cast %swap3A_140 : vector<1x16xf32> to vector<16xf32>
          %swap3A_142 = vector.shape_cast %mul3A_137 : vector<16xf32> to vector<1x16xf32>
          tpu.vector_store %arg10[%swap3A_138, %swap3A_139], %swap3A_142 {strides = array<i32>} : memref<80x128xf32, #tpu.memory_space<vmem>>, vector<1x16xf32>,
          %get3A_143 = arith.index_cast %scan3A_44 : i32 to index
          %get3A_144 = arith.constant 80 : index
          %get3A_145 = tpu.vector_load %arg10[%get3A_143, %get3A_144] {strides = array<i32>} : memref<80x128xf32, #tpu.memory_space<vmem>>, vector<1x16xf32>,
          %get3A_146 = vector.shape_cast %get3A_145 : vector<1x16xf32> to vector<16xf32>
          %slice3A_147 = vector.extract_strided_slice %get3A_80 {offsets = [5], sizes = [1], strides = [1]} : vector<16xf32> to vector<1xf32>
          %squeeze3A_148 = vector.extract %slice3A_147[0] : f32 from vector<1xf32>
          %mul3A_149 = vector.broadcast %squeeze3A_148 : f32 to vector<16xf32>
          %mul3A_150 = arith.mulf %get3A_146, %mul3A_149 : vector<16xf32>
          %swap3A_151 = arith.index_cast %scan3A_44 : i32 to index
          %swap3A_152 = arith.constant 80 : index
          %swap3A_153 = tpu.vector_load %arg10[%swap3A_151, %swap3A_152] {strides = array<i32>} : memref<80x128xf32, #tpu.memory_space<vmem>>, vector<1x16xf32>,
          %swap3A_154 = vector.shape_cast %swap3A_153 : vector<1x16xf32> to vector<16xf32>
          %swap3A_155 = vector.shape_cast %mul3A_150 : vector<16xf32> to vector<1x16xf32>
          tpu.vector_store %arg10[%swap3A_151, %swap3A_152], %swap3A_155 {strides = array<i32>} : memref<80x128xf32, #tpu.memory_space<vmem>>, vector<1x16xf32>,
          %get3A_156 = arith.index_cast %scan3A_44 : i32 to index
          %get3A_157 = arith.constant 96 : index
          %get3A_158 = tpu.vector_load %arg10[%get3A_156, %get3A_157] {strides = array<i32>} : memref<80x128xf32, #tpu.memory_space<vmem>>, vector<1x16xf32>,
          %get3A_159 = vector.shape_cast %get3A_158 : vector<1x16xf32> to vector<16xf32>
          %slice3A_160 = vector.extract_strided_slice %get3A_80 {offsets = [6], sizes = [1], strides = [1]} : vector<16xf32> to vector<1xf32>
          %squeeze3A_161 = vector.extract %slice3A_160[0] : f32 from vector<1xf32>
          %mul3A_162 = vector.broadcast %squeeze3A_161 : f32 to vector<16xf32>
          %mul3A_163 = arith.mulf %get3A_159, %mul3A_162 : vector<16xf32>
          %swap3A_164 = arith.index_cast %scan3A_44 : i32 to index
          %swap3A_165 = arith.constant 96 : index
          %swap3A_166 = tpu.vector_load %arg10[%swap3A_164, %swap3A_165] {strides = array<i32>} : memref<80x128xf32, #tpu.memory_space<vmem>>, vector<1x16xf32>,
          %swap3A_167 = vector.shape_cast %swap3A_166 : vector<1x16xf32> to vector<16xf32>
          %swap3A_168 = vector.shape_cast %mul3A_163 : vector<16xf32> to vector<1x16xf32>
          tpu.vector_store %arg10[%swap3A_164, %swap3A_165], %swap3A_168 {strides = array<i32>} : memref<80x128xf32, #tpu.memory_space<vmem>>, vector<1x16xf32>,
          %get3A_169 = arith.index_cast %scan3A_44 : i32 to index
          %get3A_170 = arith.constant 112 : index
          %get3A_171 = tpu.vector_load %arg10[%get3A_169, %get3A_170] {strides = array<i32>} : memref<80x128xf32, #tpu.memory_space<vmem>>, vector<1x16xf32>,
          %get3A_172 = vector.shape_cast %get3A_171 : vector<1x16xf32> to vector<16xf32>
          %slice3A_173 = vector.extract_strided_slice %get3A_80 {offsets = [7], sizes = [1], strides = [1]} : vector<16xf32> to vector<1xf32>
          %squeeze3A_174 = vector.extract %slice3A_173[0] : f32 from vector<1xf32>
          %mul3A_175 = vector.broadcast %squeeze3A_174 : f32 to vector<16xf32>
          %mul3A_176 = arith.mulf %get3A_172, %mul3A_175 : vector<16xf32>
          %swap3A_177 = arith.index_cast %scan3A_44 : i32 to index
          %swap3A_178 = arith.constant 112 : index
          %swap3A_179 = tpu.vector_load %arg10[%swap3A_177, %swap3A_178] {strides = array<i32>} : memref<80x128xf32, #tpu.memory_space<vmem>>, vector<1x16xf32>,
          %swap3A_180 = vector.shape_cast %swap3A_179 : vector<1x16xf32> to vector<16xf32>
          %swap3A_181 = vector.shape_cast %mul3A_176 : vector<16xf32> to vector<1x16xf32>
          tpu.vector_store %arg10[%swap3A_177, %swap3A_178], %swap3A_181 {strides = array<i32>} : memref<80x128xf32, #tpu.memory_space<vmem>>, vector<1x16xf32>,
        }
        %scan3A_43 = arith.constant 80 : i32
        "tpu.region"() ({
          %run_scoped3A = tpu.sem_alloc : memref<!tpu.dma_semaphore, #tpu.memory_space<semaphore_mem>>
          %dma_start3A_44 = arith.constant 0 : i32
          %dma_start3A_45 = tpu.memref_slice %arg9[%scan3A_21, %dma_start3A_44] : memref<25x80xi32, #tpu.memory_space<vmem>> -> memref<1x80xi32, #tpu.memory_space<vmem>>
          %dma_start3A_46 = tpu.memref_squeeze %dma_start3A_45 : memref<1x80xi32, #tpu.memory_space<vmem>> -> memref<80xi32, #tpu.memory_space<vmem>>
          %dma_start3A_47 = arith.constant 0 : i32
          %dma_start3A_48 = arith.constant 0 : i32
          %dma_start3A_49 = tpu.memref_slice %arg12[%dma_start3A_47, %dma_start3A_48] : memref<10000x128xf32, #tpu.memory_space<vmem_shared>> -> memref<10000x128xf32, #tpu.memory_space<vmem_shared>>
          tpu.enqueue_indirect_dma source(%arg10 : memref<80x128xf32, #tpu.memory_space<vmem>>) target(%dma_start3A_49 : memref<10000x128xf32, #tpu.memory_space<vmem_shared>>) offsets(%dma_start3A_46 : memref<80xi32, #tpu.memory_space<vmem>>) semaphore(%run_scoped3A : memref<!tpu.dma_semaphore, #tpu.memory_space<semaphore_mem>>) {add = true}
          %dma_wait3A_50 = arith.constant 0 : i32
          %dma_wait3A_51 = tpu.memref_slice %arg9[%scan3A_21, %dma_wait3A_50] : memref<25x80xi32, #tpu.memory_space<vmem>> -> memref<1x80xi32, #tpu.memory_space<vmem>>
          %dma_wait3A_52 = tpu.memref_squeeze %dma_wait3A_51 : memref<1x80xi32, #tpu.memory_space<vmem>> -> memref<80xi32, #tpu.memory_space<vmem>>
          %dma_wait3A_53 = arith.constant 0 : i32
          %dma_wait3A_54 = arith.constant 0 : i32
          %dma_wait3A_55 = tpu.memref_slice %arg12[%dma_wait3A_53, %dma_wait3A_54] : memref<10000x128xf32, #tpu.memory_space<vmem_shared>> -> memref<10000x128xf32, #tpu.memory_space<vmem_shared>>
          tpu.wait_indirect_dma semaphore(%run_scoped3A : memref<!tpu.dma_semaphore, #tpu.memory_space<semaphore_mem>>) src(%arg10 : memref<80x128xf32, #tpu.memory_space<vmem>>) dst(%dma_wait3A_55 : memref<10000x128xf32, #tpu.memory_space<vmem_shared>>)
          tpu.yield
        }) : () -> ()
      }
      %scan3A_20 = arith.constant 25 : i32
    }
    %scan3A_7 = arith.constant 5 : i32
    %barrier3A_8 = arith.constant 0 : index
    tpu.barrier barrier_id(%barrier3A_8)
    %lt3A_9 = arith.constant 10 : i32
    %lt3A_10 = arith.cmpi slt, %arg1, %lt3A_9 : i32
    %convert_element_type3A_11 = arith.extui %lt3A_10 : i1 to i32
    %cond3A_12 = arith.constant 0 : i32
    %cond3A_13 = arith.cmpi ne, %convert_element_type3A_11, %cond3A_12 : i32
    scf.if %cond3A_13 {
      %mul3A_14 = arith.constant 1000 : i32
      %mul3A_15 = arith.muli %arg1, %mul3A_14 : i32
      %mul3A_16 = arith.constant 1000 : i32
      %mul3A_17 = arith.muli %arg1, %mul3A_16 : i32
      "tpu.region"() ({
        %run_scoped3A = tpu.sem_alloc : memref<!tpu.dma_semaphore, #tpu.memory_space<semaphore_mem>>
        %dma_start3A = arith.constant 0 : i32
        %dma_start3A_18 = tpu.memref_slice %arg7[%arg0, %mul3A_17, %dma_start3A] : memref<2x10000x128xf32, #tpu.memory_space<hbm>> -> memref<1x1000x128xf32, #tpu.memory_space<hbm>>
        %dma_start3A_19 = tpu.memref_squeeze %dma_start3A_18 : memref<1x1000x128xf32, #tpu.memory_space<hbm>> -> memref<1000x128xf32, #tpu.memory_space<hbm>>
        %dma_start3A_20 = arith.constant 0 : i32
        %dma_start3A_21 = tpu.memref_slice %arg12[%mul3A_15, %dma_start3A_20] : memref<10000x128xf32, #tpu.memory_space<vmem_shared>> -> memref<1000x128xf32, #tpu.memory_space<vmem_shared>>
        tpu.enqueue_dma source(%dma_start3A_21 : memref<1000x128xf32, #tpu.memory_space<vmem_shared>>) target(%dma_start3A_19 : memref<1000x128xf32, #tpu.memory_space<hbm>>) target_semaphore(%run_scoped3A : memref<!tpu.dma_semaphore, #tpu.memory_space<semaphore_mem>>)
        %dma_wait3A = arith.constant 0 : i32
        %dma_wait3A_22 = tpu.memref_slice %arg7[%arg0, %mul3A_17, %dma_wait3A] : memref<2x10000x128xf32, #tpu.memory_space<hbm>> -> memref<1x1000x128xf32, #tpu.memory_space<hbm>>
        %dma_wait3A_23 = tpu.memref_squeeze %dma_wait3A_22 : memref<1x1000x128xf32, #tpu.memory_space<hbm>> -> memref<1000x128xf32, #tpu.memory_space<hbm>>
        %dma_wait3A_24 = arith.constant 0 : i32
        %dma_wait3A_25 = tpu.memref_slice %arg12[%mul3A_15, %dma_wait3A_24] : memref<10000x128xf32, #tpu.memory_space<vmem_shared>> -> memref<1000x128xf32, #tpu.memory_space<vmem_shared>>
        tpu.wait_dma2 semaphore(%run_scoped3A : memref<!tpu.dma_semaphore, #tpu.memory_space<semaphore_mem>>) src(%dma_wait3A_25 : memref<1000x128xf32, #tpu.memory_space<vmem_shared>>) dst(%dma_wait3A_23 : memref<1000x128xf32, #tpu.memory_space<hbm>>)
        tpu.yield
      }) : () -> ()
    } else {
    }
    return
  }
}

#map = affine_map<(d0, d1) -> (0, 0)>
#map1 = affine_map<(d0, d1) -> (0, 0, 0, 0)>
#map2 = affine_map<(d0, d1) -> (0, 0, 0)>
module attributes {stable_mosaic.version = 14 : i64} {
  func.func @sc_gat1(%arg0: i32, %arg1: i32, %arg2: memref<10000x128xf32, #tpu.memory_space<hbm>>, %arg3: memref<10000x128xf32, #tpu.memory_space<hbm>>, %arg4: memref<32x5x25x80xi32, #tpu.memory_space<hbm>>, %arg5: memref<32x5x25x80xi32, #tpu.memory_space<hbm>>, %arg6: memref<8x128xf32, #tpu.memory_space<hbm>>, %arg7: memref<1000x128xf32, #tpu.memory_space<hbm>>, %arg8: memref<2x10000x128xf32, #tpu.memory_space<hbm>>, %arg9: memref<4000x10x128xf32, #tpu.memory_space<hbm>>, %arg10: memref<25x80xi32, #tpu.memory_space<vmem>>, %arg11: memref<25x80xi32, #tpu.memory_space<vmem>>, %arg12: memref<80x128xf32, #tpu.memory_space<vmem>>, %arg13: memref<80x128xf32, #tpu.memory_space<vmem>>, %arg14: memref<10x128xf32, #tpu.memory_space<vmem>>, %arg15: memref<8x128xf32, #tpu.memory_space<vmem>>, %arg16: memref<10000x128xf32, #tpu.memory_space<vmem_shared>>, %arg17: memref<!tpu.dma_semaphore, #tpu.memory_space<semaphore_mem>>, %arg18: memref<!tpu.dma_semaphore, #tpu.memory_space<semaphore_mem>>) attributes {dimension_semantics = [#tpu.dimension_semantics<core_parallel>, #tpu.dimension_semantics<subcore_parallel>], iteration_bounds = array<i64: 2, 16>, scalar_prefetch = 0 : i64, scratch_operands = 9 : i64, tpu.core_type = #tpu.core_type<sc_vector_subcore>, window_params = [{transform_indices = #map}, {transform_indices = #map}, {transform_indices = #map1}, {transform_indices = #map1}, {transform_indices = #map}, {transform_indices = #map}, {transform_indices = #map2}, {transform_indices = #map2}]} {
    %mul3A = arith.constant 2 : i32
    %mul3A_0 = arith.muli %arg1, %mul3A : i32
    %add3A = arith.addi %mul3A_0, %arg0 : i32
    %lt3A = arith.constant 10 : i32
    %lt3A_1 = arith.cmpi slt, %arg1, %lt3A : i32
    %convert_element_type3A = arith.extui %lt3A_1 : i1 to i32
    %cond3A = arith.constant 0 : i32
    %cond3A_2 = arith.cmpi ne, %convert_element_type3A, %cond3A : i32
    scf.if %cond3A_2 {
      %mul3A_18 = arith.constant 1000 : i32
      %mul3A_19 = arith.muli %arg1, %mul3A_18 : i32
      "tpu.region"() ({
        %run_scoped3A = tpu.sem_alloc : memref<!tpu.dma_semaphore, #tpu.memory_space<semaphore_mem>>
        %dma_start3A = arith.constant 0 : i32
        %dma_start3A_20 = tpu.memref_slice %arg16[%mul3A_19, %dma_start3A] : memref<10000x128xf32, #tpu.memory_space<vmem_shared>> -> memref<1000x128xf32, #tpu.memory_space<vmem_shared>>
        tpu.enqueue_dma source(%arg7 : memref<1000x128xf32, #tpu.memory_space<hbm>>) target(%dma_start3A_20 : memref<1000x128xf32, #tpu.memory_space<vmem_shared>>) target_semaphore(%run_scoped3A : memref<!tpu.dma_semaphore, #tpu.memory_space<semaphore_mem>>)
        %dma_wait3A = arith.constant 0 : i32
        %dma_wait3A_21 = tpu.memref_slice %arg16[%mul3A_19, %dma_wait3A] : memref<10000x128xf32, #tpu.memory_space<vmem_shared>> -> memref<1000x128xf32, #tpu.memory_space<vmem_shared>>
        tpu.wait_dma2 semaphore(%run_scoped3A : memref<!tpu.dma_semaphore, #tpu.memory_space<semaphore_mem>>) src(%arg7 : memref<1000x128xf32, #tpu.memory_space<hbm>>) dst(%dma_wait3A_21 : memref<1000x128xf32, #tpu.memory_space<vmem_shared>>)
        tpu.yield
      }) : () -> ()
    } else {
    }
    "tpu.region"() ({
      %run_scoped3A = tpu.sem_alloc : memref<!tpu.dma_semaphore, #tpu.memory_space<semaphore_mem>>
      tpu.enqueue_dma source(%arg6 : memref<8x128xf32, #tpu.memory_space<hbm>>) target(%arg15 : memref<8x128xf32, #tpu.memory_space<vmem>>) target_semaphore(%run_scoped3A : memref<!tpu.dma_semaphore, #tpu.memory_space<semaphore_mem>>)
      tpu.wait_dma2 semaphore(%run_scoped3A : memref<!tpu.dma_semaphore, #tpu.memory_space<semaphore_mem>>) src(%arg6 : memref<8x128xf32, #tpu.memory_space<hbm>>) dst(%arg15 : memref<8x128xf32, #tpu.memory_space<vmem>>)
      tpu.yield
    }) : () -> ()
    %barrier3A = arith.constant 0 : index
    tpu.barrier barrier_id(%barrier3A)
    %get3A = arith.constant 0 : i32
    %get3A_3 = arith.index_cast %get3A : i32 to index
    %get3A_4 = arith.constant 0 : index
    %get3A_5 = tpu.vector_load %arg15[%get3A_3, %get3A_4] {strides = array<i32>} : memref<8x128xf32, #tpu.memory_space<vmem>>, vector<1x16xf32>,
    %get3A_6 = vector.shape_cast %get3A_5 : vector<1x16xf32> to vector<16xf32>
    %scan3A = arith.constant 0 : i32
    %scan3A_7 = arith.constant 0 : i32
    %scan3A_8 = arith.constant 5 : i32
    %scan3A_9 = arith.addi %scan3A_7, %scan3A_8 : i32
    %scan3A_10 = arith.constant 1 : i32
    scf.for %scan3A_18 = %scan3A_7 to %scan3A_9 step %scan3A_10  : i32 {
      "tpu.region"() ({
        %run_scoped3A = tpu.sem_alloc : memref<!tpu.dma_semaphore, #tpu.memory_space<semaphore_mem>>
        %dma_start3A = arith.constant 0 : i32
        %dma_start3A_25 = arith.constant 0 : i32
        %dma_start3A_26 = tpu.memref_slice %arg4[%add3A, %scan3A_18, %dma_start3A, %dma_start3A_25] : memref<32x5x25x80xi32, #tpu.memory_space<hbm>> -> memref<1x1x25x80xi32, #tpu.memory_space<hbm>>
        %dma_start3A_27 = tpu.memref_squeeze %dma_start3A_26 : memref<1x1x25x80xi32, #tpu.memory_space<hbm>> -> memref<25x80xi32, #tpu.memory_space<hbm>>
        %dma_start3A_28 = arith.constant 0 : i32
        %dma_start3A_29 = arith.constant 0 : i32
        %dma_start3A_30 = tpu.memref_slice %arg4[%add3A, %scan3A_18, %dma_start3A_28, %dma_start3A_29] : memref<32x5x25x80xi32, #tpu.memory_space<hbm>> -> memref<1x1x25x80xi32, #tpu.memory_space<hbm>>
        %dma_start3A_31 = tpu.memref_squeeze %dma_start3A_30 : memref<1x1x25x80xi32, #tpu.memory_space<hbm>> -> memref<25x80xi32, #tpu.memory_space<hbm>>
        tpu.enqueue_dma source(%dma_start3A_31 : memref<25x80xi32, #tpu.memory_space<hbm>>) target(%arg10 : memref<25x80xi32, #tpu.memory_space<vmem>>) target_semaphore(%run_scoped3A : memref<!tpu.dma_semaphore, #tpu.memory_space<semaphore_mem>>)
        %dma_wait3A = arith.constant 0 : i32
        %dma_wait3A_32 = arith.constant 0 : i32
        %dma_wait3A_33 = tpu.memref_slice %arg4[%add3A, %scan3A_18, %dma_wait3A, %dma_wait3A_32] : memref<32x5x25x80xi32, #tpu.memory_space<hbm>> -> memref<1x1x25x80xi32, #tpu.memory_space<hbm>>
        %dma_wait3A_34 = tpu.memref_squeeze %dma_wait3A_33 : memref<1x1x25x80xi32, #tpu.memory_space<hbm>> -> memref<25x80xi32, #tpu.memory_space<hbm>>
        %dma_wait3A_35 = arith.constant 0 : i32
        %dma_wait3A_36 = arith.constant 0 : i32
        %dma_wait3A_37 = tpu.memref_slice %arg4[%add3A, %scan3A_18, %dma_wait3A_35, %dma_wait3A_36] : memref<32x5x25x80xi32, #tpu.memory_space<hbm>> -> memref<1x1x25x80xi32, #tpu.memory_space<hbm>>
        %dma_wait3A_38 = tpu.memref_squeeze %dma_wait3A_37 : memref<1x1x25x80xi32, #tpu.memory_space<hbm>> -> memref<25x80xi32, #tpu.memory_space<hbm>>
        tpu.wait_dma2 semaphore(%run_scoped3A : memref<!tpu.dma_semaphore, #tpu.memory_space<semaphore_mem>>) src(%dma_wait3A_38 : memref<25x80xi32, #tpu.memory_space<hbm>>) dst(%arg10 : memref<25x80xi32, #tpu.memory_space<vmem>>)
        tpu.yield
      }) : () -> ()
      "tpu.region"() ({
        %run_scoped3A = tpu.sem_alloc : memref<!tpu.dma_semaphore, #tpu.memory_space<semaphore_mem>>
        %dma_start3A = arith.constant 0 : i32
        %dma_start3A_25 = arith.constant 0 : i32
        %dma_start3A_26 = tpu.memref_slice %arg5[%add3A, %scan3A_18, %dma_start3A, %dma_start3A_25] : memref<32x5x25x80xi32, #tpu.memory_space<hbm>> -> memref<1x1x25x80xi32, #tpu.memory_space<hbm>>
        %dma_start3A_27 = tpu.memref_squeeze %dma_start3A_26 : memref<1x1x25x80xi32, #tpu.memory_space<hbm>> -> memref<25x80xi32, #tpu.memory_space<hbm>>
        %dma_start3A_28 = arith.constant 0 : i32
        %dma_start3A_29 = arith.constant 0 : i32
        %dma_start3A_30 = tpu.memref_slice %arg5[%add3A, %scan3A_18, %dma_start3A_28, %dma_start3A_29] : memref<32x5x25x80xi32, #tpu.memory_space<hbm>> -> memref<1x1x25x80xi32, #tpu.memory_space<hbm>>
        %dma_start3A_31 = tpu.memref_squeeze %dma_start3A_30 : memref<1x1x25x80xi32, #tpu.memory_space<hbm>> -> memref<25x80xi32, #tpu.memory_space<hbm>>
        tpu.enqueue_dma source(%dma_start3A_31 : memref<25x80xi32, #tpu.memory_space<hbm>>) target(%arg11 : memref<25x80xi32, #tpu.memory_space<vmem>>) target_semaphore(%run_scoped3A : memref<!tpu.dma_semaphore, #tpu.memory_space<semaphore_mem>>)
        %dma_wait3A = arith.constant 0 : i32
        %dma_wait3A_32 = arith.constant 0 : i32
        %dma_wait3A_33 = tpu.memref_slice %arg5[%add3A, %scan3A_18, %dma_wait3A, %dma_wait3A_32] : memref<32x5x25x80xi32, #tpu.memory_space<hbm>> -> memref<1x1x25x80xi32, #tpu.memory_space<hbm>>
        %dma_wait3A_34 = tpu.memref_squeeze %dma_wait3A_33 : memref<1x1x25x80xi32, #tpu.memory_space<hbm>> -> memref<25x80xi32, #tpu.memory_space<hbm>>
        %dma_wait3A_35 = arith.constant 0 : i32
        %dma_wait3A_36 = arith.constant 0 : i32
        %dma_wait3A_37 = tpu.memref_slice %arg5[%add3A, %scan3A_18, %dma_wait3A_35, %dma_wait3A_36] : memref<32x5x25x80xi32, #tpu.memory_space<hbm>> -> memref<1x1x25x80xi32, #tpu.memory_space<hbm>>
        %dma_wait3A_38 = tpu.memref_squeeze %dma_wait3A_37 : memref<1x1x25x80xi32, #tpu.memory_space<hbm>> -> memref<25x80xi32, #tpu.memory_space<hbm>>
        tpu.wait_dma2 semaphore(%run_scoped3A : memref<!tpu.dma_semaphore, #tpu.memory_space<semaphore_mem>>) src(%dma_wait3A_38 : memref<25x80xi32, #tpu.memory_space<hbm>>) dst(%arg11 : memref<25x80xi32, #tpu.memory_space<vmem>>)
        tpu.yield
      }) : () -> ()
      %scan3A_19 = arith.constant 0 : i32
      %scan3A_20 = arith.constant 0 : i32
      %scan3A_21 = arith.constant 25 : i32
      %scan3A_22 = arith.addi %scan3A_20, %scan3A_21 : i32
      %scan3A_23 = arith.constant 1 : i32
      scf.for %scan3A_25 = %scan3A_20 to %scan3A_22 step %scan3A_23  : i32 {
        %dma_start3A = arith.constant 0 : i32
        %dma_start3A_26 = tpu.memref_slice %arg10[%scan3A_25, %dma_start3A] : memref<25x80xi32, #tpu.memory_space<vmem>> -> memref<1x80xi32, #tpu.memory_space<vmem>>
        %dma_start3A_27 = tpu.memref_squeeze %dma_start3A_26 : memref<1x80xi32, #tpu.memory_space<vmem>> -> memref<80xi32, #tpu.memory_space<vmem>>
        %dma_start3A_28 = arith.constant 0 : i32
        %dma_start3A_29 = arith.constant 0 : i32
        %dma_start3A_30 = tpu.memref_slice %arg2[%dma_start3A_28, %dma_start3A_29] : memref<10000x128xf32, #tpu.memory_space<hbm>> -> memref<10000x128xf32, #tpu.memory_space<hbm>>
        tpu.enqueue_indirect_dma source(%dma_start3A_30 : memref<10000x128xf32, #tpu.memory_space<hbm>>) target(%arg12 : memref<80x128xf32, #tpu.memory_space<vmem>>) offsets(%dma_start3A_27 : memref<80xi32, #tpu.memory_space<vmem>>) semaphore(%arg17 : memref<!tpu.dma_semaphore, #tpu.memory_space<semaphore_mem>>)
        %dma_start3A_31 = arith.constant 0 : i32
        %dma_start3A_32 = tpu.memref_slice %arg11[%scan3A_25, %dma_start3A_31] : memref<25x80xi32, #tpu.memory_space<vmem>> -> memref<1x80xi32, #tpu.memory_space<vmem>>
        %dma_start3A_33 = tpu.memref_squeeze %dma_start3A_32 : memref<1x80xi32, #tpu.memory_space<vmem>> -> memref<80xi32, #tpu.memory_space<vmem>>
        %dma_start3A_34 = arith.constant 0 : i32
        %dma_start3A_35 = arith.constant 0 : i32
        %dma_start3A_36 = tpu.memref_slice %arg3[%dma_start3A_34, %dma_start3A_35] : memref<10000x128xf32, #tpu.memory_space<hbm>> -> memref<10000x128xf32, #tpu.memory_space<hbm>>
        tpu.enqueue_indirect_dma source(%dma_start3A_36 : memref<10000x128xf32, #tpu.memory_space<hbm>>) target(%arg13 : memref<80x128xf32, #tpu.memory_space<vmem>>) offsets(%dma_start3A_33 : memref<80xi32, #tpu.memory_space<vmem>>) semaphore(%arg18 : memref<!tpu.dma_semaphore, #tpu.memory_space<semaphore_mem>>)
        %dma_wait3A = arith.constant 0 : i32
        %dma_wait3A_37 = tpu.memref_slice %arg10[%scan3A_25, %dma_wait3A] : memref<25x80xi32, #tpu.memory_space<vmem>> -> memref<1x80xi32, #tpu.memory_space<vmem>>
        %dma_wait3A_38 = tpu.memref_squeeze %dma_wait3A_37 : memref<1x80xi32, #tpu.memory_space<vmem>> -> memref<80xi32, #tpu.memory_space<vmem>>
        %dma_wait3A_39 = arith.constant 0 : i32
        %dma_wait3A_40 = arith.constant 0 : i32
        %dma_wait3A_41 = tpu.memref_slice %arg2[%dma_wait3A_39, %dma_wait3A_40] : memref<10000x128xf32, #tpu.memory_space<hbm>> -> memref<10000x128xf32, #tpu.memory_space<hbm>>
        tpu.wait_indirect_dma semaphore(%arg17 : memref<!tpu.dma_semaphore, #tpu.memory_space<semaphore_mem>>) src(%dma_wait3A_41 : memref<10000x128xf32, #tpu.memory_space<hbm>>) dst(%arg12 : memref<80x128xf32, #tpu.memory_space<vmem>>)
        %dma_wait3A_42 = arith.constant 0 : i32
        %dma_wait3A_43 = tpu.memref_slice %arg11[%scan3A_25, %dma_wait3A_42] : memref<25x80xi32, #tpu.memory_space<vmem>> -> memref<1x80xi32, #tpu.memory_space<vmem>>
        %dma_wait3A_44 = tpu.memref_squeeze %dma_wait3A_43 : memref<1x80xi32, #tpu.memory_space<vmem>> -> memref<80xi32, #tpu.memory_space<vmem>>
        %dma_wait3A_45 = arith.constant 0 : i32
        %dma_wait3A_46 = arith.constant 0 : i32
        %dma_wait3A_47 = tpu.memref_slice %arg3[%dma_wait3A_45, %dma_wait3A_46] : memref<10000x128xf32, #tpu.memory_space<hbm>> -> memref<10000x128xf32, #tpu.memory_space<hbm>>
        tpu.wait_indirect_dma semaphore(%arg18 : memref<!tpu.dma_semaphore, #tpu.memory_space<semaphore_mem>>) src(%dma_wait3A_47 : memref<10000x128xf32, #tpu.memory_space<hbm>>) dst(%arg13 : memref<80x128xf32, #tpu.memory_space<vmem>>)
        %scan3A_48 = arith.constant 0 : i32
        %scan3A_49 = arith.constant 0 : i32
        %scan3A_50 = arith.constant 80 : i32
        %scan3A_51 = arith.addi %scan3A_49, %scan3A_50 : i32
        %scan3A_52 = arith.constant 1 : i32
        scf.for %scan3A_60 = %scan3A_49 to %scan3A_51 step %scan3A_52  : i32 {
          %get3A_61 = arith.index_cast %scan3A_60 : i32 to index
          %get3A_62 = arith.constant 0 : index
          %get3A_63 = tpu.vector_load %arg12[%get3A_61, %get3A_62] {strides = array<i32>} : memref<80x128xf32, #tpu.memory_space<vmem>>, vector<1x16xf32>,
          %get3A_64 = vector.shape_cast %get3A_63 : vector<1x16xf32> to vector<16xf32>
          %get3A_65 = arith.index_cast %scan3A_60 : i32 to index
          %get3A_66 = arith.constant 0 : index
          %get3A_67 = tpu.vector_load %arg13[%get3A_65, %get3A_66] {strides = array<i32>} : memref<80x128xf32, #tpu.memory_space<vmem>>, vector<1x16xf32>,
          %get3A_68 = vector.shape_cast %get3A_67 : vector<1x16xf32> to vector<16xf32>
          %add3A_69 = arith.addf %get3A_64, %get3A_68 : vector<16xf32>
          %mul3A_70 = arith.constant 2.000000e-01 : f32
          %mul3A_71 = vector.broadcast %mul3A_70 : f32 to vector<16xf32>
          %mul3A_72 = arith.mulf %mul3A_71, %add3A_69 : vector<16xf32>
          %max3A = arith.maximumf %add3A_69, %mul3A_72 : vector<16xf32>
          %sub3A = arith.subf %max3A, %get3A_6 : vector<16xf32>
          %exp3A = math.exp %sub3A : vector<16xf32>
          %swap3A = arith.index_cast %scan3A_60 : i32 to index
          %swap3A_73 = arith.constant 0 : index
          %swap3A_74 = tpu.vector_load %arg13[%swap3A, %swap3A_73] {strides = array<i32>} : memref<80x128xf32, #tpu.memory_space<vmem>>, vector<1x16xf32>,
          %swap3A_75 = vector.shape_cast %swap3A_74 : vector<1x16xf32> to vector<16xf32>
          %swap3A_76 = vector.shape_cast %exp3A : vector<16xf32> to vector<1x16xf32>
          tpu.vector_store %arg13[%swap3A, %swap3A_73], %swap3A_76 {strides = array<i32>} : memref<80x128xf32, #tpu.memory_space<vmem>>, vector<1x16xf32>,
          %jit3A = arith.constant 8 : i32
          %div3A = arith.divsi %scan3A_60, %jit3A : i32
          %sign3A = arith.constant 0 : i32
          %sign3A_77 = arith.cmpi sgt, %scan3A_60, %sign3A : i32
          %sign3A_78 = arith.extui %sign3A_77 : i1 to i32
          %sign3A_79 = arith.constant 0 : i32
          %sign3A_80 = arith.cmpi slt, %scan3A_60, %sign3A_79 : i32
          %sign3A_81 = arith.extui %sign3A_80 : i1 to i32
          %sign3A_82 = arith.subi %sign3A_78, %sign3A_81 : i32
          %sign3A_83 = arith.constant 0 : i32
          %sign3A_84 = arith.cmpi sgt, %jit3A, %sign3A_83 : i32
          %sign3A_85 = arith.extui %sign3A_84 : i1 to i32
          %sign3A_86 = arith.constant 0 : i32
          %sign3A_87 = arith.cmpi slt, %jit3A, %sign3A_86 : i32
          %sign3A_88 = arith.extui %sign3A_87 : i1 to i32
          %sign3A_89 = arith.subi %sign3A_85, %sign3A_88 : i32
          %ne3A = arith.cmpi ne, %sign3A_82, %sign3A_89 : i32
          %rem3A = arith.remsi %scan3A_60, %jit3A : i32
          %ne3A_90 = arith.constant 0 : i32
          %ne3A_91 = arith.cmpi ne, %rem3A, %ne3A_90 : i32
          %and3A = arith.andi %ne3A, %ne3A_91 : i1
          %sub3A_92 = arith.constant 1 : i32
          %sub3A_93 = arith.subi %div3A, %sub3A_92 : i32
          %select_n3A = arith.select %and3A, %sub3A_93, %div3A : i32
          %jit3A_94 = arith.constant 8 : i32
          %eq3A = arith.constant 0 : i32
          %eq3A_95 = arith.cmpi eq, %jit3A_94, %eq3A : i32
          %jit3A_96 = arith.constant 1 : i32
          %select_n3A_97 = arith.select %eq3A_95, %jit3A_96, %jit3A_94 : i32
          %rem3A_98 = arith.remsi %scan3A_60, %select_n3A_97 : i32
          %ne3A_99 = arith.constant 0 : i32
          %ne3A_100 = arith.cmpi ne, %rem3A_98, %ne3A_99 : i32
          %lt3A_101 = arith.constant 0 : i32
          %lt3A_102 = arith.cmpi slt, %rem3A_98, %lt3A_101 : i32
          %lt3A_103 = arith.constant 0 : i32
          %lt3A_104 = arith.cmpi slt, %select_n3A_97, %lt3A_103 : i32
          %ne3A_105 = arith.xori %lt3A_102, %lt3A_104 : i1
          %and3A_106 = arith.andi %ne3A_105, %ne3A_100 : i1
          %add3A_107 = arith.addi %rem3A_98, %select_n3A_97 : i32
          %select_n3A_108 = arith.select %and3A_106, %add3A_107, %rem3A_98 : i32
          %mul3A_109 = arith.constant 16 : i32
          %mul3A_110 = arith.muli %select_n3A_108, %mul3A_109 : i32
          %swap3A_111 = arith.index_cast %select_n3A : i32 to index
          %swap3A_112 = arith.index_cast %mul3A_110 : i32 to index
          %swap3A_113 = tpu.vector_load %arg14[%swap3A_111, %swap3A_112] {strides = array<i32>} : memref<10x128xf32, #tpu.memory_space<vmem>>, vector<1x16xf32>,
          %swap3A_114 = vector.shape_cast %swap3A_113 : vector<1x16xf32> to vector<16xf32>
          %swap3A_115 = vector.shape_cast %exp3A : vector<16xf32> to vector<1x16xf32>
          tpu.vector_store %arg14[%swap3A_111, %swap3A_112], %swap3A_115 {strides = array<i32>} : memref<10x128xf32, #tpu.memory_space<vmem>>, vector<1x16xf32>,
        }
        %scan3A_53 = arith.constant 80 : i32
        "tpu.region"() ({
          %run_scoped3A = tpu.sem_alloc : memref<!tpu.dma_semaphore, #tpu.memory_space<semaphore_mem>>
          %dma_start3A_60 = arith.constant 0 : i32
          %dma_start3A_61 = tpu.memref_slice %arg11[%scan3A_25, %dma_start3A_60] : memref<25x80xi32, #tpu.memory_space<vmem>> -> memref<1x80xi32, #tpu.memory_space<vmem>>
          %dma_start3A_62 = tpu.memref_squeeze %dma_start3A_61 : memref<1x80xi32, #tpu.memory_space<vmem>> -> memref<80xi32, #tpu.memory_space<vmem>>
          %dma_start3A_63 = arith.constant 0 : i32
          %dma_start3A_64 = arith.constant 0 : i32
          %dma_start3A_65 = tpu.memref_slice %arg16[%dma_start3A_63, %dma_start3A_64] : memref<10000x128xf32, #tpu.memory_space<vmem_shared>> -> memref<10000x128xf32, #tpu.memory_space<vmem_shared>>
          tpu.enqueue_indirect_dma source(%arg13 : memref<80x128xf32, #tpu.memory_space<vmem>>) target(%dma_start3A_65 : memref<10000x128xf32, #tpu.memory_space<vmem_shared>>) offsets(%dma_start3A_62 : memref<80xi32, #tpu.memory_space<vmem>>) semaphore(%run_scoped3A : memref<!tpu.dma_semaphore, #tpu.memory_space<semaphore_mem>>) {add = true}
          %dma_wait3A_66 = arith.constant 0 : i32
          %dma_wait3A_67 = tpu.memref_slice %arg11[%scan3A_25, %dma_wait3A_66] : memref<25x80xi32, #tpu.memory_space<vmem>> -> memref<1x80xi32, #tpu.memory_space<vmem>>
          %dma_wait3A_68 = tpu.memref_squeeze %dma_wait3A_67 : memref<1x80xi32, #tpu.memory_space<vmem>> -> memref<80xi32, #tpu.memory_space<vmem>>
          %dma_wait3A_69 = arith.constant 0 : i32
          %dma_wait3A_70 = arith.constant 0 : i32
          %dma_wait3A_71 = tpu.memref_slice %arg16[%dma_wait3A_69, %dma_wait3A_70] : memref<10000x128xf32, #tpu.memory_space<vmem_shared>> -> memref<10000x128xf32, #tpu.memory_space<vmem_shared>>
          tpu.wait_indirect_dma semaphore(%run_scoped3A : memref<!tpu.dma_semaphore, #tpu.memory_space<semaphore_mem>>) src(%arg13 : memref<80x128xf32, #tpu.memory_space<vmem>>) dst(%dma_wait3A_71 : memref<10000x128xf32, #tpu.memory_space<vmem_shared>>)
          tpu.yield
        }) : () -> ()
        %mul3A_54 = arith.constant 125 : i32
        %mul3A_55 = arith.muli %add3A, %mul3A_54 : i32
        %mul3A_56 = arith.constant 25 : i32
        %mul3A_57 = arith.muli %scan3A_18, %mul3A_56 : i32
        %add3A_58 = arith.addi %mul3A_55, %mul3A_57 : i32
        %add3A_59 = arith.addi %add3A_58, %scan3A_25 : i32
        "tpu.region"() ({
          %run_scoped3A = tpu.sem_alloc : memref<!tpu.dma_semaphore, #tpu.memory_space<semaphore_mem>>
          %dma_start3A_60 = arith.constant 0 : i32
          %dma_start3A_61 = arith.constant 0 : i32
          %dma_start3A_62 = tpu.memref_slice %arg9[%add3A_59, %dma_start3A_60, %dma_start3A_61] : memref<4000x10x128xf32, #tpu.memory_space<hbm>> -> memref<1x10x128xf32, #tpu.memory_space<hbm>>
          %dma_start3A_63 = tpu.memref_squeeze %dma_start3A_62 : memref<1x10x128xf32, #tpu.memory_space<hbm>> -> memref<10x128xf32, #tpu.memory_space<hbm>>
          %dma_start3A_64 = arith.constant 0 : i32
          %dma_start3A_65 = arith.constant 0 : i32
          %dma_start3A_66 = tpu.memref_slice %arg9[%add3A_59, %dma_start3A_64, %dma_start3A_65] : memref<4000x10x128xf32, #tpu.memory_space<hbm>> -> memref<1x10x128xf32, #tpu.memory_space<hbm>>
          %dma_start3A_67 = tpu.memref_squeeze %dma_start3A_66 : memref<1x10x128xf32, #tpu.memory_space<hbm>> -> memref<10x128xf32, #tpu.memory_space<hbm>>
          tpu.enqueue_dma source(%arg14 : memref<10x128xf32, #tpu.memory_space<vmem>>) target(%dma_start3A_67 : memref<10x128xf32, #tpu.memory_space<hbm>>) target_semaphore(%run_scoped3A : memref<!tpu.dma_semaphore, #tpu.memory_space<semaphore_mem>>)
          %dma_wait3A_68 = arith.constant 0 : i32
          %dma_wait3A_69 = arith.constant 0 : i32
          %dma_wait3A_70 = tpu.memref_slice %arg9[%add3A_59, %dma_wait3A_68, %dma_wait3A_69] : memref<4000x10x128xf32, #tpu.memory_space<hbm>> -> memref<1x10x128xf32, #tpu.memory_space<hbm>>
          %dma_wait3A_71 = tpu.memref_squeeze %dma_wait3A_70 : memref<1x10x128xf32, #tpu.memory_space<hbm>> -> memref<10x128xf32, #tpu.memory_space<hbm>>
          %dma_wait3A_72 = arith.constant 0 : i32
          %dma_wait3A_73 = arith.constant 0 : i32
          %dma_wait3A_74 = tpu.memref_slice %arg9[%add3A_59, %dma_wait3A_72, %dma_wait3A_73] : memref<4000x10x128xf32, #tpu.memory_space<hbm>> -> memref<1x10x128xf32, #tpu.memory_space<hbm>>
          %dma_wait3A_75 = tpu.memref_squeeze %dma_wait3A_74 : memref<1x10x128xf32, #tpu.memory_space<hbm>> -> memref<10x128xf32, #tpu.memory_space<hbm>>
          tpu.wait_dma2 semaphore(%run_scoped3A : memref<!tpu.dma_semaphore, #tpu.memory_space<semaphore_mem>>) src(%arg14 : memref<10x128xf32, #tpu.memory_space<vmem>>) dst(%dma_wait3A_75 : memref<10x128xf32, #tpu.memory_space<hbm>>)
          tpu.yield
        }) : () -> ()
      }
      %scan3A_24 = arith.constant 25 : i32
    }
    %scan3A_11 = arith.constant 5 : i32
    %barrier3A_12 = arith.constant 0 : index
    tpu.barrier barrier_id(%barrier3A_12)
    %lt3A_13 = arith.constant 10 : i32
    %lt3A_14 = arith.cmpi slt, %arg1, %lt3A_13 : i32
    %convert_element_type3A_15 = arith.extui %lt3A_14 : i1 to i32
    %cond3A_16 = arith.constant 0 : i32
    %cond3A_17 = arith.cmpi ne, %convert_element_type3A_15, %cond3A_16 : i32
    scf.if %cond3A_17 {
      %mul3A_18 = arith.constant 1000 : i32
      %mul3A_19 = arith.muli %arg1, %mul3A_18 : i32
      %mul3A_20 = arith.constant 1000 : i32
      %mul3A_21 = arith.muli %arg1, %mul3A_20 : i32
      "tpu.region"() ({
        %run_scoped3A = tpu.sem_alloc : memref<!tpu.dma_semaphore, #tpu.memory_space<semaphore_mem>>
        %dma_start3A = arith.constant 0 : i32
        %dma_start3A_22 = tpu.memref_slice %arg8[%arg0, %mul3A_21, %dma_start3A] : memref<2x10000x128xf32, #tpu.memory_space<hbm>> -> memref<1x1000x128xf32, #tpu.memory_space<hbm>>
        %dma_start3A_23 = tpu.memref_squeeze %dma_start3A_22 : memref<1x1000x128xf32, #tpu.memory_space<hbm>> -> memref<1000x128xf32, #tpu.memory_space<hbm>>
        %dma_start3A_24 = arith.constant 0 : i32
        %dma_start3A_25 = tpu.memref_slice %arg16[%mul3A_19, %dma_start3A_24] : memref<10000x128xf32, #tpu.memory_space<vmem_shared>> -> memref<1000x128xf32, #tpu.memory_space<vmem_shared>>
        tpu.enqueue_dma source(%dma_start3A_25 : memref<1000x128xf32, #tpu.memory_space<vmem_shared>>) target(%dma_start3A_23 : memref<1000x128xf32, #tpu.memory_space<hbm>>) target_semaphore(%run_scoped3A : memref<!tpu.dma_semaphore, #tpu.memory_space<semaphore_mem>>)
        %dma_wait3A = arith.constant 0 : i32
        %dma_wait3A_26 = tpu.memref_slice %arg8[%arg0, %mul3A_21, %dma_wait3A] : memref<2x10000x128xf32, #tpu.memory_space<hbm>> -> memref<1x1000x128xf32, #tpu.memory_space<hbm>>
        %dma_wait3A_27 = tpu.memref_squeeze %dma_wait3A_26 : memref<1x1000x128xf32, #tpu.memory_space<hbm>> -> memref<1000x128xf32, #tpu.memory_space<hbm>>
        %dma_wait3A_28 = arith.constant 0 : i32
        %dma_wait3A_29 = tpu.memref_slice %arg16[%mul3A_19, %dma_wait3A_28] : memref<10000x128xf32, #tpu.memory_space<vmem_shared>> -> memref<1000x128xf32, #tpu.memory_space<vmem_shared>>
        tpu.wait_dma2 semaphore(%run_scoped3A : memref<!tpu.dma_semaphore, #tpu.memory_space<semaphore_mem>>) src(%dma_wait3A_29 : memref<1000x128xf32, #tpu.memory_space<vmem_shared>>) dst(%dma_wait3A_27 : memref<1000x128xf32, #tpu.memory_space<hbm>>)
        tpu.yield
      }) : () -> ()
    } else {
    }
    return
  }
}

#map = affine_map<(d0, d1) -> (0, 0)>
#map1 = affine_map<(d0, d1) -> (0, 0, 0)>
#map2 = affine_map<(d0, d1) -> (0, 0, 0, 0)>
module attributes {stable_mosaic.version = 14 : i64} {
  func.func @sc_gat2(%arg0: i32, %arg1: i32, %arg2: memref<10000x128xf32, #tpu.memory_space<hbm>>, %arg3: memref<4000x10x128xf32, #tpu.memory_space<hbm>>, %arg4: memref<32x5x25x80xi32, #tpu.memory_space<hbm>>, %arg5: memref<32x5x25x80xi32, #tpu.memory_space<hbm>>, %arg6: memref<1000x128xf32, #tpu.memory_space<hbm>>, %arg7: memref<2x10000x128xf32, #tpu.memory_space<hbm>>, %arg8: memref<25x80xi32, #tpu.memory_space<vmem>>, %arg9: memref<25x80xi32, #tpu.memory_space<vmem>>, %arg10: memref<80x128xf32, #tpu.memory_space<vmem>>, %arg11: memref<10x128xf32, #tpu.memory_space<vmem>>, %arg12: memref<10000x128xf32, #tpu.memory_space<vmem_shared>>, %arg13: memref<!tpu.dma_semaphore, #tpu.memory_space<semaphore_mem>>) attributes {dimension_semantics = [#tpu.dimension_semantics<core_parallel>, #tpu.dimension_semantics<subcore_parallel>], iteration_bounds = array<i64: 2, 16>, scalar_prefetch = 0 : i64, scratch_operands = 6 : i64, tpu.core_type = #tpu.core_type<sc_vector_subcore>, window_params = [{transform_indices = #map}, {transform_indices = #map1}, {transform_indices = #map2}, {transform_indices = #map2}, {transform_indices = #map}, {transform_indices = #map1}]} {
    %mul3A = arith.constant 2 : i32
    %mul3A_0 = arith.muli %arg1, %mul3A : i32
    %add3A = arith.addi %mul3A_0, %arg0 : i32
    %lt3A = arith.constant 10 : i32
    %lt3A_1 = arith.cmpi slt, %arg1, %lt3A : i32
    %convert_element_type3A = arith.extui %lt3A_1 : i1 to i32
    %cond3A = arith.constant 0 : i32
    %cond3A_2 = arith.cmpi ne, %convert_element_type3A, %cond3A : i32
    scf.if %cond3A_2 {
      %mul3A_14 = arith.constant 1000 : i32
      %mul3A_15 = arith.muli %arg1, %mul3A_14 : i32
      "tpu.region"() ({
        %run_scoped3A = tpu.sem_alloc : memref<!tpu.dma_semaphore, #tpu.memory_space<semaphore_mem>>
        %dma_start3A = arith.constant 0 : i32
        %dma_start3A_16 = tpu.memref_slice %arg12[%mul3A_15, %dma_start3A] : memref<10000x128xf32, #tpu.memory_space<vmem_shared>> -> memref<1000x128xf32, #tpu.memory_space<vmem_shared>>
        tpu.enqueue_dma source(%arg6 : memref<1000x128xf32, #tpu.memory_space<hbm>>) target(%dma_start3A_16 : memref<1000x128xf32, #tpu.memory_space<vmem_shared>>) target_semaphore(%run_scoped3A : memref<!tpu.dma_semaphore, #tpu.memory_space<semaphore_mem>>)
        %dma_wait3A = arith.constant 0 : i32
        %dma_wait3A_17 = tpu.memref_slice %arg12[%mul3A_15, %dma_wait3A] : memref<10000x128xf32, #tpu.memory_space<vmem_shared>> -> memref<1000x128xf32, #tpu.memory_space<vmem_shared>>
        tpu.wait_dma2 semaphore(%run_scoped3A : memref<!tpu.dma_semaphore, #tpu.memory_space<semaphore_mem>>) src(%arg6 : memref<1000x128xf32, #tpu.memory_space<hbm>>) dst(%dma_wait3A_17 : memref<1000x128xf32, #tpu.memory_space<vmem_shared>>)
        tpu.yield
      }) : () -> ()
    } else {
    }
    %barrier3A = arith.constant 0 : index
    tpu.barrier barrier_id(%barrier3A)
    %scan3A = arith.constant 0 : i32
    %scan3A_3 = arith.constant 0 : i32
    %scan3A_4 = arith.constant 5 : i32
    %scan3A_5 = arith.addi %scan3A_3, %scan3A_4 : i32
    %scan3A_6 = arith.constant 1 : i32
    scf.for %scan3A_14 = %scan3A_3 to %scan3A_5 step %scan3A_6  : i32 {
      "tpu.region"() ({
        %run_scoped3A = tpu.sem_alloc : memref<!tpu.dma_semaphore, #tpu.memory_space<semaphore_mem>>
        %dma_start3A = arith.constant 0 : i32
        %dma_start3A_21 = arith.constant 0 : i32
        %dma_start3A_22 = tpu.memref_slice %arg4[%add3A, %scan3A_14, %dma_start3A, %dma_start3A_21] : memref<32x5x25x80xi32, #tpu.memory_space<hbm>> -> memref<1x1x25x80xi32, #tpu.memory_space<hbm>>
        %dma_start3A_23 = tpu.memref_squeeze %dma_start3A_22 : memref<1x1x25x80xi32, #tpu.memory_space<hbm>> -> memref<25x80xi32, #tpu.memory_space<hbm>>
        %dma_start3A_24 = arith.constant 0 : i32
        %dma_start3A_25 = arith.constant 0 : i32
        %dma_start3A_26 = tpu.memref_slice %arg4[%add3A, %scan3A_14, %dma_start3A_24, %dma_start3A_25] : memref<32x5x25x80xi32, #tpu.memory_space<hbm>> -> memref<1x1x25x80xi32, #tpu.memory_space<hbm>>
        %dma_start3A_27 = tpu.memref_squeeze %dma_start3A_26 : memref<1x1x25x80xi32, #tpu.memory_space<hbm>> -> memref<25x80xi32, #tpu.memory_space<hbm>>
        tpu.enqueue_dma source(%dma_start3A_27 : memref<25x80xi32, #tpu.memory_space<hbm>>) target(%arg8 : memref<25x80xi32, #tpu.memory_space<vmem>>) target_semaphore(%run_scoped3A : memref<!tpu.dma_semaphore, #tpu.memory_space<semaphore_mem>>)
        %dma_wait3A = arith.constant 0 : i32
        %dma_wait3A_28 = arith.constant 0 : i32
        %dma_wait3A_29 = tpu.memref_slice %arg4[%add3A, %scan3A_14, %dma_wait3A, %dma_wait3A_28] : memref<32x5x25x80xi32, #tpu.memory_space<hbm>> -> memref<1x1x25x80xi32, #tpu.memory_space<hbm>>
        %dma_wait3A_30 = tpu.memref_squeeze %dma_wait3A_29 : memref<1x1x25x80xi32, #tpu.memory_space<hbm>> -> memref<25x80xi32, #tpu.memory_space<hbm>>
        %dma_wait3A_31 = arith.constant 0 : i32
        %dma_wait3A_32 = arith.constant 0 : i32
        %dma_wait3A_33 = tpu.memref_slice %arg4[%add3A, %scan3A_14, %dma_wait3A_31, %dma_wait3A_32] : memref<32x5x25x80xi32, #tpu.memory_space<hbm>> -> memref<1x1x25x80xi32, #tpu.memory_space<hbm>>
        %dma_wait3A_34 = tpu.memref_squeeze %dma_wait3A_33 : memref<1x1x25x80xi32, #tpu.memory_space<hbm>> -> memref<25x80xi32, #tpu.memory_space<hbm>>
        tpu.wait_dma2 semaphore(%run_scoped3A : memref<!tpu.dma_semaphore, #tpu.memory_space<semaphore_mem>>) src(%dma_wait3A_34 : memref<25x80xi32, #tpu.memory_space<hbm>>) dst(%arg8 : memref<25x80xi32, #tpu.memory_space<vmem>>)
        tpu.yield
      }) : () -> ()
      "tpu.region"() ({
        %run_scoped3A = tpu.sem_alloc : memref<!tpu.dma_semaphore, #tpu.memory_space<semaphore_mem>>
        %dma_start3A = arith.constant 0 : i32
        %dma_start3A_21 = arith.constant 0 : i32
        %dma_start3A_22 = tpu.memref_slice %arg5[%add3A, %scan3A_14, %dma_start3A, %dma_start3A_21] : memref<32x5x25x80xi32, #tpu.memory_space<hbm>> -> memref<1x1x25x80xi32, #tpu.memory_space<hbm>>
        %dma_start3A_23 = tpu.memref_squeeze %dma_start3A_22 : memref<1x1x25x80xi32, #tpu.memory_space<hbm>> -> memref<25x80xi32, #tpu.memory_space<hbm>>
        %dma_start3A_24 = arith.constant 0 : i32
        %dma_start3A_25 = arith.constant 0 : i32
        %dma_start3A_26 = tpu.memref_slice %arg5[%add3A, %scan3A_14, %dma_start3A_24, %dma_start3A_25] : memref<32x5x25x80xi32, #tpu.memory_space<hbm>> -> memref<1x1x25x80xi32, #tpu.memory_space<hbm>>
        %dma_start3A_27 = tpu.memref_squeeze %dma_start3A_26 : memref<1x1x25x80xi32, #tpu.memory_space<hbm>> -> memref<25x80xi32, #tpu.memory_space<hbm>>
        tpu.enqueue_dma source(%dma_start3A_27 : memref<25x80xi32, #tpu.memory_space<hbm>>) target(%arg9 : memref<25x80xi32, #tpu.memory_space<vmem>>) target_semaphore(%run_scoped3A : memref<!tpu.dma_semaphore, #tpu.memory_space<semaphore_mem>>)
        %dma_wait3A = arith.constant 0 : i32
        %dma_wait3A_28 = arith.constant 0 : i32
        %dma_wait3A_29 = tpu.memref_slice %arg5[%add3A, %scan3A_14, %dma_wait3A, %dma_wait3A_28] : memref<32x5x25x80xi32, #tpu.memory_space<hbm>> -> memref<1x1x25x80xi32, #tpu.memory_space<hbm>>
        %dma_wait3A_30 = tpu.memref_squeeze %dma_wait3A_29 : memref<1x1x25x80xi32, #tpu.memory_space<hbm>> -> memref<25x80xi32, #tpu.memory_space<hbm>>
        %dma_wait3A_31 = arith.constant 0 : i32
        %dma_wait3A_32 = arith.constant 0 : i32
        %dma_wait3A_33 = tpu.memref_slice %arg5[%add3A, %scan3A_14, %dma_wait3A_31, %dma_wait3A_32] : memref<32x5x25x80xi32, #tpu.memory_space<hbm>> -> memref<1x1x25x80xi32, #tpu.memory_space<hbm>>
        %dma_wait3A_34 = tpu.memref_squeeze %dma_wait3A_33 : memref<1x1x25x80xi32, #tpu.memory_space<hbm>> -> memref<25x80xi32, #tpu.memory_space<hbm>>
        tpu.wait_dma2 semaphore(%run_scoped3A : memref<!tpu.dma_semaphore, #tpu.memory_space<semaphore_mem>>) src(%dma_wait3A_34 : memref<25x80xi32, #tpu.memory_space<hbm>>) dst(%arg9 : memref<25x80xi32, #tpu.memory_space<vmem>>)
        tpu.yield
      }) : () -> ()
      %scan3A_15 = arith.constant 0 : i32
      %scan3A_16 = arith.constant 0 : i32
      %scan3A_17 = arith.constant 25 : i32
      %scan3A_18 = arith.addi %scan3A_16, %scan3A_17 : i32
      %scan3A_19 = arith.constant 1 : i32
      scf.for %scan3A_21 = %scan3A_16 to %scan3A_18 step %scan3A_19  : i32 {
        %dma_start3A = arith.constant 0 : i32
        %dma_start3A_22 = tpu.memref_slice %arg8[%scan3A_21, %dma_start3A] : memref<25x80xi32, #tpu.memory_space<vmem>> -> memref<1x80xi32, #tpu.memory_space<vmem>>
        %dma_start3A_23 = tpu.memref_squeeze %dma_start3A_22 : memref<1x80xi32, #tpu.memory_space<vmem>> -> memref<80xi32, #tpu.memory_space<vmem>>
        %dma_start3A_24 = arith.constant 0 : i32
        %dma_start3A_25 = arith.constant 0 : i32
        %dma_start3A_26 = tpu.memref_slice %arg2[%dma_start3A_24, %dma_start3A_25] : memref<10000x128xf32, #tpu.memory_space<hbm>> -> memref<10000x128xf32, #tpu.memory_space<hbm>>
        tpu.enqueue_indirect_dma source(%dma_start3A_26 : memref<10000x128xf32, #tpu.memory_space<hbm>>) target(%arg10 : memref<80x128xf32, #tpu.memory_space<vmem>>) offsets(%dma_start3A_23 : memref<80xi32, #tpu.memory_space<vmem>>) semaphore(%arg13 : memref<!tpu.dma_semaphore, #tpu.memory_space<semaphore_mem>>)
        %mul3A_27 = arith.constant 125 : i32
        %mul3A_28 = arith.muli %add3A, %mul3A_27 : i32
        %mul3A_29 = arith.constant 25 : i32
        %mul3A_30 = arith.muli %scan3A_14, %mul3A_29 : i32
        %add3A_31 = arith.addi %mul3A_28, %mul3A_30 : i32
        %add3A_32 = arith.addi %add3A_31, %scan3A_21 : i32
        "tpu.region"() ({
          %run_scoped3A = tpu.sem_alloc : memref<!tpu.dma_semaphore, #tpu.memory_space<semaphore_mem>>
          %dma_start3A_44 = arith.constant 0 : i32
          %dma_start3A_45 = arith.constant 0 : i32
          %dma_start3A_46 = tpu.memref_slice %arg3[%add3A_32, %dma_start3A_44, %dma_start3A_45] : memref<4000x10x128xf32, #tpu.memory_space<hbm>> -> memref<1x10x128xf32, #tpu.memory_space<hbm>>
          %dma_start3A_47 = tpu.memref_squeeze %dma_start3A_46 : memref<1x10x128xf32, #tpu.memory_space<hbm>> -> memref<10x128xf32, #tpu.memory_space<hbm>>
          %dma_start3A_48 = arith.constant 0 : i32
          %dma_start3A_49 = arith.constant 0 : i32
          %dma_start3A_50 = tpu.memref_slice %arg3[%add3A_32, %dma_start3A_48, %dma_start3A_49] : memref<4000x10x128xf32, #tpu.memory_space<hbm>> -> memref<1x10x128xf32, #tpu.memory_space<hbm>>
          %dma_start3A_51 = tpu.memref_squeeze %dma_start3A_50 : memref<1x10x128xf32, #tpu.memory_space<hbm>> -> memref<10x128xf32, #tpu.memory_space<hbm>>
          tpu.enqueue_dma source(%dma_start3A_51 : memref<10x128xf32, #tpu.memory_space<hbm>>) target(%arg11 : memref<10x128xf32, #tpu.memory_space<vmem>>) target_semaphore(%run_scoped3A : memref<!tpu.dma_semaphore, #tpu.memory_space<semaphore_mem>>)
          %dma_wait3A_52 = arith.constant 0 : i32
          %dma_wait3A_53 = arith.constant 0 : i32
          %dma_wait3A_54 = tpu.memref_slice %arg3[%add3A_32, %dma_wait3A_52, %dma_wait3A_53] : memref<4000x10x128xf32, #tpu.memory_space<hbm>> -> memref<1x10x128xf32, #tpu.memory_space<hbm>>
          %dma_wait3A_55 = tpu.memref_squeeze %dma_wait3A_54 : memref<1x10x128xf32, #tpu.memory_space<hbm>> -> memref<10x128xf32, #tpu.memory_space<hbm>>
          %dma_wait3A_56 = arith.constant 0 : i32
          %dma_wait3A_57 = arith.constant 0 : i32
          %dma_wait3A_58 = tpu.memref_slice %arg3[%add3A_32, %dma_wait3A_56, %dma_wait3A_57] : memref<4000x10x128xf32, #tpu.memory_space<hbm>> -> memref<1x10x128xf32, #tpu.memory_space<hbm>>
          %dma_wait3A_59 = tpu.memref_squeeze %dma_wait3A_58 : memref<1x10x128xf32, #tpu.memory_space<hbm>> -> memref<10x128xf32, #tpu.memory_space<hbm>>
          tpu.wait_dma2 semaphore(%run_scoped3A : memref<!tpu.dma_semaphore, #tpu.memory_space<semaphore_mem>>) src(%dma_wait3A_59 : memref<10x128xf32, #tpu.memory_space<hbm>>) dst(%arg11 : memref<10x128xf32, #tpu.memory_space<vmem>>)
          tpu.yield
        }) : () -> ()
        %dma_wait3A = arith.constant 0 : i32
        %dma_wait3A_33 = tpu.memref_slice %arg8[%scan3A_21, %dma_wait3A] : memref<25x80xi32, #tpu.memory_space<vmem>> -> memref<1x80xi32, #tpu.memory_space<vmem>>
        %dma_wait3A_34 = tpu.memref_squeeze %dma_wait3A_33 : memref<1x80xi32, #tpu.memory_space<vmem>> -> memref<80xi32, #tpu.memory_space<vmem>>
        %dma_wait3A_35 = arith.constant 0 : i32
        %dma_wait3A_36 = arith.constant 0 : i32
        %dma_wait3A_37 = tpu.memref_slice %arg2[%dma_wait3A_35, %dma_wait3A_36] : memref<10000x128xf32, #tpu.memory_space<hbm>> -> memref<10000x128xf32, #tpu.memory_space<hbm>>
        tpu.wait_indirect_dma semaphore(%arg13 : memref<!tpu.dma_semaphore, #tpu.memory_space<semaphore_mem>>) src(%dma_wait3A_37 : memref<10000x128xf32, #tpu.memory_space<hbm>>) dst(%arg10 : memref<80x128xf32, #tpu.memory_space<vmem>>)
        %scan3A_38 = arith.constant 0 : i32
        %scan3A_39 = arith.constant 0 : i32
        %scan3A_40 = arith.constant 80 : i32
        %scan3A_41 = arith.addi %scan3A_39, %scan3A_40 : i32
        %scan3A_42 = arith.constant 1 : i32
        scf.for %scan3A_44 = %scan3A_39 to %scan3A_41 step %scan3A_42  : i32 {
          %jit3A = arith.constant 8 : i32
          %div3A = arith.divsi %scan3A_44, %jit3A : i32
          %sign3A = arith.constant 0 : i32
          %sign3A_45 = arith.cmpi sgt, %scan3A_44, %sign3A : i32
          %sign3A_46 = arith.extui %sign3A_45 : i1 to i32
          %sign3A_47 = arith.constant 0 : i32
          %sign3A_48 = arith.cmpi slt, %scan3A_44, %sign3A_47 : i32
          %sign3A_49 = arith.extui %sign3A_48 : i1 to i32
          %sign3A_50 = arith.subi %sign3A_46, %sign3A_49 : i32
          %sign3A_51 = arith.constant 0 : i32
          %sign3A_52 = arith.cmpi sgt, %jit3A, %sign3A_51 : i32
          %sign3A_53 = arith.extui %sign3A_52 : i1 to i32
          %sign3A_54 = arith.constant 0 : i32
          %sign3A_55 = arith.cmpi slt, %jit3A, %sign3A_54 : i32
          %sign3A_56 = arith.extui %sign3A_55 : i1 to i32
          %sign3A_57 = arith.subi %sign3A_53, %sign3A_56 : i32
          %ne3A = arith.cmpi ne, %sign3A_50, %sign3A_57 : i32
          %rem3A = arith.remsi %scan3A_44, %jit3A : i32
          %ne3A_58 = arith.constant 0 : i32
          %ne3A_59 = arith.cmpi ne, %rem3A, %ne3A_58 : i32
          %and3A = arith.andi %ne3A, %ne3A_59 : i1
          %sub3A = arith.constant 1 : i32
          %sub3A_60 = arith.subi %div3A, %sub3A : i32
          %select_n3A = arith.select %and3A, %sub3A_60, %div3A : i32
          %jit3A_61 = arith.constant 8 : i32
          %eq3A = arith.constant 0 : i32
          %eq3A_62 = arith.cmpi eq, %jit3A_61, %eq3A : i32
          %jit3A_63 = arith.constant 1 : i32
          %select_n3A_64 = arith.select %eq3A_62, %jit3A_63, %jit3A_61 : i32
          %rem3A_65 = arith.remsi %scan3A_44, %select_n3A_64 : i32
          %ne3A_66 = arith.constant 0 : i32
          %ne3A_67 = arith.cmpi ne, %rem3A_65, %ne3A_66 : i32
          %lt3A_68 = arith.constant 0 : i32
          %lt3A_69 = arith.cmpi slt, %rem3A_65, %lt3A_68 : i32
          %lt3A_70 = arith.constant 0 : i32
          %lt3A_71 = arith.cmpi slt, %select_n3A_64, %lt3A_70 : i32
          %ne3A_72 = arith.xori %lt3A_69, %lt3A_71 : i1
          %and3A_73 = arith.andi %ne3A_72, %ne3A_67 : i1
          %add3A_74 = arith.addi %rem3A_65, %select_n3A_64 : i32
          %select_n3A_75 = arith.select %and3A_73, %add3A_74, %rem3A_65 : i32
          %mul3A_76 = arith.constant 16 : i32
          %mul3A_77 = arith.muli %select_n3A_75, %mul3A_76 : i32
          %get3A = arith.index_cast %select_n3A : i32 to index
          %get3A_78 = arith.index_cast %mul3A_77 : i32 to index
          %get3A_79 = tpu.vector_load %arg11[%get3A, %get3A_78] {strides = array<i32>} : memref<10x128xf32, #tpu.memory_space<vmem>>, vector<1x16xf32>,
          %get3A_80 = vector.shape_cast %get3A_79 : vector<1x16xf32> to vector<16xf32>
          %get3A_81 = arith.index_cast %scan3A_44 : i32 to index
          %get3A_82 = arith.constant 0 : index
          %get3A_83 = tpu.vector_load %arg10[%get3A_81, %get3A_82] {strides = array<i32>} : memref<80x128xf32, #tpu.memory_space<vmem>>, vector<1x16xf32>,
          %get3A_84 = vector.shape_cast %get3A_83 : vector<1x16xf32> to vector<16xf32>
          %slice3A = vector.extract_strided_slice %get3A_80 {offsets = [0], sizes = [1], strides = [1]} : vector<16xf32> to vector<1xf32>
          %squeeze3A = vector.extract %slice3A[0] : f32 from vector<1xf32>
          %mul3A_85 = vector.broadcast %squeeze3A : f32 to vector<16xf32>
          %mul3A_86 = arith.mulf %get3A_84, %mul3A_85 : vector<16xf32>
          %swap3A = arith.index_cast %scan3A_44 : i32 to index
          %swap3A_87 = arith.constant 0 : index
          %swap3A_88 = tpu.vector_load %arg10[%swap3A, %swap3A_87] {strides = array<i32>} : memref<80x128xf32, #tpu.memory_space<vmem>>, vector<1x16xf32>,
          %swap3A_89 = vector.shape_cast %swap3A_88 : vector<1x16xf32> to vector<16xf32>
          %swap3A_90 = vector.shape_cast %mul3A_86 : vector<16xf32> to vector<1x16xf32>
          tpu.vector_store %arg10[%swap3A, %swap3A_87], %swap3A_90 {strides = array<i32>} : memref<80x128xf32, #tpu.memory_space<vmem>>, vector<1x16xf32>,
          %get3A_91 = arith.index_cast %scan3A_44 : i32 to index
          %get3A_92 = arith.constant 16 : index
          %get3A_93 = tpu.vector_load %arg10[%get3A_91, %get3A_92] {strides = array<i32>} : memref<80x128xf32, #tpu.memory_space<vmem>>, vector<1x16xf32>,
          %get3A_94 = vector.shape_cast %get3A_93 : vector<1x16xf32> to vector<16xf32>
          %slice3A_95 = vector.extract_strided_slice %get3A_80 {offsets = [1], sizes = [1], strides = [1]} : vector<16xf32> to vector<1xf32>
          %squeeze3A_96 = vector.extract %slice3A_95[0] : f32 from vector<1xf32>
          %mul3A_97 = vector.broadcast %squeeze3A_96 : f32 to vector<16xf32>
          %mul3A_98 = arith.mulf %get3A_94, %mul3A_97 : vector<16xf32>
          %swap3A_99 = arith.index_cast %scan3A_44 : i32 to index
          %swap3A_100 = arith.constant 16 : index
          %swap3A_101 = tpu.vector_load %arg10[%swap3A_99, %swap3A_100] {strides = array<i32>} : memref<80x128xf32, #tpu.memory_space<vmem>>, vector<1x16xf32>,
          %swap3A_102 = vector.shape_cast %swap3A_101 : vector<1x16xf32> to vector<16xf32>
          %swap3A_103 = vector.shape_cast %mul3A_98 : vector<16xf32> to vector<1x16xf32>
          tpu.vector_store %arg10[%swap3A_99, %swap3A_100], %swap3A_103 {strides = array<i32>} : memref<80x128xf32, #tpu.memory_space<vmem>>, vector<1x16xf32>,
          %get3A_104 = arith.index_cast %scan3A_44 : i32 to index
          %get3A_105 = arith.constant 32 : index
          %get3A_106 = tpu.vector_load %arg10[%get3A_104, %get3A_105] {strides = array<i32>} : memref<80x128xf32, #tpu.memory_space<vmem>>, vector<1x16xf32>,
          %get3A_107 = vector.shape_cast %get3A_106 : vector<1x16xf32> to vector<16xf32>
          %slice3A_108 = vector.extract_strided_slice %get3A_80 {offsets = [2], sizes = [1], strides = [1]} : vector<16xf32> to vector<1xf32>
          %squeeze3A_109 = vector.extract %slice3A_108[0] : f32 from vector<1xf32>
          %mul3A_110 = vector.broadcast %squeeze3A_109 : f32 to vector<16xf32>
          %mul3A_111 = arith.mulf %get3A_107, %mul3A_110 : vector<16xf32>
          %swap3A_112 = arith.index_cast %scan3A_44 : i32 to index
          %swap3A_113 = arith.constant 32 : index
          %swap3A_114 = tpu.vector_load %arg10[%swap3A_112, %swap3A_113] {strides = array<i32>} : memref<80x128xf32, #tpu.memory_space<vmem>>, vector<1x16xf32>,
          %swap3A_115 = vector.shape_cast %swap3A_114 : vector<1x16xf32> to vector<16xf32>
          %swap3A_116 = vector.shape_cast %mul3A_111 : vector<16xf32> to vector<1x16xf32>
          tpu.vector_store %arg10[%swap3A_112, %swap3A_113], %swap3A_116 {strides = array<i32>} : memref<80x128xf32, #tpu.memory_space<vmem>>, vector<1x16xf32>,
          %get3A_117 = arith.index_cast %scan3A_44 : i32 to index
          %get3A_118 = arith.constant 48 : index
          %get3A_119 = tpu.vector_load %arg10[%get3A_117, %get3A_118] {strides = array<i32>} : memref<80x128xf32, #tpu.memory_space<vmem>>, vector<1x16xf32>,
          %get3A_120 = vector.shape_cast %get3A_119 : vector<1x16xf32> to vector<16xf32>
          %slice3A_121 = vector.extract_strided_slice %get3A_80 {offsets = [3], sizes = [1], strides = [1]} : vector<16xf32> to vector<1xf32>
          %squeeze3A_122 = vector.extract %slice3A_121[0] : f32 from vector<1xf32>
          %mul3A_123 = vector.broadcast %squeeze3A_122 : f32 to vector<16xf32>
          %mul3A_124 = arith.mulf %get3A_120, %mul3A_123 : vector<16xf32>
          %swap3A_125 = arith.index_cast %scan3A_44 : i32 to index
          %swap3A_126 = arith.constant 48 : index
          %swap3A_127 = tpu.vector_load %arg10[%swap3A_125, %swap3A_126] {strides = array<i32>} : memref<80x128xf32, #tpu.memory_space<vmem>>, vector<1x16xf32>,
          %swap3A_128 = vector.shape_cast %swap3A_127 : vector<1x16xf32> to vector<16xf32>
          %swap3A_129 = vector.shape_cast %mul3A_124 : vector<16xf32> to vector<1x16xf32>
          tpu.vector_store %arg10[%swap3A_125, %swap3A_126], %swap3A_129 {strides = array<i32>} : memref<80x128xf32, #tpu.memory_space<vmem>>, vector<1x16xf32>,
          %get3A_130 = arith.index_cast %scan3A_44 : i32 to index
          %get3A_131 = arith.constant 64 : index
          %get3A_132 = tpu.vector_load %arg10[%get3A_130, %get3A_131] {strides = array<i32>} : memref<80x128xf32, #tpu.memory_space<vmem>>, vector<1x16xf32>,
          %get3A_133 = vector.shape_cast %get3A_132 : vector<1x16xf32> to vector<16xf32>
          %slice3A_134 = vector.extract_strided_slice %get3A_80 {offsets = [4], sizes = [1], strides = [1]} : vector<16xf32> to vector<1xf32>
          %squeeze3A_135 = vector.extract %slice3A_134[0] : f32 from vector<1xf32>
          %mul3A_136 = vector.broadcast %squeeze3A_135 : f32 to vector<16xf32>
          %mul3A_137 = arith.mulf %get3A_133, %mul3A_136 : vector<16xf32>
          %swap3A_138 = arith.index_cast %scan3A_44 : i32 to index
          %swap3A_139 = arith.constant 64 : index
          %swap3A_140 = tpu.vector_load %arg10[%swap3A_138, %swap3A_139] {strides = array<i32>} : memref<80x128xf32, #tpu.memory_space<vmem>>, vector<1x16xf32>,
          %swap3A_141 = vector.shape_cast %swap3A_140 : vector<1x16xf32> to vector<16xf32>
          %swap3A_142 = vector.shape_cast %mul3A_137 : vector<16xf32> to vector<1x16xf32>
          tpu.vector_store %arg10[%swap3A_138, %swap3A_139], %swap3A_142 {strides = array<i32>} : memref<80x128xf32, #tpu.memory_space<vmem>>, vector<1x16xf32>,
          %get3A_143 = arith.index_cast %scan3A_44 : i32 to index
          %get3A_144 = arith.constant 80 : index
          %get3A_145 = tpu.vector_load %arg10[%get3A_143, %get3A_144] {strides = array<i32>} : memref<80x128xf32, #tpu.memory_space<vmem>>, vector<1x16xf32>,
          %get3A_146 = vector.shape_cast %get3A_145 : vector<1x16xf32> to vector<16xf32>
          %slice3A_147 = vector.extract_strided_slice %get3A_80 {offsets = [5], sizes = [1], strides = [1]} : vector<16xf32> to vector<1xf32>
          %squeeze3A_148 = vector.extract %slice3A_147[0] : f32 from vector<1xf32>
          %mul3A_149 = vector.broadcast %squeeze3A_148 : f32 to vector<16xf32>
          %mul3A_150 = arith.mulf %get3A_146, %mul3A_149 : vector<16xf32>
          %swap3A_151 = arith.index_cast %scan3A_44 : i32 to index
          %swap3A_152 = arith.constant 80 : index
          %swap3A_153 = tpu.vector_load %arg10[%swap3A_151, %swap3A_152] {strides = array<i32>} : memref<80x128xf32, #tpu.memory_space<vmem>>, vector<1x16xf32>,
          %swap3A_154 = vector.shape_cast %swap3A_153 : vector<1x16xf32> to vector<16xf32>
          %swap3A_155 = vector.shape_cast %mul3A_150 : vector<16xf32> to vector<1x16xf32>
          tpu.vector_store %arg10[%swap3A_151, %swap3A_152], %swap3A_155 {strides = array<i32>} : memref<80x128xf32, #tpu.memory_space<vmem>>, vector<1x16xf32>,
          %get3A_156 = arith.index_cast %scan3A_44 : i32 to index
          %get3A_157 = arith.constant 96 : index
          %get3A_158 = tpu.vector_load %arg10[%get3A_156, %get3A_157] {strides = array<i32>} : memref<80x128xf32, #tpu.memory_space<vmem>>, vector<1x16xf32>,
          %get3A_159 = vector.shape_cast %get3A_158 : vector<1x16xf32> to vector<16xf32>
          %slice3A_160 = vector.extract_strided_slice %get3A_80 {offsets = [6], sizes = [1], strides = [1]} : vector<16xf32> to vector<1xf32>
          %squeeze3A_161 = vector.extract %slice3A_160[0] : f32 from vector<1xf32>
          %mul3A_162 = vector.broadcast %squeeze3A_161 : f32 to vector<16xf32>
          %mul3A_163 = arith.mulf %get3A_159, %mul3A_162 : vector<16xf32>
          %swap3A_164 = arith.index_cast %scan3A_44 : i32 to index
          %swap3A_165 = arith.constant 96 : index
          %swap3A_166 = tpu.vector_load %arg10[%swap3A_164, %swap3A_165] {strides = array<i32>} : memref<80x128xf32, #tpu.memory_space<vmem>>, vector<1x16xf32>,
          %swap3A_167 = vector.shape_cast %swap3A_166 : vector<1x16xf32> to vector<16xf32>
          %swap3A_168 = vector.shape_cast %mul3A_163 : vector<16xf32> to vector<1x16xf32>
          tpu.vector_store %arg10[%swap3A_164, %swap3A_165], %swap3A_168 {strides = array<i32>} : memref<80x128xf32, #tpu.memory_space<vmem>>, vector<1x16xf32>,
          %get3A_169 = arith.index_cast %scan3A_44 : i32 to index
          %get3A_170 = arith.constant 112 : index
          %get3A_171 = tpu.vector_load %arg10[%get3A_169, %get3A_170] {strides = array<i32>} : memref<80x128xf32, #tpu.memory_space<vmem>>, vector<1x16xf32>,
          %get3A_172 = vector.shape_cast %get3A_171 : vector<1x16xf32> to vector<16xf32>
          %slice3A_173 = vector.extract_strided_slice %get3A_80 {offsets = [7], sizes = [1], strides = [1]} : vector<16xf32> to vector<1xf32>
          %squeeze3A_174 = vector.extract %slice3A_173[0] : f32 from vector<1xf32>
          %mul3A_175 = vector.broadcast %squeeze3A_174 : f32 to vector<16xf32>
          %mul3A_176 = arith.mulf %get3A_172, %mul3A_175 : vector<16xf32>
          %swap3A_177 = arith.index_cast %scan3A_44 : i32 to index
          %swap3A_178 = arith.constant 112 : index
          %swap3A_179 = tpu.vector_load %arg10[%swap3A_177, %swap3A_178] {strides = array<i32>} : memref<80x128xf32, #tpu.memory_space<vmem>>, vector<1x16xf32>,
          %swap3A_180 = vector.shape_cast %swap3A_179 : vector<1x16xf32> to vector<16xf32>
          %swap3A_181 = vector.shape_cast %mul3A_176 : vector<16xf32> to vector<1x16xf32>
          tpu.vector_store %arg10[%swap3A_177, %swap3A_178], %swap3A_181 {strides = array<i32>} : memref<80x128xf32, #tpu.memory_space<vmem>>, vector<1x16xf32>,
        }
        %scan3A_43 = arith.constant 80 : i32
        "tpu.region"() ({
          %run_scoped3A = tpu.sem_alloc : memref<!tpu.dma_semaphore, #tpu.memory_space<semaphore_mem>>
          %dma_start3A_44 = arith.constant 0 : i32
          %dma_start3A_45 = tpu.memref_slice %arg9[%scan3A_21, %dma_start3A_44] : memref<25x80xi32, #tpu.memory_space<vmem>> -> memref<1x80xi32, #tpu.memory_space<vmem>>
          %dma_start3A_46 = tpu.memref_squeeze %dma_start3A_45 : memref<1x80xi32, #tpu.memory_space<vmem>> -> memref<80xi32, #tpu.memory_space<vmem>>
          %dma_start3A_47 = arith.constant 0 : i32
          %dma_start3A_48 = arith.constant 0 : i32
          %dma_start3A_49 = tpu.memref_slice %arg12[%dma_start3A_47, %dma_start3A_48] : memref<10000x128xf32, #tpu.memory_space<vmem_shared>> -> memref<10000x128xf32, #tpu.memory_space<vmem_shared>>
          tpu.enqueue_indirect_dma source(%arg10 : memref<80x128xf32, #tpu.memory_space<vmem>>) target(%dma_start3A_49 : memref<10000x128xf32, #tpu.memory_space<vmem_shared>>) offsets(%dma_start3A_46 : memref<80xi32, #tpu.memory_space<vmem>>) semaphore(%run_scoped3A : memref<!tpu.dma_semaphore, #tpu.memory_space<semaphore_mem>>) {add = true}
          %dma_wait3A_50 = arith.constant 0 : i32
          %dma_wait3A_51 = tpu.memref_slice %arg9[%scan3A_21, %dma_wait3A_50] : memref<25x80xi32, #tpu.memory_space<vmem>> -> memref<1x80xi32, #tpu.memory_space<vmem>>
          %dma_wait3A_52 = tpu.memref_squeeze %dma_wait3A_51 : memref<1x80xi32, #tpu.memory_space<vmem>> -> memref<80xi32, #tpu.memory_space<vmem>>
          %dma_wait3A_53 = arith.constant 0 : i32
          %dma_wait3A_54 = arith.constant 0 : i32
          %dma_wait3A_55 = tpu.memref_slice %arg12[%dma_wait3A_53, %dma_wait3A_54] : memref<10000x128xf32, #tpu.memory_space<vmem_shared>> -> memref<10000x128xf32, #tpu.memory_space<vmem_shared>>
          tpu.wait_indirect_dma semaphore(%run_scoped3A : memref<!tpu.dma_semaphore, #tpu.memory_space<semaphore_mem>>) src(%arg10 : memref<80x128xf32, #tpu.memory_space<vmem>>) dst(%dma_wait3A_55 : memref<10000x128xf32, #tpu.memory_space<vmem_shared>>)
          tpu.yield
        }) : () -> ()
      }
      %scan3A_20 = arith.constant 25 : i32
    }
    %scan3A_7 = arith.constant 5 : i32
    %barrier3A_8 = arith.constant 0 : index
    tpu.barrier barrier_id(%barrier3A_8)
    %lt3A_9 = arith.constant 10 : i32
    %lt3A_10 = arith.cmpi slt, %arg1, %lt3A_9 : i32
    %convert_element_type3A_11 = arith.extui %lt3A_10 : i1 to i32
    %cond3A_12 = arith.constant 0 : i32
    %cond3A_13 = arith.cmpi ne, %convert_element_type3A_11, %cond3A_12 : i32
    scf.if %cond3A_13 {
      %mul3A_14 = arith.constant 1000 : i32
      %mul3A_15 = arith.muli %arg1, %mul3A_14 : i32
      %mul3A_16 = arith.constant 1000 : i32
      %mul3A_17 = arith.muli %arg1, %mul3A_16 : i32
      "tpu.region"() ({
        %run_scoped3A = tpu.sem_alloc : memref<!tpu.dma_semaphore, #tpu.memory_space<semaphore_mem>>
        %dma_start3A = arith.constant 0 : i32
        %dma_start3A_18 = tpu.memref_slice %arg7[%arg0, %mul3A_17, %dma_start3A] : memref<2x10000x128xf32, #tpu.memory_space<hbm>> -> memref<1x1000x128xf32, #tpu.memory_space<hbm>>
        %dma_start3A_19 = tpu.memref_squeeze %dma_start3A_18 : memref<1x1000x128xf32, #tpu.memory_space<hbm>> -> memref<1000x128xf32, #tpu.memory_space<hbm>>
        %dma_start3A_20 = arith.constant 0 : i32
        %dma_start3A_21 = tpu.memref_slice %arg12[%mul3A_15, %dma_start3A_20] : memref<10000x128xf32, #tpu.memory_space<vmem_shared>> -> memref<1000x128xf32, #tpu.memory_space<vmem_shared>>
        tpu.enqueue_dma source(%dma_start3A_21 : memref<1000x128xf32, #tpu.memory_space<vmem_shared>>) target(%dma_start3A_19 : memref<1000x128xf32, #tpu.memory_space<hbm>>) target_semaphore(%run_scoped3A : memref<!tpu.dma_semaphore, #tpu.memory_space<semaphore_mem>>)
        %dma_wait3A = arith.constant 0 : i32
        %dma_wait3A_22 = tpu.memref_slice %arg7[%arg0, %mul3A_17, %dma_wait3A] : memref<2x10000x128xf32, #tpu.memory_space<hbm>> -> memref<1x1000x128xf32, #tpu.memory_space<hbm>>
        %dma_wait3A_23 = tpu.memref_squeeze %dma_wait3A_22 : memref<1x1000x128xf32, #tpu.memory_space<hbm>> -> memref<1000x128xf32, #tpu.memory_space<hbm>>
        %dma_wait3A_24 = arith.constant 0 : i32
        %dma_wait3A_25 = tpu.memref_slice %arg12[%mul3A_15, %dma_wait3A_24] : memref<10000x128xf32, #tpu.memory_space<vmem_shared>> -> memref<1000x128xf32, #tpu.memory_space<vmem_shared>>
        tpu.wait_dma2 semaphore(%run_scoped3A : memref<!tpu.dma_semaphore, #tpu.memory_space<semaphore_mem>>) src(%dma_wait3A_25 : memref<1000x128xf32, #tpu.memory_space<vmem_shared>>) dst(%dma_wait3A_23 : memref<1000x128xf32, #tpu.memory_space<hbm>>)
        tpu.yield
      }) : () -> ()
    } else {
    }
    return
  }
}

#map = affine_map<(d0, d1) -> (0, 0)>
#map1 = affine_map<(d0, d1) -> (0, 0, 0, 0)>
#map2 = affine_map<(d0, d1) -> (0, 0, 0)>
module attributes {stable_mosaic.version = 14 : i64} {
  func.func @sc_gat1(%arg0: i32, %arg1: i32, %arg2: memref<10000x128xf32, #tpu.memory_space<hbm>>, %arg3: memref<10000x128xf32, #tpu.memory_space<hbm>>, %arg4: memref<32x5x25x80xi32, #tpu.memory_space<hbm>>, %arg5: memref<32x5x25x80xi32, #tpu.memory_space<hbm>>, %arg6: memref<8x128xf32, #tpu.memory_space<hbm>>, %arg7: memref<1000x128xf32, #tpu.memory_space<hbm>>, %arg8: memref<2x10000x128xf32, #tpu.memory_space<hbm>>, %arg9: memref<4000x10x128xf32, #tpu.memory_space<hbm>>, %arg10: memref<25x80xi32, #tpu.memory_space<vmem>>, %arg11: memref<25x80xi32, #tpu.memory_space<vmem>>, %arg12: memref<80x128xf32, #tpu.memory_space<vmem>>, %arg13: memref<80x128xf32, #tpu.memory_space<vmem>>, %arg14: memref<10x128xf32, #tpu.memory_space<vmem>>, %arg15: memref<8x128xf32, #tpu.memory_space<vmem>>, %arg16: memref<10000x128xf32, #tpu.memory_space<vmem_shared>>, %arg17: memref<!tpu.dma_semaphore, #tpu.memory_space<semaphore_mem>>, %arg18: memref<!tpu.dma_semaphore, #tpu.memory_space<semaphore_mem>>) attributes {dimension_semantics = [#tpu.dimension_semantics<core_parallel>, #tpu.dimension_semantics<subcore_parallel>], iteration_bounds = array<i64: 2, 16>, scalar_prefetch = 0 : i64, scratch_operands = 9 : i64, tpu.core_type = #tpu.core_type<sc_vector_subcore>, window_params = [{transform_indices = #map}, {transform_indices = #map}, {transform_indices = #map1}, {transform_indices = #map1}, {transform_indices = #map}, {transform_indices = #map}, {transform_indices = #map2}, {transform_indices = #map2}]} {
    %mul3A = arith.constant 2 : i32
    %mul3A_0 = arith.muli %arg1, %mul3A : i32
    %add3A = arith.addi %mul3A_0, %arg0 : i32
    %lt3A = arith.constant 10 : i32
    %lt3A_1 = arith.cmpi slt, %arg1, %lt3A : i32
    %convert_element_type3A = arith.extui %lt3A_1 : i1 to i32
    %cond3A = arith.constant 0 : i32
    %cond3A_2 = arith.cmpi ne, %convert_element_type3A, %cond3A : i32
    scf.if %cond3A_2 {
      %mul3A_18 = arith.constant 1000 : i32
      %mul3A_19 = arith.muli %arg1, %mul3A_18 : i32
      "tpu.region"() ({
        %run_scoped3A = tpu.sem_alloc : memref<!tpu.dma_semaphore, #tpu.memory_space<semaphore_mem>>
        %dma_start3A = arith.constant 0 : i32
        %dma_start3A_20 = tpu.memref_slice %arg16[%mul3A_19, %dma_start3A] : memref<10000x128xf32, #tpu.memory_space<vmem_shared>> -> memref<1000x128xf32, #tpu.memory_space<vmem_shared>>
        tpu.enqueue_dma source(%arg7 : memref<1000x128xf32, #tpu.memory_space<hbm>>) target(%dma_start3A_20 : memref<1000x128xf32, #tpu.memory_space<vmem_shared>>) target_semaphore(%run_scoped3A : memref<!tpu.dma_semaphore, #tpu.memory_space<semaphore_mem>>)
        %dma_wait3A = arith.constant 0 : i32
        %dma_wait3A_21 = tpu.memref_slice %arg16[%mul3A_19, %dma_wait3A] : memref<10000x128xf32, #tpu.memory_space<vmem_shared>> -> memref<1000x128xf32, #tpu.memory_space<vmem_shared>>
        tpu.wait_dma2 semaphore(%run_scoped3A : memref<!tpu.dma_semaphore, #tpu.memory_space<semaphore_mem>>) src(%arg7 : memref<1000x128xf32, #tpu.memory_space<hbm>>) dst(%dma_wait3A_21 : memref<1000x128xf32, #tpu.memory_space<vmem_shared>>)
        tpu.yield
      }) : () -> ()
    } else {
    }
    "tpu.region"() ({
      %run_scoped3A = tpu.sem_alloc : memref<!tpu.dma_semaphore, #tpu.memory_space<semaphore_mem>>
      tpu.enqueue_dma source(%arg6 : memref<8x128xf32, #tpu.memory_space<hbm>>) target(%arg15 : memref<8x128xf32, #tpu.memory_space<vmem>>) target_semaphore(%run_scoped3A : memref<!tpu.dma_semaphore, #tpu.memory_space<semaphore_mem>>)
      tpu.wait_dma2 semaphore(%run_scoped3A : memref<!tpu.dma_semaphore, #tpu.memory_space<semaphore_mem>>) src(%arg6 : memref<8x128xf32, #tpu.memory_space<hbm>>) dst(%arg15 : memref<8x128xf32, #tpu.memory_space<vmem>>)
      tpu.yield
    }) : () -> ()
    %barrier3A = arith.constant 0 : index
    tpu.barrier barrier_id(%barrier3A)
    %get3A = arith.constant 0 : i32
    %get3A_3 = arith.index_cast %get3A : i32 to index
    %get3A_4 = arith.constant 0 : index
    %get3A_5 = tpu.vector_load %arg15[%get3A_3, %get3A_4] {strides = array<i32>} : memref<8x128xf32, #tpu.memory_space<vmem>>, vector<1x16xf32>,
    %get3A_6 = vector.shape_cast %get3A_5 : vector<1x16xf32> to vector<16xf32>
    %scan3A = arith.constant 0 : i32
    %scan3A_7 = arith.constant 0 : i32
    %scan3A_8 = arith.constant 5 : i32
    %scan3A_9 = arith.addi %scan3A_7, %scan3A_8 : i32
    %scan3A_10 = arith.constant 1 : i32
    scf.for %scan3A_18 = %scan3A_7 to %scan3A_9 step %scan3A_10  : i32 {
      "tpu.region"() ({
        %run_scoped3A = tpu.sem_alloc : memref<!tpu.dma_semaphore, #tpu.memory_space<semaphore_mem>>
        %dma_start3A = arith.constant 0 : i32
        %dma_start3A_25 = arith.constant 0 : i32
        %dma_start3A_26 = tpu.memref_slice %arg4[%add3A, %scan3A_18, %dma_start3A, %dma_start3A_25] : memref<32x5x25x80xi32, #tpu.memory_space<hbm>> -> memref<1x1x25x80xi32, #tpu.memory_space<hbm>>
        %dma_start3A_27 = tpu.memref_squeeze %dma_start3A_26 : memref<1x1x25x80xi32, #tpu.memory_space<hbm>> -> memref<25x80xi32, #tpu.memory_space<hbm>>
        %dma_start3A_28 = arith.constant 0 : i32
        %dma_start3A_29 = arith.constant 0 : i32
        %dma_start3A_30 = tpu.memref_slice %arg4[%add3A, %scan3A_18, %dma_start3A_28, %dma_start3A_29] : memref<32x5x25x80xi32, #tpu.memory_space<hbm>> -> memref<1x1x25x80xi32, #tpu.memory_space<hbm>>
        %dma_start3A_31 = tpu.memref_squeeze %dma_start3A_30 : memref<1x1x25x80xi32, #tpu.memory_space<hbm>> -> memref<25x80xi32, #tpu.memory_space<hbm>>
        tpu.enqueue_dma source(%dma_start3A_31 : memref<25x80xi32, #tpu.memory_space<hbm>>) target(%arg10 : memref<25x80xi32, #tpu.memory_space<vmem>>) target_semaphore(%run_scoped3A : memref<!tpu.dma_semaphore, #tpu.memory_space<semaphore_mem>>)
        %dma_wait3A = arith.constant 0 : i32
        %dma_wait3A_32 = arith.constant 0 : i32
        %dma_wait3A_33 = tpu.memref_slice %arg4[%add3A, %scan3A_18, %dma_wait3A, %dma_wait3A_32] : memref<32x5x25x80xi32, #tpu.memory_space<hbm>> -> memref<1x1x25x80xi32, #tpu.memory_space<hbm>>
        %dma_wait3A_34 = tpu.memref_squeeze %dma_wait3A_33 : memref<1x1x25x80xi32, #tpu.memory_space<hbm>> -> memref<25x80xi32, #tpu.memory_space<hbm>>
        %dma_wait3A_35 = arith.constant 0 : i32
        %dma_wait3A_36 = arith.constant 0 : i32
        %dma_wait3A_37 = tpu.memref_slice %arg4[%add3A, %scan3A_18, %dma_wait3A_35, %dma_wait3A_36] : memref<32x5x25x80xi32, #tpu.memory_space<hbm>> -> memref<1x1x25x80xi32, #tpu.memory_space<hbm>>
        %dma_wait3A_38 = tpu.memref_squeeze %dma_wait3A_37 : memref<1x1x25x80xi32, #tpu.memory_space<hbm>> -> memref<25x80xi32, #tpu.memory_space<hbm>>
        tpu.wait_dma2 semaphore(%run_scoped3A : memref<!tpu.dma_semaphore, #tpu.memory_space<semaphore_mem>>) src(%dma_wait3A_38 : memref<25x80xi32, #tpu.memory_space<hbm>>) dst(%arg10 : memref<25x80xi32, #tpu.memory_space<vmem>>)
        tpu.yield
      }) : () -> ()
      "tpu.region"() ({
        %run_scoped3A = tpu.sem_alloc : memref<!tpu.dma_semaphore, #tpu.memory_space<semaphore_mem>>
        %dma_start3A = arith.constant 0 : i32
        %dma_start3A_25 = arith.constant 0 : i32
        %dma_start3A_26 = tpu.memref_slice %arg5[%add3A, %scan3A_18, %dma_start3A, %dma_start3A_25] : memref<32x5x25x80xi32, #tpu.memory_space<hbm>> -> memref<1x1x25x80xi32, #tpu.memory_space<hbm>>
        %dma_start3A_27 = tpu.memref_squeeze %dma_start3A_26 : memref<1x1x25x80xi32, #tpu.memory_space<hbm>> -> memref<25x80xi32, #tpu.memory_space<hbm>>
        %dma_start3A_28 = arith.constant 0 : i32
        %dma_start3A_29 = arith.constant 0 : i32
        %dma_start3A_30 = tpu.memref_slice %arg5[%add3A, %scan3A_18, %dma_start3A_28, %dma_start3A_29] : memref<32x5x25x80xi32, #tpu.memory_space<hbm>> -> memref<1x1x25x80xi32, #tpu.memory_space<hbm>>
        %dma_start3A_31 = tpu.memref_squeeze %dma_start3A_30 : memref<1x1x25x80xi32, #tpu.memory_space<hbm>> -> memref<25x80xi32, #tpu.memory_space<hbm>>
        tpu.enqueue_dma source(%dma_start3A_31 : memref<25x80xi32, #tpu.memory_space<hbm>>) target(%arg11 : memref<25x80xi32, #tpu.memory_space<vmem>>) target_semaphore(%run_scoped3A : memref<!tpu.dma_semaphore, #tpu.memory_space<semaphore_mem>>)
        %dma_wait3A = arith.constant 0 : i32
        %dma_wait3A_32 = arith.constant 0 : i32
        %dma_wait3A_33 = tpu.memref_slice %arg5[%add3A, %scan3A_18, %dma_wait3A, %dma_wait3A_32] : memref<32x5x25x80xi32, #tpu.memory_space<hbm>> -> memref<1x1x25x80xi32, #tpu.memory_space<hbm>>
        %dma_wait3A_34 = tpu.memref_squeeze %dma_wait3A_33 : memref<1x1x25x80xi32, #tpu.memory_space<hbm>> -> memref<25x80xi32, #tpu.memory_space<hbm>>
        %dma_wait3A_35 = arith.constant 0 : i32
        %dma_wait3A_36 = arith.constant 0 : i32
        %dma_wait3A_37 = tpu.memref_slice %arg5[%add3A, %scan3A_18, %dma_wait3A_35, %dma_wait3A_36] : memref<32x5x25x80xi32, #tpu.memory_space<hbm>> -> memref<1x1x25x80xi32, #tpu.memory_space<hbm>>
        %dma_wait3A_38 = tpu.memref_squeeze %dma_wait3A_37 : memref<1x1x25x80xi32, #tpu.memory_space<hbm>> -> memref<25x80xi32, #tpu.memory_space<hbm>>
        tpu.wait_dma2 semaphore(%run_scoped3A : memref<!tpu.dma_semaphore, #tpu.memory_space<semaphore_mem>>) src(%dma_wait3A_38 : memref<25x80xi32, #tpu.memory_space<hbm>>) dst(%arg11 : memref<25x80xi32, #tpu.memory_space<vmem>>)
        tpu.yield
      }) : () -> ()
      %scan3A_19 = arith.constant 0 : i32
      %scan3A_20 = arith.constant 0 : i32
      %scan3A_21 = arith.constant 25 : i32
      %scan3A_22 = arith.addi %scan3A_20, %scan3A_21 : i32
      %scan3A_23 = arith.constant 1 : i32
      scf.for %scan3A_25 = %scan3A_20 to %scan3A_22 step %scan3A_23  : i32 {
        %dma_start3A = arith.constant 0 : i32
        %dma_start3A_26 = tpu.memref_slice %arg10[%scan3A_25, %dma_start3A] : memref<25x80xi32, #tpu.memory_space<vmem>> -> memref<1x80xi32, #tpu.memory_space<vmem>>
        %dma_start3A_27 = tpu.memref_squeeze %dma_start3A_26 : memref<1x80xi32, #tpu.memory_space<vmem>> -> memref<80xi32, #tpu.memory_space<vmem>>
        %dma_start3A_28 = arith.constant 0 : i32
        %dma_start3A_29 = arith.constant 0 : i32
        %dma_start3A_30 = tpu.memref_slice %arg2[%dma_start3A_28, %dma_start3A_29] : memref<10000x128xf32, #tpu.memory_space<hbm>> -> memref<10000x128xf32, #tpu.memory_space<hbm>>
        tpu.enqueue_indirect_dma source(%dma_start3A_30 : memref<10000x128xf32, #tpu.memory_space<hbm>>) target(%arg12 : memref<80x128xf32, #tpu.memory_space<vmem>>) offsets(%dma_start3A_27 : memref<80xi32, #tpu.memory_space<vmem>>) semaphore(%arg17 : memref<!tpu.dma_semaphore, #tpu.memory_space<semaphore_mem>>)
        %dma_start3A_31 = arith.constant 0 : i32
        %dma_start3A_32 = tpu.memref_slice %arg11[%scan3A_25, %dma_start3A_31] : memref<25x80xi32, #tpu.memory_space<vmem>> -> memref<1x80xi32, #tpu.memory_space<vmem>>
        %dma_start3A_33 = tpu.memref_squeeze %dma_start3A_32 : memref<1x80xi32, #tpu.memory_space<vmem>> -> memref<80xi32, #tpu.memory_space<vmem>>
        %dma_start3A_34 = arith.constant 0 : i32
        %dma_start3A_35 = arith.constant 0 : i32
        %dma_start3A_36 = tpu.memref_slice %arg3[%dma_start3A_34, %dma_start3A_35] : memref<10000x128xf32, #tpu.memory_space<hbm>> -> memref<10000x128xf32, #tpu.memory_space<hbm>>
        tpu.enqueue_indirect_dma source(%dma_start3A_36 : memref<10000x128xf32, #tpu.memory_space<hbm>>) target(%arg13 : memref<80x128xf32, #tpu.memory_space<vmem>>) offsets(%dma_start3A_33 : memref<80xi32, #tpu.memory_space<vmem>>) semaphore(%arg18 : memref<!tpu.dma_semaphore, #tpu.memory_space<semaphore_mem>>)
        %dma_wait3A = arith.constant 0 : i32
        %dma_wait3A_37 = tpu.memref_slice %arg10[%scan3A_25, %dma_wait3A] : memref<25x80xi32, #tpu.memory_space<vmem>> -> memref<1x80xi32, #tpu.memory_space<vmem>>
        %dma_wait3A_38 = tpu.memref_squeeze %dma_wait3A_37 : memref<1x80xi32, #tpu.memory_space<vmem>> -> memref<80xi32, #tpu.memory_space<vmem>>
        %dma_wait3A_39 = arith.constant 0 : i32
        %dma_wait3A_40 = arith.constant 0 : i32
        %dma_wait3A_41 = tpu.memref_slice %arg2[%dma_wait3A_39, %dma_wait3A_40] : memref<10000x128xf32, #tpu.memory_space<hbm>> -> memref<10000x128xf32, #tpu.memory_space<hbm>>
        tpu.wait_indirect_dma semaphore(%arg17 : memref<!tpu.dma_semaphore, #tpu.memory_space<semaphore_mem>>) src(%dma_wait3A_41 : memref<10000x128xf32, #tpu.memory_space<hbm>>) dst(%arg12 : memref<80x128xf32, #tpu.memory_space<vmem>>)
        %dma_wait3A_42 = arith.constant 0 : i32
        %dma_wait3A_43 = tpu.memref_slice %arg11[%scan3A_25, %dma_wait3A_42] : memref<25x80xi32, #tpu.memory_space<vmem>> -> memref<1x80xi32, #tpu.memory_space<vmem>>
        %dma_wait3A_44 = tpu.memref_squeeze %dma_wait3A_43 : memref<1x80xi32, #tpu.memory_space<vmem>> -> memref<80xi32, #tpu.memory_space<vmem>>
        %dma_wait3A_45 = arith.constant 0 : i32
        %dma_wait3A_46 = arith.constant 0 : i32
        %dma_wait3A_47 = tpu.memref_slice %arg3[%dma_wait3A_45, %dma_wait3A_46] : memref<10000x128xf32, #tpu.memory_space<hbm>> -> memref<10000x128xf32, #tpu.memory_space<hbm>>
        tpu.wait_indirect_dma semaphore(%arg18 : memref<!tpu.dma_semaphore, #tpu.memory_space<semaphore_mem>>) src(%dma_wait3A_47 : memref<10000x128xf32, #tpu.memory_space<hbm>>) dst(%arg13 : memref<80x128xf32, #tpu.memory_space<vmem>>)
        %scan3A_48 = arith.constant 0 : i32
        %scan3A_49 = arith.constant 0 : i32
        %scan3A_50 = arith.constant 80 : i32
        %scan3A_51 = arith.addi %scan3A_49, %scan3A_50 : i32
        %scan3A_52 = arith.constant 1 : i32
        scf.for %scan3A_60 = %scan3A_49 to %scan3A_51 step %scan3A_52  : i32 {
          %get3A_61 = arith.index_cast %scan3A_60 : i32 to index
          %get3A_62 = arith.constant 0 : index
          %get3A_63 = tpu.vector_load %arg12[%get3A_61, %get3A_62] {strides = array<i32>} : memref<80x128xf32, #tpu.memory_space<vmem>>, vector<1x16xf32>,
          %get3A_64 = vector.shape_cast %get3A_63 : vector<1x16xf32> to vector<16xf32>
          %get3A_65 = arith.index_cast %scan3A_60 : i32 to index
          %get3A_66 = arith.constant 0 : index
          %get3A_67 = tpu.vector_load %arg13[%get3A_65, %get3A_66] {strides = array<i32>} : memref<80x128xf32, #tpu.memory_space<vmem>>, vector<1x16xf32>,
          %get3A_68 = vector.shape_cast %get3A_67 : vector<1x16xf32> to vector<16xf32>
          %add3A_69 = arith.addf %get3A_64, %get3A_68 : vector<16xf32>
          %mul3A_70 = arith.constant 2.000000e-01 : f32
          %mul3A_71 = vector.broadcast %mul3A_70 : f32 to vector<16xf32>
          %mul3A_72 = arith.mulf %mul3A_71, %add3A_69 : vector<16xf32>
          %max3A = arith.maximumf %add3A_69, %mul3A_72 : vector<16xf32>
          %sub3A = arith.subf %max3A, %get3A_6 : vector<16xf32>
          %exp3A = math.exp %sub3A : vector<16xf32>
          %swap3A = arith.index_cast %scan3A_60 : i32 to index
          %swap3A_73 = arith.constant 0 : index
          %swap3A_74 = tpu.vector_load %arg13[%swap3A, %swap3A_73] {strides = array<i32>} : memref<80x128xf32, #tpu.memory_space<vmem>>, vector<1x16xf32>,
          %swap3A_75 = vector.shape_cast %swap3A_74 : vector<1x16xf32> to vector<16xf32>
          %swap3A_76 = vector.shape_cast %exp3A : vector<16xf32> to vector<1x16xf32>
          tpu.vector_store %arg13[%swap3A, %swap3A_73], %swap3A_76 {strides = array<i32>} : memref<80x128xf32, #tpu.memory_space<vmem>>, vector<1x16xf32>,
          %jit3A = arith.constant 8 : i32
          %div3A = arith.divsi %scan3A_60, %jit3A : i32
          %sign3A = arith.constant 0 : i32
          %sign3A_77 = arith.cmpi sgt, %scan3A_60, %sign3A : i32
          %sign3A_78 = arith.extui %sign3A_77 : i1 to i32
          %sign3A_79 = arith.constant 0 : i32
          %sign3A_80 = arith.cmpi slt, %scan3A_60, %sign3A_79 : i32
          %sign3A_81 = arith.extui %sign3A_80 : i1 to i32
          %sign3A_82 = arith.subi %sign3A_78, %sign3A_81 : i32
          %sign3A_83 = arith.constant 0 : i32
          %sign3A_84 = arith.cmpi sgt, %jit3A, %sign3A_83 : i32
          %sign3A_85 = arith.extui %sign3A_84 : i1 to i32
          %sign3A_86 = arith.constant 0 : i32
          %sign3A_87 = arith.cmpi slt, %jit3A, %sign3A_86 : i32
          %sign3A_88 = arith.extui %sign3A_87 : i1 to i32
          %sign3A_89 = arith.subi %sign3A_85, %sign3A_88 : i32
          %ne3A = arith.cmpi ne, %sign3A_82, %sign3A_89 : i32
          %rem3A = arith.remsi %scan3A_60, %jit3A : i32
          %ne3A_90 = arith.constant 0 : i32
          %ne3A_91 = arith.cmpi ne, %rem3A, %ne3A_90 : i32
          %and3A = arith.andi %ne3A, %ne3A_91 : i1
          %sub3A_92 = arith.constant 1 : i32
          %sub3A_93 = arith.subi %div3A, %sub3A_92 : i32
          %select_n3A = arith.select %and3A, %sub3A_93, %div3A : i32
          %jit3A_94 = arith.constant 8 : i32
          %eq3A = arith.constant 0 : i32
          %eq3A_95 = arith.cmpi eq, %jit3A_94, %eq3A : i32
          %jit3A_96 = arith.constant 1 : i32
          %select_n3A_97 = arith.select %eq3A_95, %jit3A_96, %jit3A_94 : i32
          %rem3A_98 = arith.remsi %scan3A_60, %select_n3A_97 : i32
          %ne3A_99 = arith.constant 0 : i32
          %ne3A_100 = arith.cmpi ne, %rem3A_98, %ne3A_99 : i32
          %lt3A_101 = arith.constant 0 : i32
          %lt3A_102 = arith.cmpi slt, %rem3A_98, %lt3A_101 : i32
          %lt3A_103 = arith.constant 0 : i32
          %lt3A_104 = arith.cmpi slt, %select_n3A_97, %lt3A_103 : i32
          %ne3A_105 = arith.xori %lt3A_102, %lt3A_104 : i1
          %and3A_106 = arith.andi %ne3A_105, %ne3A_100 : i1
          %add3A_107 = arith.addi %rem3A_98, %select_n3A_97 : i32
          %select_n3A_108 = arith.select %and3A_106, %add3A_107, %rem3A_98 : i32
          %mul3A_109 = arith.constant 16 : i32
          %mul3A_110 = arith.muli %select_n3A_108, %mul3A_109 : i32
          %swap3A_111 = arith.index_cast %select_n3A : i32 to index
          %swap3A_112 = arith.index_cast %mul3A_110 : i32 to index
          %swap3A_113 = tpu.vector_load %arg14[%swap3A_111, %swap3A_112] {strides = array<i32>} : memref<10x128xf32, #tpu.memory_space<vmem>>, vector<1x16xf32>,
          %swap3A_114 = vector.shape_cast %swap3A_113 : vector<1x16xf32> to vector<16xf32>
          %swap3A_115 = vector.shape_cast %exp3A : vector<16xf32> to vector<1x16xf32>
          tpu.vector_store %arg14[%swap3A_111, %swap3A_112], %swap3A_115 {strides = array<i32>} : memref<10x128xf32, #tpu.memory_space<vmem>>, vector<1x16xf32>,
        }
        %scan3A_53 = arith.constant 80 : i32
        "tpu.region"() ({
          %run_scoped3A = tpu.sem_alloc : memref<!tpu.dma_semaphore, #tpu.memory_space<semaphore_mem>>
          %dma_start3A_60 = arith.constant 0 : i32
          %dma_start3A_61 = tpu.memref_slice %arg11[%scan3A_25, %dma_start3A_60] : memref<25x80xi32, #tpu.memory_space<vmem>> -> memref<1x80xi32, #tpu.memory_space<vmem>>
          %dma_start3A_62 = tpu.memref_squeeze %dma_start3A_61 : memref<1x80xi32, #tpu.memory_space<vmem>> -> memref<80xi32, #tpu.memory_space<vmem>>
          %dma_start3A_63 = arith.constant 0 : i32
          %dma_start3A_64 = arith.constant 0 : i32
          %dma_start3A_65 = tpu.memref_slice %arg16[%dma_start3A_63, %dma_start3A_64] : memref<10000x128xf32, #tpu.memory_space<vmem_shared>> -> memref<10000x128xf32, #tpu.memory_space<vmem_shared>>
          tpu.enqueue_indirect_dma source(%arg13 : memref<80x128xf32, #tpu.memory_space<vmem>>) target(%dma_start3A_65 : memref<10000x128xf32, #tpu.memory_space<vmem_shared>>) offsets(%dma_start3A_62 : memref<80xi32, #tpu.memory_space<vmem>>) semaphore(%run_scoped3A : memref<!tpu.dma_semaphore, #tpu.memory_space<semaphore_mem>>) {add = true}
          %dma_wait3A_66 = arith.constant 0 : i32
          %dma_wait3A_67 = tpu.memref_slice %arg11[%scan3A_25, %dma_wait3A_66] : memref<25x80xi32, #tpu.memory_space<vmem>> -> memref<1x80xi32, #tpu.memory_space<vmem>>
          %dma_wait3A_68 = tpu.memref_squeeze %dma_wait3A_67 : memref<1x80xi32, #tpu.memory_space<vmem>> -> memref<80xi32, #tpu.memory_space<vmem>>
          %dma_wait3A_69 = arith.constant 0 : i32
          %dma_wait3A_70 = arith.constant 0 : i32
          %dma_wait3A_71 = tpu.memref_slice %arg16[%dma_wait3A_69, %dma_wait3A_70] : memref<10000x128xf32, #tpu.memory_space<vmem_shared>> -> memref<10000x128xf32, #tpu.memory_space<vmem_shared>>
          tpu.wait_indirect_dma semaphore(%run_scoped3A : memref<!tpu.dma_semaphore, #tpu.memory_space<semaphore_mem>>) src(%arg13 : memref<80x128xf32, #tpu.memory_space<vmem>>) dst(%dma_wait3A_71 : memref<10000x128xf32, #tpu.memory_space<vmem_shared>>)
          tpu.yield
        }) : () -> ()
        %mul3A_54 = arith.constant 125 : i32
        %mul3A_55 = arith.muli %add3A, %mul3A_54 : i32
        %mul3A_56 = arith.constant 25 : i32
        %mul3A_57 = arith.muli %scan3A_18, %mul3A_56 : i32
        %add3A_58 = arith.addi %mul3A_55, %mul3A_57 : i32
        %add3A_59 = arith.addi %add3A_58, %scan3A_25 : i32
        "tpu.region"() ({
          %run_scoped3A = tpu.sem_alloc : memref<!tpu.dma_semaphore, #tpu.memory_space<semaphore_mem>>
          %dma_start3A_60 = arith.constant 0 : i32
          %dma_start3A_61 = arith.constant 0 : i32
          %dma_start3A_62 = tpu.memref_slice %arg9[%add3A_59, %dma_start3A_60, %dma_start3A_61] : memref<4000x10x128xf32, #tpu.memory_space<hbm>> -> memref<1x10x128xf32, #tpu.memory_space<hbm>>
          %dma_start3A_63 = tpu.memref_squeeze %dma_start3A_62 : memref<1x10x128xf32, #tpu.memory_space<hbm>> -> memref<10x128xf32, #tpu.memory_space<hbm>>
          %dma_start3A_64 = arith.constant 0 : i32
          %dma_start3A_65 = arith.constant 0 : i32
          %dma_start3A_66 = tpu.memref_slice %arg9[%add3A_59, %dma_start3A_64, %dma_start3A_65] : memref<4000x10x128xf32, #tpu.memory_space<hbm>> -> memref<1x10x128xf32, #tpu.memory_space<hbm>>
          %dma_start3A_67 = tpu.memref_squeeze %dma_start3A_66 : memref<1x10x128xf32, #tpu.memory_space<hbm>> -> memref<10x128xf32, #tpu.memory_space<hbm>>
          tpu.enqueue_dma source(%arg14 : memref<10x128xf32, #tpu.memory_space<vmem>>) target(%dma_start3A_67 : memref<10x128xf32, #tpu.memory_space<hbm>>) target_semaphore(%run_scoped3A : memref<!tpu.dma_semaphore, #tpu.memory_space<semaphore_mem>>)
          %dma_wait3A_68 = arith.constant 0 : i32
          %dma_wait3A_69 = arith.constant 0 : i32
          %dma_wait3A_70 = tpu.memref_slice %arg9[%add3A_59, %dma_wait3A_68, %dma_wait3A_69] : memref<4000x10x128xf32, #tpu.memory_space<hbm>> -> memref<1x10x128xf32, #tpu.memory_space<hbm>>
          %dma_wait3A_71 = tpu.memref_squeeze %dma_wait3A_70 : memref<1x10x128xf32, #tpu.memory_space<hbm>> -> memref<10x128xf32, #tpu.memory_space<hbm>>
          %dma_wait3A_72 = arith.constant 0 : i32
          %dma_wait3A_73 = arith.constant 0 : i32
          %dma_wait3A_74 = tpu.memref_slice %arg9[%add3A_59, %dma_wait3A_72, %dma_wait3A_73] : memref<4000x10x128xf32, #tpu.memory_space<hbm>> -> memref<1x10x128xf32, #tpu.memory_space<hbm>>
          %dma_wait3A_75 = tpu.memref_squeeze %dma_wait3A_74 : memref<1x10x128xf32, #tpu.memory_space<hbm>> -> memref<10x128xf32, #tpu.memory_space<hbm>>
          tpu.wait_dma2 semaphore(%run_scoped3A : memref<!tpu.dma_semaphore, #tpu.memory_space<semaphore_mem>>) src(%arg14 : memref<10x128xf32, #tpu.memory_space<vmem>>) dst(%dma_wait3A_75 : memref<10x128xf32, #tpu.memory_space<hbm>>)
          tpu.yield
        }) : () -> ()
      }
      %scan3A_24 = arith.constant 25 : i32
    }
    %scan3A_11 = arith.constant 5 : i32
    %barrier3A_12 = arith.constant 0 : index
    tpu.barrier barrier_id(%barrier3A_12)
    %lt3A_13 = arith.constant 10 : i32
    %lt3A_14 = arith.cmpi slt, %arg1, %lt3A_13 : i32
    %convert_element_type3A_15 = arith.extui %lt3A_14 : i1 to i32
    %cond3A_16 = arith.constant 0 : i32
    %cond3A_17 = arith.cmpi ne, %convert_element_type3A_15, %cond3A_16 : i32
    scf.if %cond3A_17 {
      %mul3A_18 = arith.constant 1000 : i32
      %mul3A_19 = arith.muli %arg1, %mul3A_18 : i32
      %mul3A_20 = arith.constant 1000 : i32
      %mul3A_21 = arith.muli %arg1, %mul3A_20 : i32
      "tpu.region"() ({
        %run_scoped3A = tpu.sem_alloc : memref<!tpu.dma_semaphore, #tpu.memory_space<semaphore_mem>>
        %dma_start3A = arith.constant 0 : i32
        %dma_start3A_22 = tpu.memref_slice %arg8[%arg0, %mul3A_21, %dma_start3A] : memref<2x10000x128xf32, #tpu.memory_space<hbm>> -> memref<1x1000x128xf32, #tpu.memory_space<hbm>>
        %dma_start3A_23 = tpu.memref_squeeze %dma_start3A_22 : memref<1x1000x128xf32, #tpu.memory_space<hbm>> -> memref<1000x128xf32, #tpu.memory_space<hbm>>
        %dma_start3A_24 = arith.constant 0 : i32
        %dma_start3A_25 = tpu.memref_slice %arg16[%mul3A_19, %dma_start3A_24] : memref<10000x128xf32, #tpu.memory_space<vmem_shared>> -> memref<1000x128xf32, #tpu.memory_space<vmem_shared>>
        tpu.enqueue_dma source(%dma_start3A_25 : memref<1000x128xf32, #tpu.memory_space<vmem_shared>>) target(%dma_start3A_23 : memref<1000x128xf32, #tpu.memory_space<hbm>>) target_semaphore(%run_scoped3A : memref<!tpu.dma_semaphore, #tpu.memory_space<semaphore_mem>>)
        %dma_wait3A = arith.constant 0 : i32
        %dma_wait3A_26 = tpu.memref_slice %arg8[%arg0, %mul3A_21, %dma_wait3A] : memref<2x10000x128xf32, #tpu.memory_space<hbm>> -> memref<1x1000x128xf32, #tpu.memory_space<hbm>>
        %dma_wait3A_27 = tpu.memref_squeeze %dma_wait3A_26 : memref<1x1000x128xf32, #tpu.memory_space<hbm>> -> memref<1000x128xf32, #tpu.memory_space<hbm>>
        %dma_wait3A_28 = arith.constant 0 : i32
        %dma_wait3A_29 = tpu.memref_slice %arg16[%mul3A_19, %dma_wait3A_28] : memref<10000x128xf32, #tpu.memory_space<vmem_shared>> -> memref<1000x128xf32, #tpu.memory_space<vmem_shared>>
        tpu.wait_dma2 semaphore(%run_scoped3A : memref<!tpu.dma_semaphore, #tpu.memory_space<semaphore_mem>>) src(%dma_wait3A_29 : memref<1000x128xf32, #tpu.memory_space<vmem_shared>>) dst(%dma_wait3A_27 : memref<1000x128xf32, #tpu.memory_space<hbm>>)
        tpu.yield
      }) : () -> ()
    } else {
    }
    return
  }
}

#map = affine_map<(d0, d1) -> (0, 0)>
#map1 = affine_map<(d0, d1) -> (0, 0, 0, 0)>
#map2 = affine_map<(d0, d1) -> (0, 0, 0)>
module attributes {stable_mosaic.version = 14 : i64} {
  func.func @sc_gat1(%arg0: i32, %arg1: i32, %arg2: memref<10000x128xf32, #tpu.memory_space<hbm>>, %arg3: memref<10000x128xf32, #tpu.memory_space<hbm>>, %arg4: memref<32x5x25x80xi32, #tpu.memory_space<hbm>>, %arg5: memref<32x5x25x80xi32, #tpu.memory_space<hbm>>, %arg6: memref<8x128xf32, #tpu.memory_space<hbm>>, %arg7: memref<1000x128xf32, #tpu.memory_space<hbm>>, %arg8: memref<2x10000x128xf32, #tpu.memory_space<hbm>>, %arg9: memref<4000x10x128xf32, #tpu.memory_space<hbm>>, %arg10: memref<25x80xi32, #tpu.memory_space<vmem>>, %arg11: memref<25x80xi32, #tpu.memory_space<vmem>>, %arg12: memref<80x128xf32, #tpu.memory_space<vmem>>, %arg13: memref<80x128xf32, #tpu.memory_space<vmem>>, %arg14: memref<10x128xf32, #tpu.memory_space<vmem>>, %arg15: memref<8x128xf32, #tpu.memory_space<vmem>>, %arg16: memref<10000x128xf32, #tpu.memory_space<vmem_shared>>, %arg17: memref<!tpu.dma_semaphore, #tpu.memory_space<semaphore_mem>>, %arg18: memref<!tpu.dma_semaphore, #tpu.memory_space<semaphore_mem>>) attributes {dimension_semantics = [#tpu.dimension_semantics<core_parallel>, #tpu.dimension_semantics<subcore_parallel>], iteration_bounds = array<i64: 2, 16>, scalar_prefetch = 0 : i64, scratch_operands = 9 : i64, tpu.core_type = #tpu.core_type<sc_vector_subcore>, window_params = [{transform_indices = #map}, {transform_indices = #map}, {transform_indices = #map1}, {transform_indices = #map1}, {transform_indices = #map}, {transform_indices = #map}, {transform_indices = #map2}, {transform_indices = #map2}]} {
    %mul3A = arith.constant 2 : i32
    %mul3A_0 = arith.muli %arg1, %mul3A : i32
    %add3A = arith.addi %mul3A_0, %arg0 : i32
    %lt3A = arith.constant 10 : i32
    %lt3A_1 = arith.cmpi slt, %arg1, %lt3A : i32
    %convert_element_type3A = arith.extui %lt3A_1 : i1 to i32
    %cond3A = arith.constant 0 : i32
    %cond3A_2 = arith.cmpi ne, %convert_element_type3A, %cond3A : i32
    scf.if %cond3A_2 {
      %mul3A_18 = arith.constant 1000 : i32
      %mul3A_19 = arith.muli %arg1, %mul3A_18 : i32
      "tpu.region"() ({
        %run_scoped3A = tpu.sem_alloc : memref<!tpu.dma_semaphore, #tpu.memory_space<semaphore_mem>>
        %dma_start3A = arith.constant 0 : i32
        %dma_start3A_20 = tpu.memref_slice %arg16[%mul3A_19, %dma_start3A] : memref<10000x128xf32, #tpu.memory_space<vmem_shared>> -> memref<1000x128xf32, #tpu.memory_space<vmem_shared>>
        tpu.enqueue_dma source(%arg7 : memref<1000x128xf32, #tpu.memory_space<hbm>>) target(%dma_start3A_20 : memref<1000x128xf32, #tpu.memory_space<vmem_shared>>) target_semaphore(%run_scoped3A : memref<!tpu.dma_semaphore, #tpu.memory_space<semaphore_mem>>)
        %dma_wait3A = arith.constant 0 : i32
        %dma_wait3A_21 = tpu.memref_slice %arg16[%mul3A_19, %dma_wait3A] : memref<10000x128xf32, #tpu.memory_space<vmem_shared>> -> memref<1000x128xf32, #tpu.memory_space<vmem_shared>>
        tpu.wait_dma2 semaphore(%run_scoped3A : memref<!tpu.dma_semaphore, #tpu.memory_space<semaphore_mem>>) src(%arg7 : memref<1000x128xf32, #tpu.memory_space<hbm>>) dst(%dma_wait3A_21 : memref<1000x128xf32, #tpu.memory_space<vmem_shared>>)
        tpu.yield
      }) : () -> ()
    } else {
    }
    "tpu.region"() ({
      %run_scoped3A = tpu.sem_alloc : memref<!tpu.dma_semaphore, #tpu.memory_space<semaphore_mem>>
      tpu.enqueue_dma source(%arg6 : memref<8x128xf32, #tpu.memory_space<hbm>>) target(%arg15 : memref<8x128xf32, #tpu.memory_space<vmem>>) target_semaphore(%run_scoped3A : memref<!tpu.dma_semaphore, #tpu.memory_space<semaphore_mem>>)
      tpu.wait_dma2 semaphore(%run_scoped3A : memref<!tpu.dma_semaphore, #tpu.memory_space<semaphore_mem>>) src(%arg6 : memref<8x128xf32, #tpu.memory_space<hbm>>) dst(%arg15 : memref<8x128xf32, #tpu.memory_space<vmem>>)
      tpu.yield
    }) : () -> ()
    %barrier3A = arith.constant 0 : index
    tpu.barrier barrier_id(%barrier3A)
    %get3A = arith.constant 0 : i32
    %get3A_3 = arith.index_cast %get3A : i32 to index
    %get3A_4 = arith.constant 0 : index
    %get3A_5 = tpu.vector_load %arg15[%get3A_3, %get3A_4] {strides = array<i32>} : memref<8x128xf32, #tpu.memory_space<vmem>>, vector<1x16xf32>,
    %get3A_6 = vector.shape_cast %get3A_5 : vector<1x16xf32> to vector<16xf32>
    %scan3A = arith.constant 0 : i32
    %scan3A_7 = arith.constant 0 : i32
    %scan3A_8 = arith.constant 5 : i32
    %scan3A_9 = arith.addi %scan3A_7, %scan3A_8 : i32
    %scan3A_10 = arith.constant 1 : i32
    scf.for %scan3A_18 = %scan3A_7 to %scan3A_9 step %scan3A_10  : i32 {
      "tpu.region"() ({
        %run_scoped3A = tpu.sem_alloc : memref<!tpu.dma_semaphore, #tpu.memory_space<semaphore_mem>>
        %dma_start3A = arith.constant 0 : i32
        %dma_start3A_25 = arith.constant 0 : i32
        %dma_start3A_26 = tpu.memref_slice %arg4[%add3A, %scan3A_18, %dma_start3A, %dma_start3A_25] : memref<32x5x25x80xi32, #tpu.memory_space<hbm>> -> memref<1x1x25x80xi32, #tpu.memory_space<hbm>>
        %dma_start3A_27 = tpu.memref_squeeze %dma_start3A_26 : memref<1x1x25x80xi32, #tpu.memory_space<hbm>> -> memref<25x80xi32, #tpu.memory_space<hbm>>
        %dma_start3A_28 = arith.constant 0 : i32
        %dma_start3A_29 = arith.constant 0 : i32
        %dma_start3A_30 = tpu.memref_slice %arg4[%add3A, %scan3A_18, %dma_start3A_28, %dma_start3A_29] : memref<32x5x25x80xi32, #tpu.memory_space<hbm>> -> memref<1x1x25x80xi32, #tpu.memory_space<hbm>>
        %dma_start3A_31 = tpu.memref_squeeze %dma_start3A_30 : memref<1x1x25x80xi32, #tpu.memory_space<hbm>> -> memref<25x80xi32, #tpu.memory_space<hbm>>
        tpu.enqueue_dma source(%dma_start3A_31 : memref<25x80xi32, #tpu.memory_space<hbm>>) target(%arg10 : memref<25x80xi32, #tpu.memory_space<vmem>>) target_semaphore(%run_scoped3A : memref<!tpu.dma_semaphore, #tpu.memory_space<semaphore_mem>>)
        %dma_wait3A = arith.constant 0 : i32
        %dma_wait3A_32 = arith.constant 0 : i32
        %dma_wait3A_33 = tpu.memref_slice %arg4[%add3A, %scan3A_18, %dma_wait3A, %dma_wait3A_32] : memref<32x5x25x80xi32, #tpu.memory_space<hbm>> -> memref<1x1x25x80xi32, #tpu.memory_space<hbm>>
        %dma_wait3A_34 = tpu.memref_squeeze %dma_wait3A_33 : memref<1x1x25x80xi32, #tpu.memory_space<hbm>> -> memref<25x80xi32, #tpu.memory_space<hbm>>
        %dma_wait3A_35 = arith.constant 0 : i32
        %dma_wait3A_36 = arith.constant 0 : i32
        %dma_wait3A_37 = tpu.memref_slice %arg4[%add3A, %scan3A_18, %dma_wait3A_35, %dma_wait3A_36] : memref<32x5x25x80xi32, #tpu.memory_space<hbm>> -> memref<1x1x25x80xi32, #tpu.memory_space<hbm>>
        %dma_wait3A_38 = tpu.memref_squeeze %dma_wait3A_37 : memref<1x1x25x80xi32, #tpu.memory_space<hbm>> -> memref<25x80xi32, #tpu.memory_space<hbm>>
        tpu.wait_dma2 semaphore(%run_scoped3A : memref<!tpu.dma_semaphore, #tpu.memory_space<semaphore_mem>>) src(%dma_wait3A_38 : memref<25x80xi32, #tpu.memory_space<hbm>>) dst(%arg10 : memref<25x80xi32, #tpu.memory_space<vmem>>)
        tpu.yield
      }) : () -> ()
      "tpu.region"() ({
        %run_scoped3A = tpu.sem_alloc : memref<!tpu.dma_semaphore, #tpu.memory_space<semaphore_mem>>
        %dma_start3A = arith.constant 0 : i32
        %dma_start3A_25 = arith.constant 0 : i32
        %dma_start3A_26 = tpu.memref_slice %arg5[%add3A, %scan3A_18, %dma_start3A, %dma_start3A_25] : memref<32x5x25x80xi32, #tpu.memory_space<hbm>> -> memref<1x1x25x80xi32, #tpu.memory_space<hbm>>
        %dma_start3A_27 = tpu.memref_squeeze %dma_start3A_26 : memref<1x1x25x80xi32, #tpu.memory_space<hbm>> -> memref<25x80xi32, #tpu.memory_space<hbm>>
        %dma_start3A_28 = arith.constant 0 : i32
        %dma_start3A_29 = arith.constant 0 : i32
        %dma_start3A_30 = tpu.memref_slice %arg5[%add3A, %scan3A_18, %dma_start3A_28, %dma_start3A_29] : memref<32x5x25x80xi32, #tpu.memory_space<hbm>> -> memref<1x1x25x80xi32, #tpu.memory_space<hbm>>
        %dma_start3A_31 = tpu.memref_squeeze %dma_start3A_30 : memref<1x1x25x80xi32, #tpu.memory_space<hbm>> -> memref<25x80xi32, #tpu.memory_space<hbm>>
        tpu.enqueue_dma source(%dma_start3A_31 : memref<25x80xi32, #tpu.memory_space<hbm>>) target(%arg11 : memref<25x80xi32, #tpu.memory_space<vmem>>) target_semaphore(%run_scoped3A : memref<!tpu.dma_semaphore, #tpu.memory_space<semaphore_mem>>)
        %dma_wait3A = arith.constant 0 : i32
        %dma_wait3A_32 = arith.constant 0 : i32
        %dma_wait3A_33 = tpu.memref_slice %arg5[%add3A, %scan3A_18, %dma_wait3A, %dma_wait3A_32] : memref<32x5x25x80xi32, #tpu.memory_space<hbm>> -> memref<1x1x25x80xi32, #tpu.memory_space<hbm>>
        %dma_wait3A_34 = tpu.memref_squeeze %dma_wait3A_33 : memref<1x1x25x80xi32, #tpu.memory_space<hbm>> -> memref<25x80xi32, #tpu.memory_space<hbm>>
        %dma_wait3A_35 = arith.constant 0 : i32
        %dma_wait3A_36 = arith.constant 0 : i32
        %dma_wait3A_37 = tpu.memref_slice %arg5[%add3A, %scan3A_18, %dma_wait3A_35, %dma_wait3A_36] : memref<32x5x25x80xi32, #tpu.memory_space<hbm>> -> memref<1x1x25x80xi32, #tpu.memory_space<hbm>>
        %dma_wait3A_38 = tpu.memref_squeeze %dma_wait3A_37 : memref<1x1x25x80xi32, #tpu.memory_space<hbm>> -> memref<25x80xi32, #tpu.memory_space<hbm>>
        tpu.wait_dma2 semaphore(%run_scoped3A : memref<!tpu.dma_semaphore, #tpu.memory_space<semaphore_mem>>) src(%dma_wait3A_38 : memref<25x80xi32, #tpu.memory_space<hbm>>) dst(%arg11 : memref<25x80xi32, #tpu.memory_space<vmem>>)
        tpu.yield
      }) : () -> ()
      %scan3A_19 = arith.constant 0 : i32
      %scan3A_20 = arith.constant 0 : i32
      %scan3A_21 = arith.constant 25 : i32
      %scan3A_22 = arith.addi %scan3A_20, %scan3A_21 : i32
      %scan3A_23 = arith.constant 1 : i32
      scf.for %scan3A_25 = %scan3A_20 to %scan3A_22 step %scan3A_23  : i32 {
        %dma_start3A = arith.constant 0 : i32
        %dma_start3A_26 = tpu.memref_slice %arg10[%scan3A_25, %dma_start3A] : memref<25x80xi32, #tpu.memory_space<vmem>> -> memref<1x80xi32, #tpu.memory_space<vmem>>
        %dma_start3A_27 = tpu.memref_squeeze %dma_start3A_26 : memref<1x80xi32, #tpu.memory_space<vmem>> -> memref<80xi32, #tpu.memory_space<vmem>>
        %dma_start3A_28 = arith.constant 0 : i32
        %dma_start3A_29 = arith.constant 0 : i32
        %dma_start3A_30 = tpu.memref_slice %arg2[%dma_start3A_28, %dma_start3A_29] : memref<10000x128xf32, #tpu.memory_space<hbm>> -> memref<10000x128xf32, #tpu.memory_space<hbm>>
        tpu.enqueue_indirect_dma source(%dma_start3A_30 : memref<10000x128xf32, #tpu.memory_space<hbm>>) target(%arg12 : memref<80x128xf32, #tpu.memory_space<vmem>>) offsets(%dma_start3A_27 : memref<80xi32, #tpu.memory_space<vmem>>) semaphore(%arg17 : memref<!tpu.dma_semaphore, #tpu.memory_space<semaphore_mem>>)
        %dma_start3A_31 = arith.constant 0 : i32
        %dma_start3A_32 = tpu.memref_slice %arg11[%scan3A_25, %dma_start3A_31] : memref<25x80xi32, #tpu.memory_space<vmem>> -> memref<1x80xi32, #tpu.memory_space<vmem>>
        %dma_start3A_33 = tpu.memref_squeeze %dma_start3A_32 : memref<1x80xi32, #tpu.memory_space<vmem>> -> memref<80xi32, #tpu.memory_space<vmem>>
        %dma_start3A_34 = arith.constant 0 : i32
        %dma_start3A_35 = arith.constant 0 : i32
        %dma_start3A_36 = tpu.memref_slice %arg3[%dma_start3A_34, %dma_start3A_35] : memref<10000x128xf32, #tpu.memory_space<hbm>> -> memref<10000x128xf32, #tpu.memory_space<hbm>>
        tpu.enqueue_indirect_dma source(%dma_start3A_36 : memref<10000x128xf32, #tpu.memory_space<hbm>>) target(%arg13 : memref<80x128xf32, #tpu.memory_space<vmem>>) offsets(%dma_start3A_33 : memref<80xi32, #tpu.memory_space<vmem>>) semaphore(%arg18 : memref<!tpu.dma_semaphore, #tpu.memory_space<semaphore_mem>>)
        %dma_wait3A = arith.constant 0 : i32
        %dma_wait3A_37 = tpu.memref_slice %arg10[%scan3A_25, %dma_wait3A] : memref<25x80xi32, #tpu.memory_space<vmem>> -> memref<1x80xi32, #tpu.memory_space<vmem>>
        %dma_wait3A_38 = tpu.memref_squeeze %dma_wait3A_37 : memref<1x80xi32, #tpu.memory_space<vmem>> -> memref<80xi32, #tpu.memory_space<vmem>>
        %dma_wait3A_39 = arith.constant 0 : i32
        %dma_wait3A_40 = arith.constant 0 : i32
        %dma_wait3A_41 = tpu.memref_slice %arg2[%dma_wait3A_39, %dma_wait3A_40] : memref<10000x128xf32, #tpu.memory_space<hbm>> -> memref<10000x128xf32, #tpu.memory_space<hbm>>
        tpu.wait_indirect_dma semaphore(%arg17 : memref<!tpu.dma_semaphore, #tpu.memory_space<semaphore_mem>>) src(%dma_wait3A_41 : memref<10000x128xf32, #tpu.memory_space<hbm>>) dst(%arg12 : memref<80x128xf32, #tpu.memory_space<vmem>>)
        %dma_wait3A_42 = arith.constant 0 : i32
        %dma_wait3A_43 = tpu.memref_slice %arg11[%scan3A_25, %dma_wait3A_42] : memref<25x80xi32, #tpu.memory_space<vmem>> -> memref<1x80xi32, #tpu.memory_space<vmem>>
        %dma_wait3A_44 = tpu.memref_squeeze %dma_wait3A_43 : memref<1x80xi32, #tpu.memory_space<vmem>> -> memref<80xi32, #tpu.memory_space<vmem>>
        %dma_wait3A_45 = arith.constant 0 : i32
        %dma_wait3A_46 = arith.constant 0 : i32
        %dma_wait3A_47 = tpu.memref_slice %arg3[%dma_wait3A_45, %dma_wait3A_46] : memref<10000x128xf32, #tpu.memory_space<hbm>> -> memref<10000x128xf32, #tpu.memory_space<hbm>>
        tpu.wait_indirect_dma semaphore(%arg18 : memref<!tpu.dma_semaphore, #tpu.memory_space<semaphore_mem>>) src(%dma_wait3A_47 : memref<10000x128xf32, #tpu.memory_space<hbm>>) dst(%arg13 : memref<80x128xf32, #tpu.memory_space<vmem>>)
        %scan3A_48 = arith.constant 0 : i32
        %scan3A_49 = arith.constant 0 : i32
        %scan3A_50 = arith.constant 80 : i32
        %scan3A_51 = arith.addi %scan3A_49, %scan3A_50 : i32
        %scan3A_52 = arith.constant 1 : i32
        scf.for %scan3A_60 = %scan3A_49 to %scan3A_51 step %scan3A_52  : i32 {
          %get3A_61 = arith.index_cast %scan3A_60 : i32 to index
          %get3A_62 = arith.constant 0 : index
          %get3A_63 = tpu.vector_load %arg12[%get3A_61, %get3A_62] {strides = array<i32>} : memref<80x128xf32, #tpu.memory_space<vmem>>, vector<1x16xf32>,
          %get3A_64 = vector.shape_cast %get3A_63 : vector<1x16xf32> to vector<16xf32>
          %get3A_65 = arith.index_cast %scan3A_60 : i32 to index
          %get3A_66 = arith.constant 0 : index
          %get3A_67 = tpu.vector_load %arg13[%get3A_65, %get3A_66] {strides = array<i32>} : memref<80x128xf32, #tpu.memory_space<vmem>>, vector<1x16xf32>,
          %get3A_68 = vector.shape_cast %get3A_67 : vector<1x16xf32> to vector<16xf32>
          %add3A_69 = arith.addf %get3A_64, %get3A_68 : vector<16xf32>
          %mul3A_70 = arith.constant 2.000000e-01 : f32
          %mul3A_71 = vector.broadcast %mul3A_70 : f32 to vector<16xf32>
          %mul3A_72 = arith.mulf %mul3A_71, %add3A_69 : vector<16xf32>
          %max3A = arith.maximumf %add3A_69, %mul3A_72 : vector<16xf32>
          %sub3A = arith.subf %max3A, %get3A_6 : vector<16xf32>
          %exp3A = math.exp %sub3A : vector<16xf32>
          %swap3A = arith.index_cast %scan3A_60 : i32 to index
          %swap3A_73 = arith.constant 0 : index
          %swap3A_74 = tpu.vector_load %arg13[%swap3A, %swap3A_73] {strides = array<i32>} : memref<80x128xf32, #tpu.memory_space<vmem>>, vector<1x16xf32>,
          %swap3A_75 = vector.shape_cast %swap3A_74 : vector<1x16xf32> to vector<16xf32>
          %swap3A_76 = vector.shape_cast %exp3A : vector<16xf32> to vector<1x16xf32>
          tpu.vector_store %arg13[%swap3A, %swap3A_73], %swap3A_76 {strides = array<i32>} : memref<80x128xf32, #tpu.memory_space<vmem>>, vector<1x16xf32>,
          %jit3A = arith.constant 8 : i32
          %div3A = arith.divsi %scan3A_60, %jit3A : i32
          %sign3A = arith.constant 0 : i32
          %sign3A_77 = arith.cmpi sgt, %scan3A_60, %sign3A : i32
          %sign3A_78 = arith.extui %sign3A_77 : i1 to i32
          %sign3A_79 = arith.constant 0 : i32
          %sign3A_80 = arith.cmpi slt, %scan3A_60, %sign3A_79 : i32
          %sign3A_81 = arith.extui %sign3A_80 : i1 to i32
          %sign3A_82 = arith.subi %sign3A_78, %sign3A_81 : i32
          %sign3A_83 = arith.constant 0 : i32
          %sign3A_84 = arith.cmpi sgt, %jit3A, %sign3A_83 : i32
          %sign3A_85 = arith.extui %sign3A_84 : i1 to i32
          %sign3A_86 = arith.constant 0 : i32
          %sign3A_87 = arith.cmpi slt, %jit3A, %sign3A_86 : i32
          %sign3A_88 = arith.extui %sign3A_87 : i1 to i32
          %sign3A_89 = arith.subi %sign3A_85, %sign3A_88 : i32
          %ne3A = arith.cmpi ne, %sign3A_82, %sign3A_89 : i32
          %rem3A = arith.remsi %scan3A_60, %jit3A : i32
          %ne3A_90 = arith.constant 0 : i32
          %ne3A_91 = arith.cmpi ne, %rem3A, %ne3A_90 : i32
          %and3A = arith.andi %ne3A, %ne3A_91 : i1
          %sub3A_92 = arith.constant 1 : i32
          %sub3A_93 = arith.subi %div3A, %sub3A_92 : i32
          %select_n3A = arith.select %and3A, %sub3A_93, %div3A : i32
          %jit3A_94 = arith.constant 8 : i32
          %eq3A = arith.constant 0 : i32
          %eq3A_95 = arith.cmpi eq, %jit3A_94, %eq3A : i32
          %jit3A_96 = arith.constant 1 : i32
          %select_n3A_97 = arith.select %eq3A_95, %jit3A_96, %jit3A_94 : i32
          %rem3A_98 = arith.remsi %scan3A_60, %select_n3A_97 : i32
          %ne3A_99 = arith.constant 0 : i32
          %ne3A_100 = arith.cmpi ne, %rem3A_98, %ne3A_99 : i32
          %lt3A_101 = arith.constant 0 : i32
          %lt3A_102 = arith.cmpi slt, %rem3A_98, %lt3A_101 : i32
          %lt3A_103 = arith.constant 0 : i32
          %lt3A_104 = arith.cmpi slt, %select_n3A_97, %lt3A_103 : i32
          %ne3A_105 = arith.xori %lt3A_102, %lt3A_104 : i1
          %and3A_106 = arith.andi %ne3A_105, %ne3A_100 : i1
          %add3A_107 = arith.addi %rem3A_98, %select_n3A_97 : i32
          %select_n3A_108 = arith.select %and3A_106, %add3A_107, %rem3A_98 : i32
          %mul3A_109 = arith.constant 16 : i32
          %mul3A_110 = arith.muli %select_n3A_108, %mul3A_109 : i32
          %swap3A_111 = arith.index_cast %select_n3A : i32 to index
          %swap3A_112 = arith.index_cast %mul3A_110 : i32 to index
          %swap3A_113 = tpu.vector_load %arg14[%swap3A_111, %swap3A_112] {strides = array<i32>} : memref<10x128xf32, #tpu.memory_space<vmem>>, vector<1x16xf32>,
          %swap3A_114 = vector.shape_cast %swap3A_113 : vector<1x16xf32> to vector<16xf32>
          %swap3A_115 = vector.shape_cast %exp3A : vector<16xf32> to vector<1x16xf32>
          tpu.vector_store %arg14[%swap3A_111, %swap3A_112], %swap3A_115 {strides = array<i32>} : memref<10x128xf32, #tpu.memory_space<vmem>>, vector<1x16xf32>,
        }
        %scan3A_53 = arith.constant 80 : i32
        "tpu.region"() ({
          %run_scoped3A = tpu.sem_alloc : memref<!tpu.dma_semaphore, #tpu.memory_space<semaphore_mem>>
          %dma_start3A_60 = arith.constant 0 : i32
          %dma_start3A_61 = tpu.memref_slice %arg11[%scan3A_25, %dma_start3A_60] : memref<25x80xi32, #tpu.memory_space<vmem>> -> memref<1x80xi32, #tpu.memory_space<vmem>>
          %dma_start3A_62 = tpu.memref_squeeze %dma_start3A_61 : memref<1x80xi32, #tpu.memory_space<vmem>> -> memref<80xi32, #tpu.memory_space<vmem>>
          %dma_start3A_63 = arith.constant 0 : i32
          %dma_start3A_64 = arith.constant 0 : i32
          %dma_start3A_65 = tpu.memref_slice %arg16[%dma_start3A_63, %dma_start3A_64] : memref<10000x128xf32, #tpu.memory_space<vmem_shared>> -> memref<10000x128xf32, #tpu.memory_space<vmem_shared>>
          tpu.enqueue_indirect_dma source(%arg13 : memref<80x128xf32, #tpu.memory_space<vmem>>) target(%dma_start3A_65 : memref<10000x128xf32, #tpu.memory_space<vmem_shared>>) offsets(%dma_start3A_62 : memref<80xi32, #tpu.memory_space<vmem>>) semaphore(%run_scoped3A : memref<!tpu.dma_semaphore, #tpu.memory_space<semaphore_mem>>) {add = true}
          %dma_wait3A_66 = arith.constant 0 : i32
          %dma_wait3A_67 = tpu.memref_slice %arg11[%scan3A_25, %dma_wait3A_66] : memref<25x80xi32, #tpu.memory_space<vmem>> -> memref<1x80xi32, #tpu.memory_space<vmem>>
          %dma_wait3A_68 = tpu.memref_squeeze %dma_wait3A_67 : memref<1x80xi32, #tpu.memory_space<vmem>> -> memref<80xi32, #tpu.memory_space<vmem>>
          %dma_wait3A_69 = arith.constant 0 : i32
          %dma_wait3A_70 = arith.constant 0 : i32
          %dma_wait3A_71 = tpu.memref_slice %arg16[%dma_wait3A_69, %dma_wait3A_70] : memref<10000x128xf32, #tpu.memory_space<vmem_shared>> -> memref<10000x128xf32, #tpu.memory_space<vmem_shared>>
          tpu.wait_indirect_dma semaphore(%run_scoped3A : memref<!tpu.dma_semaphore, #tpu.memory_space<semaphore_mem>>) src(%arg13 : memref<80x128xf32, #tpu.memory_space<vmem>>) dst(%dma_wait3A_71 : memref<10000x128xf32, #tpu.memory_space<vmem_shared>>)
          tpu.yield
        }) : () -> ()
        %mul3A_54 = arith.constant 125 : i32
        %mul3A_55 = arith.muli %add3A, %mul3A_54 : i32
        %mul3A_56 = arith.constant 25 : i32
        %mul3A_57 = arith.muli %scan3A_18, %mul3A_56 : i32
        %add3A_58 = arith.addi %mul3A_55, %mul3A_57 : i32
        %add3A_59 = arith.addi %add3A_58, %scan3A_25 : i32
        "tpu.region"() ({
          %run_scoped3A = tpu.sem_alloc : memref<!tpu.dma_semaphore, #tpu.memory_space<semaphore_mem>>
          %dma_start3A_60 = arith.constant 0 : i32
          %dma_start3A_61 = arith.constant 0 : i32
          %dma_start3A_62 = tpu.memref_slice %arg9[%add3A_59, %dma_start3A_60, %dma_start3A_61] : memref<4000x10x128xf32, #tpu.memory_space<hbm>> -> memref<1x10x128xf32, #tpu.memory_space<hbm>>
          %dma_start3A_63 = tpu.memref_squeeze %dma_start3A_62 : memref<1x10x128xf32, #tpu.memory_space<hbm>> -> memref<10x128xf32, #tpu.memory_space<hbm>>
          %dma_start3A_64 = arith.constant 0 : i32
          %dma_start3A_65 = arith.constant 0 : i32
          %dma_start3A_66 = tpu.memref_slice %arg9[%add3A_59, %dma_start3A_64, %dma_start3A_65] : memref<4000x10x128xf32, #tpu.memory_space<hbm>> -> memref<1x10x128xf32, #tpu.memory_space<hbm>>
          %dma_start3A_67 = tpu.memref_squeeze %dma_start3A_66 : memref<1x10x128xf32, #tpu.memory_space<hbm>> -> memref<10x128xf32, #tpu.memory_space<hbm>>
          tpu.enqueue_dma source(%arg14 : memref<10x128xf32, #tpu.memory_space<vmem>>) target(%dma_start3A_67 : memref<10x128xf32, #tpu.memory_space<hbm>>) target_semaphore(%run_scoped3A : memref<!tpu.dma_semaphore, #tpu.memory_space<semaphore_mem>>)
          %dma_wait3A_68 = arith.constant 0 : i32
          %dma_wait3A_69 = arith.constant 0 : i32
          %dma_wait3A_70 = tpu.memref_slice %arg9[%add3A_59, %dma_wait3A_68, %dma_wait3A_69] : memref<4000x10x128xf32, #tpu.memory_space<hbm>> -> memref<1x10x128xf32, #tpu.memory_space<hbm>>
          %dma_wait3A_71 = tpu.memref_squeeze %dma_wait3A_70 : memref<1x10x128xf32, #tpu.memory_space<hbm>> -> memref<10x128xf32, #tpu.memory_space<hbm>>
          %dma_wait3A_72 = arith.constant 0 : i32
          %dma_wait3A_73 = arith.constant 0 : i32
          %dma_wait3A_74 = tpu.memref_slice %arg9[%add3A_59, %dma_wait3A_72, %dma_wait3A_73] : memref<4000x10x128xf32, #tpu.memory_space<hbm>> -> memref<1x10x128xf32, #tpu.memory_space<hbm>>
          %dma_wait3A_75 = tpu.memref_squeeze %dma_wait3A_74 : memref<1x10x128xf32, #tpu.memory_space<hbm>> -> memref<10x128xf32, #tpu.memory_space<hbm>>
          tpu.wait_dma2 semaphore(%run_scoped3A : memref<!tpu.dma_semaphore, #tpu.memory_space<semaphore_mem>>) src(%arg14 : memref<10x128xf32, #tpu.memory_space<vmem>>) dst(%dma_wait3A_75 : memref<10x128xf32, #tpu.memory_space<hbm>>)
          tpu.yield
        }) : () -> ()
      }
      %scan3A_24 = arith.constant 25 : i32
    }
    %scan3A_11 = arith.constant 5 : i32
    %barrier3A_12 = arith.constant 0 : index
    tpu.barrier barrier_id(%barrier3A_12)
    %lt3A_13 = arith.constant 10 : i32
    %lt3A_14 = arith.cmpi slt, %arg1, %lt3A_13 : i32
    %convert_element_type3A_15 = arith.extui %lt3A_14 : i1 to i32
    %cond3A_16 = arith.constant 0 : i32
    %cond3A_17 = arith.cmpi ne, %convert_element_type3A_15, %cond3A_16 : i32
    scf.if %cond3A_17 {
      %mul3A_18 = arith.constant 1000 : i32
      %mul3A_19 = arith.muli %arg1, %mul3A_18 : i32
      %mul3A_20 = arith.constant 1000 : i32
      %mul3A_21 = arith.muli %arg1, %mul3A_20 : i32
      "tpu.region"() ({
        %run_scoped3A = tpu.sem_alloc : memref<!tpu.dma_semaphore, #tpu.memory_space<semaphore_mem>>
        %dma_start3A = arith.constant 0 : i32
        %dma_start3A_22 = tpu.memref_slice %arg8[%arg0, %mul3A_21, %dma_start3A] : memref<2x10000x128xf32, #tpu.memory_space<hbm>> -> memref<1x1000x128xf32, #tpu.memory_space<hbm>>
        %dma_start3A_23 = tpu.memref_squeeze %dma_start3A_22 : memref<1x1000x128xf32, #tpu.memory_space<hbm>> -> memref<1000x128xf32, #tpu.memory_space<hbm>>
        %dma_start3A_24 = arith.constant 0 : i32
        %dma_start3A_25 = tpu.memref_slice %arg16[%mul3A_19, %dma_start3A_24] : memref<10000x128xf32, #tpu.memory_space<vmem_shared>> -> memref<1000x128xf32, #tpu.memory_space<vmem_shared>>
        tpu.enqueue_dma source(%dma_start3A_25 : memref<1000x128xf32, #tpu.memory_space<vmem_shared>>) target(%dma_start3A_23 : memref<1000x128xf32, #tpu.memory_space<hbm>>) target_semaphore(%run_scoped3A : memref<!tpu.dma_semaphore, #tpu.memory_space<semaphore_mem>>)
        %dma_wait3A = arith.constant 0 : i32
        %dma_wait3A_26 = tpu.memref_slice %arg8[%arg0, %mul3A_21, %dma_wait3A] : memref<2x10000x128xf32, #tpu.memory_space<hbm>> -> memref<1x1000x128xf32, #tpu.memory_space<hbm>>
        %dma_wait3A_27 = tpu.memref_squeeze %dma_wait3A_26 : memref<1x1000x128xf32, #tpu.memory_space<hbm>> -> memref<1000x128xf32, #tpu.memory_space<hbm>>
        %dma_wait3A_28 = arith.constant 0 : i32
        %dma_wait3A_29 = tpu.memref_slice %arg16[%mul3A_19, %dma_wait3A_28] : memref<10000x128xf32, #tpu.memory_space<vmem_shared>> -> memref<1000x128xf32, #tpu.memory_space<vmem_shared>>
        tpu.wait_dma2 semaphore(%run_scoped3A : memref<!tpu.dma_semaphore, #tpu.memory_space<semaphore_mem>>) src(%dma_wait3A_29 : memref<1000x128xf32, #tpu.memory_space<vmem_shared>>) dst(%dma_wait3A_27 : memref<1000x128xf32, #tpu.memory_space<hbm>>)
        tpu.yield
      }) : () -> ()
    } else {
    }
    return
  }
}

#map = affine_map<(d0, d1) -> (0, 0)>
#map1 = affine_map<(d0, d1) -> (0, 0, 0)>
#map2 = affine_map<(d0, d1) -> (0, 0, 0, 0)>
module attributes {stable_mosaic.version = 14 : i64} {
  func.func @sc_gat2(%arg0: i32, %arg1: i32, %arg2: memref<10000x128xf32, #tpu.memory_space<hbm>>, %arg3: memref<4000x10x128xf32, #tpu.memory_space<hbm>>, %arg4: memref<32x5x25x80xi32, #tpu.memory_space<hbm>>, %arg5: memref<32x5x25x80xi32, #tpu.memory_space<hbm>>, %arg6: memref<1000x128xf32, #tpu.memory_space<hbm>>, %arg7: memref<2x10000x128xf32, #tpu.memory_space<hbm>>, %arg8: memref<25x80xi32, #tpu.memory_space<vmem>>, %arg9: memref<25x80xi32, #tpu.memory_space<vmem>>, %arg10: memref<80x128xf32, #tpu.memory_space<vmem>>, %arg11: memref<10x128xf32, #tpu.memory_space<vmem>>, %arg12: memref<10000x128xf32, #tpu.memory_space<vmem_shared>>, %arg13: memref<!tpu.dma_semaphore, #tpu.memory_space<semaphore_mem>>) attributes {dimension_semantics = [#tpu.dimension_semantics<core_parallel>, #tpu.dimension_semantics<subcore_parallel>], iteration_bounds = array<i64: 2, 16>, scalar_prefetch = 0 : i64, scratch_operands = 6 : i64, tpu.core_type = #tpu.core_type<sc_vector_subcore>, window_params = [{transform_indices = #map}, {transform_indices = #map1}, {transform_indices = #map2}, {transform_indices = #map2}, {transform_indices = #map}, {transform_indices = #map1}]} {
    %mul3A = arith.constant 2 : i32
    %mul3A_0 = arith.muli %arg1, %mul3A : i32
    %add3A = arith.addi %mul3A_0, %arg0 : i32
    %lt3A = arith.constant 10 : i32
    %lt3A_1 = arith.cmpi slt, %arg1, %lt3A : i32
    %convert_element_type3A = arith.extui %lt3A_1 : i1 to i32
    %cond3A = arith.constant 0 : i32
    %cond3A_2 = arith.cmpi ne, %convert_element_type3A, %cond3A : i32
    scf.if %cond3A_2 {
      %mul3A_14 = arith.constant 1000 : i32
      %mul3A_15 = arith.muli %arg1, %mul3A_14 : i32
      "tpu.region"() ({
        %run_scoped3A = tpu.sem_alloc : memref<!tpu.dma_semaphore, #tpu.memory_space<semaphore_mem>>
        %dma_start3A = arith.constant 0 : i32
        %dma_start3A_16 = tpu.memref_slice %arg12[%mul3A_15, %dma_start3A] : memref<10000x128xf32, #tpu.memory_space<vmem_shared>> -> memref<1000x128xf32, #tpu.memory_space<vmem_shared>>
        tpu.enqueue_dma source(%arg6 : memref<1000x128xf32, #tpu.memory_space<hbm>>) target(%dma_start3A_16 : memref<1000x128xf32, #tpu.memory_space<vmem_shared>>) target_semaphore(%run_scoped3A : memref<!tpu.dma_semaphore, #tpu.memory_space<semaphore_mem>>)
        %dma_wait3A = arith.constant 0 : i32
        %dma_wait3A_17 = tpu.memref_slice %arg12[%mul3A_15, %dma_wait3A] : memref<10000x128xf32, #tpu.memory_space<vmem_shared>> -> memref<1000x128xf32, #tpu.memory_space<vmem_shared>>
        tpu.wait_dma2 semaphore(%run_scoped3A : memref<!tpu.dma_semaphore, #tpu.memory_space<semaphore_mem>>) src(%arg6 : memref<1000x128xf32, #tpu.memory_space<hbm>>) dst(%dma_wait3A_17 : memref<1000x128xf32, #tpu.memory_space<vmem_shared>>)
        tpu.yield
      }) : () -> ()
    } else {
    }
    %barrier3A = arith.constant 0 : index
    tpu.barrier barrier_id(%barrier3A)
    %scan3A = arith.constant 0 : i32
    %scan3A_3 = arith.constant 0 : i32
    %scan3A_4 = arith.constant 5 : i32
    %scan3A_5 = arith.addi %scan3A_3, %scan3A_4 : i32
    %scan3A_6 = arith.constant 1 : i32
    scf.for %scan3A_14 = %scan3A_3 to %scan3A_5 step %scan3A_6  : i32 {
      "tpu.region"() ({
        %run_scoped3A = tpu.sem_alloc : memref<!tpu.dma_semaphore, #tpu.memory_space<semaphore_mem>>
        %dma_start3A = arith.constant 0 : i32
        %dma_start3A_21 = arith.constant 0 : i32
        %dma_start3A_22 = tpu.memref_slice %arg4[%add3A, %scan3A_14, %dma_start3A, %dma_start3A_21] : memref<32x5x25x80xi32, #tpu.memory_space<hbm>> -> memref<1x1x25x80xi32, #tpu.memory_space<hbm>>
        %dma_start3A_23 = tpu.memref_squeeze %dma_start3A_22 : memref<1x1x25x80xi32, #tpu.memory_space<hbm>> -> memref<25x80xi32, #tpu.memory_space<hbm>>
        %dma_start3A_24 = arith.constant 0 : i32
        %dma_start3A_25 = arith.constant 0 : i32
        %dma_start3A_26 = tpu.memref_slice %arg4[%add3A, %scan3A_14, %dma_start3A_24, %dma_start3A_25] : memref<32x5x25x80xi32, #tpu.memory_space<hbm>> -> memref<1x1x25x80xi32, #tpu.memory_space<hbm>>
        %dma_start3A_27 = tpu.memref_squeeze %dma_start3A_26 : memref<1x1x25x80xi32, #tpu.memory_space<hbm>> -> memref<25x80xi32, #tpu.memory_space<hbm>>
        tpu.enqueue_dma source(%dma_start3A_27 : memref<25x80xi32, #tpu.memory_space<hbm>>) target(%arg8 : memref<25x80xi32, #tpu.memory_space<vmem>>) target_semaphore(%run_scoped3A : memref<!tpu.dma_semaphore, #tpu.memory_space<semaphore_mem>>)
        %dma_wait3A = arith.constant 0 : i32
        %dma_wait3A_28 = arith.constant 0 : i32
        %dma_wait3A_29 = tpu.memref_slice %arg4[%add3A, %scan3A_14, %dma_wait3A, %dma_wait3A_28] : memref<32x5x25x80xi32, #tpu.memory_space<hbm>> -> memref<1x1x25x80xi32, #tpu.memory_space<hbm>>
        %dma_wait3A_30 = tpu.memref_squeeze %dma_wait3A_29 : memref<1x1x25x80xi32, #tpu.memory_space<hbm>> -> memref<25x80xi32, #tpu.memory_space<hbm>>
        %dma_wait3A_31 = arith.constant 0 : i32
        %dma_wait3A_32 = arith.constant 0 : i32
        %dma_wait3A_33 = tpu.memref_slice %arg4[%add3A, %scan3A_14, %dma_wait3A_31, %dma_wait3A_32] : memref<32x5x25x80xi32, #tpu.memory_space<hbm>> -> memref<1x1x25x80xi32, #tpu.memory_space<hbm>>
        %dma_wait3A_34 = tpu.memref_squeeze %dma_wait3A_33 : memref<1x1x25x80xi32, #tpu.memory_space<hbm>> -> memref<25x80xi32, #tpu.memory_space<hbm>>
        tpu.wait_dma2 semaphore(%run_scoped3A : memref<!tpu.dma_semaphore, #tpu.memory_space<semaphore_mem>>) src(%dma_wait3A_34 : memref<25x80xi32, #tpu.memory_space<hbm>>) dst(%arg8 : memref<25x80xi32, #tpu.memory_space<vmem>>)
        tpu.yield
      }) : () -> ()
      "tpu.region"() ({
        %run_scoped3A = tpu.sem_alloc : memref<!tpu.dma_semaphore, #tpu.memory_space<semaphore_mem>>
        %dma_start3A = arith.constant 0 : i32
        %dma_start3A_21 = arith.constant 0 : i32
        %dma_start3A_22 = tpu.memref_slice %arg5[%add3A, %scan3A_14, %dma_start3A, %dma_start3A_21] : memref<32x5x25x80xi32, #tpu.memory_space<hbm>> -> memref<1x1x25x80xi32, #tpu.memory_space<hbm>>
        %dma_start3A_23 = tpu.memref_squeeze %dma_start3A_22 : memref<1x1x25x80xi32, #tpu.memory_space<hbm>> -> memref<25x80xi32, #tpu.memory_space<hbm>>
        %dma_start3A_24 = arith.constant 0 : i32
        %dma_start3A_25 = arith.constant 0 : i32
        %dma_start3A_26 = tpu.memref_slice %arg5[%add3A, %scan3A_14, %dma_start3A_24, %dma_start3A_25] : memref<32x5x25x80xi32, #tpu.memory_space<hbm>> -> memref<1x1x25x80xi32, #tpu.memory_space<hbm>>
        %dma_start3A_27 = tpu.memref_squeeze %dma_start3A_26 : memref<1x1x25x80xi32, #tpu.memory_space<hbm>> -> memref<25x80xi32, #tpu.memory_space<hbm>>
        tpu.enqueue_dma source(%dma_start3A_27 : memref<25x80xi32, #tpu.memory_space<hbm>>) target(%arg9 : memref<25x80xi32, #tpu.memory_space<vmem>>) target_semaphore(%run_scoped3A : memref<!tpu.dma_semaphore, #tpu.memory_space<semaphore_mem>>)
        %dma_wait3A = arith.constant 0 : i32
        %dma_wait3A_28 = arith.constant 0 : i32
        %dma_wait3A_29 = tpu.memref_slice %arg5[%add3A, %scan3A_14, %dma_wait3A, %dma_wait3A_28] : memref<32x5x25x80xi32, #tpu.memory_space<hbm>> -> memref<1x1x25x80xi32, #tpu.memory_space<hbm>>
        %dma_wait3A_30 = tpu.memref_squeeze %dma_wait3A_29 : memref<1x1x25x80xi32, #tpu.memory_space<hbm>> -> memref<25x80xi32, #tpu.memory_space<hbm>>
        %dma_wait3A_31 = arith.constant 0 : i32
        %dma_wait3A_32 = arith.constant 0 : i32
        %dma_wait3A_33 = tpu.memref_slice %arg5[%add3A, %scan3A_14, %dma_wait3A_31, %dma_wait3A_32] : memref<32x5x25x80xi32, #tpu.memory_space<hbm>> -> memref<1x1x25x80xi32, #tpu.memory_space<hbm>>
        %dma_wait3A_34 = tpu.memref_squeeze %dma_wait3A_33 : memref<1x1x25x80xi32, #tpu.memory_space<hbm>> -> memref<25x80xi32, #tpu.memory_space<hbm>>
        tpu.wait_dma2 semaphore(%run_scoped3A : memref<!tpu.dma_semaphore, #tpu.memory_space<semaphore_mem>>) src(%dma_wait3A_34 : memref<25x80xi32, #tpu.memory_space<hbm>>) dst(%arg9 : memref<25x80xi32, #tpu.memory_space<vmem>>)
        tpu.yield
      }) : () -> ()
      %scan3A_15 = arith.constant 0 : i32
      %scan3A_16 = arith.constant 0 : i32
      %scan3A_17 = arith.constant 25 : i32
      %scan3A_18 = arith.addi %scan3A_16, %scan3A_17 : i32
      %scan3A_19 = arith.constant 1 : i32
      scf.for %scan3A_21 = %scan3A_16 to %scan3A_18 step %scan3A_19  : i32 {
        %dma_start3A = arith.constant 0 : i32
        %dma_start3A_22 = tpu.memref_slice %arg8[%scan3A_21, %dma_start3A] : memref<25x80xi32, #tpu.memory_space<vmem>> -> memref<1x80xi32, #tpu.memory_space<vmem>>
        %dma_start3A_23 = tpu.memref_squeeze %dma_start3A_22 : memref<1x80xi32, #tpu.memory_space<vmem>> -> memref<80xi32, #tpu.memory_space<vmem>>
        %dma_start3A_24 = arith.constant 0 : i32
        %dma_start3A_25 = arith.constant 0 : i32
        %dma_start3A_26 = tpu.memref_slice %arg2[%dma_start3A_24, %dma_start3A_25] : memref<10000x128xf32, #tpu.memory_space<hbm>> -> memref<10000x128xf32, #tpu.memory_space<hbm>>
        tpu.enqueue_indirect_dma source(%dma_start3A_26 : memref<10000x128xf32, #tpu.memory_space<hbm>>) target(%arg10 : memref<80x128xf32, #tpu.memory_space<vmem>>) offsets(%dma_start3A_23 : memref<80xi32, #tpu.memory_space<vmem>>) semaphore(%arg13 : memref<!tpu.dma_semaphore, #tpu.memory_space<semaphore_mem>>)
        %mul3A_27 = arith.constant 125 : i32
        %mul3A_28 = arith.muli %add3A, %mul3A_27 : i32
        %mul3A_29 = arith.constant 25 : i32
        %mul3A_30 = arith.muli %scan3A_14, %mul3A_29 : i32
        %add3A_31 = arith.addi %mul3A_28, %mul3A_30 : i32
        %add3A_32 = arith.addi %add3A_31, %scan3A_21 : i32
        "tpu.region"() ({
          %run_scoped3A = tpu.sem_alloc : memref<!tpu.dma_semaphore, #tpu.memory_space<semaphore_mem>>
          %dma_start3A_44 = arith.constant 0 : i32
          %dma_start3A_45 = arith.constant 0 : i32
          %dma_start3A_46 = tpu.memref_slice %arg3[%add3A_32, %dma_start3A_44, %dma_start3A_45] : memref<4000x10x128xf32, #tpu.memory_space<hbm>> -> memref<1x10x128xf32, #tpu.memory_space<hbm>>
          %dma_start3A_47 = tpu.memref_squeeze %dma_start3A_46 : memref<1x10x128xf32, #tpu.memory_space<hbm>> -> memref<10x128xf32, #tpu.memory_space<hbm>>
          %dma_start3A_48 = arith.constant 0 : i32
          %dma_start3A_49 = arith.constant 0 : i32
          %dma_start3A_50 = tpu.memref_slice %arg3[%add3A_32, %dma_start3A_48, %dma_start3A_49] : memref<4000x10x128xf32, #tpu.memory_space<hbm>> -> memref<1x10x128xf32, #tpu.memory_space<hbm>>
          %dma_start3A_51 = tpu.memref_squeeze %dma_start3A_50 : memref<1x10x128xf32, #tpu.memory_space<hbm>> -> memref<10x128xf32, #tpu.memory_space<hbm>>
          tpu.enqueue_dma source(%dma_start3A_51 : memref<10x128xf32, #tpu.memory_space<hbm>>) target(%arg11 : memref<10x128xf32, #tpu.memory_space<vmem>>) target_semaphore(%run_scoped3A : memref<!tpu.dma_semaphore, #tpu.memory_space<semaphore_mem>>)
          %dma_wait3A_52 = arith.constant 0 : i32
          %dma_wait3A_53 = arith.constant 0 : i32
          %dma_wait3A_54 = tpu.memref_slice %arg3[%add3A_32, %dma_wait3A_52, %dma_wait3A_53] : memref<4000x10x128xf32, #tpu.memory_space<hbm>> -> memref<1x10x128xf32, #tpu.memory_space<hbm>>
          %dma_wait3A_55 = tpu.memref_squeeze %dma_wait3A_54 : memref<1x10x128xf32, #tpu.memory_space<hbm>> -> memref<10x128xf32, #tpu.memory_space<hbm>>
          %dma_wait3A_56 = arith.constant 0 : i32
          %dma_wait3A_57 = arith.constant 0 : i32
          %dma_wait3A_58 = tpu.memref_slice %arg3[%add3A_32, %dma_wait3A_56, %dma_wait3A_57] : memref<4000x10x128xf32, #tpu.memory_space<hbm>> -> memref<1x10x128xf32, #tpu.memory_space<hbm>>
          %dma_wait3A_59 = tpu.memref_squeeze %dma_wait3A_58 : memref<1x10x128xf32, #tpu.memory_space<hbm>> -> memref<10x128xf32, #tpu.memory_space<hbm>>
          tpu.wait_dma2 semaphore(%run_scoped3A : memref<!tpu.dma_semaphore, #tpu.memory_space<semaphore_mem>>) src(%dma_wait3A_59 : memref<10x128xf32, #tpu.memory_space<hbm>>) dst(%arg11 : memref<10x128xf32, #tpu.memory_space<vmem>>)
          tpu.yield
        }) : () -> ()
        %dma_wait3A = arith.constant 0 : i32
        %dma_wait3A_33 = tpu.memref_slice %arg8[%scan3A_21, %dma_wait3A] : memref<25x80xi32, #tpu.memory_space<vmem>> -> memref<1x80xi32, #tpu.memory_space<vmem>>
        %dma_wait3A_34 = tpu.memref_squeeze %dma_wait3A_33 : memref<1x80xi32, #tpu.memory_space<vmem>> -> memref<80xi32, #tpu.memory_space<vmem>>
        %dma_wait3A_35 = arith.constant 0 : i32
        %dma_wait3A_36 = arith.constant 0 : i32
        %dma_wait3A_37 = tpu.memref_slice %arg2[%dma_wait3A_35, %dma_wait3A_36] : memref<10000x128xf32, #tpu.memory_space<hbm>> -> memref<10000x128xf32, #tpu.memory_space<hbm>>
        tpu.wait_indirect_dma semaphore(%arg13 : memref<!tpu.dma_semaphore, #tpu.memory_space<semaphore_mem>>) src(%dma_wait3A_37 : memref<10000x128xf32, #tpu.memory_space<hbm>>) dst(%arg10 : memref<80x128xf32, #tpu.memory_space<vmem>>)
        %scan3A_38 = arith.constant 0 : i32
        %scan3A_39 = arith.constant 0 : i32
        %scan3A_40 = arith.constant 80 : i32
        %scan3A_41 = arith.addi %scan3A_39, %scan3A_40 : i32
        %scan3A_42 = arith.constant 1 : i32
        scf.for %scan3A_44 = %scan3A_39 to %scan3A_41 step %scan3A_42  : i32 {
          %jit3A = arith.constant 8 : i32
          %div3A = arith.divsi %scan3A_44, %jit3A : i32
          %sign3A = arith.constant 0 : i32
          %sign3A_45 = arith.cmpi sgt, %scan3A_44, %sign3A : i32
          %sign3A_46 = arith.extui %sign3A_45 : i1 to i32
          %sign3A_47 = arith.constant 0 : i32
          %sign3A_48 = arith.cmpi slt, %scan3A_44, %sign3A_47 : i32
          %sign3A_49 = arith.extui %sign3A_48 : i1 to i32
          %sign3A_50 = arith.subi %sign3A_46, %sign3A_49 : i32
          %sign3A_51 = arith.constant 0 : i32
          %sign3A_52 = arith.cmpi sgt, %jit3A, %sign3A_51 : i32
          %sign3A_53 = arith.extui %sign3A_52 : i1 to i32
          %sign3A_54 = arith.constant 0 : i32
          %sign3A_55 = arith.cmpi slt, %jit3A, %sign3A_54 : i32
          %sign3A_56 = arith.extui %sign3A_55 : i1 to i32
          %sign3A_57 = arith.subi %sign3A_53, %sign3A_56 : i32
          %ne3A = arith.cmpi ne, %sign3A_50, %sign3A_57 : i32
          %rem3A = arith.remsi %scan3A_44, %jit3A : i32
          %ne3A_58 = arith.constant 0 : i32
          %ne3A_59 = arith.cmpi ne, %rem3A, %ne3A_58 : i32
          %and3A = arith.andi %ne3A, %ne3A_59 : i1
          %sub3A = arith.constant 1 : i32
          %sub3A_60 = arith.subi %div3A, %sub3A : i32
          %select_n3A = arith.select %and3A, %sub3A_60, %div3A : i32
          %jit3A_61 = arith.constant 8 : i32
          %eq3A = arith.constant 0 : i32
          %eq3A_62 = arith.cmpi eq, %jit3A_61, %eq3A : i32
          %jit3A_63 = arith.constant 1 : i32
          %select_n3A_64 = arith.select %eq3A_62, %jit3A_63, %jit3A_61 : i32
          %rem3A_65 = arith.remsi %scan3A_44, %select_n3A_64 : i32
          %ne3A_66 = arith.constant 0 : i32
          %ne3A_67 = arith.cmpi ne, %rem3A_65, %ne3A_66 : i32
          %lt3A_68 = arith.constant 0 : i32
          %lt3A_69 = arith.cmpi slt, %rem3A_65, %lt3A_68 : i32
          %lt3A_70 = arith.constant 0 : i32
          %lt3A_71 = arith.cmpi slt, %select_n3A_64, %lt3A_70 : i32
          %ne3A_72 = arith.xori %lt3A_69, %lt3A_71 : i1
          %and3A_73 = arith.andi %ne3A_72, %ne3A_67 : i1
          %add3A_74 = arith.addi %rem3A_65, %select_n3A_64 : i32
          %select_n3A_75 = arith.select %and3A_73, %add3A_74, %rem3A_65 : i32
          %mul3A_76 = arith.constant 16 : i32
          %mul3A_77 = arith.muli %select_n3A_75, %mul3A_76 : i32
          %get3A = arith.index_cast %select_n3A : i32 to index
          %get3A_78 = arith.index_cast %mul3A_77 : i32 to index
          %get3A_79 = tpu.vector_load %arg11[%get3A, %get3A_78] {strides = array<i32>} : memref<10x128xf32, #tpu.memory_space<vmem>>, vector<1x16xf32>,
          %get3A_80 = vector.shape_cast %get3A_79 : vector<1x16xf32> to vector<16xf32>
          %get3A_81 = arith.index_cast %scan3A_44 : i32 to index
          %get3A_82 = arith.constant 0 : index
          %get3A_83 = tpu.vector_load %arg10[%get3A_81, %get3A_82] {strides = array<i32>} : memref<80x128xf32, #tpu.memory_space<vmem>>, vector<1x16xf32>,
          %get3A_84 = vector.shape_cast %get3A_83 : vector<1x16xf32> to vector<16xf32>
          %slice3A = vector.extract_strided_slice %get3A_80 {offsets = [0], sizes = [1], strides = [1]} : vector<16xf32> to vector<1xf32>
          %squeeze3A = vector.extract %slice3A[0] : f32 from vector<1xf32>
          %mul3A_85 = vector.broadcast %squeeze3A : f32 to vector<16xf32>
          %mul3A_86 = arith.mulf %get3A_84, %mul3A_85 : vector<16xf32>
          %swap3A = arith.index_cast %scan3A_44 : i32 to index
          %swap3A_87 = arith.constant 0 : index
          %swap3A_88 = tpu.vector_load %arg10[%swap3A, %swap3A_87] {strides = array<i32>} : memref<80x128xf32, #tpu.memory_space<vmem>>, vector<1x16xf32>,
          %swap3A_89 = vector.shape_cast %swap3A_88 : vector<1x16xf32> to vector<16xf32>
          %swap3A_90 = vector.shape_cast %mul3A_86 : vector<16xf32> to vector<1x16xf32>
          tpu.vector_store %arg10[%swap3A, %swap3A_87], %swap3A_90 {strides = array<i32>} : memref<80x128xf32, #tpu.memory_space<vmem>>, vector<1x16xf32>,
          %get3A_91 = arith.index_cast %scan3A_44 : i32 to index
          %get3A_92 = arith.constant 16 : index
          %get3A_93 = tpu.vector_load %arg10[%get3A_91, %get3A_92] {strides = array<i32>} : memref<80x128xf32, #tpu.memory_space<vmem>>, vector<1x16xf32>,
          %get3A_94 = vector.shape_cast %get3A_93 : vector<1x16xf32> to vector<16xf32>
          %slice3A_95 = vector.extract_strided_slice %get3A_80 {offsets = [1], sizes = [1], strides = [1]} : vector<16xf32> to vector<1xf32>
          %squeeze3A_96 = vector.extract %slice3A_95[0] : f32 from vector<1xf32>
          %mul3A_97 = vector.broadcast %squeeze3A_96 : f32 to vector<16xf32>
          %mul3A_98 = arith.mulf %get3A_94, %mul3A_97 : vector<16xf32>
          %swap3A_99 = arith.index_cast %scan3A_44 : i32 to index
          %swap3A_100 = arith.constant 16 : index
          %swap3A_101 = tpu.vector_load %arg10[%swap3A_99, %swap3A_100] {strides = array<i32>} : memref<80x128xf32, #tpu.memory_space<vmem>>, vector<1x16xf32>,
          %swap3A_102 = vector.shape_cast %swap3A_101 : vector<1x16xf32> to vector<16xf32>
          %swap3A_103 = vector.shape_cast %mul3A_98 : vector<16xf32> to vector<1x16xf32>
          tpu.vector_store %arg10[%swap3A_99, %swap3A_100], %swap3A_103 {strides = array<i32>} : memref<80x128xf32, #tpu.memory_space<vmem>>, vector<1x16xf32>,
          %get3A_104 = arith.index_cast %scan3A_44 : i32 to index
          %get3A_105 = arith.constant 32 : index
          %get3A_106 = tpu.vector_load %arg10[%get3A_104, %get3A_105] {strides = array<i32>} : memref<80x128xf32, #tpu.memory_space<vmem>>, vector<1x16xf32>,
          %get3A_107 = vector.shape_cast %get3A_106 : vector<1x16xf32> to vector<16xf32>
          %slice3A_108 = vector.extract_strided_slice %get3A_80 {offsets = [2], sizes = [1], strides = [1]} : vector<16xf32> to vector<1xf32>
          %squeeze3A_109 = vector.extract %slice3A_108[0] : f32 from vector<1xf32>
          %mul3A_110 = vector.broadcast %squeeze3A_109 : f32 to vector<16xf32>
          %mul3A_111 = arith.mulf %get3A_107, %mul3A_110 : vector<16xf32>
          %swap3A_112 = arith.index_cast %scan3A_44 : i32 to index
          %swap3A_113 = arith.constant 32 : index
          %swap3A_114 = tpu.vector_load %arg10[%swap3A_112, %swap3A_113] {strides = array<i32>} : memref<80x128xf32, #tpu.memory_space<vmem>>, vector<1x16xf32>,
          %swap3A_115 = vector.shape_cast %swap3A_114 : vector<1x16xf32> to vector<16xf32>
          %swap3A_116 = vector.shape_cast %mul3A_111 : vector<16xf32> to vector<1x16xf32>
          tpu.vector_store %arg10[%swap3A_112, %swap3A_113], %swap3A_116 {strides = array<i32>} : memref<80x128xf32, #tpu.memory_space<vmem>>, vector<1x16xf32>,
          %get3A_117 = arith.index_cast %scan3A_44 : i32 to index
          %get3A_118 = arith.constant 48 : index
          %get3A_119 = tpu.vector_load %arg10[%get3A_117, %get3A_118] {strides = array<i32>} : memref<80x128xf32, #tpu.memory_space<vmem>>, vector<1x16xf32>,
          %get3A_120 = vector.shape_cast %get3A_119 : vector<1x16xf32> to vector<16xf32>
          %slice3A_121 = vector.extract_strided_slice %get3A_80 {offsets = [3], sizes = [1], strides = [1]} : vector<16xf32> to vector<1xf32>
          %squeeze3A_122 = vector.extract %slice3A_121[0] : f32 from vector<1xf32>
          %mul3A_123 = vector.broadcast %squeeze3A_122 : f32 to vector<16xf32>
          %mul3A_124 = arith.mulf %get3A_120, %mul3A_123 : vector<16xf32>
          %swap3A_125 = arith.index_cast %scan3A_44 : i32 to index
          %swap3A_126 = arith.constant 48 : index
          %swap3A_127 = tpu.vector_load %arg10[%swap3A_125, %swap3A_126] {strides = array<i32>} : memref<80x128xf32, #tpu.memory_space<vmem>>, vector<1x16xf32>,
          %swap3A_128 = vector.shape_cast %swap3A_127 : vector<1x16xf32> to vector<16xf32>
          %swap3A_129 = vector.shape_cast %mul3A_124 : vector<16xf32> to vector<1x16xf32>
          tpu.vector_store %arg10[%swap3A_125, %swap3A_126], %swap3A_129 {strides = array<i32>} : memref<80x128xf32, #tpu.memory_space<vmem>>, vector<1x16xf32>,
          %get3A_130 = arith.index_cast %scan3A_44 : i32 to index
          %get3A_131 = arith.constant 64 : index
          %get3A_132 = tpu.vector_load %arg10[%get3A_130, %get3A_131] {strides = array<i32>} : memref<80x128xf32, #tpu.memory_space<vmem>>, vector<1x16xf32>,
          %get3A_133 = vector.shape_cast %get3A_132 : vector<1x16xf32> to vector<16xf32>
          %slice3A_134 = vector.extract_strided_slice %get3A_80 {offsets = [4], sizes = [1], strides = [1]} : vector<16xf32> to vector<1xf32>
          %squeeze3A_135 = vector.extract %slice3A_134[0] : f32 from vector<1xf32>
          %mul3A_136 = vector.broadcast %squeeze3A_135 : f32 to vector<16xf32>
          %mul3A_137 = arith.mulf %get3A_133, %mul3A_136 : vector<16xf32>
          %swap3A_138 = arith.index_cast %scan3A_44 : i32 to index
          %swap3A_139 = arith.constant 64 : index
          %swap3A_140 = tpu.vector_load %arg10[%swap3A_138, %swap3A_139] {strides = array<i32>} : memref<80x128xf32, #tpu.memory_space<vmem>>, vector<1x16xf32>,
          %swap3A_141 = vector.shape_cast %swap3A_140 : vector<1x16xf32> to vector<16xf32>
          %swap3A_142 = vector.shape_cast %mul3A_137 : vector<16xf32> to vector<1x16xf32>
          tpu.vector_store %arg10[%swap3A_138, %swap3A_139], %swap3A_142 {strides = array<i32>} : memref<80x128xf32, #tpu.memory_space<vmem>>, vector<1x16xf32>,
          %get3A_143 = arith.index_cast %scan3A_44 : i32 to index
          %get3A_144 = arith.constant 80 : index
          %get3A_145 = tpu.vector_load %arg10[%get3A_143, %get3A_144] {strides = array<i32>} : memref<80x128xf32, #tpu.memory_space<vmem>>, vector<1x16xf32>,
          %get3A_146 = vector.shape_cast %get3A_145 : vector<1x16xf32> to vector<16xf32>
          %slice3A_147 = vector.extract_strided_slice %get3A_80 {offsets = [5], sizes = [1], strides = [1]} : vector<16xf32> to vector<1xf32>
          %squeeze3A_148 = vector.extract %slice3A_147[0] : f32 from vector<1xf32>
          %mul3A_149 = vector.broadcast %squeeze3A_148 : f32 to vector<16xf32>
          %mul3A_150 = arith.mulf %get3A_146, %mul3A_149 : vector<16xf32>
          %swap3A_151 = arith.index_cast %scan3A_44 : i32 to index
          %swap3A_152 = arith.constant 80 : index
          %swap3A_153 = tpu.vector_load %arg10[%swap3A_151, %swap3A_152] {strides = array<i32>} : memref<80x128xf32, #tpu.memory_space<vmem>>, vector<1x16xf32>,
          %swap3A_154 = vector.shape_cast %swap3A_153 : vector<1x16xf32> to vector<16xf32>
          %swap3A_155 = vector.shape_cast %mul3A_150 : vector<16xf32> to vector<1x16xf32>
          tpu.vector_store %arg10[%swap3A_151, %swap3A_152], %swap3A_155 {strides = array<i32>} : memref<80x128xf32, #tpu.memory_space<vmem>>, vector<1x16xf32>,
          %get3A_156 = arith.index_cast %scan3A_44 : i32 to index
          %get3A_157 = arith.constant 96 : index
          %get3A_158 = tpu.vector_load %arg10[%get3A_156, %get3A_157] {strides = array<i32>} : memref<80x128xf32, #tpu.memory_space<vmem>>, vector<1x16xf32>,
          %get3A_159 = vector.shape_cast %get3A_158 : vector<1x16xf32> to vector<16xf32>
          %slice3A_160 = vector.extract_strided_slice %get3A_80 {offsets = [6], sizes = [1], strides = [1]} : vector<16xf32> to vector<1xf32>
          %squeeze3A_161 = vector.extract %slice3A_160[0] : f32 from vector<1xf32>
          %mul3A_162 = vector.broadcast %squeeze3A_161 : f32 to vector<16xf32>
          %mul3A_163 = arith.mulf %get3A_159, %mul3A_162 : vector<16xf32>
          %swap3A_164 = arith.index_cast %scan3A_44 : i32 to index
          %swap3A_165 = arith.constant 96 : index
          %swap3A_166 = tpu.vector_load %arg10[%swap3A_164, %swap3A_165] {strides = array<i32>} : memref<80x128xf32, #tpu.memory_space<vmem>>, vector<1x16xf32>,
          %swap3A_167 = vector.shape_cast %swap3A_166 : vector<1x16xf32> to vector<16xf32>
          %swap3A_168 = vector.shape_cast %mul3A_163 : vector<16xf32> to vector<1x16xf32>
          tpu.vector_store %arg10[%swap3A_164, %swap3A_165], %swap3A_168 {strides = array<i32>} : memref<80x128xf32, #tpu.memory_space<vmem>>, vector<1x16xf32>,
          %get3A_169 = arith.index_cast %scan3A_44 : i32 to index
          %get3A_170 = arith.constant 112 : index
          %get3A_171 = tpu.vector_load %arg10[%get3A_169, %get3A_170] {strides = array<i32>} : memref<80x128xf32, #tpu.memory_space<vmem>>, vector<1x16xf32>,
          %get3A_172 = vector.shape_cast %get3A_171 : vector<1x16xf32> to vector<16xf32>
          %slice3A_173 = vector.extract_strided_slice %get3A_80 {offsets = [7], sizes = [1], strides = [1]} : vector<16xf32> to vector<1xf32>
          %squeeze3A_174 = vector.extract %slice3A_173[0] : f32 from vector<1xf32>
          %mul3A_175 = vector.broadcast %squeeze3A_174 : f32 to vector<16xf32>
          %mul3A_176 = arith.mulf %get3A_172, %mul3A_175 : vector<16xf32>
          %swap3A_177 = arith.index_cast %scan3A_44 : i32 to index
          %swap3A_178 = arith.constant 112 : index
          %swap3A_179 = tpu.vector_load %arg10[%swap3A_177, %swap3A_178] {strides = array<i32>} : memref<80x128xf32, #tpu.memory_space<vmem>>, vector<1x16xf32>,
          %swap3A_180 = vector.shape_cast %swap3A_179 : vector<1x16xf32> to vector<16xf32>
          %swap3A_181 = vector.shape_cast %mul3A_176 : vector<16xf32> to vector<1x16xf32>
          tpu.vector_store %arg10[%swap3A_177, %swap3A_178], %swap3A_181 {strides = array<i32>} : memref<80x128xf32, #tpu.memory_space<vmem>>, vector<1x16xf32>,
        }
        %scan3A_43 = arith.constant 80 : i32
        "tpu.region"() ({
          %run_scoped3A = tpu.sem_alloc : memref<!tpu.dma_semaphore, #tpu.memory_space<semaphore_mem>>
          %dma_start3A_44 = arith.constant 0 : i32
          %dma_start3A_45 = tpu.memref_slice %arg9[%scan3A_21, %dma_start3A_44] : memref<25x80xi32, #tpu.memory_space<vmem>> -> memref<1x80xi32, #tpu.memory_space<vmem>>
          %dma_start3A_46 = tpu.memref_squeeze %dma_start3A_45 : memref<1x80xi32, #tpu.memory_space<vmem>> -> memref<80xi32, #tpu.memory_space<vmem>>
          %dma_start3A_47 = arith.constant 0 : i32
          %dma_start3A_48 = arith.constant 0 : i32
          %dma_start3A_49 = tpu.memref_slice %arg12[%dma_start3A_47, %dma_start3A_48] : memref<10000x128xf32, #tpu.memory_space<vmem_shared>> -> memref<10000x128xf32, #tpu.memory_space<vmem_shared>>
          tpu.enqueue_indirect_dma source(%arg10 : memref<80x128xf32, #tpu.memory_space<vmem>>) target(%dma_start3A_49 : memref<10000x128xf32, #tpu.memory_space<vmem_shared>>) offsets(%dma_start3A_46 : memref<80xi32, #tpu.memory_space<vmem>>) semaphore(%run_scoped3A : memref<!tpu.dma_semaphore, #tpu.memory_space<semaphore_mem>>) {add = true}
          %dma_wait3A_50 = arith.constant 0 : i32
          %dma_wait3A_51 = tpu.memref_slice %arg9[%scan3A_21, %dma_wait3A_50] : memref<25x80xi32, #tpu.memory_space<vmem>> -> memref<1x80xi32, #tpu.memory_space<vmem>>
          %dma_wait3A_52 = tpu.memref_squeeze %dma_wait3A_51 : memref<1x80xi32, #tpu.memory_space<vmem>> -> memref<80xi32, #tpu.memory_space<vmem>>
          %dma_wait3A_53 = arith.constant 0 : i32
          %dma_wait3A_54 = arith.constant 0 : i32
          %dma_wait3A_55 = tpu.memref_slice %arg12[%dma_wait3A_53, %dma_wait3A_54] : memref<10000x128xf32, #tpu.memory_space<vmem_shared>> -> memref<10000x128xf32, #tpu.memory_space<vmem_shared>>
          tpu.wait_indirect_dma semaphore(%run_scoped3A : memref<!tpu.dma_semaphore, #tpu.memory_space<semaphore_mem>>) src(%arg10 : memref<80x128xf32, #tpu.memory_space<vmem>>) dst(%dma_wait3A_55 : memref<10000x128xf32, #tpu.memory_space<vmem_shared>>)
          tpu.yield
        }) : () -> ()
      }
      %scan3A_20 = arith.constant 25 : i32
    }
    %scan3A_7 = arith.constant 5 : i32
    %barrier3A_8 = arith.constant 0 : index
    tpu.barrier barrier_id(%barrier3A_8)
    %lt3A_9 = arith.constant 10 : i32
    %lt3A_10 = arith.cmpi slt, %arg1, %lt3A_9 : i32
    %convert_element_type3A_11 = arith.extui %lt3A_10 : i1 to i32
    %cond3A_12 = arith.constant 0 : i32
    %cond3A_13 = arith.cmpi ne, %convert_element_type3A_11, %cond3A_12 : i32
    scf.if %cond3A_13 {
      %mul3A_14 = arith.constant 1000 : i32
      %mul3A_15 = arith.muli %arg1, %mul3A_14 : i32
      %mul3A_16 = arith.constant 1000 : i32
      %mul3A_17 = arith.muli %arg1, %mul3A_16 : i32
      "tpu.region"() ({
        %run_scoped3A = tpu.sem_alloc : memref<!tpu.dma_semaphore, #tpu.memory_space<semaphore_mem>>
        %dma_start3A = arith.constant 0 : i32
        %dma_start3A_18 = tpu.memref_slice %arg7[%arg0, %mul3A_17, %dma_start3A] : memref<2x10000x128xf32, #tpu.memory_space<hbm>> -> memref<1x1000x128xf32, #tpu.memory_space<hbm>>
        %dma_start3A_19 = tpu.memref_squeeze %dma_start3A_18 : memref<1x1000x128xf32, #tpu.memory_space<hbm>> -> memref<1000x128xf32, #tpu.memory_space<hbm>>
        %dma_start3A_20 = arith.constant 0 : i32
        %dma_start3A_21 = tpu.memref_slice %arg12[%mul3A_15, %dma_start3A_20] : memref<10000x128xf32, #tpu.memory_space<vmem_shared>> -> memref<1000x128xf32, #tpu.memory_space<vmem_shared>>
        tpu.enqueue_dma source(%dma_start3A_21 : memref<1000x128xf32, #tpu.memory_space<vmem_shared>>) target(%dma_start3A_19 : memref<1000x128xf32, #tpu.memory_space<hbm>>) target_semaphore(%run_scoped3A : memref<!tpu.dma_semaphore, #tpu.memory_space<semaphore_mem>>)
        %dma_wait3A = arith.constant 0 : i32
        %dma_wait3A_22 = tpu.memref_slice %arg7[%arg0, %mul3A_17, %dma_wait3A] : memref<2x10000x128xf32, #tpu.memory_space<hbm>> -> memref<1x1000x128xf32, #tpu.memory_space<hbm>>
        %dma_wait3A_23 = tpu.memref_squeeze %dma_wait3A_22 : memref<1x1000x128xf32, #tpu.memory_space<hbm>> -> memref<1000x128xf32, #tpu.memory_space<hbm>>
        %dma_wait3A_24 = arith.constant 0 : i32
        %dma_wait3A_25 = tpu.memref_slice %arg12[%mul3A_15, %dma_wait3A_24] : memref<10000x128xf32, #tpu.memory_space<vmem_shared>> -> memref<1000x128xf32, #tpu.memory_space<vmem_shared>>
        tpu.wait_dma2 semaphore(%run_scoped3A : memref<!tpu.dma_semaphore, #tpu.memory_space<semaphore_mem>>) src(%dma_wait3A_25 : memref<1000x128xf32, #tpu.memory_space<vmem_shared>>) dst(%dma_wait3A_23 : memref<1000x128xf32, #tpu.memory_space<hbm>>)
        tpu.yield
      }) : () -> ()
    } else {
    }
    return
  }
}

module attributes {stable_mosaic.version = 14 : i64} {
  func.func @_prelude_body(%arg0: i32, %arg1: memref<2000x128xf32, #tpu.memory_space<vmem>>, %arg2: memref<128x128xf32, #tpu.memory_space<vmem>>, %arg3: memref<1x128xf32, #tpu.memory_space<vmem>>, %arg4: memref<1x128xf32, #tpu.memory_space<vmem>>, %arg5: memref<1x128xf32, #tpu.memory_space<vmem>>, %arg6: memref<128x128xf32, #tpu.memory_space<vmem>>, %arg7: memref<2x2000x128xf32, #tpu.memory_space<vmem>>, %arg8: memref<2000x128xf32, #tpu.memory_space<vmem>>, %arg9: memref<2000x128xf32, #tpu.memory_space<vmem>>) attributes {dimension_semantics = [#tpu.dimension_semantics<arbitrary>], iteration_bounds = array<i64: 5>, scalar_prefetch = 0 : i64, scratch_operands = 0 : i64, tpu.core_type = #tpu.core_type<tc>, window_params = [{transform_indices = @transform_0, window_bounds = array<i64: 2000, 128>}, {pipeline_mode = #tpu.pipeline_mode<synchronous>, transform_indices = @transform_1, window_bounds = array<i64: 128, 128>}, {pipeline_mode = #tpu.pipeline_mode<synchronous>, transform_indices = @transform_2, window_bounds = array<i64: 1, 128>}, {pipeline_mode = #tpu.pipeline_mode<synchronous>, transform_indices = @transform_3, window_bounds = array<i64: 1, 128>}, {pipeline_mode = #tpu.pipeline_mode<synchronous>, transform_indices = @transform_4, window_bounds = array<i64: 1, 128>}, {pipeline_mode = #tpu.pipeline_mode<synchronous>, transform_indices = @transform_5, window_bounds = array<i64: 128, 128>}, {transform_indices = @transform_6, window_bounds = array<i64: 2, 2000, 128>}, {transform_indices = @transform_7, window_bounds = array<i64: 2000, 128>}, {transform_indices = @transform_8, window_bounds = array<i64: 2000, 128>}]} {
    %get3A = arith.constant 0 : index
    %get3A_0 = arith.constant 0 : index
    %get3A_1 = vector.load %arg1[%get3A, %get3A_0] : memref<2000x128xf32, #tpu.memory_space<vmem>>, vector<2000x128xf32>
    %get3A_2 = arith.constant 0 : index
    %get3A_3 = arith.constant 0 : index
    %get3A_4 = vector.load %arg2[%get3A_2, %get3A_3] : memref<128x128xf32, #tpu.memory_space<vmem>>, vector<128x128xf32>
    %dot_general3A = arith.constant dense<0.000000e+00> : vector<2000x128xf32>
    %dot_general3A_5 = tpu.matmul %get3A_1, %get3A_4, %dot_general3A {dimension_numbers = #tpu.dot_dimension_numbers<[1], [0], [0], [1], [0, 0, 1, 1], [], []>, precision = #tpu.contract_precision<fp32>, transpose_lhs_hint = false} : vector<2000x128xf32>, vector<128x128xf32>, vector<2000x128xf32> -> vector<2000x128xf32>
    %get3A_6 = arith.constant 0 : index
    %get3A_7 = arith.constant 0 : index
    %get3A_8 = vector.load %arg3[%get3A_6, %get3A_7] : memref<1x128xf32, #tpu.memory_space<vmem>>, vector<1x128xf32>
    %add3A = vector.broadcast %get3A_8 : vector<1x128xf32> to vector<2000x128xf32>
    %add3A_9 = arith.addf %dot_general3A_5, %add3A : vector<2000x128xf32>
    %get3A_10 = arith.constant 0 : index
    %get3A_11 = arith.constant 0 : index
    %get3A_12 = vector.load %arg4[%get3A_10, %get3A_11] : memref<1x128xf32, #tpu.memory_space<vmem>>, vector<1x128xf32>
    %mul3A = arith.constant 0.999994993 : f32
    %mul3A_13 = vector.broadcast %mul3A : f32 to vector<1x128xf32>
    %mul3A_14 = arith.mulf %mul3A_13, %get3A_12 : vector<1x128xf32>
    %mul3A_15 = vector.broadcast %mul3A_14 : vector<1x128xf32> to vector<2000x128xf32>
    %mul3A_16 = arith.mulf %add3A_9, %mul3A_15 : vector<2000x128xf32>
    %get3A_17 = arith.constant 0 : index
    %get3A_18 = arith.constant 0 : index
    %get3A_19 = vector.load %arg5[%get3A_17, %get3A_18] : memref<1x128xf32, #tpu.memory_space<vmem>>, vector<1x128xf32>
    %add3A_20 = vector.broadcast %get3A_19 : vector<1x128xf32> to vector<2000x128xf32>
    %add3A_21 = arith.addf %mul3A_16, %add3A_20 : vector<2000x128xf32>
    %max3A = arith.constant 0.000000e+00 : f32
    %max3A_22 = vector.broadcast %max3A : f32 to vector<2000x128xf32>
    %max3A_23 = arith.maximumf %add3A_21, %max3A_22 : vector<2000x128xf32>
    %swap3A = arith.constant 0 : index
    %swap3A_24 = arith.constant 0 : index
    %swap3A_25 = vector.load %arg8[%swap3A, %swap3A_24] : memref<2000x128xf32, #tpu.memory_space<vmem>>, vector<2000x128xf32>
    tpu.vector_store %arg8[%swap3A, %swap3A_24], %max3A_23 {strides = array<i32>} : memref<2000x128xf32, #tpu.memory_space<vmem>>, vector<2000x128xf32>,
    %get3A_26 = arith.constant 0 : index
    %get3A_27 = arith.constant 0 : index
    %get3A_28 = arith.constant 0 : index
    %get3A_29 = vector.load %arg7[%get3A_26, %get3A_27, %get3A_28] : memref<2x2000x128xf32, #tpu.memory_space<vmem>>, vector<2x2000x128xf32>
    %slice3A = vector.extract_strided_slice %get3A_29 {offsets = [0, 0, 0], sizes = [1, 2000, 1], strides = [1, 1, 1]} : vector<2x2000x128xf32> to vector<1x2000x1xf32>
    %squeeze3A = vector.shape_cast %slice3A : vector<1x2000x1xf32> to vector<2000x1xf32>
    %slice3A_30 = vector.extract_strided_slice %get3A_29 {offsets = [1, 0, 0], sizes = [1, 2000, 1], strides = [1, 1, 1]} : vector<2x2000x128xf32> to vector<1x2000x1xf32>
    %squeeze3A_31 = vector.shape_cast %slice3A_30 : vector<1x2000x1xf32> to vector<2000x1xf32>
    %add3A_32 = arith.addf %squeeze3A, %squeeze3A_31 : vector<2000x1xf32>
    %add3A_33 = arith.constant 1.000000e+00 : f32
    %add3A_34 = vector.broadcast %add3A_33 : f32 to vector<2000x1xf32>
    %add3A_35 = arith.addf %add3A_32, %add3A_34 : vector<2000x1xf32>
    %rsqrt3A = math.rsqrt %add3A_35 : vector<2000x1xf32>
    %get3A_36 = arith.constant 0 : index
    %get3A_37 = arith.constant 0 : index
    %get3A_38 = vector.load %arg6[%get3A_36, %get3A_37] : memref<128x128xf32, #tpu.memory_space<vmem>>, vector<128x128xf32>
    %dot_general3A_39 = arith.constant dense<0.000000e+00> : vector<2000x128xf32>
    %dot_general3A_40 = tpu.matmul %max3A_23, %get3A_38, %dot_general3A_39 {dimension_numbers = #tpu.dot_dimension_numbers<[1], [0], [0], [1], [0, 0, 1, 1], [], []>, precision = #tpu.contract_precision<fp32>, transpose_lhs_hint = false} : vector<2000x128xf32>, vector<128x128xf32>, vector<2000x128xf32> -> vector<2000x128xf32>
    %mul3A_41 = vector.broadcast %rsqrt3A : vector<2000x1xf32> to vector<2000x128xf32>
    %mul3A_42 = arith.mulf %dot_general3A_40, %mul3A_41 : vector<2000x128xf32>
    %swap3A_43 = arith.constant 0 : index
    %swap3A_44 = arith.constant 0 : index
    %swap3A_45 = vector.load %arg9[%swap3A_43, %swap3A_44] : memref<2000x128xf32, #tpu.memory_space<vmem>>, vector<2000x128xf32>
    tpu.vector_store %arg9[%swap3A_43, %swap3A_44], %mul3A_42 {strides = array<i32>} : memref<2000x128xf32, #tpu.memory_space<vmem>>, vector<2000x128xf32>,
    return
  }
  func.func @transform_0(%arg0: i32) -> (i32, i32) {
    %c0_i32 = arith.constant 0 : i32
    %c0_i32_0 = arith.constant 0 : i32
    return %arg0, %c0_i32 : i32, i32
  }
  func.func @transform_1(%arg0: i32) -> (i32, i32) {
    %c0_i32 = arith.constant 0 : i32
    %c0_i32_0 = arith.constant 0 : i32
    %c0_i32_1 = arith.constant 0 : i32
    return %c0_i32, %c0_i32_0 : i32, i32
  }
  func.func @transform_2(%arg0: i32) -> (i32, i32) {
    %c0_i32 = arith.constant 0 : i32
    %c0_i32_0 = arith.constant 0 : i32
    %c0_i32_1 = arith.constant 0 : i32
    return %c0_i32, %c0_i32_0 : i32, i32
  }
  func.func @transform_3(%arg0: i32) -> (i32, i32) {
    %c0_i32 = arith.constant 0 : i32
    %c0_i32_0 = arith.constant 0 : i32
    %c0_i32_1 = arith.constant 0 : i32
    return %c0_i32, %c0_i32_0 : i32, i32
  }
  func.func @transform_4(%arg0: i32) -> (i32, i32) {
    %c0_i32 = arith.constant 0 : i32
    %c0_i32_0 = arith.constant 0 : i32
    %c0_i32_1 = arith.constant 0 : i32
    return %c0_i32, %c0_i32_0 : i32, i32
  }
  func.func @transform_5(%arg0: i32) -> (i32, i32) {
    %c0_i32 = arith.constant 0 : i32
    %c0_i32_0 = arith.constant 0 : i32
    %c0_i32_1 = arith.constant 0 : i32
    return %c0_i32, %c0_i32_0 : i32, i32
  }
  func.func @transform_6(%arg0: i32) -> (i32, i32, i32) {
    %c0_i32 = arith.constant 0 : i32
    %c0_i32_0 = arith.constant 0 : i32
    %c0_i32_1 = arith.constant 0 : i32
    return %c0_i32, %arg0, %c0_i32_0 : i32, i32, i32
  }
  func.func @transform_7(%arg0: i32) -> (i32, i32) {
    %c0_i32 = arith.constant 0 : i32
    %c0_i32_0 = arith.constant 0 : i32
    return %arg0, %c0_i32 : i32, i32
  }
  func.func @transform_8(%arg0: i32) -> (i32, i32) {
    %c0_i32 = arith.constant 0 : i32
    %c0_i32_0 = arith.constant 0 : i32
    return %arg0, %c0_i32 : i32, i32
  }
}

module attributes {stable_mosaic.version = 14 : i64} {
  func.func @_gcn_post_pre_body(%arg0: i32, %arg1: memref<2x2000x128xf32, #tpu.memory_space<vmem>>, %arg2: memref<2000x128xf32, #tpu.memory_space<vmem>>, %arg3: memref<2000x128xf32, #tpu.memory_space<vmem>>, %arg4: memref<2x2000x128xf32, #tpu.memory_space<vmem>>, %arg5: memref<1x128xf32, #tpu.memory_space<vmem>>, %arg6: memref<1x128xf32, #tpu.memory_space<vmem>>, %arg7: memref<1x128xf32, #tpu.memory_space<vmem>>, %arg8: memref<128x128xf32, #tpu.memory_space<vmem>>, %arg9: memref<128x16xf32, #tpu.memory_space<vmem>>, %arg10: memref<128x16xf32, #tpu.memory_space<vmem>>, %arg11: memref<1x16xf32, #tpu.memory_space<vmem>>, %arg12: memref<2000x128xf32, #tpu.memory_space<vmem>>, %arg13: memref<2000x128xf32, #tpu.memory_space<vmem>>, %arg14: memref<2000x128xf32, #tpu.memory_space<vmem>>, %arg15: memref<2000x128xf32, #tpu.memory_space<vmem>>, %arg16: memref<1x1x16xf32, #tpu.memory_space<vmem>>, %arg17: memref<1x1x16xf32, #tpu.memory_space<vmem>>) attributes {dimension_semantics = [#tpu.dimension_semantics<arbitrary>], iteration_bounds = array<i64: 5>, scalar_prefetch = 0 : i64, scratch_operands = 0 : i64, tpu.core_type = #tpu.core_type<tc>, window_params = [{transform_indices = @transform_0, window_bounds = array<i64: 2, 2000, 128>}, {transform_indices = @transform_1, window_bounds = array<i64: 2000, 128>}, {transform_indices = @transform_2, window_bounds = array<i64: 2000, 128>}, {transform_indices = @transform_3, window_bounds = array<i64: 2, 2000, 128>}, {pipeline_mode = #tpu.pipeline_mode<synchronous>, transform_indices = @transform_4, window_bounds = array<i64: 1, 128>}, {pipeline_mode = #tpu.pipeline_mode<synchronous>, transform_indices = @transform_5, window_bounds = array<i64: 1, 128>}, {pipeline_mode = #tpu.pipeline_mode<synchronous>, transform_indices = @transform_6, window_bounds = array<i64: 1, 128>}, {pipeline_mode = #tpu.pipeline_mode<synchronous>, transform_indices = @transform_7, window_bounds = array<i64: 128, 128>}, {pipeline_mode = #tpu.pipeline_mode<synchronous>, transform_indices = @transform_8, window_bounds = array<i64: 128, 16>}, {pipeline_mode = #tpu.pipeline_mode<synchronous>, transform_indices = @transform_9, window_bounds = array<i64: 128, 16>}, {pipeline_mode = #tpu.pipeline_mode<synchronous>, transform_indices = @transform_10, window_bounds = array<i64: 1, 16>}, {transform_indices = @transform_11, window_bounds = array<i64: 2000, 128>}, {transform_indices = @transform_12, window_bounds = array<i64: 2000, 128>}, {transform_indices = @transform_13, window_bounds = array<i64: 2000, 128>}, {transform_indices = @transform_14, window_bounds = array<i64: 2000, 128>}, {transform_indices = @transform_15, window_bounds = array<i64: 1, 1, 16>}, {transform_indices = @transform_16, window_bounds = array<i64: 1, 1, 16>}]} {
    %get3A = arith.constant 0 : index
    %get3A_0 = arith.constant 0 : index
    %get3A_1 = arith.constant 0 : index
    %get3A_2 = vector.load %arg1[%get3A, %get3A_0, %get3A_1] : memref<2x2000x128xf32, #tpu.memory_space<vmem>>, vector<2x2000x128xf32>
    %get3A_3 = arith.constant 0 : index
    %get3A_4 = arith.constant 0 : index
    %get3A_5 = arith.constant 0 : index
    %get3A_6 = vector.load %arg4[%get3A_3, %get3A_4, %get3A_5] : memref<2x2000x128xf32, #tpu.memory_space<vmem>>, vector<2x2000x128xf32>
    %slice3A = vector.extract_strided_slice %get3A_6 {offsets = [0, 0, 0], sizes = [1, 2000, 1], strides = [1, 1, 1]} : vector<2x2000x128xf32> to vector<1x2000x1xf32>
    %squeeze3A = vector.shape_cast %slice3A : vector<1x2000x1xf32> to vector<2000x1xf32>
    %slice3A_7 = vector.extract_strided_slice %get3A_6 {offsets = [1, 0, 0], sizes = [1, 2000, 1], strides = [1, 1, 1]} : vector<2x2000x128xf32> to vector<1x2000x1xf32>
    %squeeze3A_8 = vector.shape_cast %slice3A_7 : vector<1x2000x1xf32> to vector<2000x1xf32>
    %add3A = arith.addf %squeeze3A, %squeeze3A_8 : vector<2000x1xf32>
    %add3A_9 = arith.constant 1.000000e+00 : f32
    %add3A_10 = vector.broadcast %add3A_9 : f32 to vector<2000x1xf32>
    %add3A_11 = arith.addf %add3A, %add3A_10 : vector<2000x1xf32>
    %rsqrt3A = math.rsqrt %add3A_11 : vector<2000x1xf32>
    %slice3A_12 = vector.extract_strided_slice %get3A_2 {offsets = [0, 0, 0], sizes = [1, 2000, 128], strides = [1, 1, 1]} : vector<2x2000x128xf32> to vector<1x2000x128xf32>
    %squeeze3A_13 = vector.shape_cast %slice3A_12 : vector<1x2000x128xf32> to vector<2000x128xf32>
    %slice3A_14 = vector.extract_strided_slice %get3A_2 {offsets = [1, 0, 0], sizes = [1, 2000, 128], strides = [1, 1, 1]} : vector<2x2000x128xf32> to vector<1x2000x128xf32>
    %squeeze3A_15 = vector.shape_cast %slice3A_14 : vector<1x2000x128xf32> to vector<2000x128xf32>
    %add3A_16 = arith.addf %squeeze3A_13, %squeeze3A_15 : vector<2000x128xf32>
    %get3A_17 = arith.constant 0 : index
    %get3A_18 = arith.constant 0 : index
    %get3A_19 = vector.load %arg2[%get3A_17, %get3A_18] : memref<2000x128xf32, #tpu.memory_space<vmem>>, vector<2000x128xf32>
    %add3A_20 = arith.addf %add3A_16, %get3A_19 : vector<2000x128xf32>
    %mul3A = vector.broadcast %rsqrt3A : vector<2000x1xf32> to vector<2000x128xf32>
    %mul3A_21 = arith.mulf %mul3A, %add3A_20 : vector<2000x128xf32>
    %get3A_22 = arith.constant 0 : index
    %get3A_23 = arith.constant 0 : index
    %get3A_24 = vector.load %arg5[%get3A_22, %get3A_23] : memref<1x128xf32, #tpu.memory_space<vmem>>, vector<1x128xf32>
    %add3A_25 = vector.broadcast %get3A_24 : vector<1x128xf32> to vector<2000x128xf32>
    %add3A_26 = arith.addf %mul3A_21, %add3A_25 : vector<2000x128xf32>
    %get3A_27 = arith.constant 0 : index
    %get3A_28 = arith.constant 0 : index
    %get3A_29 = vector.load %arg6[%get3A_27, %get3A_28] : memref<1x128xf32, #tpu.memory_space<vmem>>, vector<1x128xf32>
    %get3A_30 = arith.constant 0 : index
    %get3A_31 = arith.constant 0 : index
    %get3A_32 = vector.load %arg7[%get3A_30, %get3A_31] : memref<1x128xf32, #tpu.memory_space<vmem>>, vector<1x128xf32>
    %reduce_sum3A = arith.constant dense<0.000000e+00> : vector<2000xf32>
    %reduce_sum3A_33 = vector.multi_reduction <add>, %add3A_26, %reduce_sum3A [1] : vector<2000x128xf32> to vector<2000xf32>
    %broadcast_in_dim3A = vector.shape_cast %reduce_sum3A_33 : vector<2000xf32> to vector<2000x1xf32>
    %div3A = arith.constant 1.280000e+02 : f32
    %div3A_34 = vector.broadcast %div3A : f32 to vector<2000x1xf32>
    %div3A_35 = arith.divf %broadcast_in_dim3A, %div3A_34 : vector<2000x1xf32>
    %jit3A = arith.constant 0 : i32
    %reduce_sum3A_36 = arith.constant dense<0.000000e+00> : vector<2000xf32>
    %reduce_sum3A_37 = vector.multi_reduction <add>, %add3A_26, %reduce_sum3A_36 [1] : vector<2000x128xf32> to vector<2000xf32>
    %broadcast_in_dim3A_38 = vector.shape_cast %reduce_sum3A_37 : vector<2000xf32> to vector<2000x1xf32>
    %div3A_39 = arith.constant 1.280000e+02 : f32
    %div3A_40 = vector.broadcast %div3A_39 : f32 to vector<2000x1xf32>
    %div3A_41 = arith.divf %broadcast_in_dim3A_38, %div3A_40 : vector<2000x1xf32>
    %sub3A = vector.broadcast %div3A_41 : vector<2000x1xf32> to vector<2000x128xf32>
    %sub3A_42 = arith.subf %add3A_26, %sub3A : vector<2000x128xf32>
    %square3A = arith.mulf %sub3A_42, %sub3A_42 : vector<2000x128xf32>
    %convert_element_type3A = arith.sitofp %jit3A : i32 to f32
    %sub3A_43 = arith.constant 1.280000e+02 : f32
    %sub3A_44 = arith.subf %sub3A_43, %convert_element_type3A : f32
    %reduce_sum3A_45 = arith.constant dense<0.000000e+00> : vector<2000xf32>
    %reduce_sum3A_46 = vector.multi_reduction <add>, %square3A, %reduce_sum3A_45 [1] : vector<2000x128xf32> to vector<2000xf32>
    %broadcast_in_dim3A_47 = vector.shape_cast %reduce_sum3A_46 : vector<2000xf32> to vector<2000x1xf32>
    %div3A_48 = vector.broadcast %sub3A_44 : f32 to vector<2000x1xf32>
    %div3A_49 = arith.divf %broadcast_in_dim3A_47, %div3A_48 : vector<2000x1xf32>
    %gt3A = arith.constant 0.000000e+00 : f32
    %gt3A_50 = arith.cmpf ogt, %sub3A_44, %gt3A : f32
    %jit3A_51 = arith.constant 0x7FC00000 : f32
    %broadcast_in_dim3A_52 = vector.broadcast %jit3A_51 : f32 to vector<2000x1xf32>
    %select_n3A = arith.select %gt3A_50, %div3A_49, %broadcast_in_dim3A_52 : vector<2000x1xf32>
    %sub3A_53 = vector.broadcast %div3A_35 : vector<2000x1xf32> to vector<2000x128xf32>
    %sub3A_54 = arith.subf %add3A_26, %sub3A_53 : vector<2000x128xf32>
    %add3A_55 = arith.constant 9.99999974E-6 : f32
    %add3A_56 = vector.broadcast %add3A_55 : f32 to vector<2000x1xf32>
    %add3A_57 = arith.addf %select_n3A, %add3A_56 : vector<2000x1xf32>
    %sqrt3A = math.sqrt %add3A_57 : vector<2000x1xf32>
    %div3A_58 = vector.broadcast %sqrt3A : vector<2000x1xf32> to vector<2000x128xf32>
    %div3A_59 = arith.divf %sub3A_54, %div3A_58 : vector<2000x128xf32>
    %mul3A_60 = vector.broadcast %get3A_29 : vector<1x128xf32> to vector<2000x128xf32>
    %mul3A_61 = arith.mulf %div3A_59, %mul3A_60 : vector<2000x128xf32>
    %add3A_62 = vector.broadcast %get3A_32 : vector<1x128xf32> to vector<2000x128xf32>
    %add3A_63 = arith.addf %mul3A_61, %add3A_62 : vector<2000x128xf32>
    %get3A_64 = arith.constant 0 : index
    %get3A_65 = arith.constant 0 : index
    %get3A_66 = vector.load %arg3[%get3A_64, %get3A_65] : memref<2000x128xf32, #tpu.memory_space<vmem>>, vector<2000x128xf32>
    %add3A_67 = arith.addf %add3A_63, %get3A_66 : vector<2000x128xf32>
    %max3A = arith.constant 0.000000e+00 : f32
    %max3A_68 = vector.broadcast %max3A : f32 to vector<2000x128xf32>
    %max3A_69 = arith.maximumf %add3A_67, %max3A_68 : vector<2000x128xf32>
    %swap3A = arith.constant 0 : index
    %swap3A_70 = arith.constant 0 : index
    %swap3A_71 = vector.load %arg12[%swap3A, %swap3A_70] : memref<2000x128xf32, #tpu.memory_space<vmem>>, vector<2000x128xf32>
    tpu.vector_store %arg12[%swap3A, %swap3A_70], %max3A_69 {strides = array<i32>} : memref<2000x128xf32, #tpu.memory_space<vmem>>, vector<2000x128xf32>,
    %get3A_72 = arith.constant 0 : index
    %get3A_73 = arith.constant 0 : index
    %get3A_74 = vector.load %arg8[%get3A_72, %get3A_73] : memref<128x128xf32, #tpu.memory_space<vmem>>, vector<128x128xf32>
    %dot_general3A = arith.constant dense<0.000000e+00> : vector<2000x128xf32>
    %dot_general3A_75 = tpu.matmul %max3A_69, %get3A_74, %dot_general3A {dimension_numbers = #tpu.dot_dimension_numbers<[1], [0], [0], [1], [0, 0, 1, 1], [], []>, precision = #tpu.contract_precision<fp32>, transpose_lhs_hint = false} : vector<2000x128xf32>, vector<128x128xf32>, vector<2000x128xf32> -> vector<2000x128xf32>
    %swap3A_76 = arith.constant 0 : index
    %swap3A_77 = arith.constant 0 : index
    %swap3A_78 = vector.load %arg13[%swap3A_76, %swap3A_77] : memref<2000x128xf32, #tpu.memory_space<vmem>>, vector<2000x128xf32>
    tpu.vector_store %arg13[%swap3A_76, %swap3A_77], %dot_general3A_75 {strides = array<i32>} : memref<2000x128xf32, #tpu.memory_space<vmem>>, vector<2000x128xf32>,
    %get3A_79 = arith.constant 0 : index
    %get3A_80 = arith.constant 0 : index
    %get3A_81 = vector.load %arg9[%get3A_79, %get3A_80] : memref<128x16xf32, #tpu.memory_space<vmem>>, vector<128x16xf32>
    %dot_general3A_82 = arith.constant dense<0.000000e+00> : vector<2000x16xf32>
    %dot_general3A_83 = tpu.matmul %dot_general3A_75, %get3A_81, %dot_general3A_82 {dimension_numbers = #tpu.dot_dimension_numbers<[1], [0], [0], [1], [0, 0, 1, 1], [], []>, precision = #tpu.contract_precision<fp32>, transpose_lhs_hint = false} : vector<2000x128xf32>, vector<128x16xf32>, vector<2000x16xf32> -> vector<2000x16xf32>
    %get3A_84 = arith.constant 0 : index
    %get3A_85 = arith.constant 0 : index
    %get3A_86 = vector.load %arg11[%get3A_84, %get3A_85] : memref<1x16xf32, #tpu.memory_space<vmem>>, vector<1x16xf32>
    %add3A_87 = vector.broadcast %get3A_86 : vector<1x16xf32> to vector<2000x16xf32>
    %add3A_88 = arith.addf %dot_general3A_83, %add3A_87 : vector<2000x16xf32>
    %get3A_89 = arith.constant 0 : index
    %get3A_90 = arith.constant 0 : index
    %get3A_91 = vector.load %arg10[%get3A_89, %get3A_90] : memref<128x16xf32, #tpu.memory_space<vmem>>, vector<128x16xf32>
    %dot_general3A_92 = arith.constant dense<0.000000e+00> : vector<2000x16xf32>
    %dot_general3A_93 = tpu.matmul %dot_general3A_75, %get3A_91, %dot_general3A_92 {dimension_numbers = #tpu.dot_dimension_numbers<[1], [0], [0], [1], [0, 0, 1, 1], [], []>, precision = #tpu.contract_precision<fp32>, transpose_lhs_hint = false} : vector<2000x128xf32>, vector<128x16xf32>, vector<2000x16xf32> -> vector<2000x16xf32>
    %get3A_94 = arith.constant 0 : index
    %get3A_95 = arith.constant 0 : index
    %get3A_96 = vector.load %arg11[%get3A_94, %get3A_95] : memref<1x16xf32, #tpu.memory_space<vmem>>, vector<1x16xf32>
    %add3A_97 = vector.broadcast %get3A_96 : vector<1x16xf32> to vector<2000x16xf32>
    %add3A_98 = arith.addf %dot_general3A_93, %add3A_97 : vector<2000x16xf32>
    %broadcast_in_dim3A_99 = arith.constant -1.000000e+30 : f32
    %broadcast_in_dim3A_100 = vector.broadcast %broadcast_in_dim3A_99 : f32 to vector<2000x112xf32>
    %concatenate3A = tpu.concatenate %add3A_88, %broadcast_in_dim3A_100 in 1 : vector<2000x16xf32>, vector<2000x112xf32> -> vector<2000x128xf32>
    %swap3A_101 = arith.constant 0 : index
    %swap3A_102 = arith.constant 0 : index
    %swap3A_103 = vector.load %arg14[%swap3A_101, %swap3A_102] : memref<2000x128xf32, #tpu.memory_space<vmem>>, vector<2000x128xf32>
    tpu.vector_store %arg14[%swap3A_101, %swap3A_102], %concatenate3A {strides = array<i32>} : memref<2000x128xf32, #tpu.memory_space<vmem>>, vector<2000x128xf32>,
    %concatenate3A_104 = tpu.concatenate %add3A_98, %broadcast_in_dim3A_100 in 1 : vector<2000x16xf32>, vector<2000x112xf32> -> vector<2000x128xf32>
    %swap3A_105 = arith.constant 0 : index
    %swap3A_106 = arith.constant 0 : index
    %swap3A_107 = vector.load %arg15[%swap3A_105, %swap3A_106] : memref<2000x128xf32, #tpu.memory_space<vmem>>, vector<2000x128xf32>
    tpu.vector_store %arg15[%swap3A_105, %swap3A_106], %concatenate3A_104 {strides = array<i32>} : memref<2000x128xf32, #tpu.memory_space<vmem>>, vector<2000x128xf32>,
    %reduce_max3A = arith.constant dense<0xFF800000> : vector<16xf32>
    %reduce_max3A_108 = vector.multi_reduction <maximumf>, %add3A_88, %reduce_max3A [0] : vector<2000x16xf32> to vector<16xf32>
    %reshape3A = vector.shape_cast %reduce_max3A_108 : vector<16xf32> to vector<1x1x16xf32>
    %swap3A_109 = arith.constant 0 : index
    %swap3A_110 = arith.constant 0 : index
    %swap3A_111 = arith.constant 0 : index
    %swap3A_112 = vector.load %arg16[%swap3A_109, %swap3A_110, %swap3A_111] : memref<1x1x16xf32, #tpu.memory_space<vmem>>, vector<1x1x16xf32>
    tpu.vector_store %arg16[%swap3A_109, %swap3A_110, %swap3A_111], %reshape3A {strides = array<i32>} : memref<1x1x16xf32, #tpu.memory_space<vmem>>, vector<1x1x16xf32>,
    %reduce_max3A_113 = arith.constant dense<0xFF800000> : vector<16xf32>
    %reduce_max3A_114 = vector.multi_reduction <maximumf>, %add3A_98, %reduce_max3A_113 [0] : vector<2000x16xf32> to vector<16xf32>
    %reshape3A_115 = vector.shape_cast %reduce_max3A_114 : vector<16xf32> to vector<1x1x16xf32>
    %swap3A_116 = arith.constant 0 : index
    %swap3A_117 = arith.constant 0 : index
    %swap3A_118 = arith.constant 0 : index
    %swap3A_119 = vector.load %arg17[%swap3A_116, %swap3A_117, %swap3A_118] : memref<1x1x16xf32, #tpu.memory_space<vmem>>, vector<1x1x16xf32>
    tpu.vector_store %arg17[%swap3A_116, %swap3A_117, %swap3A_118], %reshape3A_115 {strides = array<i32>} : memref<1x1x16xf32, #tpu.memory_space<vmem>>, vector<1x1x16xf32>,
    return
  }
  func.func @transform_0(%arg0: i32) -> (i32, i32, i32) {
    %c0_i32 = arith.constant 0 : i32
    %c0_i32_0 = arith.constant 0 : i32
    %c0_i32_1 = arith.constant 0 : i32
    return %c0_i32, %arg0, %c0_i32_0 : i32, i32, i32
  }
  func.func @transform_1(%arg0: i32) -> (i32, i32) {
    %c0_i32 = arith.constant 0 : i32
    %c0_i32_0 = arith.constant 0 : i32
    return %arg0, %c0_i32 : i32, i32
  }
  func.func @transform_2(%arg0: i32) -> (i32, i32) {
    %c0_i32 = arith.constant 0 : i32
    %c0_i32_0 = arith.constant 0 : i32
    return %arg0, %c0_i32 : i32, i32
  }
  func.func @transform_3(%arg0: i32) -> (i32, i32, i32) {
    %c0_i32 = arith.constant 0 : i32
    %c0_i32_0 = arith.constant 0 : i32
    %c0_i32_1 = arith.constant 0 : i32
    return %c0_i32, %arg0, %c0_i32_0 : i32, i32, i32
  }
  func.func @transform_4(%arg0: i32) -> (i32, i32) {
    %c0_i32 = arith.constant 0 : i32
    %c0_i32_0 = arith.constant 0 : i32
    %c0_i32_1 = arith.constant 0 : i32
    return %c0_i32, %c0_i32_0 : i32, i32
  }
  func.func @transform_5(%arg0: i32) -> (i32, i32) {
    %c0_i32 = arith.constant 0 : i32
    %c0_i32_0 = arith.constant 0 : i32
    %c0_i32_1 = arith.constant 0 : i32
    return %c0_i32, %c0_i32_0 : i32, i32
  }
  func.func @transform_6(%arg0: i32) -> (i32, i32) {
    %c0_i32 = arith.constant 0 : i32
    %c0_i32_0 = arith.constant 0 : i32
    %c0_i32_1 = arith.constant 0 : i32
    return %c0_i32, %c0_i32_0 : i32, i32
  }
  func.func @transform_7(%arg0: i32) -> (i32, i32) {
    %c0_i32 = arith.constant 0 : i32
    %c0_i32_0 = arith.constant 0 : i32
    %c0_i32_1 = arith.constant 0 : i32
    return %c0_i32, %c0_i32_0 : i32, i32
  }
  func.func @transform_8(%arg0: i32) -> (i32, i32) {
    %c0_i32 = arith.constant 0 : i32
    %c0_i32_0 = arith.constant 0 : i32
    %c0_i32_1 = arith.constant 0 : i32
    return %c0_i32, %c0_i32_0 : i32, i32
  }
  func.func @transform_9(%arg0: i32) -> (i32, i32) {
    %c0_i32 = arith.constant 0 : i32
    %c0_i32_0 = arith.constant 0 : i32
    %c0_i32_1 = arith.constant 0 : i32
    return %c0_i32, %c0_i32_0 : i32, i32
  }
  func.func @transform_10(%arg0: i32) -> (i32, i32) {
    %c0_i32 = arith.constant 0 : i32
    %c0_i32_0 = arith.constant 0 : i32
    %c0_i32_1 = arith.constant 0 : i32
    return %c0_i32, %c0_i32_0 : i32, i32
  }
  func.func @transform_11(%arg0: i32) -> (i32, i32) {
    %c0_i32 = arith.constant 0 : i32
    %c0_i32_0 = arith.constant 0 : i32
    return %arg0, %c0_i32 : i32, i32
  }
  func.func @transform_12(%arg0: i32) -> (i32, i32) {
    %c0_i32 = arith.constant 0 : i32
    %c0_i32_0 = arith.constant 0 : i32
    return %arg0, %c0_i32 : i32, i32
  }
  func.func @transform_13(%arg0: i32) -> (i32, i32) {
    %c0_i32 = arith.constant 0 : i32
    %c0_i32_0 = arith.constant 0 : i32
    return %arg0, %c0_i32 : i32, i32
  }
  func.func @transform_14(%arg0: i32) -> (i32, i32) {
    %c0_i32 = arith.constant 0 : i32
    %c0_i32_0 = arith.constant 0 : i32
    return %arg0, %c0_i32 : i32, i32
  }
  func.func @transform_15(%arg0: i32) -> (i32, i32, i32) {
    %c0_i32 = arith.constant 0 : i32
    %c0_i32_0 = arith.constant 0 : i32
    %c0_i32_1 = arith.constant 0 : i32
    return %arg0, %c0_i32, %c0_i32_0 : i32, i32, i32
  }
  func.func @transform_16(%arg0: i32) -> (i32, i32, i32) {
    %c0_i32 = arith.constant 0 : i32
    %c0_i32_0 = arith.constant 0 : i32
    %c0_i32_1 = arith.constant 0 : i32
    return %arg0, %c0_i32, %c0_i32_0 : i32, i32, i32
  }
}

module attributes {stable_mosaic.version = 14 : i64} {
  func.func @_gat_post_pre_body(%arg0: i32, %arg1: memref<2x2000x128xf32, #tpu.memory_space<vmem>>, %arg2: memref<2x2000x128xf32, #tpu.memory_space<vmem>>, %arg3: memref<2000x128xf32, #tpu.memory_space<vmem>>, %arg4: memref<2000x128xf32, #tpu.memory_space<vmem>>, %arg5: memref<8x128xf32, #tpu.memory_space<vmem>>, %arg6: memref<2000x128xf32, #tpu.memory_space<vmem>>, %arg7: memref<2000x128xf32, #tpu.memory_space<vmem>>, %arg8: memref<1x128xf32, #tpu.memory_space<vmem>>, %arg9: memref<1x128xf32, #tpu.memory_space<vmem>>, %arg10: memref<1x128xf32, #tpu.memory_space<vmem>>, %arg11: memref<16x128xf32, #tpu.memory_space<vmem>>, %arg12: memref<128x128xf32, #tpu.memory_space<vmem>>, %arg13: memref<128x16xf32, #tpu.memory_space<vmem>>, %arg14: memref<128x16xf32, #tpu.memory_space<vmem>>, %arg15: memref<1x16xf32, #tpu.memory_space<vmem>>, %arg16: memref<2000x128xf32, #tpu.memory_space<vmem>>, %arg17: memref<2000x128xf32, #tpu.memory_space<vmem>>, %arg18: memref<2000x128xf32, #tpu.memory_space<vmem>>, %arg19: memref<2000x128xf32, #tpu.memory_space<vmem>>, %arg20: memref<1x1x16xf32, #tpu.memory_space<vmem>>, %arg21: memref<1x1x16xf32, #tpu.memory_space<vmem>>) attributes {dimension_semantics = [#tpu.dimension_semantics<arbitrary>], iteration_bounds = array<i64: 5>, scalar_prefetch = 0 : i64, scratch_operands = 0 : i64, tpu.core_type = #tpu.core_type<tc>, window_params = [{transform_indices = @transform_0, window_bounds = array<i64: 2, 2000, 128>}, {transform_indices = @transform_1, window_bounds = array<i64: 2, 2000, 128>}, {transform_indices = @transform_2, window_bounds = array<i64: 2000, 128>}, {transform_indices = @transform_3, window_bounds = array<i64: 2000, 128>}, {pipeline_mode = #tpu.pipeline_mode<synchronous>, transform_indices = @transform_4, window_bounds = array<i64: 8, 128>}, {transform_indices = @transform_5, window_bounds = array<i64: 2000, 128>}, {transform_indices = @transform_6, window_bounds = array<i64: 2000, 128>}, {pipeline_mode = #tpu.pipeline_mode<synchronous>, transform_indices = @transform_7, window_bounds = array<i64: 1, 128>}, {pipeline_mode = #tpu.pipeline_mode<synchronous>, transform_indices = @transform_8, window_bounds = array<i64: 1, 128>}, {pipeline_mode = #tpu.pipeline_mode<synchronous>, transform_indices = @transform_9, window_bounds = array<i64: 1, 128>}, {pipeline_mode = #tpu.pipeline_mode<synchronous>, transform_indices = @transform_10, window_bounds = array<i64: 16, 128>}, {pipeline_mode = #tpu.pipeline_mode<synchronous>, transform_indices = @transform_11, window_bounds = array<i64: 128, 128>}, {pipeline_mode = #tpu.pipeline_mode<synchronous>, transform_indices = @transform_12, window_bounds = array<i64: 128, 16>}, {pipeline_mode = #tpu.pipeline_mode<synchronous>, transform_indices = @transform_13, window_bounds = array<i64: 128, 16>}, {pipeline_mode = #tpu.pipeline_mode<synchronous>, transform_indices = @transform_14, window_bounds = array<i64: 1, 16>}, {transform_indices = @transform_15, window_bounds = array<i64: 2000, 128>}, {transform_indices = @transform_16, window_bounds = array<i64: 2000, 128>}, {transform_indices = @transform_17, window_bounds = array<i64: 2000, 128>}, {transform_indices = @transform_18, window_bounds = array<i64: 2000, 128>}, {transform_indices = @transform_19, window_bounds = array<i64: 1, 1, 16>}, {transform_indices = @transform_20, window_bounds = array<i64: 1, 1, 16>}]} {
    %get3A = arith.constant 0 : index
    %get3A_0 = arith.constant 0 : index
    %get3A_1 = vector.load %arg3[%get3A, %get3A_0] : memref<2000x128xf32, #tpu.memory_space<vmem>>, vector<2000x128xf32>
    %slice3A = vector.extract_strided_slice %get3A_1 {offsets = [0, 0], sizes = [2000, 16], strides = [1, 1]} : vector<2000x128xf32> to vector<2000x16xf32>
    %get3A_2 = arith.constant 0 : index
    %get3A_3 = arith.constant 0 : index
    %get3A_4 = vector.load %arg4[%get3A_2, %get3A_3] : memref<2000x128xf32, #tpu.memory_space<vmem>>, vector<2000x128xf32>
    %slice3A_5 = vector.extract_strided_slice %get3A_4 {offsets = [0, 0], sizes = [2000, 16], strides = [1, 1]} : vector<2000x128xf32> to vector<2000x16xf32>
    %add3A = arith.addf %slice3A, %slice3A_5 : vector<2000x16xf32>
    %mul3A = arith.constant 2.000000e-01 : f32
    %mul3A_6 = vector.broadcast %mul3A : f32 to vector<2000x16xf32>
    %mul3A_7 = arith.mulf %mul3A_6, %add3A : vector<2000x16xf32>
    %max3A = arith.maximumf %add3A, %mul3A_7 : vector<2000x16xf32>
    %get3A_8 = arith.constant 0 : index
    %get3A_9 = arith.constant 0 : index
    %get3A_10 = vector.load %arg5[%get3A_8, %get3A_9] : memref<8x128xf32, #tpu.memory_space<vmem>>, vector<8x128xf32>
    %slice3A_11 = vector.extract_strided_slice %get3A_10 {offsets = [0, 0], sizes = [1, 16], strides = [1, 1]} : vector<8x128xf32> to vector<1x16xf32>
    %sub3A = vector.broadcast %slice3A_11 : vector<1x16xf32> to vector<2000x16xf32>
    %sub3A_12 = arith.subf %max3A, %sub3A : vector<2000x16xf32>
    %exp3A = math.exp %sub3A_12 : vector<2000x16xf32>
    %get3A_13 = arith.constant 0 : index
    %get3A_14 = arith.constant 0 : index
    %get3A_15 = arith.constant 0 : index
    %get3A_16 = vector.load %arg2[%get3A_13, %get3A_14, %get3A_15] : memref<2x2000x128xf32, #tpu.memory_space<vmem>>, vector<2x2000x128xf32>
    %slice3A_17 = vector.extract_strided_slice %get3A_16 {offsets = [0, 0, 0], sizes = [1, 2000, 16], strides = [1, 1, 1]} : vector<2x2000x128xf32> to vector<1x2000x16xf32>
    %squeeze3A = vector.shape_cast %slice3A_17 : vector<1x2000x16xf32> to vector<2000x16xf32>
    %slice3A_18 = vector.extract_strided_slice %get3A_16 {offsets = [1, 0, 0], sizes = [1, 2000, 16], strides = [1, 1, 1]} : vector<2x2000x128xf32> to vector<1x2000x16xf32>
    %squeeze3A_19 = vector.shape_cast %slice3A_18 : vector<1x2000x16xf32> to vector<2000x16xf32>
    %add3A_20 = arith.addf %squeeze3A, %squeeze3A_19 : vector<2000x16xf32>
    %add3A_21 = arith.addf %add3A_20, %exp3A : vector<2000x16xf32>
    %add3A_22 = arith.constant 1.000000e-16 : f32
    %add3A_23 = vector.broadcast %add3A_22 : f32 to vector<2000x16xf32>
    %add3A_24 = arith.addf %add3A_21, %add3A_23 : vector<2000x16xf32>
    %get3A_25 = arith.constant 0 : index
    %get3A_26 = arith.constant 0 : index
    %get3A_27 = vector.load %arg11[%get3A_25, %get3A_26] : memref<16x128xf32, #tpu.memory_space<vmem>>, vector<16x128xf32>
    %get3A_28 = arith.constant 0 : index
    %get3A_29 = arith.constant 0 : index
    %get3A_30 = arith.constant 0 : index
    %get3A_31 = vector.load %arg1[%get3A_28, %get3A_29, %get3A_30] : memref<2x2000x128xf32, #tpu.memory_space<vmem>>, vector<2x2000x128xf32>
    %slice3A_32 = vector.extract_strided_slice %get3A_31 {offsets = [0, 0, 0], sizes = [1, 2000, 128], strides = [1, 1, 1]} : vector<2x2000x128xf32> to vector<1x2000x128xf32>
    %squeeze3A_33 = vector.shape_cast %slice3A_32 : vector<1x2000x128xf32> to vector<2000x128xf32>
    %slice3A_34 = vector.extract_strided_slice %get3A_31 {offsets = [1, 0, 0], sizes = [1, 2000, 128], strides = [1, 1, 1]} : vector<2x2000x128xf32> to vector<1x2000x128xf32>
    %squeeze3A_35 = vector.shape_cast %slice3A_34 : vector<1x2000x128xf32> to vector<2000x128xf32>
    %add3A_36 = arith.addf %squeeze3A_33, %squeeze3A_35 : vector<2000x128xf32>
    %dot_general3A = arith.constant dense<0.000000e+00> : vector<2000x128xf32>
    %dot_general3A_37 = tpu.matmul %exp3A, %get3A_27, %dot_general3A {dimension_numbers = #tpu.dot_dimension_numbers<[1], [0], [0], [1], [0, 0, 1, 1], [], []>, precision = #tpu.contract_precision<fp32>, transpose_lhs_hint = false} : vector<2000x16xf32>, vector<16x128xf32>, vector<2000x128xf32> -> vector<2000x128xf32>
    %get3A_38 = arith.constant 0 : index
    %get3A_39 = arith.constant 0 : index
    %get3A_40 = vector.load %arg6[%get3A_38, %get3A_39] : memref<2000x128xf32, #tpu.memory_space<vmem>>, vector<2000x128xf32>
    %mul3A_41 = arith.mulf %dot_general3A_37, %get3A_40 : vector<2000x128xf32>
    %add3A_42 = arith.addf %add3A_36, %mul3A_41 : vector<2000x128xf32>
    %dot_general3A_43 = arith.constant dense<0.000000e+00> : vector<2000x128xf32>
    %dot_general3A_44 = tpu.matmul %add3A_24, %get3A_27, %dot_general3A_43 {dimension_numbers = #tpu.dot_dimension_numbers<[1], [0], [0], [1], [0, 0, 1, 1], [], []>, precision = #tpu.contract_precision<fp32>, transpose_lhs_hint = false} : vector<2000x16xf32>, vector<16x128xf32>, vector<2000x128xf32> -> vector<2000x128xf32>
    %div3A = arith.divf %add3A_42, %dot_general3A_44 : vector<2000x128xf32>
    %get3A_45 = arith.constant 0 : index
    %get3A_46 = arith.constant 0 : index
    %get3A_47 = vector.load %arg8[%get3A_45, %get3A_46] : memref<1x128xf32, #tpu.memory_space<vmem>>, vector<1x128xf32>
    %add3A_48 = vector.broadcast %get3A_47 : vector<1x128xf32> to vector<2000x128xf32>
    %add3A_49 = arith.addf %div3A, %add3A_48 : vector<2000x128xf32>
    %get3A_50 = arith.constant 0 : index
    %get3A_51 = arith.constant 0 : index
    %get3A_52 = vector.load %arg9[%get3A_50, %get3A_51] : memref<1x128xf32, #tpu.memory_space<vmem>>, vector<1x128xf32>
    %get3A_53 = arith.constant 0 : index
    %get3A_54 = arith.constant 0 : index
    %get3A_55 = vector.load %arg10[%get3A_53, %get3A_54] : memref<1x128xf32, #tpu.memory_space<vmem>>, vector<1x128xf32>
    %reduce_sum3A = arith.constant dense<0.000000e+00> : vector<2000xf32>
    %reduce_sum3A_56 = vector.multi_reduction <add>, %add3A_49, %reduce_sum3A [1] : vector<2000x128xf32> to vector<2000xf32>
    %broadcast_in_dim3A = vector.shape_cast %reduce_sum3A_56 : vector<2000xf32> to vector<2000x1xf32>
    %div3A_57 = arith.constant 1.280000e+02 : f32
    %div3A_58 = vector.broadcast %div3A_57 : f32 to vector<2000x1xf32>
    %div3A_59 = arith.divf %broadcast_in_dim3A, %div3A_58 : vector<2000x1xf32>
    %jit3A = arith.constant 0 : i32
    %reduce_sum3A_60 = arith.constant dense<0.000000e+00> : vector<2000xf32>
    %reduce_sum3A_61 = vector.multi_reduction <add>, %add3A_49, %reduce_sum3A_60 [1] : vector<2000x128xf32> to vector<2000xf32>
    %broadcast_in_dim3A_62 = vector.shape_cast %reduce_sum3A_61 : vector<2000xf32> to vector<2000x1xf32>
    %div3A_63 = arith.constant 1.280000e+02 : f32
    %div3A_64 = vector.broadcast %div3A_63 : f32 to vector<2000x1xf32>
    %div3A_65 = arith.divf %broadcast_in_dim3A_62, %div3A_64 : vector<2000x1xf32>
    %sub3A_66 = vector.broadcast %div3A_65 : vector<2000x1xf32> to vector<2000x128xf32>
    %sub3A_67 = arith.subf %add3A_49, %sub3A_66 : vector<2000x128xf32>
    %square3A = arith.mulf %sub3A_67, %sub3A_67 : vector<2000x128xf32>
    %convert_element_type3A = arith.sitofp %jit3A : i32 to f32
    %sub3A_68 = arith.constant 1.280000e+02 : f32
    %sub3A_69 = arith.subf %sub3A_68, %convert_element_type3A : f32
    %reduce_sum3A_70 = arith.constant dense<0.000000e+00> : vector<2000xf32>
    %reduce_sum3A_71 = vector.multi_reduction <add>, %square3A, %reduce_sum3A_70 [1] : vector<2000x128xf32> to vector<2000xf32>
    %broadcast_in_dim3A_72 = vector.shape_cast %reduce_sum3A_71 : vector<2000xf32> to vector<2000x1xf32>
    %div3A_73 = vector.broadcast %sub3A_69 : f32 to vector<2000x1xf32>
    %div3A_74 = arith.divf %broadcast_in_dim3A_72, %div3A_73 : vector<2000x1xf32>
    %gt3A = arith.constant 0.000000e+00 : f32
    %gt3A_75 = arith.cmpf ogt, %sub3A_69, %gt3A : f32
    %jit3A_76 = arith.constant 0x7FC00000 : f32
    %broadcast_in_dim3A_77 = vector.broadcast %jit3A_76 : f32 to vector<2000x1xf32>
    %select_n3A = arith.select %gt3A_75, %div3A_74, %broadcast_in_dim3A_77 : vector<2000x1xf32>
    %sub3A_78 = vector.broadcast %div3A_59 : vector<2000x1xf32> to vector<2000x128xf32>
    %sub3A_79 = arith.subf %add3A_49, %sub3A_78 : vector<2000x128xf32>
    %add3A_80 = arith.constant 9.99999974E-6 : f32
    %add3A_81 = vector.broadcast %add3A_80 : f32 to vector<2000x1xf32>
    %add3A_82 = arith.addf %select_n3A, %add3A_81 : vector<2000x1xf32>
    %sqrt3A = math.sqrt %add3A_82 : vector<2000x1xf32>
    %div3A_83 = vector.broadcast %sqrt3A : vector<2000x1xf32> to vector<2000x128xf32>
    %div3A_84 = arith.divf %sub3A_79, %div3A_83 : vector<2000x128xf32>
    %mul3A_85 = vector.broadcast %get3A_52 : vector<1x128xf32> to vector<2000x128xf32>
    %mul3A_86 = arith.mulf %div3A_84, %mul3A_85 : vector<2000x128xf32>
    %add3A_87 = vector.broadcast %get3A_55 : vector<1x128xf32> to vector<2000x128xf32>
    %add3A_88 = arith.addf %mul3A_86, %add3A_87 : vector<2000x128xf32>
    %get3A_89 = arith.constant 0 : index
    %get3A_90 = arith.constant 0 : index
    %get3A_91 = vector.load %arg7[%get3A_89, %get3A_90] : memref<2000x128xf32, #tpu.memory_space<vmem>>, vector<2000x128xf32>
    %add3A_92 = arith.addf %add3A_88, %get3A_91 : vector<2000x128xf32>
    %max3A_93 = arith.constant 0.000000e+00 : f32
    %max3A_94 = vector.broadcast %max3A_93 : f32 to vector<2000x128xf32>
    %max3A_95 = arith.maximumf %add3A_92, %max3A_94 : vector<2000x128xf32>
    %swap3A = arith.constant 0 : index
    %swap3A_96 = arith.constant 0 : index
    %swap3A_97 = vector.load %arg16[%swap3A, %swap3A_96] : memref<2000x128xf32, #tpu.memory_space<vmem>>, vector<2000x128xf32>
    tpu.vector_store %arg16[%swap3A, %swap3A_96], %max3A_95 {strides = array<i32>} : memref<2000x128xf32, #tpu.memory_space<vmem>>, vector<2000x128xf32>,
    %get3A_98 = arith.constant 0 : index
    %get3A_99 = arith.constant 0 : index
    %get3A_100 = vector.load %arg12[%get3A_98, %get3A_99] : memref<128x128xf32, #tpu.memory_space<vmem>>, vector<128x128xf32>
    %dot_general3A_101 = arith.constant dense<0.000000e+00> : vector<2000x128xf32>
    %dot_general3A_102 = tpu.matmul %max3A_95, %get3A_100, %dot_general3A_101 {dimension_numbers = #tpu.dot_dimension_numbers<[1], [0], [0], [1], [0, 0, 1, 1], [], []>, precision = #tpu.contract_precision<fp32>, transpose_lhs_hint = false} : vector<2000x128xf32>, vector<128x128xf32>, vector<2000x128xf32> -> vector<2000x128xf32>
    %swap3A_103 = arith.constant 0 : index
    %swap3A_104 = arith.constant 0 : index
    %swap3A_105 = vector.load %arg17[%swap3A_103, %swap3A_104] : memref<2000x128xf32, #tpu.memory_space<vmem>>, vector<2000x128xf32>
    tpu.vector_store %arg17[%swap3A_103, %swap3A_104], %dot_general3A_102 {strides = array<i32>} : memref<2000x128xf32, #tpu.memory_space<vmem>>, vector<2000x128xf32>,
    %get3A_106 = arith.constant 0 : index
    %get3A_107 = arith.constant 0 : index
    %get3A_108 = vector.load %arg13[%get3A_106, %get3A_107] : memref<128x16xf32, #tpu.memory_space<vmem>>, vector<128x16xf32>
    %dot_general3A_109 = arith.constant dense<0.000000e+00> : vector<2000x16xf32>
    %dot_general3A_110 = tpu.matmul %dot_general3A_102, %get3A_108, %dot_general3A_109 {dimension_numbers = #tpu.dot_dimension_numbers<[1], [0], [0], [1], [0, 0, 1, 1], [], []>, precision = #tpu.contract_precision<fp32>, transpose_lhs_hint = false} : vector<2000x128xf32>, vector<128x16xf32>, vector<2000x16xf32> -> vector<2000x16xf32>
    %get3A_111 = arith.constant 0 : index
    %get3A_112 = arith.constant 0 : index
    %get3A_113 = vector.load %arg15[%get3A_111, %get3A_112] : memref<1x16xf32, #tpu.memory_space<vmem>>, vector<1x16xf32>
    %add3A_114 = vector.broadcast %get3A_113 : vector<1x16xf32> to vector<2000x16xf32>
    %add3A_115 = arith.addf %dot_general3A_110, %add3A_114 : vector<2000x16xf32>
    %get3A_116 = arith.constant 0 : index
    %get3A_117 = arith.constant 0 : index
    %get3A_118 = vector.load %arg14[%get3A_116, %get3A_117] : memref<128x16xf32, #tpu.memory_space<vmem>>, vector<128x16xf32>
    %dot_general3A_119 = arith.constant dense<0.000000e+00> : vector<2000x16xf32>
    %dot_general3A_120 = tpu.matmul %dot_general3A_102, %get3A_118, %dot_general3A_119 {dimension_numbers = #tpu.dot_dimension_numbers<[1], [0], [0], [1], [0, 0, 1, 1], [], []>, precision = #tpu.contract_precision<fp32>, transpose_lhs_hint = false} : vector<2000x128xf32>, vector<128x16xf32>, vector<2000x16xf32> -> vector<2000x16xf32>
    %get3A_121 = arith.constant 0 : index
    %get3A_122 = arith.constant 0 : index
    %get3A_123 = vector.load %arg15[%get3A_121, %get3A_122] : memref<1x16xf32, #tpu.memory_space<vmem>>, vector<1x16xf32>
    %add3A_124 = vector.broadcast %get3A_123 : vector<1x16xf32> to vector<2000x16xf32>
    %add3A_125 = arith.addf %dot_general3A_120, %add3A_124 : vector<2000x16xf32>
    %broadcast_in_dim3A_126 = arith.constant -1.000000e+30 : f32
    %broadcast_in_dim3A_127 = vector.broadcast %broadcast_in_dim3A_126 : f32 to vector<2000x112xf32>
    %concatenate3A = tpu.concatenate %add3A_115, %broadcast_in_dim3A_127 in 1 : vector<2000x16xf32>, vector<2000x112xf32> -> vector<2000x128xf32>
    %swap3A_128 = arith.constant 0 : index
    %swap3A_129 = arith.constant 0 : index
    %swap3A_130 = vector.load %arg18[%swap3A_128, %swap3A_129] : memref<2000x128xf32, #tpu.memory_space<vmem>>, vector<2000x128xf32>
    tpu.vector_store %arg18[%swap3A_128, %swap3A_129], %concatenate3A {strides = array<i32>} : memref<2000x128xf32, #tpu.memory_space<vmem>>, vector<2000x128xf32>,
    %concatenate3A_131 = tpu.concatenate %add3A_125, %broadcast_in_dim3A_127 in 1 : vector<2000x16xf32>, vector<2000x112xf32> -> vector<2000x128xf32>
    %swap3A_132 = arith.constant 0 : index
    %swap3A_133 = arith.constant 0 : index
    %swap3A_134 = vector.load %arg19[%swap3A_132, %swap3A_133] : memref<2000x128xf32, #tpu.memory_space<vmem>>, vector<2000x128xf32>
    tpu.vector_store %arg19[%swap3A_132, %swap3A_133], %concatenate3A_131 {strides = array<i32>} : memref<2000x128xf32, #tpu.memory_space<vmem>>, vector<2000x128xf32>,
    %reduce_max3A = arith.constant dense<0xFF800000> : vector<16xf32>
    %reduce_max3A_135 = vector.multi_reduction <maximumf>, %add3A_115, %reduce_max3A [0] : vector<2000x16xf32> to vector<16xf32>
    %reshape3A = vector.shape_cast %reduce_max3A_135 : vector<16xf32> to vector<1x1x16xf32>
    %swap3A_136 = arith.constant 0 : index
    %swap3A_137 = arith.constant 0 : index
    %swap3A_138 = arith.constant 0 : index
    %swap3A_139 = vector.load %arg20[%swap3A_136, %swap3A_137, %swap3A_138] : memref<1x1x16xf32, #tpu.memory_space<vmem>>, vector<1x1x16xf32>
    tpu.vector_store %arg20[%swap3A_136, %swap3A_137, %swap3A_138], %reshape3A {strides = array<i32>} : memref<1x1x16xf32, #tpu.memory_space<vmem>>, vector<1x1x16xf32>,
    %reduce_max3A_140 = arith.constant dense<0xFF800000> : vector<16xf32>
    %reduce_max3A_141 = vector.multi_reduction <maximumf>, %add3A_125, %reduce_max3A_140 [0] : vector<2000x16xf32> to vector<16xf32>
    %reshape3A_142 = vector.shape_cast %reduce_max3A_141 : vector<16xf32> to vector<1x1x16xf32>
    %swap3A_143 = arith.constant 0 : index
    %swap3A_144 = arith.constant 0 : index
    %swap3A_145 = arith.constant 0 : index
    %swap3A_146 = vector.load %arg21[%swap3A_143, %swap3A_144, %swap3A_145] : memref<1x1x16xf32, #tpu.memory_space<vmem>>, vector<1x1x16xf32>
    tpu.vector_store %arg21[%swap3A_143, %swap3A_144, %swap3A_145], %reshape3A_142 {strides = array<i32>} : memref<1x1x16xf32, #tpu.memory_space<vmem>>, vector<1x1x16xf32>,
    return
  }
  func.func @transform_0(%arg0: i32) -> (i32, i32, i32) {
    %c0_i32 = arith.constant 0 : i32
    %c0_i32_0 = arith.constant 0 : i32
    %c0_i32_1 = arith.constant 0 : i32
    return %c0_i32, %arg0, %c0_i32_0 : i32, i32, i32
  }
  func.func @transform_1(%arg0: i32) -> (i32, i32, i32) {
    %c0_i32 = arith.constant 0 : i32
    %c0_i32_0 = arith.constant 0 : i32
    %c0_i32_1 = arith.constant 0 : i32
    return %c0_i32, %arg0, %c0_i32_0 : i32, i32, i32
  }
  func.func @transform_2(%arg0: i32) -> (i32, i32) {
    %c0_i32 = arith.constant 0 : i32
    %c0_i32_0 = arith.constant 0 : i32
    return %arg0, %c0_i32 : i32, i32
  }
  func.func @transform_3(%arg0: i32) -> (i32, i32) {
    %c0_i32 = arith.constant 0 : i32
    %c0_i32_0 = arith.constant 0 : i32
    return %arg0, %c0_i32 : i32, i32
  }
  func.func @transform_4(%arg0: i32) -> (i32, i32) {
    %c0_i32 = arith.constant 0 : i32
    %c0_i32_0 = arith.constant 0 : i32
    %c0_i32_1 = arith.constant 0 : i32
    return %c0_i32, %c0_i32_0 : i32, i32
  }
  func.func @transform_5(%arg0: i32) -> (i32, i32) {
    %c0_i32 = arith.constant 0 : i32
    %c0_i32_0 = arith.constant 0 : i32
    return %arg0, %c0_i32 : i32, i32
  }
  func.func @transform_6(%arg0: i32) -> (i32, i32) {
    %c0_i32 = arith.constant 0 : i32
    %c0_i32_0 = arith.constant 0 : i32
    return %arg0, %c0_i32 : i32, i32
  }
  func.func @transform_7(%arg0: i32) -> (i32, i32) {
    %c0_i32 = arith.constant 0 : i32
    %c0_i32_0 = arith.constant 0 : i32
    %c0_i32_1 = arith.constant 0 : i32
    return %c0_i32, %c0_i32_0 : i32, i32
  }
  func.func @transform_8(%arg0: i32) -> (i32, i32) {
    %c0_i32 = arith.constant 0 : i32
    %c0_i32_0 = arith.constant 0 : i32
    %c0_i32_1 = arith.constant 0 : i32
    return %c0_i32, %c0_i32_0 : i32, i32
  }
  func.func @transform_9(%arg0: i32) -> (i32, i32) {
    %c0_i32 = arith.constant 0 : i32
    %c0_i32_0 = arith.constant 0 : i32
    %c0_i32_1 = arith.constant 0 : i32
    return %c0_i32, %c0_i32_0 : i32, i32
  }
  func.func @transform_10(%arg0: i32) -> (i32, i32) {
    %c0_i32 = arith.constant 0 : i32
    %c0_i32_0 = arith.constant 0 : i32
    %c0_i32_1 = arith.constant 0 : i32
    return %c0_i32, %c0_i32_0 : i32, i32
  }
  func.func @transform_11(%arg0: i32) -> (i32, i32) {
    %c0_i32 = arith.constant 0 : i32
    %c0_i32_0 = arith.constant 0 : i32
    %c0_i32_1 = arith.constant 0 : i32
    return %c0_i32, %c0_i32_0 : i32, i32
  }
  func.func @transform_12(%arg0: i32) -> (i32, i32) {
    %c0_i32 = arith.constant 0 : i32
    %c0_i32_0 = arith.constant 0 : i32
    %c0_i32_1 = arith.constant 0 : i32
    return %c0_i32, %c0_i32_0 : i32, i32
  }
  func.func @transform_13(%arg0: i32) -> (i32, i32) {
    %c0_i32 = arith.constant 0 : i32
    %c0_i32_0 = arith.constant 0 : i32
    %c0_i32_1 = arith.constant 0 : i32
    return %c0_i32, %c0_i32_0 : i32, i32
  }
  func.func @transform_14(%arg0: i32) -> (i32, i32) {
    %c0_i32 = arith.constant 0 : i32
    %c0_i32_0 = arith.constant 0 : i32
    %c0_i32_1 = arith.constant 0 : i32
    return %c0_i32, %c0_i32_0 : i32, i32
  }
  func.func @transform_15(%arg0: i32) -> (i32, i32) {
    %c0_i32 = arith.constant 0 : i32
    %c0_i32_0 = arith.constant 0 : i32
    return %arg0, %c0_i32 : i32, i32
  }
  func.func @transform_16(%arg0: i32) -> (i32, i32) {
    %c0_i32 = arith.constant 0 : i32
    %c0_i32_0 = arith.constant 0 : i32
    return %arg0, %c0_i32 : i32, i32
  }
  func.func @transform_17(%arg0: i32) -> (i32, i32) {
    %c0_i32 = arith.constant 0 : i32
    %c0_i32_0 = arith.constant 0 : i32
    return %arg0, %c0_i32 : i32, i32
  }
  func.func @transform_18(%arg0: i32) -> (i32, i32) {
    %c0_i32 = arith.constant 0 : i32
    %c0_i32_0 = arith.constant 0 : i32
    return %arg0, %c0_i32 : i32, i32
  }
  func.func @transform_19(%arg0: i32) -> (i32, i32, i32) {
    %c0_i32 = arith.constant 0 : i32
    %c0_i32_0 = arith.constant 0 : i32
    %c0_i32_1 = arith.constant 0 : i32
    return %arg0, %c0_i32, %c0_i32_0 : i32, i32, i32
  }
  func.func @transform_20(%arg0: i32) -> (i32, i32, i32) {
    %c0_i32 = arith.constant 0 : i32
    %c0_i32_0 = arith.constant 0 : i32
    %c0_i32_1 = arith.constant 0 : i32
    return %arg0, %c0_i32, %c0_i32_0 : i32, i32, i32
  }
}

module attributes {stable_mosaic.version = 14 : i64} {
  func.func @_gat_post_final_body(%arg0: i32, %arg1: memref<2x2000x128xf32, #tpu.memory_space<vmem>>, %arg2: memref<2x2000x128xf32, #tpu.memory_space<vmem>>, %arg3: memref<2000x128xf32, #tpu.memory_space<vmem>>, %arg4: memref<2000x128xf32, #tpu.memory_space<vmem>>, %arg5: memref<8x128xf32, #tpu.memory_space<vmem>>, %arg6: memref<2000x128xf32, #tpu.memory_space<vmem>>, %arg7: memref<2000x128xf32, #tpu.memory_space<vmem>>, %arg8: memref<1x128xf32, #tpu.memory_space<vmem>>, %arg9: memref<1x128xf32, #tpu.memory_space<vmem>>, %arg10: memref<1x128xf32, #tpu.memory_space<vmem>>, %arg11: memref<16x128xf32, #tpu.memory_space<vmem>>, %arg12: memref<2000x128xf32, #tpu.memory_space<vmem>>, %arg13: memref<1x8x128xf32, #tpu.memory_space<vmem>>, %arg14: memref<1x1x128xf32, #tpu.memory_space<vmem>>) attributes {dimension_semantics = [#tpu.dimension_semantics<arbitrary>], iteration_bounds = array<i64: 5>, scalar_prefetch = 0 : i64, scratch_operands = 0 : i64, tpu.core_type = #tpu.core_type<tc>, window_params = [{transform_indices = @transform_0, window_bounds = array<i64: 2, 2000, 128>}, {transform_indices = @transform_1, window_bounds = array<i64: 2, 2000, 128>}, {transform_indices = @transform_2, window_bounds = array<i64: 2000, 128>}, {transform_indices = @transform_3, window_bounds = array<i64: 2000, 128>}, {pipeline_mode = #tpu.pipeline_mode<synchronous>, transform_indices = @transform_4, window_bounds = array<i64: 8, 128>}, {transform_indices = @transform_5, window_bounds = array<i64: 2000, 128>}, {transform_indices = @transform_6, window_bounds = array<i64: 2000, 128>}, {pipeline_mode = #tpu.pipeline_mode<synchronous>, transform_indices = @transform_7, window_bounds = array<i64: 1, 128>}, {pipeline_mode = #tpu.pipeline_mode<synchronous>, transform_indices = @transform_8, window_bounds = array<i64: 1, 128>}, {pipeline_mode = #tpu.pipeline_mode<synchronous>, transform_indices = @transform_9, window_bounds = array<i64: 1, 128>}, {pipeline_mode = #tpu.pipeline_mode<synchronous>, transform_indices = @transform_10, window_bounds = array<i64: 16, 128>}, {transform_indices = @transform_11, window_bounds = array<i64: 2000, 128>}, {transform_indices = @transform_12, window_bounds = array<i64: 1, 8, 128>}, {transform_indices = @transform_13, window_bounds = array<i64: 1, 1, 128>}]} {
    %get3A = arith.constant 0 : index
    %get3A_0 = arith.constant 0 : index
    %get3A_1 = vector.load %arg3[%get3A, %get3A_0] : memref<2000x128xf32, #tpu.memory_space<vmem>>, vector<2000x128xf32>
    %slice3A = vector.extract_strided_slice %get3A_1 {offsets = [0, 0], sizes = [2000, 16], strides = [1, 1]} : vector<2000x128xf32> to vector<2000x16xf32>
    %get3A_2 = arith.constant 0 : index
    %get3A_3 = arith.constant 0 : index
    %get3A_4 = vector.load %arg4[%get3A_2, %get3A_3] : memref<2000x128xf32, #tpu.memory_space<vmem>>, vector<2000x128xf32>
    %slice3A_5 = vector.extract_strided_slice %get3A_4 {offsets = [0, 0], sizes = [2000, 16], strides = [1, 1]} : vector<2000x128xf32> to vector<2000x16xf32>
    %add3A = arith.addf %slice3A, %slice3A_5 : vector<2000x16xf32>
    %mul3A = arith.constant 2.000000e-01 : f32
    %mul3A_6 = vector.broadcast %mul3A : f32 to vector<2000x16xf32>
    %mul3A_7 = arith.mulf %mul3A_6, %add3A : vector<2000x16xf32>
    %max3A = arith.maximumf %add3A, %mul3A_7 : vector<2000x16xf32>
    %get3A_8 = arith.constant 0 : index
    %get3A_9 = arith.constant 0 : index
    %get3A_10 = vector.load %arg5[%get3A_8, %get3A_9] : memref<8x128xf32, #tpu.memory_space<vmem>>, vector<8x128xf32>
    %slice3A_11 = vector.extract_strided_slice %get3A_10 {offsets = [0, 0], sizes = [1, 16], strides = [1, 1]} : vector<8x128xf32> to vector<1x16xf32>
    %sub3A = vector.broadcast %slice3A_11 : vector<1x16xf32> to vector<2000x16xf32>
    %sub3A_12 = arith.subf %max3A, %sub3A : vector<2000x16xf32>
    %exp3A = math.exp %sub3A_12 : vector<2000x16xf32>
    %get3A_13 = arith.constant 0 : index
    %get3A_14 = arith.constant 0 : index
    %get3A_15 = arith.constant 0 : index
    %get3A_16 = vector.load %arg2[%get3A_13, %get3A_14, %get3A_15] : memref<2x2000x128xf32, #tpu.memory_space<vmem>>, vector<2x2000x128xf32>
    %slice3A_17 = vector.extract_strided_slice %get3A_16 {offsets = [0, 0, 0], sizes = [1, 2000, 16], strides = [1, 1, 1]} : vector<2x2000x128xf32> to vector<1x2000x16xf32>
    %squeeze3A = vector.shape_cast %slice3A_17 : vector<1x2000x16xf32> to vector<2000x16xf32>
    %slice3A_18 = vector.extract_strided_slice %get3A_16 {offsets = [1, 0, 0], sizes = [1, 2000, 16], strides = [1, 1, 1]} : vector<2x2000x128xf32> to vector<1x2000x16xf32>
    %squeeze3A_19 = vector.shape_cast %slice3A_18 : vector<1x2000x16xf32> to vector<2000x16xf32>
    %add3A_20 = arith.addf %squeeze3A, %squeeze3A_19 : vector<2000x16xf32>
    %add3A_21 = arith.addf %add3A_20, %exp3A : vector<2000x16xf32>
    %add3A_22 = arith.constant 1.000000e-16 : f32
    %add3A_23 = vector.broadcast %add3A_22 : f32 to vector<2000x16xf32>
    %add3A_24 = arith.addf %add3A_21, %add3A_23 : vector<2000x16xf32>
    %get3A_25 = arith.constant 0 : index
    %get3A_26 = arith.constant 0 : index
    %get3A_27 = vector.load %arg11[%get3A_25, %get3A_26] : memref<16x128xf32, #tpu.memory_space<vmem>>, vector<16x128xf32>
    %get3A_28 = arith.constant 0 : index
    %get3A_29 = arith.constant 0 : index
    %get3A_30 = arith.constant 0 : index
    %get3A_31 = vector.load %arg1[%get3A_28, %get3A_29, %get3A_30] : memref<2x2000x128xf32, #tpu.memory_space<vmem>>, vector<2x2000x128xf32>
    %slice3A_32 = vector.extract_strided_slice %get3A_31 {offsets = [0, 0, 0], sizes = [1, 2000, 128], strides = [1, 1, 1]} : vector<2x2000x128xf32> to vector<1x2000x128xf32>
    %squeeze3A_33 = vector.shape_cast %slice3A_32 : vector<1x2000x128xf32> to vector<2000x128xf32>
    %slice3A_34 = vector.extract_strided_slice %get3A_31 {offsets = [1, 0, 0], sizes = [1, 2000, 128], strides = [1, 1, 1]} : vector<2x2000x128xf32> to vector<1x2000x128xf32>
    %squeeze3A_35 = vector.shape_cast %slice3A_34 : vector<1x2000x128xf32> to vector<2000x128xf32>
    %add3A_36 = arith.addf %squeeze3A_33, %squeeze3A_35 : vector<2000x128xf32>
    %dot_general3A = arith.constant dense<0.000000e+00> : vector<2000x128xf32>
    %dot_general3A_37 = tpu.matmul %exp3A, %get3A_27, %dot_general3A {dimension_numbers = #tpu.dot_dimension_numbers<[1], [0], [0], [1], [0, 0, 1, 1], [], []>, precision = #tpu.contract_precision<fp32>, transpose_lhs_hint = false} : vector<2000x16xf32>, vector<16x128xf32>, vector<2000x128xf32> -> vector<2000x128xf32>
    %get3A_38 = arith.constant 0 : index
    %get3A_39 = arith.constant 0 : index
    %get3A_40 = vector.load %arg6[%get3A_38, %get3A_39] : memref<2000x128xf32, #tpu.memory_space<vmem>>, vector<2000x128xf32>
    %mul3A_41 = arith.mulf %dot_general3A_37, %get3A_40 : vector<2000x128xf32>
    %add3A_42 = arith.addf %add3A_36, %mul3A_41 : vector<2000x128xf32>
    %dot_general3A_43 = arith.constant dense<0.000000e+00> : vector<2000x128xf32>
    %dot_general3A_44 = tpu.matmul %add3A_24, %get3A_27, %dot_general3A_43 {dimension_numbers = #tpu.dot_dimension_numbers<[1], [0], [0], [1], [0, 0, 1, 1], [], []>, precision = #tpu.contract_precision<fp32>, transpose_lhs_hint = false} : vector<2000x16xf32>, vector<16x128xf32>, vector<2000x128xf32> -> vector<2000x128xf32>
    %div3A = arith.divf %add3A_42, %dot_general3A_44 : vector<2000x128xf32>
    %get3A_45 = arith.constant 0 : index
    %get3A_46 = arith.constant 0 : index
    %get3A_47 = vector.load %arg8[%get3A_45, %get3A_46] : memref<1x128xf32, #tpu.memory_space<vmem>>, vector<1x128xf32>
    %add3A_48 = vector.broadcast %get3A_47 : vector<1x128xf32> to vector<2000x128xf32>
    %add3A_49 = arith.addf %div3A, %add3A_48 : vector<2000x128xf32>
    %get3A_50 = arith.constant 0 : index
    %get3A_51 = arith.constant 0 : index
    %get3A_52 = vector.load %arg9[%get3A_50, %get3A_51] : memref<1x128xf32, #tpu.memory_space<vmem>>, vector<1x128xf32>
    %get3A_53 = arith.constant 0 : index
    %get3A_54 = arith.constant 0 : index
    %get3A_55 = vector.load %arg10[%get3A_53, %get3A_54] : memref<1x128xf32, #tpu.memory_space<vmem>>, vector<1x128xf32>
    %reduce_sum3A = arith.constant dense<0.000000e+00> : vector<2000xf32>
    %reduce_sum3A_56 = vector.multi_reduction <add>, %add3A_49, %reduce_sum3A [1] : vector<2000x128xf32> to vector<2000xf32>
    %broadcast_in_dim3A = vector.shape_cast %reduce_sum3A_56 : vector<2000xf32> to vector<2000x1xf32>
    %div3A_57 = arith.constant 1.280000e+02 : f32
    %div3A_58 = vector.broadcast %div3A_57 : f32 to vector<2000x1xf32>
    %div3A_59 = arith.divf %broadcast_in_dim3A, %div3A_58 : vector<2000x1xf32>
    %jit3A = arith.constant 0 : i32
    %reduce_sum3A_60 = arith.constant dense<0.000000e+00> : vector<2000xf32>
    %reduce_sum3A_61 = vector.multi_reduction <add>, %add3A_49, %reduce_sum3A_60 [1] : vector<2000x128xf32> to vector<2000xf32>
    %broadcast_in_dim3A_62 = vector.shape_cast %reduce_sum3A_61 : vector<2000xf32> to vector<2000x1xf32>
    %div3A_63 = arith.constant 1.280000e+02 : f32
    %div3A_64 = vector.broadcast %div3A_63 : f32 to vector<2000x1xf32>
    %div3A_65 = arith.divf %broadcast_in_dim3A_62, %div3A_64 : vector<2000x1xf32>
    %sub3A_66 = vector.broadcast %div3A_65 : vector<2000x1xf32> to vector<2000x128xf32>
    %sub3A_67 = arith.subf %add3A_49, %sub3A_66 : vector<2000x128xf32>
    %square3A = arith.mulf %sub3A_67, %sub3A_67 : vector<2000x128xf32>
    %convert_element_type3A = arith.sitofp %jit3A : i32 to f32
    %sub3A_68 = arith.constant 1.280000e+02 : f32
    %sub3A_69 = arith.subf %sub3A_68, %convert_element_type3A : f32
    %reduce_sum3A_70 = arith.constant dense<0.000000e+00> : vector<2000xf32>
    %reduce_sum3A_71 = vector.multi_reduction <add>, %square3A, %reduce_sum3A_70 [1] : vector<2000x128xf32> to vector<2000xf32>
    %broadcast_in_dim3A_72 = vector.shape_cast %reduce_sum3A_71 : vector<2000xf32> to vector<2000x1xf32>
    %div3A_73 = vector.broadcast %sub3A_69 : f32 to vector<2000x1xf32>
    %div3A_74 = arith.divf %broadcast_in_dim3A_72, %div3A_73 : vector<2000x1xf32>
    %gt3A = arith.constant 0.000000e+00 : f32
    %gt3A_75 = arith.cmpf ogt, %sub3A_69, %gt3A : f32
    %jit3A_76 = arith.constant 0x7FC00000 : f32
    %broadcast_in_dim3A_77 = vector.broadcast %jit3A_76 : f32 to vector<2000x1xf32>
    %select_n3A = arith.select %gt3A_75, %div3A_74, %broadcast_in_dim3A_77 : vector<2000x1xf32>
    %sub3A_78 = vector.broadcast %div3A_59 : vector<2000x1xf32> to vector<2000x128xf32>
    %sub3A_79 = arith.subf %add3A_49, %sub3A_78 : vector<2000x128xf32>
    %add3A_80 = arith.constant 9.99999974E-6 : f32
    %add3A_81 = vector.broadcast %add3A_80 : f32 to vector<2000x1xf32>
    %add3A_82 = arith.addf %select_n3A, %add3A_81 : vector<2000x1xf32>
    %sqrt3A = math.sqrt %add3A_82 : vector<2000x1xf32>
    %div3A_83 = vector.broadcast %sqrt3A : vector<2000x1xf32> to vector<2000x128xf32>
    %div3A_84 = arith.divf %sub3A_79, %div3A_83 : vector<2000x128xf32>
    %mul3A_85 = vector.broadcast %get3A_52 : vector<1x128xf32> to vector<2000x128xf32>
    %mul3A_86 = arith.mulf %div3A_84, %mul3A_85 : vector<2000x128xf32>
    %add3A_87 = vector.broadcast %get3A_55 : vector<1x128xf32> to vector<2000x128xf32>
    %add3A_88 = arith.addf %mul3A_86, %add3A_87 : vector<2000x128xf32>
    %get3A_89 = arith.constant 0 : index
    %get3A_90 = arith.constant 0 : index
    %get3A_91 = vector.load %arg7[%get3A_89, %get3A_90] : memref<2000x128xf32, #tpu.memory_space<vmem>>, vector<2000x128xf32>
    %add3A_92 = arith.addf %add3A_88, %get3A_91 : vector<2000x128xf32>
    %max3A_93 = arith.constant 0.000000e+00 : f32
    %max3A_94 = vector.broadcast %max3A_93 : f32 to vector<2000x128xf32>
    %max3A_95 = arith.maximumf %add3A_92, %max3A_94 : vector<2000x128xf32>
    %swap3A = arith.constant 0 : index
    %swap3A_96 = arith.constant 0 : index
    %swap3A_97 = vector.load %arg12[%swap3A, %swap3A_96] : memref<2000x128xf32, #tpu.memory_space<vmem>>, vector<2000x128xf32>
    tpu.vector_store %arg12[%swap3A, %swap3A_96], %max3A_95 {strides = array<i32>} : memref<2000x128xf32, #tpu.memory_space<vmem>>, vector<2000x128xf32>,
    %reshape3A = vector.shape_cast %max3A_95 : vector<2000x128xf32> to vector<1x8x250x128xf32>
    %reduce_sum3A_98 = arith.constant dense<0.000000e+00> : vector<1x8x128xf32>
    %reduce_sum3A_99 = vector.multi_reduction <add>, %reshape3A, %reduce_sum3A_98 [2] : vector<1x8x250x128xf32> to vector<1x8x128xf32>
    %swap3A_100 = arith.constant 0 : index
    %swap3A_101 = arith.constant 0 : index
    %swap3A_102 = arith.constant 0 : index
    %swap3A_103 = vector.load %arg13[%swap3A_100, %swap3A_101, %swap3A_102] : memref<1x8x128xf32, #tpu.memory_space<vmem>>, vector<1x8x128xf32>
    tpu.vector_store %arg13[%swap3A_100, %swap3A_101, %swap3A_102], %reduce_sum3A_99 {strides = array<i32>} : memref<1x8x128xf32, #tpu.memory_space<vmem>>, vector<1x8x128xf32>,
    %reduce_max3A = arith.constant dense<0xFF800000> : vector<128xf32>
    %reduce_max3A_104 = vector.multi_reduction <maximumf>, %max3A_95, %reduce_max3A [0] : vector<2000x128xf32> to vector<128xf32>
    %reshape3A_105 = vector.shape_cast %reduce_max3A_104 : vector<128xf32> to vector<1x1x128xf32>
    %swap3A_106 = arith.constant 0 : index
    %swap3A_107 = arith.constant 0 : index
    %swap3A_108 = arith.constant 0 : index
    %swap3A_109 = vector.load %arg14[%swap3A_106, %swap3A_107, %swap3A_108] : memref<1x1x128xf32, #tpu.memory_space<vmem>>, vector<1x1x128xf32>
    tpu.vector_store %arg14[%swap3A_106, %swap3A_107, %swap3A_108], %reshape3A_105 {strides = array<i32>} : memref<1x1x128xf32, #tpu.memory_space<vmem>>, vector<1x1x128xf32>,
    return
  }
  func.func @transform_0(%arg0: i32) -> (i32, i32, i32) {
    %c0_i32 = arith.constant 0 : i32
    %c0_i32_0 = arith.constant 0 : i32
    %c0_i32_1 = arith.constant 0 : i32
    return %c0_i32, %arg0, %c0_i32_0 : i32, i32, i32
  }
  func.func @transform_1(%arg0: i32) -> (i32, i32, i32) {
    %c0_i32 = arith.constant 0 : i32
    %c0_i32_0 = arith.constant 0 : i32
    %c0_i32_1 = arith.constant 0 : i32
    return %c0_i32, %arg0, %c0_i32_0 : i32, i32, i32
  }
  func.func @transform_2(%arg0: i32) -> (i32, i32) {
    %c0_i32 = arith.constant 0 : i32
    %c0_i32_0 = arith.constant 0 : i32
    return %arg0, %c0_i32 : i32, i32
  }
  func.func @transform_3(%arg0: i32) -> (i32, i32) {
    %c0_i32 = arith.constant 0 : i32
    %c0_i32_0 = arith.constant 0 : i32
    return %arg0, %c0_i32 : i32, i32
  }
  func.func @transform_4(%arg0: i32) -> (i32, i32) {
    %c0_i32 = arith.constant 0 : i32
    %c0_i32_0 = arith.constant 0 : i32
    %c0_i32_1 = arith.constant 0 : i32
    return %c0_i32, %c0_i32_0 : i32, i32
  }
  func.func @transform_5(%arg0: i32) -> (i32, i32) {
    %c0_i32 = arith.constant 0 : i32
    %c0_i32_0 = arith.constant 0 : i32
    return %arg0, %c0_i32 : i32, i32
  }
  func.func @transform_6(%arg0: i32) -> (i32, i32) {
    %c0_i32 = arith.constant 0 : i32
    %c0_i32_0 = arith.constant 0 : i32
    return %arg0, %c0_i32 : i32, i32
  }
  func.func @transform_7(%arg0: i32) -> (i32, i32) {
    %c0_i32 = arith.constant 0 : i32
    %c0_i32_0 = arith.constant 0 : i32
    %c0_i32_1 = arith.constant 0 : i32
    return %c0_i32, %c0_i32_0 : i32, i32
  }
  func.func @transform_8(%arg0: i32) -> (i32, i32) {
    %c0_i32 = arith.constant 0 : i32
    %c0_i32_0 = arith.constant 0 : i32
    %c0_i32_1 = arith.constant 0 : i32
    return %c0_i32, %c0_i32_0 : i32, i32
  }
  func.func @transform_9(%arg0: i32) -> (i32, i32) {
    %c0_i32 = arith.constant 0 : i32
    %c0_i32_0 = arith.constant 0 : i32
    %c0_i32_1 = arith.constant 0 : i32
    return %c0_i32, %c0_i32_0 : i32, i32
  }
  func.func @transform_10(%arg0: i32) -> (i32, i32) {
    %c0_i32 = arith.constant 0 : i32
    %c0_i32_0 = arith.constant 0 : i32
    %c0_i32_1 = arith.constant 0 : i32
    return %c0_i32, %c0_i32_0 : i32, i32
  }
  func.func @transform_11(%arg0: i32) -> (i32, i32) {
    %c0_i32 = arith.constant 0 : i32
    %c0_i32_0 = arith.constant 0 : i32
    return %arg0, %c0_i32 : i32, i32
  }
  func.func @transform_12(%arg0: i32) -> (i32, i32, i32) {
    %c0_i32 = arith.constant 0 : i32
    %c0_i32_0 = arith.constant 0 : i32
    %c0_i32_1 = arith.constant 0 : i32
    return %arg0, %c0_i32, %c0_i32_0 : i32, i32, i32
  }
  func.func @transform_13(%arg0: i32) -> (i32, i32, i32) {
    %c0_i32 = arith.constant 0 : i32
    %c0_i32_0 = arith.constant 0 : i32
    %c0_i32_1 = arith.constant 0 : i32
    return %arg0, %c0_i32, %c0_i32_0 : i32, i32, i32
  }
}

module attributes {stable_mosaic.version = 14 : i64} {
  func.func @_head_small_body(%arg0: memref<1x384xf32, #tpu.memory_space<vmem>>, %arg1: memref<1x128xf32, #tpu.memory_space<vmem>>, %arg2: memref<128x64xf32, #tpu.memory_space<vmem>>, %arg3: memref<1x64xf32, #tpu.memory_space<vmem>>, %arg4: memref<64x32xf32, #tpu.memory_space<vmem>>, %arg5: memref<1x32xf32, #tpu.memory_space<vmem>>, %arg6: memref<384x256xf32, #tpu.memory_space<vmem>>, %arg7: memref<1x256xf32, #tpu.memory_space<vmem>>, %arg8: memref<1x256xf32, #tpu.memory_space<vmem>>, %arg9: memref<1x256xf32, #tpu.memory_space<vmem>>, %arg10: memref<256x128xf32, #tpu.memory_space<vmem>>, %arg11: memref<1x128xf32, #tpu.memory_space<vmem>>, %arg12: memref<1x128xf32, #tpu.memory_space<vmem>>, %arg13: memref<1x128xf32, #tpu.memory_space<vmem>>, %arg14: memref<128x64xf32, #tpu.memory_space<vmem>>, %arg15: memref<1x64xf32, #tpu.memory_space<vmem>>, %arg16: memref<64x2xf32, #tpu.memory_space<vmem>>, %arg17: memref<1x2xf32, #tpu.memory_space<vmem>>, %arg18: memref<1x2xf32, #tpu.memory_space<vmem>>, %arg19: memref<1x32xf32, #tpu.memory_space<vmem>>) attributes {dimension_semantics = [], scalar_prefetch = 0 : i64, scratch_operands = 0 : i64, tpu.core_type = #tpu.core_type<tc>} {
    %get3A = arith.constant 0 : index
    %get3A_0 = arith.constant 0 : index
    %get3A_1 = vector.load %arg1[%get3A, %get3A_0] : memref<1x128xf32, #tpu.memory_space<vmem>>, vector<1x128xf32>
    %get3A_2 = arith.constant 0 : index
    %get3A_3 = arith.constant 0 : index
    %get3A_4 = vector.load %arg2[%get3A_2, %get3A_3] : memref<128x64xf32, #tpu.memory_space<vmem>>, vector<128x64xf32>
    %dot_general3A = arith.constant dense<0.000000e+00> : vector<1x64xf32>
    %dot_general3A_5 = tpu.matmul %get3A_1, %get3A_4, %dot_general3A {dimension_numbers = #tpu.dot_dimension_numbers<[1], [0], [0], [1], [0, 0, 1, 1], [], []>, precision = #tpu.contract_precision<fp32>, transpose_lhs_hint = false} : vector<1x128xf32>, vector<128x64xf32>, vector<1x64xf32> -> vector<1x64xf32>
    %get3A_6 = arith.constant 0 : index
    %get3A_7 = arith.constant 0 : index
    %get3A_8 = vector.load %arg3[%get3A_6, %get3A_7] : memref<1x64xf32, #tpu.memory_space<vmem>>, vector<1x64xf32>
    %add3A = arith.addf %dot_general3A_5, %get3A_8 : vector<1x64xf32>
    %max3A = arith.constant 0.000000e+00 : f32
    %max3A_9 = vector.broadcast %max3A : f32 to vector<1x64xf32>
    %max3A_10 = arith.maximumf %add3A, %max3A_9 : vector<1x64xf32>
    %get3A_11 = arith.constant 0 : index
    %get3A_12 = arith.constant 0 : index
    %get3A_13 = vector.load %arg4[%get3A_11, %get3A_12] : memref<64x32xf32, #tpu.memory_space<vmem>>, vector<64x32xf32>
    %dot_general3A_14 = arith.constant dense<0.000000e+00> : vector<1x32xf32>
    %dot_general3A_15 = tpu.matmul %max3A_10, %get3A_13, %dot_general3A_14 {dimension_numbers = #tpu.dot_dimension_numbers<[1], [0], [0], [1], [0, 0, 1, 1], [], []>, precision = #tpu.contract_precision<fp32>, transpose_lhs_hint = false} : vector<1x64xf32>, vector<64x32xf32>, vector<1x32xf32> -> vector<1x32xf32>
    %get3A_16 = arith.constant 0 : index
    %get3A_17 = arith.constant 0 : index
    %get3A_18 = vector.load %arg5[%get3A_16, %get3A_17] : memref<1x32xf32, #tpu.memory_space<vmem>>, vector<1x32xf32>
    %add3A_19 = arith.addf %dot_general3A_15, %get3A_18 : vector<1x32xf32>
    %swap3A = arith.constant 0 : index
    %swap3A_20 = arith.constant 0 : index
    %swap3A_21 = vector.load %arg19[%swap3A, %swap3A_20] : memref<1x32xf32, #tpu.memory_space<vmem>>, vector<1x32xf32>
    tpu.vector_store %arg19[%swap3A, %swap3A_20], %add3A_19 {strides = array<i32>} : memref<1x32xf32, #tpu.memory_space<vmem>>, vector<1x32xf32>,
    %get3A_22 = arith.constant 0 : index
    %get3A_23 = arith.constant 0 : index
    %get3A_24 = vector.load %arg0[%get3A_22, %get3A_23] : memref<1x384xf32, #tpu.memory_space<vmem>>, vector<1x384xf32>
    %get3A_25 = arith.constant 0 : index
    %get3A_26 = arith.constant 0 : index
    %get3A_27 = vector.load %arg6[%get3A_25, %get3A_26] : memref<384x256xf32, #tpu.memory_space<vmem>>, vector<384x256xf32>
    %dot_general3A_28 = arith.constant dense<0.000000e+00> : vector<1x256xf32>
    %dot_general3A_29 = tpu.matmul %get3A_24, %get3A_27, %dot_general3A_28 {dimension_numbers = #tpu.dot_dimension_numbers<[1], [0], [0], [1], [0, 0, 1, 1], [], []>, precision = #tpu.contract_precision<fp32>, transpose_lhs_hint = false} : vector<1x384xf32>, vector<384x256xf32>, vector<1x256xf32> -> vector<1x256xf32>
    %get3A_30 = arith.constant 0 : index
    %get3A_31 = arith.constant 0 : index
    %get3A_32 = vector.load %arg7[%get3A_30, %get3A_31] : memref<1x256xf32, #tpu.memory_space<vmem>>, vector<1x256xf32>
    %add3A_33 = arith.addf %dot_general3A_29, %get3A_32 : vector<1x256xf32>
    %get3A_34 = arith.constant 0 : index
    %get3A_35 = arith.constant 0 : index
    %get3A_36 = vector.load %arg8[%get3A_34, %get3A_35] : memref<1x256xf32, #tpu.memory_space<vmem>>, vector<1x256xf32>
    %get3A_37 = arith.constant 0 : index
    %get3A_38 = arith.constant 0 : index
    %get3A_39 = vector.load %arg9[%get3A_37, %get3A_38] : memref<1x256xf32, #tpu.memory_space<vmem>>, vector<1x256xf32>
    %div3A = arith.constant 1.00000501 : f32
    %div3A_40 = vector.broadcast %div3A : f32 to vector<1x256xf32>
    %div3A_41 = arith.divf %add3A_33, %div3A_40 : vector<1x256xf32>
    %mul3A = arith.mulf %div3A_41, %get3A_36 : vector<1x256xf32>
    %add3A_42 = arith.addf %mul3A, %get3A_39 : vector<1x256xf32>
    %max3A_43 = arith.constant 0.000000e+00 : f32
    %max3A_44 = vector.broadcast %max3A_43 : f32 to vector<1x256xf32>
    %max3A_45 = arith.maximumf %add3A_42, %max3A_44 : vector<1x256xf32>
    %get3A_46 = arith.constant 0 : index
    %get3A_47 = arith.constant 0 : index
    %get3A_48 = vector.load %arg10[%get3A_46, %get3A_47] : memref<256x128xf32, #tpu.memory_space<vmem>>, vector<256x128xf32>
    %dot_general3A_49 = arith.constant dense<0.000000e+00> : vector<1x128xf32>
    %dot_general3A_50 = tpu.matmul %max3A_45, %get3A_48, %dot_general3A_49 {dimension_numbers = #tpu.dot_dimension_numbers<[1], [0], [0], [1], [0, 0, 1, 1], [], []>, precision = #tpu.contract_precision<fp32>, transpose_lhs_hint = false} : vector<1x256xf32>, vector<256x128xf32>, vector<1x128xf32> -> vector<1x128xf32>
    %get3A_51 = arith.constant 0 : index
    %get3A_52 = arith.constant 0 : index
    %get3A_53 = vector.load %arg11[%get3A_51, %get3A_52] : memref<1x128xf32, #tpu.memory_space<vmem>>, vector<1x128xf32>
    %add3A_54 = arith.addf %dot_general3A_50, %get3A_53 : vector<1x128xf32>
    %get3A_55 = arith.constant 0 : index
    %get3A_56 = arith.constant 0 : index
    %get3A_57 = vector.load %arg12[%get3A_55, %get3A_56] : memref<1x128xf32, #tpu.memory_space<vmem>>, vector<1x128xf32>
    %get3A_58 = arith.constant 0 : index
    %get3A_59 = arith.constant 0 : index
    %get3A_60 = vector.load %arg13[%get3A_58, %get3A_59] : memref<1x128xf32, #tpu.memory_space<vmem>>, vector<1x128xf32>
    %div3A_61 = arith.constant 1.00000501 : f32
    %div3A_62 = vector.broadcast %div3A_61 : f32 to vector<1x128xf32>
    %div3A_63 = arith.divf %add3A_54, %div3A_62 : vector<1x128xf32>
    %mul3A_64 = arith.mulf %div3A_63, %get3A_57 : vector<1x128xf32>
    %add3A_65 = arith.addf %mul3A_64, %get3A_60 : vector<1x128xf32>
    %max3A_66 = arith.constant 0.000000e+00 : f32
    %max3A_67 = vector.broadcast %max3A_66 : f32 to vector<1x128xf32>
    %max3A_68 = arith.maximumf %add3A_65, %max3A_67 : vector<1x128xf32>
    %get3A_69 = arith.constant 0 : index
    %get3A_70 = arith.constant 0 : index
    %get3A_71 = vector.load %arg14[%get3A_69, %get3A_70] : memref<128x64xf32, #tpu.memory_space<vmem>>, vector<128x64xf32>
    %dot_general3A_72 = arith.constant dense<0.000000e+00> : vector<1x64xf32>
    %dot_general3A_73 = tpu.matmul %max3A_68, %get3A_71, %dot_general3A_72 {dimension_numbers = #tpu.dot_dimension_numbers<[1], [0], [0], [1], [0, 0, 1, 1], [], []>, precision = #tpu.contract_precision<fp32>, transpose_lhs_hint = false} : vector<1x128xf32>, vector<128x64xf32>, vector<1x64xf32> -> vector<1x64xf32>
    %get3A_74 = arith.constant 0 : index
    %get3A_75 = arith.constant 0 : index
    %get3A_76 = vector.load %arg15[%get3A_74, %get3A_75] : memref<1x64xf32, #tpu.memory_space<vmem>>, vector<1x64xf32>
    %add3A_77 = arith.addf %dot_general3A_73, %get3A_76 : vector<1x64xf32>
    %max3A_78 = arith.constant 0.000000e+00 : f32
    %max3A_79 = vector.broadcast %max3A_78 : f32 to vector<1x64xf32>
    %max3A_80 = arith.maximumf %add3A_77, %max3A_79 : vector<1x64xf32>
    %get3A_81 = arith.constant 0 : index
    %get3A_82 = arith.constant 0 : index
    %get3A_83 = vector.load %arg16[%get3A_81, %get3A_82] : memref<64x2xf32, #tpu.memory_space<vmem>>, vector<64x2xf32>
    %dot_general3A_84 = arith.constant dense<0.000000e+00> : vector<1x2xf32>
    %dot_general3A_85 = tpu.matmul %max3A_80, %get3A_83, %dot_general3A_84 {dimension_numbers = #tpu.dot_dimension_numbers<[1], [0], [0], [1], [0, 0, 1, 1], [], []>, precision = #tpu.contract_precision<fp32>, transpose_lhs_hint = false} : vector<1x64xf32>, vector<64x2xf32>, vector<1x2xf32> -> vector<1x2xf32>
    %get3A_86 = arith.constant 0 : index
    %get3A_87 = arith.constant 0 : index
    %get3A_88 = vector.load %arg17[%get3A_86, %get3A_87] : memref<1x2xf32, #tpu.memory_space<vmem>>, vector<1x2xf32>
    %add3A_89 = arith.addf %dot_general3A_85, %get3A_88 : vector<1x2xf32>
    %swap3A_90 = arith.constant 0 : index
    %swap3A_91 = arith.constant 0 : index
    %swap3A_92 = vector.load %arg18[%swap3A_90, %swap3A_91] : memref<1x2xf32, #tpu.memory_space<vmem>>, vector<1x2xf32>
    tpu.vector_store %arg18[%swap3A_90, %swap3A_91], %add3A_89 {strides = array<i32>} : memref<1x2xf32, #tpu.memory_space<vmem>>, vector<1x2xf32>,
    return
  }
}

module attributes {stable_mosaic.version = 14 : i64} {
  func.func @_node_final_body(%arg0: i32, %arg1: memref<2000x128xf32, #tpu.memory_space<vmem>>, %arg2: memref<1x32xf32, #tpu.memory_space<vmem>>, %arg3: memref<128x64xf32, #tpu.memory_space<vmem>>, %arg4: memref<32x64xf32, #tpu.memory_space<vmem>>, %arg5: memref<1x64xf32, #tpu.memory_space<vmem>>, %arg6: memref<1x64xf32, #tpu.memory_space<vmem>>, %arg7: memref<1x64xf32, #tpu.memory_space<vmem>>, %arg8: memref<64x32xf32, #tpu.memory_space<vmem>>, %arg9: memref<1x32xf32, #tpu.memory_space<vmem>>, %arg10: memref<32x1xf32, #tpu.memory_space<vmem>>, %arg11: memref<1x1xf32, #tpu.memory_space<vmem>>, %arg12: memref<128x64xf32, #tpu.memory_space<vmem>>, %arg13: memref<1x64xf32, #tpu.memory_space<vmem>>, %arg14: memref<64x32xf32, #tpu.memory_space<vmem>>, %arg15: memref<1x32xf32, #tpu.memory_space<vmem>>, %arg16: memref<2000x1xf32, #tpu.memory_space<vmem>>, %arg17: memref<2000x32xf32, #tpu.memory_space<vmem>>) attributes {dimension_semantics = [#tpu.dimension_semantics<arbitrary>], iteration_bounds = array<i64: 5>, scalar_prefetch = 0 : i64, scratch_operands = 0 : i64, tpu.core_type = #tpu.core_type<tc>, window_params = [{transform_indices = @transform_0, window_bounds = array<i64: 2000, 128>}, {pipeline_mode = #tpu.pipeline_mode<synchronous>, transform_indices = @transform_1, window_bounds = array<i64: 1, 32>}, {pipeline_mode = #tpu.pipeline_mode<synchronous>, transform_indices = @transform_2, window_bounds = array<i64: 128, 64>}, {pipeline_mode = #tpu.pipeline_mode<synchronous>, transform_indices = @transform_3, window_bounds = array<i64: 32, 64>}, {pipeline_mode = #tpu.pipeline_mode<synchronous>, transform_indices = @transform_4, window_bounds = array<i64: 1, 64>}, {pipeline_mode = #tpu.pipeline_mode<synchronous>, transform_indices = @transform_5, window_bounds = array<i64: 1, 64>}, {pipeline_mode = #tpu.pipeline_mode<synchronous>, transform_indices = @transform_6, window_bounds = array<i64: 1, 64>}, {pipeline_mode = #tpu.pipeline_mode<synchronous>, transform_indices = @transform_7, window_bounds = array<i64: 64, 32>}, {pipeline_mode = #tpu.pipeline_mode<synchronous>, transform_indices = @transform_8, window_bounds = array<i64: 1, 32>}, {pipeline_mode = #tpu.pipeline_mode<synchronous>, transform_indices = @transform_9, window_bounds = array<i64: 32, 1>}, {pipeline_mode = #tpu.pipeline_mode<synchronous>, transform_indices = @transform_10, window_bounds = array<i64: 1, 1>}, {pipeline_mode = #tpu.pipeline_mode<synchronous>, transform_indices = @transform_11, window_bounds = array<i64: 128, 64>}, {pipeline_mode = #tpu.pipeline_mode<synchronous>, transform_indices = @transform_12, window_bounds = array<i64: 1, 64>}, {pipeline_mode = #tpu.pipeline_mode<synchronous>, transform_indices = @transform_13, window_bounds = array<i64: 64, 32>}, {pipeline_mode = #tpu.pipeline_mode<synchronous>, transform_indices = @transform_14, window_bounds = array<i64: 1, 32>}, {transform_indices = @transform_15, window_bounds = array<i64: 2000, 1>}, {transform_indices = @transform_16, window_bounds = array<i64: 2000, 32>}]} {
    %get3A = arith.constant 0 : index
    %get3A_0 = arith.constant 0 : index
    %get3A_1 = vector.load %arg1[%get3A, %get3A_0] : memref<2000x128xf32, #tpu.memory_space<vmem>>, vector<2000x128xf32>
    %get3A_2 = arith.constant 0 : index
    %get3A_3 = arith.constant 0 : index
    %get3A_4 = vector.load %arg3[%get3A_2, %get3A_3] : memref<128x64xf32, #tpu.memory_space<vmem>>, vector<128x64xf32>
    %dot_general3A = arith.constant dense<0.000000e+00> : vector<2000x64xf32>
    %dot_general3A_5 = tpu.matmul %get3A_1, %get3A_4, %dot_general3A {dimension_numbers = #tpu.dot_dimension_numbers<[1], [0], [0], [1], [0, 0, 1, 1], [], []>, precision = #tpu.contract_precision<fp32>, transpose_lhs_hint = false} : vector<2000x128xf32>, vector<128x64xf32>, vector<2000x64xf32> -> vector<2000x64xf32>
    %get3A_6 = arith.constant 0 : index
    %get3A_7 = arith.constant 0 : index
    %get3A_8 = vector.load %arg2[%get3A_6, %get3A_7] : memref<1x32xf32, #tpu.memory_space<vmem>>, vector<1x32xf32>
    %get3A_9 = arith.constant 0 : index
    %get3A_10 = arith.constant 0 : index
    %get3A_11 = vector.load %arg4[%get3A_9, %get3A_10] : memref<32x64xf32, #tpu.memory_space<vmem>>, vector<32x64xf32>
    %dot_general3A_12 = arith.constant dense<0.000000e+00> : vector<1x64xf32>
    %dot_general3A_13 = tpu.matmul %get3A_8, %get3A_11, %dot_general3A_12 {dimension_numbers = #tpu.dot_dimension_numbers<[1], [0], [0], [1], [0, 0, 1, 1], [], []>, precision = #tpu.contract_precision<fp32>, transpose_lhs_hint = false} : vector<1x32xf32>, vector<32x64xf32>, vector<1x64xf32> -> vector<1x64xf32>
    %add3A = vector.broadcast %dot_general3A_13 : vector<1x64xf32> to vector<2000x64xf32>
    %add3A_14 = arith.addf %dot_general3A_5, %add3A : vector<2000x64xf32>
    %get3A_15 = arith.constant 0 : index
    %get3A_16 = arith.constant 0 : index
    %get3A_17 = vector.load %arg5[%get3A_15, %get3A_16] : memref<1x64xf32, #tpu.memory_space<vmem>>, vector<1x64xf32>
    %add3A_18 = vector.broadcast %get3A_17 : vector<1x64xf32> to vector<2000x64xf32>
    %add3A_19 = arith.addf %add3A_14, %add3A_18 : vector<2000x64xf32>
    %get3A_20 = arith.constant 0 : index
    %get3A_21 = arith.constant 0 : index
    %get3A_22 = vector.load %arg6[%get3A_20, %get3A_21] : memref<1x64xf32, #tpu.memory_space<vmem>>, vector<1x64xf32>
    %get3A_23 = arith.constant 0 : index
    %get3A_24 = arith.constant 0 : index
    %get3A_25 = vector.load %arg7[%get3A_23, %get3A_24] : memref<1x64xf32, #tpu.memory_space<vmem>>, vector<1x64xf32>
    %div3A = arith.constant 1.00000501 : f32
    %div3A_26 = vector.broadcast %div3A : f32 to vector<2000x64xf32>
    %div3A_27 = arith.divf %add3A_19, %div3A_26 : vector<2000x64xf32>
    %mul3A = vector.broadcast %get3A_22 : vector<1x64xf32> to vector<2000x64xf32>
    %mul3A_28 = arith.mulf %div3A_27, %mul3A : vector<2000x64xf32>
    %add3A_29 = vector.broadcast %get3A_25 : vector<1x64xf32> to vector<2000x64xf32>
    %add3A_30 = arith.addf %mul3A_28, %add3A_29 : vector<2000x64xf32>
    %max3A = arith.constant 0.000000e+00 : f32
    %max3A_31 = vector.broadcast %max3A : f32 to vector<2000x64xf32>
    %max3A_32 = arith.maximumf %add3A_30, %max3A_31 : vector<2000x64xf32>
    %get3A_33 = arith.constant 0 : index
    %get3A_34 = arith.constant 0 : index
    %get3A_35 = vector.load %arg8[%get3A_33, %get3A_34] : memref<64x32xf32, #tpu.memory_space<vmem>>, vector<64x32xf32>
    %dot_general3A_36 = arith.constant dense<0.000000e+00> : vector<2000x32xf32>
    %dot_general3A_37 = tpu.matmul %max3A_32, %get3A_35, %dot_general3A_36 {dimension_numbers = #tpu.dot_dimension_numbers<[1], [0], [0], [1], [0, 0, 1, 1], [], []>, precision = #tpu.contract_precision<fp32>, transpose_lhs_hint = false} : vector<2000x64xf32>, vector<64x32xf32>, vector<2000x32xf32> -> vector<2000x32xf32>
    %get3A_38 = arith.constant 0 : index
    %get3A_39 = arith.constant 0 : index
    %get3A_40 = vector.load %arg9[%get3A_38, %get3A_39] : memref<1x32xf32, #tpu.memory_space<vmem>>, vector<1x32xf32>
    %add3A_41 = vector.broadcast %get3A_40 : vector<1x32xf32> to vector<2000x32xf32>
    %add3A_42 = arith.addf %dot_general3A_37, %add3A_41 : vector<2000x32xf32>
    %max3A_43 = arith.constant 0.000000e+00 : f32
    %max3A_44 = vector.broadcast %max3A_43 : f32 to vector<2000x32xf32>
    %max3A_45 = arith.maximumf %add3A_42, %max3A_44 : vector<2000x32xf32>
    %get3A_46 = arith.constant 0 : index
    %get3A_47 = arith.constant 0 : index
    %get3A_48 = vector.load %arg10[%get3A_46, %get3A_47] : memref<32x1xf32, #tpu.memory_space<vmem>>, vector<32x1xf32>
    %dot_general3A_49 = arith.constant dense<0.000000e+00> : vector<2000x1xf32>
    %dot_general3A_50 = tpu.matmul %max3A_45, %get3A_48, %dot_general3A_49 {dimension_numbers = #tpu.dot_dimension_numbers<[1], [0], [0], [1], [0, 0, 1, 1], [], []>, precision = #tpu.contract_precision<fp32>, transpose_lhs_hint = false} : vector<2000x32xf32>, vector<32x1xf32>, vector<2000x1xf32> -> vector<2000x1xf32>
    %get3A_51 = arith.constant 0 : index
    %get3A_52 = arith.constant 0 : index
    %get3A_53 = vector.load %arg11[%get3A_51, %get3A_52] : memref<1x1xf32, #tpu.memory_space<vmem>>, vector<1x1xf32>
    %add3A_54 = vector.broadcast %get3A_53 : vector<1x1xf32> to vector<2000x1xf32>
    %add3A_55 = arith.addf %dot_general3A_50, %add3A_54 : vector<2000x1xf32>
    %logistic3A = arith.negf %add3A_55 : vector<2000x1xf32>
    %logistic3A_56 = math.exp %logistic3A : vector<2000x1xf32>
    %logistic3A_57 = arith.constant 1.000000e+00 : f32
    %logistic3A_58 = vector.broadcast %logistic3A_57 : f32 to vector<2000x1xf32>
    %logistic3A_59 = arith.addf %logistic3A_58, %logistic3A_56 : vector<2000x1xf32>
    %logistic3A_60 = arith.divf %logistic3A_58, %logistic3A_59 : vector<2000x1xf32>
    %swap3A = arith.constant 0 : index
    %swap3A_61 = arith.constant 0 : index
    %swap3A_62 = vector.load %arg16[%swap3A, %swap3A_61] : memref<2000x1xf32, #tpu.memory_space<vmem>>, vector<2000x1xf32>
    tpu.vector_store %arg16[%swap3A, %swap3A_61], %logistic3A_60 {strides = array<i32>} : memref<2000x1xf32, #tpu.memory_space<vmem>>, vector<2000x1xf32>,
    %get3A_63 = arith.constant 0 : index
    %get3A_64 = arith.constant 0 : index
    %get3A_65 = vector.load %arg12[%get3A_63, %get3A_64] : memref<128x64xf32, #tpu.memory_space<vmem>>, vector<128x64xf32>
    %dot_general3A_66 = arith.constant dense<0.000000e+00> : vector<2000x64xf32>
    %dot_general3A_67 = tpu.matmul %get3A_1, %get3A_65, %dot_general3A_66 {dimension_numbers = #tpu.dot_dimension_numbers<[1], [0], [0], [1], [0, 0, 1, 1], [], []>, precision = #tpu.contract_precision<fp32>, transpose_lhs_hint = false} : vector<2000x128xf32>, vector<128x64xf32>, vector<2000x64xf32> -> vector<2000x64xf32>
    %get3A_68 = arith.constant 0 : index
    %get3A_69 = arith.constant 0 : index
    %get3A_70 = vector.load %arg13[%get3A_68, %get3A_69] : memref<1x64xf32, #tpu.memory_space<vmem>>, vector<1x64xf32>
    %add3A_71 = vector.broadcast %get3A_70 : vector<1x64xf32> to vector<2000x64xf32>
    %add3A_72 = arith.addf %dot_general3A_67, %add3A_71 : vector<2000x64xf32>
    %max3A_73 = arith.constant 0.000000e+00 : f32
    %max3A_74 = vector.broadcast %max3A_73 : f32 to vector<2000x64xf32>
    %max3A_75 = arith.maximumf %add3A_72, %max3A_74 : vector<2000x64xf32>
    %get3A_76 = arith.constant 0 : index
    %get3A_77 = arith.constant 0 : index
    %get3A_78 = vector.load %arg14[%get3A_76, %get3A_77] : memref<64x32xf32, #tpu.memory_space<vmem>>, vector<64x32xf32>
    %dot_general3A_79 = arith.constant dense<0.000000e+00> : vector<2000x32xf32>
    %dot_general3A_80 = tpu.matmul %max3A_75, %get3A_78, %dot_general3A_79 {dimension_numbers = #tpu.dot_dimension_numbers<[1], [0], [0], [1], [0, 0, 1, 1], [], []>, precision = #tpu.contract_precision<fp32>, transpose_lhs_hint = false} : vector<2000x64xf32>, vector<64x32xf32>, vector<2000x32xf32> -> vector<2000x32xf32>
    %get3A_81 = arith.constant 0 : index
    %get3A_82 = arith.constant 0 : index
    %get3A_83 = vector.load %arg15[%get3A_81, %get3A_82] : memref<1x32xf32, #tpu.memory_space<vmem>>, vector<1x32xf32>
    %add3A_84 = vector.broadcast %get3A_83 : vector<1x32xf32> to vector<2000x32xf32>
    %add3A_85 = arith.addf %dot_general3A_80, %add3A_84 : vector<2000x32xf32>
    %swap3A_86 = arith.constant 0 : index
    %swap3A_87 = arith.constant 0 : index
    %swap3A_88 = vector.load %arg17[%swap3A_86, %swap3A_87] : memref<2000x32xf32, #tpu.memory_space<vmem>>, vector<2000x32xf32>
    tpu.vector_store %arg17[%swap3A_86, %swap3A_87], %add3A_85 {strides = array<i32>} : memref<2000x32xf32, #tpu.memory_space<vmem>>, vector<2000x32xf32>,
    return
  }
  func.func @transform_0(%arg0: i32) -> (i32, i32) {
    %c0_i32 = arith.constant 0 : i32
    %c0_i32_0 = arith.constant 0 : i32
    return %arg0, %c0_i32 : i32, i32
  }
  func.func @transform_1(%arg0: i32) -> (i32, i32) {
    %c0_i32 = arith.constant 0 : i32
    %c0_i32_0 = arith.constant 0 : i32
    %c0_i32_1 = arith.constant 0 : i32
    return %c0_i32, %c0_i32_0 : i32, i32
  }
  func.func @transform_2(%arg0: i32) -> (i32, i32) {
    %c0_i32 = arith.constant 0 : i32
    %c0_i32_0 = arith.constant 0 : i32
    %c0_i32_1 = arith.constant 0 : i32
    return %c0_i32, %c0_i32_0 : i32, i32
  }
  func.func @transform_3(%arg0: i32) -> (i32, i32) {
    %c0_i32 = arith.constant 0 : i32
    %c0_i32_0 = arith.constant 0 : i32
    %c0_i32_1 = arith.constant 0 : i32
    return %c0_i32, %c0_i32_0 : i32, i32
  }
  func.func @transform_4(%arg0: i32) -> (i32, i32) {
    %c0_i32 = arith.constant 0 : i32
    %c0_i32_0 = arith.constant 0 : i32
    %c0_i32_1 = arith.constant 0 : i32
    return %c0_i32, %c0_i32_0 : i32, i32
  }
  func.func @transform_5(%arg0: i32) -> (i32, i32) {
    %c0_i32 = arith.constant 0 : i32
    %c0_i32_0 = arith.constant 0 : i32
    %c0_i32_1 = arith.constant 0 : i32
    return %c0_i32, %c0_i32_0 : i32, i32
  }
  func.func @transform_6(%arg0: i32) -> (i32, i32) {
    %c0_i32 = arith.constant 0 : i32
    %c0_i32_0 = arith.constant 0 : i32
    %c0_i32_1 = arith.constant 0 : i32
    return %c0_i32, %c0_i32_0 : i32, i32
  }
  func.func @transform_7(%arg0: i32) -> (i32, i32) {
    %c0_i32 = arith.constant 0 : i32
    %c0_i32_0 = arith.constant 0 : i32
    %c0_i32_1 = arith.constant 0 : i32
    return %c0_i32, %c0_i32_0 : i32, i32
  }
  func.func @transform_8(%arg0: i32) -> (i32, i32) {
    %c0_i32 = arith.constant 0 : i32
    %c0_i32_0 = arith.constant 0 : i32
    %c0_i32_1 = arith.constant 0 : i32
    return %c0_i32, %c0_i32_0 : i32, i32
  }
  func.func @transform_9(%arg0: i32) -> (i32, i32) {
    %c0_i32 = arith.constant 0 : i32
    %c0_i32_0 = arith.constant 0 : i32
    %c0_i32_1 = arith.constant 0 : i32
    return %c0_i32, %c0_i32_0 : i32, i32
  }
  func.func @transform_10(%arg0: i32) -> (i32, i32) {
    %c0_i32 = arith.constant 0 : i32
    %c0_i32_0 = arith.constant 0 : i32
    %c0_i32_1 = arith.constant 0 : i32
    return %c0_i32, %c0_i32_0 : i32, i32
  }
  func.func @transform_11(%arg0: i32) -> (i32, i32) {
    %c0_i32 = arith.constant 0 : i32
    %c0_i32_0 = arith.constant 0 : i32
    %c0_i32_1 = arith.constant 0 : i32
    return %c0_i32, %c0_i32_0 : i32, i32
  }
  func.func @transform_12(%arg0: i32) -> (i32, i32) {
    %c0_i32 = arith.constant 0 : i32
    %c0_i32_0 = arith.constant 0 : i32
    %c0_i32_1 = arith.constant 0 : i32
    return %c0_i32, %c0_i32_0 : i32, i32
  }
  func.func @transform_13(%arg0: i32) -> (i32, i32) {
    %c0_i32 = arith.constant 0 : i32
    %c0_i32_0 = arith.constant 0 : i32
    %c0_i32_1 = arith.constant 0 : i32
    return %c0_i32, %c0_i32_0 : i32, i32
  }
  func.func @transform_14(%arg0: i32) -> (i32, i32) {
    %c0_i32 = arith.constant 0 : i32
    %c0_i32_0 = arith.constant 0 : i32
    %c0_i32_1 = arith.constant 0 : i32
    return %c0_i32, %c0_i32_0 : i32, i32
  }
  func.func @transform_15(%arg0: i32) -> (i32, i32) {
    %c0_i32 = arith.constant 0 : i32
    %c0_i32_0 = arith.constant 0 : i32
    return %arg0, %c0_i32 : i32, i32
  }
  func.func @transform_16(%arg0: i32) -> (i32, i32) {
    %c0_i32 = arith.constant 0 : i32
    %c0_i32_0 = arith.constant 0 : i32
    return %arg0, %c0_i32 : i32, i32
  }
}

</mosaic_0001>

<sc_bundles>
// kernel: sc_deg.3.cloned.1.call-start
scs
__scs_entry_jumppad:
0x0: {  	(pc) =	sbr.rel $0x88, $3  }
0x1: {  	(tag) =	ssettag $0x0;
	lr =	simm.s32 $0x1  }
0x2: {  	[smem:$0x3F68] =	sst lr;
	_ =	strace $0xD0000000  }
0x3: {  	_ = 	snop  }
0x4: {  	_ = 	snop  }
0x5: {  	_ = 	snop  }
0x6: {  	_ = 	snop  }
0x7: {  	_ = 	snop  }
__scs_overlays_trampoline_lowered:
0x8: {  	[smem:$0x3F77] =	sst s0  }
0x9: {  	[smem:$0x3F78] =	sst s1  }
0xa: {  	[smem:$0x3F79] =	sst s2  }
0xb: {  	[smem:$0x3F7A] =	sst s3  }
0xc: {  	[smem:$0x3F7B] =	sst s4  }
0xd: {  	[smem:$0x3F7C] =	sst s5  }
0xe: {  	[smem:$0x3F7D] =	sst s6  }
0xf: {  	[smem:$0x3F7E] =	sst s7  }
0x10: {  	[smem:$0x3F7F] =	sst s8  }
0x11: {  	[smem:$0x3F80] =	sst s9;
	s0 =	simm.s32 @!p0 $0x0  }
0x12: {  	s1 =	sld [smem:$0x3F66];
	s0 =	simm.s32 @p0 $0x1  }
0x13: {  	[smem:$0x3F81] =	sst s0;
	s0 =	simm.s32 @!p1 $0x0  }
0x14: {  	s2 =	sld [smem:$0x3F65];
	s0 =	simm.s32 @p1 $0x1  }
0x15: {  	[smem:$0x3F82] =	sst s0;
	s0 =	simm.s32 @!p2 $0x0  }
0x16: {  	s3 =	sld [smem:$0x3FDB];
	s0 =	simm.s32 @p2 $0x1  }
0x17: {  	s4 =	simm.s32 $0x1BF5;
	[smem:$0x3F84] =	sst s0  }
0x18: {  	s0 =	sld [smem:$0x3F67];
	_ =	swait.ge [sflag:s4], $0x0  }
0x19: {  	s7 =	sld [smem:$0x3F68]  }
0x1a: {  	s8 =	sadd.s32 $0xFFFFE003, lr  }
0x1b: {  	s9 =	sadd.s32 $0xFFFFFEF7, lr;
	s5 =	simm.s32 $0xFFFFFFFF;
	p2 =	slt.u32 s8, $0xFFFFF086  }
0x1c: {  	p1 =	slt.u32 s9, $0xF7A;
	s5 =	simm.s32 @!p2 $0x0  }
0x1d: {  	s5 =	simm.s32 @p1 $0x1;
	p0 =	seq.s32 s7, s2  }
0x1e: {  	s7 =	smul.u32 @!p0 $0xF7A, s2;
	p2 =	seq.s32 @!p0 s5, $0x0  }
0x1f: {  	s9 =	smul.u32 $0xF7A, s1;
	s8 =	simm.s32 @!p0 $0x1BF5;
	p2 =	por !p2, p0  }
0x20: {  	[sflag:s8] =	ssyncset.s32 @!p0 $0xFFFFF086;
	s6 =	sadd.s32 @!p0 s3, s7;
	s7 =	simm.s32 @!p0 $0x108  }
0x21: {  	s3 =	sadd.s32 s3, s9;
	s6 =	sadd.s32 @!p0 $0x88, s6;
	s7 =	simm.s32 @p2 $0x1082  }
0x22: {  	[simem:s7], [sflag:s8] =	dma.local @!p0 [hbm:s6], $0xF7A  }
0x23: {  	s9 =	sor.u32 $0xD0000000, s2;
	s6 =	simm.s32 $0x108;
	_ =	swait.ge @!p0 [sflag:s8], $0x0  }
0x24: {  	s3 =	sadd.s32 $0x88, s3;
	s6 =	simm.s32 @!p1 $0x1082;
	[sflag:s4] =	ssyncset.s32 $0xFFFFF086  }
0x25: {  	[simem:s6], [sflag:s4] =	dma.local [hbm:s3], $0xF7A  }
0x26: {  	[smem:$0x3F68] =	sst s1;
	(tag) =	ssettag s2;
	_ =	strace s9  }
0x27: {  	s1 =	sld [smem:$0x3F78]  }
0x28: {  	s2 =	sld [smem:$0x3F79]  }
0x29: {  	s4 =	sld [smem:$0x3F7B]  }
0x2a: {  	p0 =	seq.s32 s5, $0x0;
	s5 =	sld [smem:$0x3F7C]  }
0x2b: {  	s6 =	sld [smem:$0x3F7D]  }
0x2c: {  	s7 =	sld [smem:$0x3F7E]  }
0x2d: {  	s3 =	simm.s32 $0x108;
	s8 =	sld [smem:$0x3F7F]  }
0x2e: {  	s3 =	simm.s32 @!p0 $0x1082;
	s9 =	sld [smem:$0x3F80]  }
0x2f: {  	lr =	sadd.s32 s0, s3;
	s0 =	sld [smem:$0x3F77]  }
0x30: {  	s3 =	sld [smem:$0x3F7A]  }
0x31: {  	[smem:$0x3F83] =	sst s10  }
0x32: {  	s10 =	sld [smem:$0x3F81];
	_ =	sdelay $0x3  }
0x33: {  	p0 =	seq.s32 s10, $0x1;
	s10 =	sld [smem:$0x3F83];
	_ =	sdelay $0x3  }
0x34: {  	[smem:$0x3F83] =	sst s10  }
0x35: {  	s10 =	sld [smem:$0x3F82];
	_ =	sdelay $0x3  }
0x36: {  	p1 =	seq.s32 s10, $0x1;
	s10 =	sld [smem:$0x3F83];
	_ =	sdelay $0x3  }
0x37: {  	[smem:$0x3F83] =	sst s10  }
0x38: {  	s10 =	sld [smem:$0x3F84]  }
0x39: {  	_ = 	snop;
	(pc) =	sbr.ind lr, $3  }
0x3a: {  	_ = 	snop  }
0x3b: {  	_ = 	snop  }
0x3c: {  	p2 =	seq.s32 s10, $0x1;
	s10 =	sld [smem:$0x3F83]  }
0x3d: {  	_ =	shalt  }
0x3e: {  	_ =	shalt  }
0x3f: {  	_ =	shalt  }
0x40: {  	_ =	shalt  }
0x41: {  	_ =	shalt  }
0x42: {  	_ =	shalt  }
0x43: {  	_ =	shalt  }
0x44: {  	_ =	shalt  }
0x45: {  	_ =	shalt  }
0x46: {  	_ =	shalt  }
0x47: {  	_ =	shalt  }
0x48: {  	_ =	shalt  }
0x49: {  	_ =	shalt  }
0x4a: {  	_ =	shalt  }
0x4b: {  	_ =	shalt  }
0x4c: {  	_ =	shalt  }
0x4d: {  	_ =	shalt  }
0x4e: {  	_ =	shalt  }
0x4f: {  	_ =	shalt  }
0x50: {  	_ =	shalt  }
0x51: {  	_ =	shalt  }
0x52: {  	_ =	shalt  }
0x53: {  	_ =	shalt  }
0x54: {  	_ =	shalt  }
0x55: {  	_ =	shalt  }
0x56: {  	_ =	shalt  }
0x57: {  	_ =	shalt  }
0x58: {  	_ =	shalt  }
0x59: {  	_ =	shalt  }
0x5a: {  	_ =	shalt  }
0x5b: {  	_ =	shalt  }
0x5c: {  	_ =	shalt  }
0x5d: {  	_ =	shalt  }
0x5e: {  	_ =	shalt  }
0x5f: {  	_ =	shalt  }
0x60: {  	_ =	shalt  }
0x61: {  	_ =	shalt  }
0x62: {  	_ =	shalt  }
0x63: {  	_ =	shalt  }
0x64: {  	_ =	shalt  }
0x65: {  	_ =	shalt  }
0x66: {  	_ =	shalt  }
0x67: {  	_ =	shalt  }
0x68: {  	_ =	shalt  }
0x69: {  	_ =	shalt  }
0x6a: {  	_ =	shalt  }
0x6b: {  	_ =	shalt  }
0x6c: {  	_ =	shalt  }
0x6d: {  	_ =	shalt  }
0x6e: {  	_ =	shalt  }
0x6f: {  	_ =	shalt  }
0x70: {  	_ =	shalt  }
0x71: {  	_ =	shalt  }
0x72: {  	_ =	shalt  }
0x73: {  	_ =	shalt  }
0x74: {  	_ =	shalt  }
0x75: {  	_ =	shalt  }
0x76: {  	_ =	shalt  }
0x77: {  	_ =	shalt  }
0x78: {  	_ =	shalt  }
0x79: {  	_ =	shalt  }
0x7a: {  	_ =	shalt  }
0x7b: {  	_ =	shalt  }
0x7c: {  	_ =	shalt  }
0x7d: {  	_ =	shalt  }
0x7e: {  	_ =	shalt  }
0x7f: {  	_ =	shalt  }
0x80: {  	_ =	shalt  }
0x81: {  	_ =	shalt  }
0x82: {  	_ =	shalt  }
0x83: {  	_ =	shalt  }
0x84: {  	_ =	shalt  }
0x85: {  	_ =	shalt  }
0x86: {  	_ =	shalt  }
0x87: {  	_ =	shalt  }
.Lfunc_end0:
.L_simem_size_0:
called_computation_lowered:
.L_overlay_start_0:
0x88: {  	s2 =	sld [smem:$0x3FD9]  }
0x89: {  	s3 =	sld [smem:$0x3FFE];
	_ =	sdelay $0x1  }
0x8a: {  	s1 =	srdreg.scid  }
0x8b: {  	s0 =	sand.u32 $0x1, s1  }
0x8c: {  	s14 =	sshll.u32 s0, $0xA;
	s2 =	sadd.s32 s3, s2  }
0x8d: {  	s2 =	sadd.s32 s2, s14  }
0x8e: {  	[smem:$0x3F8F] =	sst s2  }
0x8f: {  	_ = 	snop  }
0x90: {  	s2 =	sld [smem:$0x3FD0];
	_ =	sdelay $0x2  }
0x91: {  	s15 =	simm.s32 $0xA;
	s4 =	simm.s32 $0x10  }
0x92: {  	[smem:s4], [sflag:s15] =	dma.local [hbm:s2], $0x1  }
0x93: {  	_ =	swait.eq [sflag:s15], $0x1  }
0x94: {  	[sflag:s15] =	ssyncset.done $0x0  }
0x95: {  	s16 =	sld [smem:$0x11];
	[sflag:s15] =	ssyncadd.s32 $0xFFFFFFFF  }
0x96: {  	s17 =	sld [smem:$0x14];
	(tm) =	ssettm $0x1  }
0x97: {  	s18 =	sld [smem:$0x3FFB];
	_ =	sdelay $0x3  }
0x98: {  	_ =	strace s18  }
0x99: {  	s4 =	sld [smem:$0x3FFC];
	_ =	sdelay $0x3  }
0x9a: {  	_ =	strace s4  }
0x9b: {  	s4 =	sld [smem:$0x3FFD];
	_ =	sdelay $0x3  }
0x9c: {  	_ =	strace s4  }
0x9d: {  	_ =	strace $0x8FFFFFFF  }
0x9e: {  	s19 =	sld [smem:$0x3FDB];
	_ =	sdelay $0x1  }
0x9f: {  	s5 =	simm.s32 $_scs_section_size  }
0xa0: {  	s6 =	simm.s32 $_size__tile_overlayer_lowered;
	s7 =	simm.s32 $_tile_overlayer_lowered  }
0xa1: {  	s22 =	simm.s32 $0x1BFF;
	s21 =	sshll.u32 s7, $0x1;
	s4 =	sadd.s32 s5, s19  }
0xa2: {  	s8 =	simm.s32 $0x0;
	s20 =	sshll.u32 s6, $0x1;
	s6 =	sadd.s32 s21, s4  }
0xa3: {  	[timem:s8], [sflag:s22] =	dma.local [hbm:s6], s20  }
0xa4: {  	_ =	swait.ge [sflag:s22], s20  }
0xa5: {  	s5 =	ssub.s32 $0x0, s20;
	[sflag:s22] =	ssyncset.done $0x0  }
0xa6: {  	[sflag:s22] =	ssyncadd.s32 s5;
	_ =	sdelay $0x1  }
0xa7: {  	s23 =	simm.s32 $0x1B8B  }
0xa8: {  	_ =	swait.ge [sflag:s23], $0x1  }
0xa9: {  	[sflag:s23] =	ssyncset.done $0x0  }
0xaa: {  	s25 =	simm.s32 $0x1B8E;
	s24 =	sld [smem:$0x3FFE];
	[sflag:s23] =	ssyncadd.s32 $0xFFFFFFFF  }
0xab: {  	s26 =	simm.s32 $execute0_lowered;
	[smem:$0x3FD2] =	sst s25  }
0xac: {  	s6 =	sshll.u32 s26, $0x1;
	_ =	strace $0x80000046;
	[dreg:$0x1] =	wrdreg $0xFFFFFFFF  }
0xad: {  	s28 =	simm.s32 $_size_execute0_lowered;
	s4 =	sadd.s32 s4, s6;
	[dreg:$0x0] =	wrdreg $0x0  }
0xae: {  	s6 =	sshll.u32 s28, $0x1;
	[dreg:$0x2] =	wrdreg s4  }
0xaf: {  	[dreg:$0x3] =	wrdreg s6  }
0xb0: {  	[dreg:$0x4] =	wrdreg $0xC0  }
0xb1: {  	_ =	task [dreg:s8], $0x5FFFF  }
0xb2: {  	[dreg:$0x1] =	wrdreg $0xFFFFFFFF  }
0xb3: {  	[dreg:$0x0] =	wrdreg $0x60  }
0xb4: {  	[dreg:$0x2] =	wrdreg s24  }
0xb5: {  	[dreg:$0x3] =	wrdreg s16  }
0xb6: {  	[dreg:$0x4] =	wrdreg s17  }
0xb7: {  	[dreg:$0x5] =	wrdreg $0x68000  }
0xb8: {  	[dreg:$0x6] =	wrdreg $0x9  }
0xb9: {  	_ =	task.clear_ibuf [dreg:s8], $0x7FFFF;
	_ =	strace $0x90000046  }
0xba: {  	s29 =	simm.s32 $0x9;
	_ =	strace $0x80000048  }
0xbb: {  	_ =	swait.ge [sflag:s29], $0x1  }
0xbc: {  	[sflag:s29] =	ssyncadd.s32 $0xFFFFFFFF  }
0xbd: {  	_ =	strace $0x90000048  }
0xbe: {  	_ =	sfence  }
0xbf: {  	s30 =	sld [smem:$0x0];
	_ =	sdelay $0x2  }
0xc0: {  	s31 =	sshll.u32 s1, $0xD;
	s1 =	sshrl.u32 s1, $0x2  }
0xc1: {  	s3 =	sand.u32 $0x4000, s31;
	s1 =	sadd.s32 s1, s30  }
0xc2: {  	s0 =	sor.u32 s3, s0;
	s1 =	sshll.u32 s1, $0x11  }
0xc3: {  	s0 =	sor.u32 s1, s0  }
0xc4: {  	s0 =	sadd.s32 $0x8F2B, s0  }
0xc5: {  	[sflag:s0] =	ssyncadd.remote.s32 $0x1  }
0xc6: {  	_ =	sfence.sel $0xFFFF  }
0xc7: {  	[dreg:$0x0] =	wrdreg $0xFFFFFFFF;
	(pc) =	sbr.abs _section_cstart, $3  }
0xc8: {  	[dreg:$0x1] =	wrdreg $0xFFFFFFFF  }
0xc9: {  	_ =	task.clear_ibuf [dreg:s8], $0x2FFFF;
	_ =	strace $0x9FFFFFFF  }
0xca: {  	(tm) =	ssettm $0x7FFFFFFF  }
0xcb: {  	_ =	shalt  }
tec
execute0_lowered:
.L_overlay_start_1:
0x0: {  	(tag) =	ssettag $0x1  }
0x1: {  	s6 =	rddreg [dreg:$0x0]  }
0x2: {  	s0 =	rddreg [dreg:$0x1]  }
0x3: {  	s3 =	rddreg [dreg:$0x2];
	s1 =	srdreg.scid  }
0x4: {  	s4 =	rddreg [dreg:$0x3];
	s2 =	stileid.u32;
	s5 =	simm.s32 $0x0  }
0x5: {  	s13 =	simm.s32 $0x50;
	s7 =	sand.u32 $0x1, s1;
	s1 =	rddreg [dreg:$0x4]  }
0x6: {  	s14 =	simm.s32 $0x0;
	s9 =	smul.u32 $0x1F400, s2;
	[smem:$0x7FF] =	sst s5  }
0x7: {  	s28 =	smul.u32 $0x7D000, s2;
	s11 =	sshll.u32 s2, $0xC;
	p0 =	sgt.u32 s2, $0x9  }
0x8: {  	s8 =	smul.u32 $0x138800, s7;
	s10 =	sshll.u32 s7, $0xB;
	s7 =	ssub.s32 $0x2, s7  }
0x9: {  	_ =	strace $0x80000047;
	s10 =	sadd.s32 s10, s6;
	s29 =	sshrl.u32 s7, $0x1  }
0xa: {  	s30 =	sshrl.u32 s28, $0x2;
	s8 =	sadd.s32 s9, s8;
	s12 =	ssub.s32 s7, s29  }
0xb: {  	s31 =	sadd.s32 s11, s10;
	s10 =	sadd.s32 s30, s4;
	s9 =	sshll.u32 @!p0 s2, $0x6  }
0xc: {  	s11 =	simm.s32 $0x4000;
	s8 =	sshrl.u32 s8, $0x3;
	s9 =	sor.u32 @!p0 $0x1C01, s9  }
0xd: {  	s10 =	sshrl.u32 @!p0 s10, $0x3;
	s8 =	sadd.s32 s8, s6;
	s6 =	sadd.s32 $0x8E00, s31  }
0xe: {  	s7 =	sadd.s32 $0x18E00, s8;
	s8 =	smax.u32 s12, $0x1;
	s12 =	simm.s32 $0x1  }
.LBB2_1:
0xf: {  	[spmem:s10], [sflag:s9] =	dma.local @!p0 [hbm:s3], $0x3E80  }
0x10: {  	s15 =	simm.s32 @!p0 $0x1  }
0x11: {  	_ =	swait.ge @!p0 [sflag:s15], $0x3E80  }
0x12: {  	[sflag:s15] =	ssyncset.done @!p0 $0x0  }
0x13: {  	[sflag:s15] =	ssyncadd.s32 @!p0 $0xFFFFC180  }
0x14: {  	[tilespmem:s11], [sflag:$0x1] =	stream.linear.gather [hbm4b:s0+s5], $0x2800, $0x38;
	[tilespmem:$0x1A080] =	vst v63  }
0x15: {  	_ =	swait.ge [sflag:s12], $0x2800  }
0x16: {  	[sflag:s12] =	ssyncset.done $0x0  }
0x17: {  	[sflag:s12] =	ssyncadd.s32 $0xFFFFD800  }
0x18: {  	[tilespmem:s5], [sflag:$0x1] =	stream.linear.gather [hbm4b:s6+s5], $0x3E80, $0x38;
	[tilespmem:$0x1A080] =	vst v63  }
0x19: {  	_ =	swait.ge [sflag:s12], $0x3E80  }
0x1a: {  	[sflag:s12] =	ssyncset.done $0x0  }
0x1b: {  	[sflag:s12] =	ssyncadd.s32 $0xFFFFC180  }
0x1c: {  	s31 =	simm.s32 $0x0;
	[bflag:$0x0] =	sbarrier.arrive $0xFFFF  }
0x1d: {  	[spmem:s4] =	stream.indirect.scatter.add.f32 [tilespmem:s11], [sflag:$0x1], $0x80, s31, s13, $0xb8;
	[tilespmem:$0x1A080] =	vst v63  }
0x1e: {  	_ =	swait.ge [sflag:s12], $0x2800  }
0x1f: {  	s15 =	simm.s32 $0x200;
	[sflag:s12] =	ssyncset.done $0x0  }
.LBB2_2:
0x20: {  	s16 =	sshra.s32 s15, $0x2;
	[sflag:s12] =	ssyncadd.s32 $0xFFFFD800;
	p1 =	sne.s32 s15, $0xF800  }
0x21: {  	[spmem:s4] =	stream.indirect.scatter.add.f32 [tilespmem:s11], [sflag:$0x1], $0x80, s16, s13, $0xb8;
	[tilespmem:$0x1A080] =	vst v63  }
.Ltmp0:
0x22: {  	_ = 	snop;
	(pc) =	sbr.rel @p1 .LBB2_2-.Ltmp0, $4  }
0x23: {  	_ = 	snop  }
0x24: {  	s15 =	sadd.s32 $0x200, s15  }
0x25: {  	_ =	swait.ge [sflag:s12], $0x2800  }
0x26: {  	[sflag:s12] =	ssyncset.done $0x0  }
0x27: {  	s14 =	sadd.s32 $0x1, s14  }
0x28: {  	[sflag:s12] =	ssyncadd.s32 $0xFFFFD800;
	p1 =	sne.s32 s14, s8  }
.Ltmp1:
0x29: {  	s15 =	simm.s32 @!p0 $0x1;
	[bflag:$0x0] =	sbarrier.arrive $0xFFFF;
	(pc) =	sbr.rel @p1 .LBB2_1-.Ltmp1, $4  }
0x2a: {  	[hbm:s7], [sflag:s9] =	dma.local @!p0 [spmem:s10], $0x3E80  }
0x2b: {  	_ =	swait.ge @!p0 [sflag:s15], $0x3E80  }
0x2c: {  	[sflag:s15] =	ssyncset.done @!p0 $0x0  }
0x2d: {  	[sflag:s15] =	ssyncadd.s32 @!p0 $0xFFFFC180  }
0x2e: {  	_ =	sfence.sel $0x180000  }
0x2f: {  	[bflag:$0x0] =	sbarrier.arrive $0xFFFF  }
0x30: {  	p0 =	sne.s32 s2, $0x0;
	_ =	strace $0x90000047  }
0x31: {  	s0 =	sadd.s32 @!p0 $0x100000, s1;
	[bflag:$0x2] =	sbarrier.arrive $0xFFFF  }
0x32: {  	[sflag:s0] =	ssyncadd.tile.s32 @!p0 $0x1;
	_ =	shalt  }
.Lfunc_end2:
_tile_overlayer_lowered:
.L_overlay_start_2:
0x33: {  	(tag) =	ssettag $0x2  }
0x34: {  	s0 =	rddreg [dreg:$0x0];
	s2 =	stileid.u32  }
0x35: {  	s1 =	rddreg [dreg:$0x1];
	p0 =	sne.s32 s2, $0x0  }
0x36: {  	s3 =	rddreg [dreg:$0x2];
	[bflag:$0x3] =	sbarrier.arrive $0xFFFF;
	s2 =	simm.s32 @!p0 $0x1C01  }
0x37: {  	[timem:s3], [sflag:s2] =	dma.local @!p0 [hbm:s0], s1  }
0x38: {  	s0 =	simm.s32 @!p0 $0x1  }
0x39: {  	_ =	swait.ge @!p0 [sflag:s0], s1  }
0x3a: {  	s1 =	ssub.s32 @!p0 $0x0, s1;
	[sflag:s0] =	ssyncset.done @!p0 $0x0  }
0x3b: {  	[sflag:s0] =	ssyncadd.s32 @!p0 s1  }
0x3c: {  	[bflag:$0x3] =	sbarrier.arrive $0xFFFF  }
0x3d: {  	_ =	shalt  }

// kernel: sc_gat1.11.cloned.1.call-start
scs
__scs_entry_jumppad:
0x0: {  	(pc) =	sbr.rel $0x88, $3  }
0x1: {  	(tag) =	ssettag $0x0;
	lr =	simm.s32 $0x1  }
0x2: {  	[smem:$0x3F68] =	sst lr;
	_ =	strace $0xD0000000  }
0x3: {  	_ = 	snop  }
0x4: {  	_ = 	snop  }
0x5: {  	_ = 	snop  }
0x6: {  	_ = 	snop  }
0x7: {  	_ = 	snop  }
__scs_overlays_trampoline_lowered:
0x8: {  	[smem:$0x3F77] =	sst s0  }
0x9: {  	[smem:$0x3F78] =	sst s1  }
0xa: {  	[smem:$0x3F79] =	sst s2  }
0xb: {  	[smem:$0x3F7A] =	sst s3  }
0xc: {  	[smem:$0x3F7B] =	sst s4  }
0xd: {  	[smem:$0x3F7C] =	sst s5  }
0xe: {  	[smem:$0x3F7D] =	sst s6  }
0xf: {  	[smem:$0x3F7E] =	sst s7  }
0x10: {  	[smem:$0x3F7F] =	sst s8  }
0x11: {  	[smem:$0x3F80] =	sst s9;
	s0 =	simm.s32 @!p0 $0x0  }
0x12: {  	s1 =	sld [smem:$0x3F66];
	s0 =	simm.s32 @p0 $0x1  }
0x13: {  	[smem:$0x3F81] =	sst s0;
	s0 =	simm.s32 @!p1 $0x0  }
0x14: {  	s2 =	sld [smem:$0x3F65];
	s0 =	simm.s32 @p1 $0x1  }
0x15: {  	[smem:$0x3F82] =	sst s0;
	s0 =	simm.s32 @!p2 $0x0  }
0x16: {  	s3 =	sld [smem:$0x3FDB];
	s0 =	simm.s32 @p2 $0x1  }
0x17: {  	s4 =	simm.s32 $0x1BF5;
	[smem:$0x3F84] =	sst s0  }
0x18: {  	s0 =	sld [smem:$0x3F67];
	_ =	swait.ge [sflag:s4], $0x0  }
0x19: {  	s7 =	sld [smem:$0x3F68]  }
0x1a: {  	s8 =	sadd.s32 $0xFFFFE003, lr  }
0x1b: {  	s9 =	sadd.s32 $0xFFFFFEF7, lr;
	s5 =	simm.s32 $0xFFFFFFFF;
	p2 =	slt.u32 s8, $0xFFFFF086  }
0x1c: {  	p1 =	slt.u32 s9, $0xF7A;
	s5 =	simm.s32 @!p2 $0x0  }
0x1d: {  	s5 =	simm.s32 @p1 $0x1;
	p0 =	seq.s32 s7, s2  }
0x1e: {  	s7 =	smul.u32 @!p0 $0xF7A, s2;
	p2 =	seq.s32 @!p0 s5, $0x0  }
0x1f: {  	s9 =	smul.u32 $0xF7A, s1;
	s8 =	simm.s32 @!p0 $0x1BF5;
	p2 =	por !p2, p0  }
0x20: {  	[sflag:s8] =	ssyncset.s32 @!p0 $0xFFFFF086;
	s6 =	sadd.s32 @!p0 s3, s7;
	s7 =	simm.s32 @!p0 $0x108  }
0x21: {  	s3 =	sadd.s32 s3, s9;
	s6 =	sadd.s32 @!p0 $0x88, s6;
	s7 =	simm.s32 @p2 $0x1082  }
0x22: {  	[simem:s7], [sflag:s8] =	dma.local @!p0 [hbm:s6], $0xF7A  }
0x23: {  	s9 =	sor.u32 $0xD0000000, s2;
	s6 =	simm.s32 $0x108;
	_ =	swait.ge @!p0 [sflag:s8], $0x0  }
0x24: {  	s3 =	sadd.s32 $0x88, s3;
	s6 =	simm.s32 @!p1 $0x1082;
	[sflag:s4] =	ssyncset.s32 $0xFFFFF086  }
0x25: {  	[simem:s6], [sflag:s4] =	dma.local [hbm:s3], $0xF7A  }
0x26: {  	[smem:$0x3F68] =	sst s1;
	(tag) =	ssettag s2;
	_ =	strace s9  }
0x27: {  	s1 =	sld [smem:$0x3F78]  }
0x28: {  	s2 =	sld [smem:$0x3F79]  }
0x29: {  	s4 =	sld [smem:$0x3F7B]  }
0x2a: {  	p0 =	seq.s32 s5, $0x0;
	s5 =	sld [smem:$0x3F7C]  }
0x2b: {  	s6 =	sld [smem:$0x3F7D]  }
0x2c: {  	s7 =	sld [smem:$0x3F7E]  }
0x2d: {  	s3 =	simm.s32 $0x108;
	s8 =	sld [smem:$0x3F7F]  }
0x2e: {  	s3 =	simm.s32 @!p0 $0x1082;
	s9 =	sld [smem:$0x3F80]  }
0x2f: {  	lr =	sadd.s32 s0, s3;
	s0 =	sld [smem:$0x3F77]  }
0x30: {  	s3 =	sld [smem:$0x3F7A]  }
0x31: {  	[smem:$0x3F83] =	sst s10  }
0x32: {  	s10 =	sld [smem:$0x3F81];
	_ =	sdelay $0x3  }
0x33: {  	p0 =	seq.s32 s10, $0x1;
	s10 =	sld [smem:$0x3F83];
	_ =	sdelay $0x3  }
0x34: {  	[smem:$0x3F83] =	sst s10  }
0x35: {  	s10 =	sld [smem:$0x3F82];
	_ =	sdelay $0x3  }
0x36: {  	p1 =	seq.s32 s10, $0x1;
	s10 =	sld [smem:$0x3F83];
	_ =	sdelay $0x3  }
0x37: {  	[smem:$0x3F83] =	sst s10  }
0x38: {  	s10 =	sld [smem:$0x3F84]  }
0x39: {  	_ = 	snop;
	(pc) =	sbr.ind lr, $3  }
0x3a: {  	_ = 	snop  }
0x3b: {  	_ = 	snop  }
0x3c: {  	p2 =	seq.s32 s10, $0x1;
	s10 =	sld [smem:$0x3F83]  }
0x3d: {  	_ =	shalt  }
0x3e: {  	_ =	shalt  }
0x3f: {  	_ =	shalt  }
0x40: {  	_ =	shalt  }
0x41: {  	_ =	shalt  }
0x42: {  	_ =	shalt  }
0x43: {  	_ =	shalt  }
0x44: {  	_ =	shalt  }
0x45: {  	_ =	shalt  }
0x46: {  	_ =	shalt  }
0x47: {  	_ =	shalt  }
0x48: {  	_ =	shalt  }
0x49: {  	_ =	shalt  }
0x4a: {  	_ =	shalt  }
0x4b: {  	_ =	shalt  }
0x4c: {  	_ =	shalt  }
0x4d: {  	_ =	shalt  }
0x4e: {  	_ =	shalt  }
0x4f: {  	_ =	shalt  }
0x50: {  	_ =	shalt  }
0x51: {  	_ =	shalt  }
0x52: {  	_ =	shalt  }
0x53: {  	_ =	shalt  }
0x54: {  	_ =	shalt  }
0x55: {  	_ =	shalt  }
0x56: {  	_ =	shalt  }
0x57: {  	_ =	shalt  }
0x58: {  	_ =	shalt  }
0x59: {  	_ =	shalt  }
0x5a: {  	_ =	shalt  }
0x5b: {  	_ =	shalt  }
0x5c: {  	_ =	shalt  }
0x5d: {  	_ =	shalt  }
0x5e: {  	_ =	shalt  }
0x5f: {  	_ =	shalt  }
0x60: {  	_ =	shalt  }
0x61: {  	_ =	shalt  }
0x62: {  	_ =	shalt  }
0x63: {  	_ =	shalt  }
0x64: {  	_ =	shalt  }
0x65: {  	_ =	shalt  }
0x66: {  	_ =	shalt  }
0x67: {  	_ =	shalt  }
0x68: {  	_ =	shalt  }
0x69: {  	_ =	shalt  }
0x6a: {  	_ =	shalt  }
0x6b: {  	_ =	shalt  }
0x6c: {  	_ =	shalt  }
0x6d: {  	_ =	shalt  }
0x6e: {  	_ =	shalt  }
0x6f: {  	_ =	shalt  }
0x70: {  	_ =	shalt  }
0x71: {  	_ =	shalt  }
0x72: {  	_ =	shalt  }
0x73: {  	_ =	shalt  }
0x74: {  	_ =	shalt  }
0x75: {  	_ =	shalt  }
0x76: {  	_ =	shalt  }
0x77: {  	_ =	shalt  }
0x78: {  	_ =	shalt  }
0x79: {  	_ =	shalt  }
0x7a: {  	_ =	shalt  }
0x7b: {  	_ =	shalt  }
0x7c: {  	_ =	shalt  }
0x7d: {  	_ =	shalt  }
0x7e: {  	_ =	shalt  }
0x7f: {  	_ =	shalt  }
0x80: {  	_ =	shalt  }
0x81: {  	_ =	shalt  }
0x82: {  	_ =	shalt  }
0x83: {  	_ =	shalt  }
0x84: {  	_ =	shalt  }
0x85: {  	_ =	shalt  }
0x86: {  	_ =	shalt  }
0x87: {  	_ =	shalt  }
.Lfunc_end0:
.L_simem_size_0:
called_computation.6_lowered:
.L_overlay_start_0:
0x88: {  	s2 =	sld [smem:$0x3FD9]  }
0x89: {  	s3 =	sld [smem:$0x3FFE];
	_ =	sdelay $0x1  }
0x8a: {  	s1 =	srdreg.scid  }
0x8b: {  	s0 =	sand.u32 $0x1, s1  }
0x8c: {  	s14 =	sshll.u32 s0, $0xA;
	s2 =	sadd.s32 s3, s2  }
0x8d: {  	s2 =	sadd.s32 s2, s14  }
0x8e: {  	[smem:$0x3F8F] =	sst s2  }
0x8f: {  	_ = 	snop  }
0x90: {  	s2 =	sld [smem:$0x3FD0];
	_ =	sdelay $0x2  }
0x91: {  	s15 =	simm.s32 $0xA;
	s4 =	simm.s32 $0x10  }
0x92: {  	[smem:s4], [sflag:s15] =	dma.local [hbm:s2], $0x1  }
0x93: {  	_ =	swait.eq [sflag:s15], $0x1  }
0x94: {  	[sflag:s15] =	ssyncset.done $0x0  }
0x95: {  	s16 =	sld [smem:$0x11];
	[sflag:s15] =	ssyncadd.s32 $0xFFFFFFFF  }
0x96: {  	s17 =	sld [smem:$0x14];
	(tm) =	ssettm $0x1  }
0x97: {  	s18 =	sld [smem:$0x3FFB];
	_ =	sdelay $0x3  }
0x98: {  	_ =	strace s18  }
0x99: {  	s4 =	sld [smem:$0x3FFC];
	_ =	sdelay $0x3  }
0x9a: {  	_ =	strace s4  }
0x9b: {  	s4 =	sld [smem:$0x3FFD];
	_ =	sdelay $0x3  }
0x9c: {  	_ =	strace s4  }
0x9d: {  	_ =	strace $0x8FFFFFFF  }
0x9e: {  	s19 =	sld [smem:$0x3FDB];
	_ =	sdelay $0x1  }
0x9f: {  	s5 =	simm.s32 $_scs_section_size  }
0xa0: {  	s6 =	simm.s32 $_size__tile_overlayer_lowered;
	s7 =	simm.s32 $_tile_overlayer_lowered  }
0xa1: {  	s22 =	simm.s32 $0x1BFF;
	s21 =	sshll.u32 s7, $0x1;
	s4 =	sadd.s32 s5, s19  }
0xa2: {  	s8 =	simm.s32 $0x0;
	s20 =	sshll.u32 s6, $0x1;
	s6 =	sadd.s32 s21, s4  }
0xa3: {  	[timem:s8], [sflag:s22] =	dma.local [hbm:s6], s20  }
0xa4: {  	_ =	swait.ge [sflag:s22], s20  }
0xa5: {  	s5 =	ssub.s32 $0x0, s20;
	[sflag:s22] =	ssyncset.done $0x0  }
0xa6: {  	[sflag:s22] =	ssyncadd.s32 s5;
	_ =	sdelay $0x1  }
0xa7: {  	s23 =	simm.s32 $0x1B8B  }
0xa8: {  	_ =	swait.ge [sflag:s23], $0x1  }
0xa9: {  	[sflag:s23] =	ssyncset.done $0x0  }
0xaa: {  	s25 =	simm.s32 $0x1B8E;
	s24 =	sld [smem:$0x3FFE];
	[sflag:s23] =	ssyncadd.s32 $0xFFFFFFFF  }
0xab: {  	s26 =	simm.s32 $execute0_lowered;
	[smem:$0x3FD2] =	sst s25  }
0xac: {  	s6 =	sshll.u32 s26, $0x1;
	_ =	strace $0x80000058;
	[dreg:$0x1] =	wrdreg $0xFFFFFFFF  }
0xad: {  	s28 =	simm.s32 $_size_execute0_lowered;
	s4 =	sadd.s32 s4, s6;
	[dreg:$0x0] =	wrdreg $0x0  }
0xae: {  	s6 =	sshll.u32 s28, $0x1;
	[dreg:$0x2] =	wrdreg s4  }
0xaf: {  	[dreg:$0x3] =	wrdreg s6  }
0xb0: {  	[dreg:$0x4] =	wrdreg $0xC0  }
0xb1: {  	_ =	task [dreg:s8], $0x5FFFF  }
0xb2: {  	[dreg:$0x1] =	wrdreg $0xFFFFFFFF  }
0xb3: {  	[dreg:$0x0] =	wrdreg $0x60  }
0xb4: {  	[dreg:$0x2] =	wrdreg s24  }
0xb5: {  	[dreg:$0x3] =	wrdreg s16  }
0xb6: {  	[dreg:$0x4] =	wrdreg s17  }
0xb7: {  	[dreg:$0x5] =	wrdreg $0x7C000  }
0xb8: {  	[dreg:$0x6] =	wrdreg $0x9  }
0xb9: {  	_ =	task.clear_ibuf [dreg:s8], $0x7FFFF;
	_ =	strace $0x90000058  }
0xba: {  	s29 =	simm.s32 $0x9;
	_ =	strace $0x8000005A  }
0xbb: {  	_ =	swait.ge [sflag:s29], $0x1  }
0xbc: {  	[sflag:s29] =	ssyncadd.s32 $0xFFFFFFFF  }
0xbd: {  	_ =	strace $0x9000005A  }
0xbe: {  	_ =	sfence  }
0xbf: {  	s30 =	sld [smem:$0x0];
	_ =	sdelay $0x2  }
0xc0: {  	s31 =	sshll.u32 s1, $0xD;
	s1 =	sshrl.u32 s1, $0x2  }
0xc1: {  	s3 =	sand.u32 $0x4000, s31;
	s1 =	sadd.s32 s1, s30  }
0xc2: {  	s0 =	sor.u32 s3, s0;
	s1 =	sshll.u32 s1, $0x11  }
0xc3: {  	s0 =	sor.u32 s1, s0  }
0xc4: {  	s0 =	sadd.s32 $0x8F2B, s0  }
0xc5: {  	[sflag:s0] =	ssyncadd.remote.s32 $0x1  }
0xc6: {  	_ =	sfence.sel $0xFFFF  }
0xc7: {  	[dreg:$0x0] =	wrdreg $0xFFFFFFFF;
	(pc) =	sbr.abs _section_cstart, $3  }
0xc8: {  	[dreg:$0x1] =	wrdreg $0xFFFFFFFF  }
0xc9: {  	_ =	task.clear_ibuf [dreg:s8], $0x2FFFF;
	_ =	strace $0x9FFFFFFF  }
0xca: {  	(tm) =	ssettm $0x7FFFFFFF  }
0xcb: {  	_ =	shalt  }
tec
execute0_lowered:
.L_overlay_start_1:
0x0: {  	(tag) =	ssettag $0x1  }
0x1: {  	s0 =	rddreg [dreg:$0x0]  }
0x2: {  	s3 =	rddreg [dreg:$0x3];
	s1 =	srdreg.scid  }
0x3: {  	s5 =	simm.s32 $0x0;
	s13 =	stileid.u32;
	s18 =	simm.s32 $0x3  }
0x4: {  	s19 =	simm.s32 $0x1000;
	s20 =	simm.s32 $0x50;
	s21 =	simm.s32 $0x1  }
0x5: {  	s22 =	simm.s32 $0x2;
	s23 =	simm.s32 $0x4800;
	s24 =	simm.s32 $0x7000  }
0x6: {  	s25 =	simm.s32 $0x0;
	s1 =	sand.u32 $0x1, s1;
	[smem:$0x7FF] =	sst s5  }
0x7: {  	s4 =	smul.u32 $0x1F400, s13;
	s6 =	sadd.s32 $0x8E00, s0;
	s7 =	sadd.s32 $0x30000, s0  }
0x8: {  	s8 =	sadd.s32 $0xEC400, s0;
	s9 =	sadd.s32 $0x100400, s0;
	s11 =	smul.u32 $0x7D000, s13  }
0x9: {  	s28 =	simm.s32 $0x0;
	s10 =	sadd.s32 $0x114400, s0;
	s2 =	smul.u32 $0x138800, s1  }
0xa: {  	s12 =	sshll.u32 s13, $0x1;
	p0 =	sgt.u32 s13, $0x9;
	_ =	strace $0x80000059  }
0xb: {  	s26 =	ssub.s32 $0x2, s1;
	s1 =	sor.u32 s1, s12;
	s2 =	sadd.s32 s4, s2  }
0xc: {  	s30 =	sshrl.u32 s11, $0x2;
	s11 =	smul.u32 $0x5000, s1;
	s2 =	sshrl.u32 s2, $0x3  }
0xd: {  	s29 =	sshrl.u32 s26, $0x1;
	s12 =	smul.u32 $0x7D, s1;
	s2 =	sadd.s32 s2, s0  }
0xe: {  	s1 =	sshll.u32 @!p0 s13, $0x6;
	s0 =	ssub.s32 s26, s29;
	s31 =	sadd.s32 $0x57200, s2  }
0xf: {  	s4 =	sadd.s32 s30, s3;
	s0 =	smax.u32 s0, $0x1;
	[dreg:$0x5] =	wrdreg s31  }
0x10: {  	s15 =	sor.u32 @!p0 $0x1C03, s1;
	s16 =	sshrl.u32 @!p0 s4, $0x3;
	[dreg:$0x6] =	wrdreg s0  }
.LBB2_1:
0x11: {  	s0 =	rddreg [dreg:$0x2]  }
0x12: {  	[spmem:s16], [sflag:s15] =	dma.local @!p0 [hbm:s0], $0x3E80  }
0x13: {  	s0 =	simm.s32 @!p0 $0x3  }
0x14: {  	_ =	swait.ge @!p0 [sflag:s0], $0x3E80  }
0x15: {  	[sflag:s0] =	ssyncset.done @!p0 $0x0  }
0x16: {  	[sflag:s0] =	ssyncadd.s32 @!p0 $0xFFFFC180  }
0x17: {  	s1 =	simm.s32 $0x7800;
	s0 =	rddreg [dreg:$0x1]  }
0x18: {  	[tilespmem:s1], [sflag:$0x3] =	stream.linear.gather [hbm4b:s0+s5], $0x400, $0x38;
	[tilespmem:$0x1B480] =	vst v63  }
0x19: {  	_ =	swait.ge [sflag:s18], $0x400  }
0x1a: {  	[sflag:s18] =	ssyncset.done $0x0  }
0x1b: {  	[sflag:s18] =	ssyncadd.s32 $0xFFFFFC00  }
0x1c: {  	[bflag:$0x0] =	sbarrier.arrive $0xFFFF  }
0x1d: {  	s26 =	simm.s32 $0x0;
	v0 =	vld [tilespmem:$0x7800]  }
.LBB2_2:
0x1e: {  	s0 =	sshll.u32 s26, $0xC  }
0x1f: {  	s0 =	sadd.s32 s11, s0  }
0x20: {  	s0 =	sshrl.u32 s0, $0x3  }
0x21: {  	s1 =	sadd.s32 s8, s0  }
0x22: {  	[tilespmem:s28], [sflag:$0x3] =	stream.linear.gather [hbm4b:s1+s28], $0xC80, $0x38;
	[tilespmem:$0x1B480] =	vst v63  }
0x23: {  	_ =	swait.ge [sflag:s18], $0xC80  }
0x24: {  	[sflag:s18] =	ssyncset.done $0x0  }
0x25: {  	s0 =	sadd.s32 s9, s0;
	[sflag:s18] =	ssyncadd.s32 $0xFFFFF380  }
0x26: {  	[tilespmem:s19], [sflag:$0x3] =	stream.linear.gather [hbm4b:s0+s28], $0xC80, $0x38;
	[tilespmem:$0x1B480] =	vst v63  }
0x27: {  	s31 =	smul.u32 $0x19, s26;
	_ =	swait.ge [sflag:s18], $0xC80  }
0x28: {  	[sflag:s18] =	ssyncset.done $0x0  }
0x29: {  	s30 =	simm.s32 $0x0;
	s29 =	sadd.s32 s12, s31;
	[sflag:s18] =	ssyncadd.s32 $0xFFFFF380  }
.LBB2_3:
0x2a: {  	s0 =	sshll.u32 s30, $0x7;
	s1 =	simm.s32 $0x2000  }
0x2b: {  	[tilespmem:s1], [sflag:$0x1] =	stream.indirect.gather [hbm4b:s6+s20], $0x80, s0, s20, $0xb8;
	[tilespmem:$0x1B480] =	vst v63  }
0x2c: {  	s13 =	simm.s32 $0x4800;
	s31 =	sadd.s32 $0x1000, s0  }
0x2d: {  	[tilespmem:s13], [sflag:$0x2] =	stream.indirect.gather [hbm4b:s7+s20], $0x80, s31, s20, $0xb8;
	[tilespmem:$0x1B480] =	vst v63  }
0x2e: {  	_ =	swait.ge [sflag:s21], $0x2800  }
0x2f: {  	[sflag:s21] =	ssyncset.done $0x0  }
0x30: {  	[sflag:s21] =	ssyncadd.s32 $0xFFFFD800  }
0x31: {  	_ =	swait.ge [sflag:s22], $0x2800  }
0x32: {  	[sflag:s22] =	ssyncset.done $0x0  }
0x33: {  	[sflag:s22] =	ssyncadd.s32 $0xFFFFD800  }
0x34: {  	v1 =	vld [tilespmem:s13+$0x0]  }
0x35: {  	v2 =	vld [tilespmem:s1+$0x0];
	_ =	sdelay $0x4  }
0x36: {  	v1 =	vadd.f32 v1, v2;
	_ =	sdelay $0x1  }
0x37: {  	v2 =	vmul.f32 $2.000000030e-01, v1;
	_ =	sdelay $0x1  }
0x38: {  	v1 =	vmax.f32 v1, v2  }
0x39: {  	v1 =	vsub.f32 v1, v0;
	_ =	sdelay $0x1  }
0x3a: {  	v1 =	vmul.f32 $1.442695020e+00, v1;
	_ =	sdelay $0x1  }
0x3b: {  	(erf) = vpow2.f32 v1;
	_ =	sdelay $0x7  }
0x3c: {  	s14 =	sand.u32 $0x1E00, s28  }
0x3d: {  	s2 =	sand.u32 $0x70, s28;
	s1 =	sshrl.u32 s14, $0x2;
	v1 =	vpop (erf)  }
0x3e: {  	s17 =	sor.u32 s2, s1;
	[tilespmem:s13+$0x0] =	vst v1  }
0x3f: {  	s0 =	simm.s32 $0x4880;
	[tilespmem:s17+$0x7000] =	vst v1  }
0x40: {  	s2 =	simm.s32 $0x2080;
	v1 =	vld [tilespmem:s0+$0x0]  }
0x41: {  	v2 =	vld [tilespmem:s2+$0x0]  }
0x42: {  	s4 =	simm.s32 $0x40;
	s1 =	simm.s32 $0x0;
	s17 =	simm.s32 $0x80  }
.LBB2_4:
0x43: {  	p1 =	sne.s32 s17, $0x13C0;
	_ =	sdelay $0x2  }
0x44: {  	v1 =	vadd.f32 v1, v2;
	_ =	sdelay $0x1  }
0x45: {  	v2 =	vmul.f32 $2.000000030e-01, v1;
	_ =	sdelay $0x1  }
0x46: {  	v1 =	vmax.f32 v1, v2  }
0x47: {  	v1 =	vsub.f32 v1, v0;
	_ =	sdelay $0x1  }
0x48: {  	v1 =	vmul.f32 $1.442695020e+00, v1;
	_ =	sdelay $0x1  }
0x49: {  	(erf) = vpow2.f32 v1;
	_ =	sdelay $0x7  }
0x4a: {  	s13 =	sand.u32 $0x1E00, s4;
	s1 =	sadd.s32 $0x10, s1;
	s4 =	smov.u32 s17  }
0x4b: {  	s14 =	sand.u32 $0x70, s1;
	s13 =	sshrl.u32 s13, $0x2;
	v1 =	vpop (erf)  }
.Ltmp0:
0x4c: {  	s13 =	sor.u32 s14, s13;
	[tilespmem:s0+$0x0] =	vst v1;
	(pc) =	sbr.rel @p1 .LBB2_4-.Ltmp0, $4  }
0x4d: {  	s0 =	sadd.s32 $0x80, s0;
	[tilespmem:s13+$0x7000] =	vst v1  }
0x4e: {  	s2 =	sadd.s32 $0x80, s2;
	v1 =	vld [tilespmem:s0+$0x0]  }
0x4f: {  	v2 =	vld [tilespmem:s2+$0x0]  }
0x50: {  	s17 =	sadd.s32 $0x40, s17  }
0x51: {  	_ =	sdelay $0x2  }
0x52: {  	v1 =	vadd.f32 v1, v2;
	_ =	sdelay $0x1  }
0x53: {  	v2 =	vmul.f32 $2.000000030e-01, v1;
	_ =	sdelay $0x1  }
0x54: {  	v1 =	vmax.f32 v1, v2  }
0x55: {  	v1 =	vsub.f32 v1, v0;
	_ =	sdelay $0x1  }
0x56: {  	v1 =	vmul.f32 $1.442695020e+00, v1;
	_ =	sdelay $0x1  }
0x57: {  	(erf) = vpow2.f32 v1;
	_ =	sdelay $0x7  }
0x58: {  	s2 =	sand.u32 $0x1E00, s4;
	s1 =	sadd.s32 $0x10, s1  }
0x59: {  	s1 =	sand.u32 $0x70, s1;
	s2 =	sshrl.u32 s2, $0x2;
	v1 =	vpop (erf)  }
0x5a: {  	s17 =	sor.u32 s1, s2;
	[tilespmem:s0+$0x0] =	vst v1  }
0x5b: {  	[tilespmem:s17+$0x7000] =	vst v1  }
0x5c: {  	[spmem:s3] =	stream.indirect.scatter.add.f32 [tilespmem:s23], [sflag:$0x3], $0x80, s31, s20, $0xb8;
	[tilespmem:$0x1B480] =	vst v63  }
0x5d: {  	s31 =	sadd.s32 s30, s29;
	s30 =	sadd.s32 $0x1, s30;
	_ =	swait.ge [sflag:s18], $0x2800  }
0x5e: {  	s0 =	sshll.u32 s31, $0x8;
	p1 =	sne.s32 s30, $0x19;
	[sflag:s18] =	ssyncset.done $0x0  }
.Ltmp1:
0x5f: {  	s0 =	sadd.s32 s10, s0;
	[sflag:s18] =	ssyncadd.s32 $0xFFFFD800;
	(pc) =	sbr.rel @p1 .LBB2_3-.Ltmp1, $4  }
0x60: {  	[hbm4b:s0+s5] =	stream.linear.scatter [tilespmem:s24], [sflag:$0x3], $0x500, $0x38;
	[tilespmem:$0x1B480] =	vst v63  }
0x61: {  	_ =	swait.ge [sflag:s18], $0x500  }
0x62: {  	[sflag:s18] =	ssyncset.done $0x0  }
0x63: {  	[sflag:s18] =	ssyncadd.s32 $0xFFFFFB00  }
0x64: {  	s26 =	sadd.s32 $0x1, s26  }
0x65: {  	p1 =	sne.s32 s26, $0x5  }
.Ltmp2:
0x66: {  	_ = 	snop;
	(pc) =	sbr.rel @p1 .LBB2_2-.Ltmp2, $1  }
0x67: {  	_ =	sdelay $0x3  }
0x68: {  	[bflag:$0x0] =	sbarrier.arrive $0xFFFF  }
0x69: {  	s0 =	rddreg [dreg:$0x5]  }
0x6a: {  	[hbm:s0], [sflag:s15] =	dma.local @!p0 [spmem:s16], $0x3E80  }
0x6b: {  	s0 =	simm.s32 @!p0 $0x3  }
0x6c: {  	_ =	swait.ge @!p0 [sflag:s0], $0x3E80  }
0x6d: {  	s25 =	sadd.s32 $0x1, s25;
	s1 =	rddreg [dreg:$0x6]  }
0x6e: {  	p1 =	sne.s32 s25, s1  }
.Ltmp3:
0x6f: {  	_ = 	snop;
	(pc) =	sbr.rel @p1 .LBB2_1-.Ltmp3, $3  }
0x70: {  	_ =	sdelay $0x1  }
0x71: {  	[sflag:s0] =	ssyncset.done @!p0 $0x0  }
0x72: {  	[sflag:s0] =	ssyncadd.s32 @!p0 $0xFFFFC180  }
0x73: {  	_ =	sfence.sel $0x180000  }
0x74: {  	[bflag:$0x0] =	sbarrier.arrive $0xFFFF  }
0x75: {  	_ =	strace $0x90000059  }
0x76: {  	s0 =	stileid.u32;
	[bflag:$0x2] =	sbarrier.arrive $0xFFFF  }
0x77: {  	p0 =	sne.s32 s0, $0x0;
	s0 =	rddreg [dreg:$0x4]  }
0x78: {  	s0 =	sadd.s32 @!p0 $0x100000, s0  }
0x79: {  	[sflag:s0] =	ssyncadd.tile.s32 @!p0 $0x1;
	_ =	shalt  }
.Lfunc_end2:
_tile_overlayer_lowered:
.L_overlay_start_2:
0x7a: {  	(tag) =	ssettag $0x2  }
0x7b: {  	s0 =	rddreg [dreg:$0x0];
	s2 =	stileid.u32  }
0x7c: {  	s1 =	rddreg [dreg:$0x1];
	p0 =	sne.s32 s2, $0x0  }
0x7d: {  	s3 =	rddreg [dreg:$0x2];
	[bflag:$0x3] =	sbarrier.arrive $0xFFFF;
	s2 =	simm.s32 @!p0 $0x1C03  }
0x7e: {  	[timem:s3], [sflag:s2] =	dma.local @!p0 [hbm:s0], s1  }
0x7f: {  	s0 =	simm.s32 @!p0 $0x3  }
0x80: {  	_ =	swait.ge @!p0 [sflag:s0], s1  }
0x81: {  	s1 =	ssub.s32 @!p0 $0x0, s1;
	[sflag:s0] =	ssyncset.done @!p0 $0x0  }
0x82: {  	[sflag:s0] =	ssyncadd.s32 @!p0 s1  }
0x83: {  	[bflag:$0x3] =	sbarrier.arrive $0xFFFF  }
0x84: {  	_ =	shalt  }

// kernel: sc_gat1.5.cloned.1.call-start
scs
__scs_entry_jumppad:
0x0: {  	(pc) =	sbr.rel $0x88, $3  }
0x1: {  	(tag) =	ssettag $0x0;
	lr =	simm.s32 $0x1  }
0x2: {  	[smem:$0x3F68] =	sst lr;
	_ =	strace $0xD0000000  }
0x3: {  	_ = 	snop  }
0x4: {  	_ = 	snop  }
0x5: {  	_ = 	snop  }
0x6: {  	_ = 	snop  }
0x7: {  	_ = 	snop  }
__scs_overlays_trampoline_lowered:
0x8: {  	[smem:$0x3F77] =	sst s0  }
0x9: {  	[smem:$0x3F78] =	sst s1  }
0xa: {  	[smem:$0x3F79] =	sst s2  }
0xb: {  	[smem:$0x3F7A] =	sst s3  }
0xc: {  	[smem:$0x3F7B] =	sst s4  }
0xd: {  	[smem:$0x3F7C] =	sst s5  }
0xe: {  	[smem:$0x3F7D] =	sst s6  }
0xf: {  	[smem:$0x3F7E] =	sst s7  }
0x10: {  	[smem:$0x3F7F] =	sst s8  }
0x11: {  	[smem:$0x3F80] =	sst s9;
	s0 =	simm.s32 @!p0 $0x0  }
0x12: {  	s1 =	sld [smem:$0x3F66];
	s0 =	simm.s32 @p0 $0x1  }
0x13: {  	[smem:$0x3F81] =	sst s0;
	s0 =	simm.s32 @!p1 $0x0  }
0x14: {  	s2 =	sld [smem:$0x3F65];
	s0 =	simm.s32 @p1 $0x1  }
0x15: {  	[smem:$0x3F82] =	sst s0;
	s0 =	simm.s32 @!p2 $0x0  }
0x16: {  	s3 =	sld [smem:$0x3FDB];
	s0 =	simm.s32 @p2 $0x1  }
0x17: {  	s4 =	simm.s32 $0x1BF5;
	[smem:$0x3F84] =	sst s0  }
0x18: {  	s0 =	sld [smem:$0x3F67];
	_ =	swait.ge [sflag:s4], $0x0  }
0x19: {  	s7 =	sld [smem:$0x3F68]  }
0x1a: {  	s8 =	sadd.s32 $0xFFFFE003, lr  }
0x1b: {  	s9 =	sadd.s32 $0xFFFFFEF7, lr;
	s5 =	simm.s32 $0xFFFFFFFF;
	p2 =	slt.u32 s8, $0xFFFFF086  }
0x1c: {  	p1 =	slt.u32 s9, $0xF7A;
	s5 =	simm.s32 @!p2 $0x0  }
0x1d: {  	s5 =	simm.s32 @p1 $0x1;
	p0 =	seq.s32 s7, s2  }
0x1e: {  	s7 =	smul.u32 @!p0 $0xF7A, s2;
	p2 =	seq.s32 @!p0 s5, $0x0  }
0x1f: {  	s9 =	smul.u32 $0xF7A, s1;
	s8 =	simm.s32 @!p0 $0x1BF5;
	p2 =	por !p2, p0  }
0x20: {  	[sflag:s8] =	ssyncset.s32 @!p0 $0xFFFFF086;
	s6 =	sadd.s32 @!p0 s3, s7;
	s7 =	simm.s32 @!p0 $0x108  }
0x21: {  	s3 =	sadd.s32 s3, s9;
	s6 =	sadd.s32 @!p0 $0x88, s6;
	s7 =	simm.s32 @p2 $0x1082  }
0x22: {  	[simem:s7], [sflag:s8] =	dma.local @!p0 [hbm:s6], $0xF7A  }
0x23: {  	s9 =	sor.u32 $0xD0000000, s2;
	s6 =	simm.s32 $0x108;
	_ =	swait.ge @!p0 [sflag:s8], $0x0  }
0x24: {  	s3 =	sadd.s32 $0x88, s3;
	s6 =	simm.s32 @!p1 $0x1082;
	[sflag:s4] =	ssyncset.s32 $0xFFFFF086  }
0x25: {  	[simem:s6], [sflag:s4] =	dma.local [hbm:s3], $0xF7A  }
0x26: {  	[smem:$0x3F68] =	sst s1;
	(tag) =	ssettag s2;
	_ =	strace s9  }
0x27: {  	s1 =	sld [smem:$0x3F78]  }
0x28: {  	s2 =	sld [smem:$0x3F79]  }
0x29: {  	s4 =	sld [smem:$0x3F7B]  }
0x2a: {  	p0 =	seq.s32 s5, $0x0;
	s5 =	sld [smem:$0x3F7C]  }
0x2b: {  	s6 =	sld [smem:$0x3F7D]  }
0x2c: {  	s7 =	sld [smem:$0x3F7E]  }
0x2d: {  	s3 =	simm.s32 $0x108;
	s8 =	sld [smem:$0x3F7F]  }
0x2e: {  	s3 =	simm.s32 @!p0 $0x1082;
	s9 =	sld [smem:$0x3F80]  }
0x2f: {  	lr =	sadd.s32 s0, s3;
	s0 =	sld [smem:$0x3F77]  }
0x30: {  	s3 =	sld [smem:$0x3F7A]  }
0x31: {  	[smem:$0x3F83] =	sst s10  }
0x32: {  	s10 =	sld [smem:$0x3F81];
	_ =	sdelay $0x3  }
0x33: {  	p0 =	seq.s32 s10, $0x1;
	s10 =	sld [smem:$0x3F83];
	_ =	sdelay $0x3  }
0x34: {  	[smem:$0x3F83] =	sst s10  }
0x35: {  	s10 =	sld [smem:$0x3F82];
	_ =	sdelay $0x3  }
0x36: {  	p1 =	seq.s32 s10, $0x1;
	s10 =	sld [smem:$0x3F83];
	_ =	sdelay $0x3  }
0x37: {  	[smem:$0x3F83] =	sst s10  }
0x38: {  	s10 =	sld [smem:$0x3F84]  }
0x39: {  	_ = 	snop;
	(pc) =	sbr.ind lr, $3  }
0x3a: {  	_ = 	snop  }
0x3b: {  	_ = 	snop  }
0x3c: {  	p2 =	seq.s32 s10, $0x1;
	s10 =	sld [smem:$0x3F83]  }
0x3d: {  	_ =	shalt  }
0x3e: {  	_ =	shalt  }
0x3f: {  	_ =	shalt  }
0x40: {  	_ =	shalt  }
0x41: {  	_ =	shalt  }
0x42: {  	_ =	shalt  }
0x43: {  	_ =	shalt  }
0x44: {  	_ =	shalt  }
0x45: {  	_ =	shalt  }
0x46: {  	_ =	shalt  }
0x47: {  	_ =	shalt  }
0x48: {  	_ =	shalt  }
0x49: {  	_ =	shalt  }
0x4a: {  	_ =	shalt  }
0x4b: {  	_ =	shalt  }
0x4c: {  	_ =	shalt  }
0x4d: {  	_ =	shalt  }
0x4e: {  	_ =	shalt  }
0x4f: {  	_ =	shalt  }
0x50: {  	_ =	shalt  }
0x51: {  	_ =	shalt  }
0x52: {  	_ =	shalt  }
0x53: {  	_ =	shalt  }
0x54: {  	_ =	shalt  }
0x55: {  	_ =	shalt  }
0x56: {  	_ =	shalt  }
0x57: {  	_ =	shalt  }
0x58: {  	_ =	shalt  }
0x59: {  	_ =	shalt  }
0x5a: {  	_ =	shalt  }
0x5b: {  	_ =	shalt  }
0x5c: {  	_ =	shalt  }
0x5d: {  	_ =	shalt  }
0x5e: {  	_ =	shalt  }
0x5f: {  	_ =	shalt  }
0x60: {  	_ =	shalt  }
0x61: {  	_ =	shalt  }
0x62: {  	_ =	shalt  }
0x63: {  	_ =	shalt  }
0x64: {  	_ =	shalt  }
0x65: {  	_ =	shalt  }
0x66: {  	_ =	shalt  }
0x67: {  	_ =	shalt  }
0x68: {  	_ =	shalt  }
0x69: {  	_ =	shalt  }
0x6a: {  	_ =	shalt  }
0x6b: {  	_ =	shalt  }
0x6c: {  	_ =	shalt  }
0x6d: {  	_ =	shalt  }
0x6e: {  	_ =	shalt  }
0x6f: {  	_ =	shalt  }
0x70: {  	_ =	shalt  }
0x71: {  	_ =	shalt  }
0x72: {  	_ =	shalt  }
0x73: {  	_ =	shalt  }
0x74: {  	_ =	shalt  }
0x75: {  	_ =	shalt  }
0x76: {  	_ =	shalt  }
0x77: {  	_ =	shalt  }
0x78: {  	_ =	shalt  }
0x79: {  	_ =	shalt  }
0x7a: {  	_ =	shalt  }
0x7b: {  	_ =	shalt  }
0x7c: {  	_ =	shalt  }
0x7d: {  	_ =	shalt  }
0x7e: {  	_ =	shalt  }
0x7f: {  	_ =	shalt  }
0x80: {  	_ =	shalt  }
0x81: {  	_ =	shalt  }
0x82: {  	_ =	shalt  }
0x83: {  	_ =	shalt  }
0x84: {  	_ =	shalt  }
0x85: {  	_ =	shalt  }
0x86: {  	_ =	shalt  }
0x87: {  	_ =	shalt  }
.Lfunc_end0:
.L_simem_size_0:
called_computation.2_lowered:
.L_overlay_start_0:
0x88: {  	s2 =	sld [smem:$0x3FD9]  }
0x89: {  	s3 =	sld [smem:$0x3FFE];
	_ =	sdelay $0x1  }
0x8a: {  	s1 =	srdreg.scid  }
0x8b: {  	s0 =	sand.u32 $0x1, s1  }
0x8c: {  	s14 =	sshll.u32 s0, $0xA;
	s2 =	sadd.s32 s3, s2  }
0x8d: {  	s2 =	sadd.s32 s2, s14  }
0x8e: {  	[smem:$0x3F8F] =	sst s2  }
0x8f: {  	_ = 	snop  }
0x90: {  	s2 =	sld [smem:$0x3FD0];
	_ =	sdelay $0x2  }
0x91: {  	s15 =	simm.s32 $0xA;
	s4 =	simm.s32 $0x10  }
0x92: {  	[smem:s4], [sflag:s15] =	dma.local [hbm:s2], $0x1  }
0x93: {  	_ =	swait.eq [sflag:s15], $0x1  }
0x94: {  	[sflag:s15] =	ssyncset.done $0x0  }
0x95: {  	s16 =	sld [smem:$0x11];
	[sflag:s15] =	ssyncadd.s32 $0xFFFFFFFF  }
0x96: {  	s17 =	sld [smem:$0x14];
	(tm) =	ssettm $0x1  }
0x97: {  	s18 =	sld [smem:$0x3FFB];
	_ =	sdelay $0x3  }
0x98: {  	_ =	strace s18  }
0x99: {  	s4 =	sld [smem:$0x3FFC];
	_ =	sdelay $0x3  }
0x9a: {  	_ =	strace s4  }
0x9b: {  	s4 =	sld [smem:$0x3FFD];
	_ =	sdelay $0x3  }
0x9c: {  	_ =	strace s4  }
0x9d: {  	_ =	strace $0x8FFFFFFF  }
0x9e: {  	s19 =	sld [smem:$0x3FDB];
	_ =	sdelay $0x1  }
0x9f: {  	s5 =	simm.s32 $_scs_section_size  }
0xa0: {  	s6 =	simm.s32 $_size__tile_overlayer_lowered;
	s7 =	simm.s32 $_tile_overlayer_lowered  }
0xa1: {  	s22 =	simm.s32 $0x1BFF;
	s21 =	sshll.u32 s7, $0x1;
	s4 =	sadd.s32 s5, s19  }
0xa2: {  	s8 =	simm.s32 $0x0;
	s20 =	sshll.u32 s6, $0x1;
	s6 =	sadd.s32 s21, s4  }
0xa3: {  	[timem:s8], [sflag:s22] =	dma.local [hbm:s6], s20  }
0xa4: {  	_ =	swait.ge [sflag:s22], s20  }
0xa5: {  	s5 =	ssub.s32 $0x0, s20;
	[sflag:s22] =	ssyncset.done $0x0  }
0xa6: {  	[sflag:s22] =	ssyncadd.s32 s5;
	_ =	sdelay $0x1  }
0xa7: {  	s23 =	simm.s32 $0x1B8B  }
0xa8: {  	_ =	swait.ge [sflag:s23], $0x1  }
0xa9: {  	[sflag:s23] =	ssyncset.done $0x0  }
0xaa: {  	s25 =	simm.s32 $0x1B8E;
	s24 =	sld [smem:$0x3FFE];
	[sflag:s23] =	ssyncadd.s32 $0xFFFFFFFF  }
0xab: {  	s26 =	simm.s32 $execute0_lowered;
	[smem:$0x3FD2] =	sst s25  }
0xac: {  	s6 =	sshll.u32 s26, $0x1;
	_ =	strace $0x8000004C;
	[dreg:$0x1] =	wrdreg $0xFFFFFFFF  }
0xad: {  	s28 =	simm.s32 $_size_execute0_lowered;
	s4 =	sadd.s32 s4, s6;
	[dreg:$0x0] =	wrdreg $0x0  }
0xae: {  	s6 =	sshll.u32 s28, $0x1;
	[dreg:$0x2] =	wrdreg s4  }
0xaf: {  	[dreg:$0x3] =	wrdreg s6  }
0xb0: {  	[dreg:$0x4] =	wrdreg $0xC0  }
0xb1: {  	_ =	task [dreg:s8], $0x5FFFF  }
0xb2: {  	[dreg:$0x1] =	wrdreg $0xFFFFFFFF  }
0xb3: {  	[dreg:$0x0] =	wrdreg $0x60  }
0xb4: {  	[dreg:$0x2] =	wrdreg s24  }
0xb5: {  	[dreg:$0x3] =	wrdreg s16  }
0xb6: {  	[dreg:$0x4] =	wrdreg s17  }
0xb7: {  	[dreg:$0x5] =	wrdreg $0x7C000  }
0xb8: {  	[dreg:$0x6] =	wrdreg $0x9  }
0xb9: {  	_ =	task.clear_ibuf [dreg:s8], $0x7FFFF;
	_ =	strace $0x9000004C  }
0xba: {  	s29 =	simm.s32 $0x9;
	_ =	strace $0x8000004E  }
0xbb: {  	_ =	swait.ge [sflag:s29], $0x1  }
0xbc: {  	[sflag:s29] =	ssyncadd.s32 $0xFFFFFFFF  }
0xbd: {  	_ =	strace $0x9000004E  }
0xbe: {  	_ =	sfence  }
0xbf: {  	s30 =	sld [smem:$0x0];
	_ =	sdelay $0x2  }
0xc0: {  	s31 =	sshll.u32 s1, $0xD;
	s1 =	sshrl.u32 s1, $0x2  }
0xc1: {  	s3 =	sand.u32 $0x4000, s31;
	s1 =	sadd.s32 s1, s30  }
0xc2: {  	s0 =	sor.u32 s3, s0;
	s1 =	sshll.u32 s1, $0x11  }
0xc3: {  	s0 =	sor.u32 s1, s0  }
0xc4: {  	s0 =	sadd.s32 $0x8F2B, s0  }
0xc5: {  	[sflag:s0] =	ssyncadd.remote.s32 $0x1  }
0xc6: {  	_ =	sfence.sel $0xFFFF  }
0xc7: {  	[dreg:$0x0] =	wrdreg $0xFFFFFFFF;
	(pc) =	sbr.abs _section_cstart, $3  }
0xc8: {  	[dreg:$0x1] =	wrdreg $0xFFFFFFFF  }
0xc9: {  	_ =	task.clear_ibuf [dreg:s8], $0x2FFFF;
	_ =	strace $0x9FFFFFFF  }
0xca: {  	(tm) =	ssettm $0x7FFFFFFF  }
0xcb: {  	_ =	shalt  }
tec
execute0_lowered:
.L_overlay_start_1:
0x0: {  	(tag) =	ssettag $0x1  }
0x1: {  	s0 =	rddreg [dreg:$0x0]  }
0x2: {  	s3 =	rddreg [dreg:$0x3];
	s1 =	srdreg.scid  }
0x3: {  	s5 =	simm.s32 $0x0;
	s13 =	stileid.u32;
	s18 =	simm.s32 $0x3  }
0x4: {  	s19 =	simm.s32 $0x1000;
	s20 =	simm.s32 $0x50;
	s21 =	simm.s32 $0x1  }
0x5: {  	s22 =	simm.s32 $0x2;
	s23 =	simm.s32 $0x4800;
	s24 =	simm.s32 $0x7000  }
0x6: {  	s25 =	simm.s32 $0x0;
	s1 =	sand.u32 $0x1, s1;
	[smem:$0x7FF] =	sst s5  }
0x7: {  	s4 =	smul.u32 $0x1F400, s13;
	s6 =	sadd.s32 $0x8E00, s0;
	s7 =	sadd.s32 $0x30000, s0  }
0x8: {  	s8 =	sadd.s32 $0xEC400, s0;
	s9 =	sadd.s32 $0x100400, s0;
	s11 =	smul.u32 $0x7D000, s13  }
0x9: {  	s28 =	simm.s32 $0x0;
	s10 =	sadd.s32 $0x114400, s0;
	s2 =	smul.u32 $0x138800, s1  }
0xa: {  	s12 =	sshll.u32 s13, $0x1;
	p0 =	sgt.u32 s13, $0x9;
	_ =	strace $0x8000004D  }
0xb: {  	s26 =	ssub.s32 $0x2, s1;
	s1 =	sor.u32 s1, s12;
	s2 =	sadd.s32 s4, s2  }
0xc: {  	s30 =	sshrl.u32 s11, $0x2;
	s11 =	smul.u32 $0x5000, s1;
	s2 =	sshrl.u32 s2, $0x3  }
0xd: {  	s29 =	sshrl.u32 s26, $0x1;
	s12 =	smul.u32 $0x7D, s1;
	s2 =	sadd.s32 s2, s0  }
0xe: {  	s1 =	sshll.u32 @!p0 s13, $0x6;
	s0 =	ssub.s32 s26, s29;
	s31 =	sadd.s32 $0x7E400, s2  }
0xf: {  	s4 =	sadd.s32 s30, s3;
	s0 =	smax.u32 s0, $0x1;
	[dreg:$0x5] =	wrdreg s31  }
0x10: {  	s15 =	sor.u32 @!p0 $0x1C03, s1;
	s16 =	sshrl.u32 @!p0 s4, $0x3;
	[dreg:$0x6] =	wrdreg s0  }
.LBB2_1:
0x11: {  	s0 =	rddreg [dreg:$0x2]  }
0x12: {  	[spmem:s16], [sflag:s15] =	dma.local @!p0 [hbm:s0], $0x3E80  }
0x13: {  	s0 =	simm.s32 @!p0 $0x3  }
0x14: {  	_ =	swait.ge @!p0 [sflag:s0], $0x3E80  }
0x15: {  	[sflag:s0] =	ssyncset.done @!p0 $0x0  }
0x16: {  	[sflag:s0] =	ssyncadd.s32 @!p0 $0xFFFFC180  }
0x17: {  	s1 =	simm.s32 $0x7800;
	s0 =	rddreg [dreg:$0x1]  }
0x18: {  	[tilespmem:s1], [sflag:$0x3] =	stream.linear.gather [hbm4b:s0+s5], $0x400, $0x38;
	[tilespmem:$0x1B480] =	vst v63  }
0x19: {  	_ =	swait.ge [sflag:s18], $0x400  }
0x1a: {  	[sflag:s18] =	ssyncset.done $0x0  }
0x1b: {  	[sflag:s18] =	ssyncadd.s32 $0xFFFFFC00  }
0x1c: {  	[bflag:$0x0] =	sbarrier.arrive $0xFFFF  }
0x1d: {  	s26 =	simm.s32 $0x0;
	v0 =	vld [tilespmem:$0x7800]  }
.LBB2_2:
0x1e: {  	s0 =	sshll.u32 s26, $0xC  }
0x1f: {  	s0 =	sadd.s32 s11, s0  }
0x20: {  	s0 =	sshrl.u32 s0, $0x3  }
0x21: {  	s1 =	sadd.s32 s8, s0  }
0x22: {  	[tilespmem:s28], [sflag:$0x3] =	stream.linear.gather [hbm4b:s1+s28], $0xC80, $0x38;
	[tilespmem:$0x1B480] =	vst v63  }
0x23: {  	_ =	swait.ge [sflag:s18], $0xC80  }
0x24: {  	[sflag:s18] =	ssyncset.done $0x0  }
0x25: {  	s0 =	sadd.s32 s9, s0;
	[sflag:s18] =	ssyncadd.s32 $0xFFFFF380  }
0x26: {  	[tilespmem:s19], [sflag:$0x3] =	stream.linear.gather [hbm4b:s0+s28], $0xC80, $0x38;
	[tilespmem:$0x1B480] =	vst v63  }
0x27: {  	s31 =	smul.u32 $0x19, s26;
	_ =	swait.ge [sflag:s18], $0xC80  }
0x28: {  	[sflag:s18] =	ssyncset.done $0x0  }
0x29: {  	s30 =	simm.s32 $0x0;
	s29 =	sadd.s32 s12, s31;
	[sflag:s18] =	ssyncadd.s32 $0xFFFFF380  }
.LBB2_3:
0x2a: {  	s0 =	sshll.u32 s30, $0x7;
	s1 =	simm.s32 $0x2000  }
0x2b: {  	[tilespmem:s1], [sflag:$0x1] =	stream.indirect.gather [hbm4b:s6+s20], $0x80, s0, s20, $0xb8;
	[tilespmem:$0x1B480] =	vst v63  }
0x2c: {  	s13 =	simm.s32 $0x4800;
	s31 =	sadd.s32 $0x1000, s0  }
0x2d: {  	[tilespmem:s13], [sflag:$0x2] =	stream.indirect.gather [hbm4b:s7+s20], $0x80, s31, s20, $0xb8;
	[tilespmem:$0x1B480] =	vst v63  }
0x2e: {  	_ =	swait.ge [sflag:s21], $0x2800  }
0x2f: {  	[sflag:s21] =	ssyncset.done $0x0  }
0x30: {  	[sflag:s21] =	ssyncadd.s32 $0xFFFFD800  }
0x31: {  	_ =	swait.ge [sflag:s22], $0x2800  }
0x32: {  	[sflag:s22] =	ssyncset.done $0x0  }
0x33: {  	[sflag:s22] =	ssyncadd.s32 $0xFFFFD800  }
0x34: {  	v1 =	vld [tilespmem:s13+$0x0]  }
0x35: {  	v2 =	vld [tilespmem:s1+$0x0];
	_ =	sdelay $0x4  }
0x36: {  	v1 =	vadd.f32 v1, v2;
	_ =	sdelay $0x1  }
0x37: {  	v2 =	vmul.f32 $2.000000030e-01, v1;
	_ =	sdelay $0x1  }
0x38: {  	v1 =	vmax.f32 v1, v2  }
0x39: {  	v1 =	vsub.f32 v1, v0;
	_ =	sdelay $0x1  }
0x3a: {  	v1 =	vmul.f32 $1.442695020e+00, v1;
	_ =	sdelay $0x1  }
0x3b: {  	(erf) = vpow2.f32 v1;
	_ =	sdelay $0x7  }
0x3c: {  	s14 =	sand.u32 $0x1E00, s28  }
0x3d: {  	s2 =	sand.u32 $0x70, s28;
	s1 =	sshrl.u32 s14, $0x2;
	v1 =	vpop (erf)  }
0x3e: {  	s17 =	sor.u32 s2, s1;
	[tilespmem:s13+$0x0] =	vst v1  }
0x3f: {  	s0 =	simm.s32 $0x4880;
	[tilespmem:s17+$0x7000] =	vst v1  }
0x40: {  	s2 =	simm.s32 $0x2080;
	v1 =	vld [tilespmem:s0+$0x0]  }
0x41: {  	v2 =	vld [tilespmem:s2+$0x0]  }
0x42: {  	s4 =	simm.s32 $0x40;
	s1 =	simm.s32 $0x0;
	s17 =	simm.s32 $0x80  }
.LBB2_4:
0x43: {  	p1 =	sne.s32 s17, $0x13C0;
	_ =	sdelay $0x2  }
0x44: {  	v1 =	vadd.f32 v1, v2;
	_ =	sdelay $0x1  }
0x45: {  	v2 =	vmul.f32 $2.000000030e-01, v1;
	_ =	sdelay $0x1  }
0x46: {  	v1 =	vmax.f32 v1, v2  }
0x47: {  	v1 =	vsub.f32 v1, v0;
	_ =	sdelay $0x1  }
0x48: {  	v1 =	vmul.f32 $1.442695020e+00, v1;
	_ =	sdelay $0x1  }
0x49: {  	(erf) = vpow2.f32 v1;
	_ =	sdelay $0x7  }
0x4a: {  	s13 =	sand.u32 $0x1E00, s4;
	s1 =	sadd.s32 $0x10, s1;
	s4 =	smov.u32 s17  }
0x4b: {  	s14 =	sand.u32 $0x70, s1;
	s13 =	sshrl.u32 s13, $0x2;
	v1 =	vpop (erf)  }
.Ltmp0:
0x4c: {  	s13 =	sor.u32 s14, s13;
	[tilespmem:s0+$0x0] =	vst v1;
	(pc) =	sbr.rel @p1 .LBB2_4-.Ltmp0, $4  }
0x4d: {  	s0 =	sadd.s32 $0x80, s0;
	[tilespmem:s13+$0x7000] =	vst v1  }
0x4e: {  	s2 =	sadd.s32 $0x80, s2;
	v1 =	vld [tilespmem:s0+$0x0]  }
0x4f: {  	v2 =	vld [tilespmem:s2+$0x0]  }
0x50: {  	s17 =	sadd.s32 $0x40, s17  }
0x51: {  	_ =	sdelay $0x2  }
0x52: {  	v1 =	vadd.f32 v1, v2;
	_ =	sdelay $0x1  }
0x53: {  	v2 =	vmul.f32 $2.000000030e-01, v1;
	_ =	sdelay $0x1  }
0x54: {  	v1 =	vmax.f32 v1, v2  }
0x55: {  	v1 =	vsub.f32 v1, v0;
	_ =	sdelay $0x1  }
0x56: {  	v1 =	vmul.f32 $1.442695020e+00, v1;
	_ =	sdelay $0x1  }
0x57: {  	(erf) = vpow2.f32 v1;
	_ =	sdelay $0x7  }
0x58: {  	s2 =	sand.u32 $0x1E00, s4;
	s1 =	sadd.s32 $0x10, s1  }
0x59: {  	s1 =	sand.u32 $0x70, s1;
	s2 =	sshrl.u32 s2, $0x2;
	v1 =	vpop (erf)  }
0x5a: {  	s17 =	sor.u32 s1, s2;
	[tilespmem:s0+$0x0] =	vst v1  }
0x5b: {  	[tilespmem:s17+$0x7000] =	vst v1  }
0x5c: {  	[spmem:s3] =	stream.indirect.scatter.add.f32 [tilespmem:s23], [sflag:$0x3], $0x80, s31, s20, $0xb8;
	[tilespmem:$0x1B480] =	vst v63  }
0x5d: {  	s31 =	sadd.s32 s30, s29;
	s30 =	sadd.s32 $0x1, s30;
	_ =	swait.ge [sflag:s18], $0x2800  }
0x5e: {  	s0 =	sshll.u32 s31, $0x8;
	p1 =	sne.s32 s30, $0x19;
	[sflag:s18] =	ssyncset.done $0x0  }
.Ltmp1:
0x5f: {  	s0 =	sadd.s32 s10, s0;
	[sflag:s18] =	ssyncadd.s32 $0xFFFFD800;
	(pc) =	sbr.rel @p1 .LBB2_3-.Ltmp1, $4  }
0x60: {  	[hbm4b:s0+s5] =	stream.linear.scatter [tilespmem:s24], [sflag:$0x3], $0x500, $0x38;
	[tilespmem:$0x1B480] =	vst v63  }
0x61: {  	_ =	swait.ge [sflag:s18], $0x500  }
0x62: {  	[sflag:s18] =	ssyncset.done $0x0  }
0x63: {  	[sflag:s18] =	ssyncadd.s32 $0xFFFFFB00  }
0x64: {  	s26 =	sadd.s32 $0x1, s26  }
0x65: {  	p1 =	sne.s32 s26, $0x5  }
.Ltmp2:
0x66: {  	_ = 	snop;
	(pc) =	sbr.rel @p1 .LBB2_2-.Ltmp2, $1  }
0x67: {  	_ =	sdelay $0x3  }
0x68: {  	[bflag:$0x0] =	sbarrier.arrive $0xFFFF  }
0x69: {  	s0 =	rddreg [dreg:$0x5]  }
0x6a: {  	[hbm:s0], [sflag:s15] =	dma.local @!p0 [spmem:s16], $0x3E80  }
0x6b: {  	s0 =	simm.s32 @!p0 $0x3  }
0x6c: {  	_ =	swait.ge @!p0 [sflag:s0], $0x3E80  }
0x6d: {  	s25 =	sadd.s32 $0x1, s25;
	s1 =	rddreg [dreg:$0x6]  }
0x6e: {  	p1 =	sne.s32 s25, s1  }
.Ltmp3:
0x6f: {  	_ = 	snop;
	(pc) =	sbr.rel @p1 .LBB2_1-.Ltmp3, $3  }
0x70: {  	_ =	sdelay $0x1  }
0x71: {  	[sflag:s0] =	ssyncset.done @!p0 $0x0  }
0x72: {  	[sflag:s0] =	ssyncadd.s32 @!p0 $0xFFFFC180  }
0x73: {  	_ =	sfence.sel $0x180000  }
0x74: {  	[bflag:$0x0] =	sbarrier.arrive $0xFFFF  }
0x75: {  	_ =	strace $0x9000004D  }
0x76: {  	s0 =	stileid.u32;
	[bflag:$0x2] =	sbarrier.arrive $0xFFFF  }
0x77: {  	p0 =	sne.s32 s0, $0x0;
	s0 =	rddreg [dreg:$0x4]  }
0x78: {  	s0 =	sadd.s32 @!p0 $0x100000, s0  }
0x79: {  	[sflag:s0] =	ssyncadd.tile.s32 @!p0 $0x1;
	_ =	shalt  }
.Lfunc_end2:
_tile_overlayer_lowered:
.L_overlay_start_2:
0x7a: {  	(tag) =	ssettag $0x2  }
0x7b: {  	s0 =	rddreg [dreg:$0x0];
	s2 =	stileid.u32  }
0x7c: {  	s1 =	rddreg [dreg:$0x1];
	p0 =	sne.s32 s2, $0x0  }
0x7d: {  	s3 =	rddreg [dreg:$0x2];
	[bflag:$0x3] =	sbarrier.arrive $0xFFFF;
	s2 =	simm.s32 @!p0 $0x1C03  }
0x7e: {  	[timem:s3], [sflag:s2] =	dma.local @!p0 [hbm:s0], s1  }
0x7f: {  	s0 =	simm.s32 @!p0 $0x3  }
0x80: {  	_ =	swait.ge @!p0 [sflag:s0], s1  }
0x81: {  	s1 =	ssub.s32 @!p0 $0x0, s1;
	[sflag:s0] =	ssyncset.done @!p0 $0x0  }
0x82: {  	[sflag:s0] =	ssyncadd.s32 @!p0 s1  }
0x83: {  	[bflag:$0x3] =	sbarrier.arrive $0xFFFF  }
0x84: {  	_ =	shalt  }

// kernel: sc_gat1.8.cloned.1.call-start
scs
__scs_entry_jumppad:
0x0: {  	(pc) =	sbr.rel $0x88, $3  }
0x1: {  	(tag) =	ssettag $0x0;
	lr =	simm.s32 $0x1  }
0x2: {  	[smem:$0x3F68] =	sst lr;
	_ =	strace $0xD0000000  }
0x3: {  	_ = 	snop  }
0x4: {  	_ = 	snop  }
0x5: {  	_ = 	snop  }
0x6: {  	_ = 	snop  }
0x7: {  	_ = 	snop  }
__scs_overlays_trampoline_lowered:
0x8: {  	[smem:$0x3F77] =	sst s0  }
0x9: {  	[smem:$0x3F78] =	sst s1  }
0xa: {  	[smem:$0x3F79] =	sst s2  }
0xb: {  	[smem:$0x3F7A] =	sst s3  }
0xc: {  	[smem:$0x3F7B] =	sst s4  }
0xd: {  	[smem:$0x3F7C] =	sst s5  }
0xe: {  	[smem:$0x3F7D] =	sst s6  }
0xf: {  	[smem:$0x3F7E] =	sst s7  }
0x10: {  	[smem:$0x3F7F] =	sst s8  }
0x11: {  	[smem:$0x3F80] =	sst s9;
	s0 =	simm.s32 @!p0 $0x0  }
0x12: {  	s1 =	sld [smem:$0x3F66];
	s0 =	simm.s32 @p0 $0x1  }
0x13: {  	[smem:$0x3F81] =	sst s0;
	s0 =	simm.s32 @!p1 $0x0  }
0x14: {  	s2 =	sld [smem:$0x3F65];
	s0 =	simm.s32 @p1 $0x1  }
0x15: {  	[smem:$0x3F82] =	sst s0;
	s0 =	simm.s32 @!p2 $0x0  }
0x16: {  	s3 =	sld [smem:$0x3FDB];
	s0 =	simm.s32 @p2 $0x1  }
0x17: {  	s4 =	simm.s32 $0x1BF5;
	[smem:$0x3F84] =	sst s0  }
0x18: {  	s0 =	sld [smem:$0x3F67];
	_ =	swait.ge [sflag:s4], $0x0  }
0x19: {  	s7 =	sld [smem:$0x3F68]  }
0x1a: {  	s8 =	sadd.s32 $0xFFFFE003, lr  }
0x1b: {  	s9 =	sadd.s32 $0xFFFFFEF7, lr;
	s5 =	simm.s32 $0xFFFFFFFF;
	p2 =	slt.u32 s8, $0xFFFFF086  }
0x1c: {  	p1 =	slt.u32 s9, $0xF7A;
	s5 =	simm.s32 @!p2 $0x0  }
0x1d: {  	s5 =	simm.s32 @p1 $0x1;
	p0 =	seq.s32 s7, s2  }
0x1e: {  	s7 =	smul.u32 @!p0 $0xF7A, s2;
	p2 =	seq.s32 @!p0 s5, $0x0  }
0x1f: {  	s9 =	smul.u32 $0xF7A, s1;
	s8 =	simm.s32 @!p0 $0x1BF5;
	p2 =	por !p2, p0  }
0x20: {  	[sflag:s8] =	ssyncset.s32 @!p0 $0xFFFFF086;
	s6 =	sadd.s32 @!p0 s3, s7;
	s7 =	simm.s32 @!p0 $0x108  }
0x21: {  	s3 =	sadd.s32 s3, s9;
	s6 =	sadd.s32 @!p0 $0x88, s6;
	s7 =	simm.s32 @p2 $0x1082  }
0x22: {  	[simem:s7], [sflag:s8] =	dma.local @!p0 [hbm:s6], $0xF7A  }
0x23: {  	s9 =	sor.u32 $0xD0000000, s2;
	s6 =	simm.s32 $0x108;
	_ =	swait.ge @!p0 [sflag:s8], $0x0  }
0x24: {  	s3 =	sadd.s32 $0x88, s3;
	s6 =	simm.s32 @!p1 $0x1082;
	[sflag:s4] =	ssyncset.s32 $0xFFFFF086  }
0x25: {  	[simem:s6], [sflag:s4] =	dma.local [hbm:s3], $0xF7A  }
0x26: {  	[smem:$0x3F68] =	sst s1;
	(tag) =	ssettag s2;
	_ =	strace s9  }
0x27: {  	s1 =	sld [smem:$0x3F78]  }
0x28: {  	s2 =	sld [smem:$0x3F79]  }
0x29: {  	s4 =	sld [smem:$0x3F7B]  }
0x2a: {  	p0 =	seq.s32 s5, $0x0;
	s5 =	sld [smem:$0x3F7C]  }
0x2b: {  	s6 =	sld [smem:$0x3F7D]  }
0x2c: {  	s7 =	sld [smem:$0x3F7E]  }
0x2d: {  	s3 =	simm.s32 $0x108;
	s8 =	sld [smem:$0x3F7F]  }
0x2e: {  	s3 =	simm.s32 @!p0 $0x1082;
	s9 =	sld [smem:$0x3F80]  }
0x2f: {  	lr =	sadd.s32 s0, s3;
	s0 =	sld [smem:$0x3F77]  }
0x30: {  	s3 =	sld [smem:$0x3F7A]  }
0x31: {  	[smem:$0x3F83] =	sst s10  }
0x32: {  	s10 =	sld [smem:$0x3F81];
	_ =	sdelay $0x3  }
0x33: {  	p0 =	seq.s32 s10, $0x1;
	s10 =	sld [smem:$0x3F83];
	_ =	sdelay $0x3  }
0x34: {  	[smem:$0x3F83] =	sst s10  }
0x35: {  	s10 =	sld [smem:$0x3F82];
	_ =	sdelay $0x3  }
0x36: {  	p1 =	seq.s32 s10, $0x1;
	s10 =	sld [smem:$0x3F83];
	_ =	sdelay $0x3  }
0x37: {  	[smem:$0x3F83] =	sst s10  }
0x38: {  	s10 =	sld [smem:$0x3F84]  }
0x39: {  	_ = 	snop;
	(pc) =	sbr.ind lr, $3  }
0x3a: {  	_ = 	snop  }
0x3b: {  	_ = 	snop  }
0x3c: {  	p2 =	seq.s32 s10, $0x1;
	s10 =	sld [smem:$0x3F83]  }
0x3d: {  	_ =	shalt  }
0x3e: {  	_ =	shalt  }
0x3f: {  	_ =	shalt  }
0x40: {  	_ =	shalt  }
0x41: {  	_ =	shalt  }
0x42: {  	_ =	shalt  }
0x43: {  	_ =	shalt  }
0x44: {  	_ =	shalt  }
0x45: {  	_ =	shalt  }
0x46: {  	_ =	shalt  }
0x47: {  	_ =	shalt  }
0x48: {  	_ =	shalt  }
0x49: {  	_ =	shalt  }
0x4a: {  	_ =	shalt  }
0x4b: {  	_ =	shalt  }
0x4c: {  	_ =	shalt  }
0x4d: {  	_ =	shalt  }
0x4e: {  	_ =	shalt  }
0x4f: {  	_ =	shalt  }
0x50: {  	_ =	shalt  }
0x51: {  	_ =	shalt  }
0x52: {  	_ =	shalt  }
0x53: {  	_ =	shalt  }
0x54: {  	_ =	shalt  }
0x55: {  	_ =	shalt  }
0x56: {  	_ =	shalt  }
0x57: {  	_ =	shalt  }
0x58: {  	_ =	shalt  }
0x59: {  	_ =	shalt  }
0x5a: {  	_ =	shalt  }
0x5b: {  	_ =	shalt  }
0x5c: {  	_ =	shalt  }
0x5d: {  	_ =	shalt  }
0x5e: {  	_ =	shalt  }
0x5f: {  	_ =	shalt  }
0x60: {  	_ =	shalt  }
0x61: {  	_ =	shalt  }
0x62: {  	_ =	shalt  }
0x63: {  	_ =	shalt  }
0x64: {  	_ =	shalt  }
0x65: {  	_ =	shalt  }
0x66: {  	_ =	shalt  }
0x67: {  	_ =	shalt  }
0x68: {  	_ =	shalt  }
0x69: {  	_ =	shalt  }
0x6a: {  	_ =	shalt  }
0x6b: {  	_ =	shalt  }
0x6c: {  	_ =	shalt  }
0x6d: {  	_ =	shalt  }
0x6e: {  	_ =	shalt  }
0x6f: {  	_ =	shalt  }
0x70: {  	_ =	shalt  }
0x71: {  	_ =	shalt  }
0x72: {  	_ =	shalt  }
0x73: {  	_ =	shalt  }
0x74: {  	_ =	shalt  }
0x75: {  	_ =	shalt  }
0x76: {  	_ =	shalt  }
0x77: {  	_ =	shalt  }
0x78: {  	_ =	shalt  }
0x79: {  	_ =	shalt  }
0x7a: {  	_ =	shalt  }
0x7b: {  	_ =	shalt  }
0x7c: {  	_ =	shalt  }
0x7d: {  	_ =	shalt  }
0x7e: {  	_ =	shalt  }
0x7f: {  	_ =	shalt  }
0x80: {  	_ =	shalt  }
0x81: {  	_ =	shalt  }
0x82: {  	_ =	shalt  }
0x83: {  	_ =	shalt  }
0x84: {  	_ =	shalt  }
0x85: {  	_ =	shalt  }
0x86: {  	_ =	shalt  }
0x87: {  	_ =	shalt  }
.Lfunc_end0:
.L_simem_size_0:
called_computation.4_lowered:
.L_overlay_start_0:
0x88: {  	s2 =	sld [smem:$0x3FD9]  }
0x89: {  	s3 =	sld [smem:$0x3FFE];
	_ =	sdelay $0x1  }
0x8a: {  	s1 =	srdreg.scid  }
0x8b: {  	s0 =	sand.u32 $0x1, s1  }
0x8c: {  	s14 =	sshll.u32 s0, $0xA;
	s2 =	sadd.s32 s3, s2  }
0x8d: {  	s2 =	sadd.s32 s2, s14  }
0x8e: {  	[smem:$0x3F8F] =	sst s2  }
0x8f: {  	_ = 	snop  }
0x90: {  	s2 =	sld [smem:$0x3FD0];
	_ =	sdelay $0x2  }
0x91: {  	s15 =	simm.s32 $0xA;
	s4 =	simm.s32 $0x10  }
0x92: {  	[smem:s4], [sflag:s15] =	dma.local [hbm:s2], $0x1  }
0x93: {  	_ =	swait.eq [sflag:s15], $0x1  }
0x94: {  	[sflag:s15] =	ssyncset.done $0x0  }
0x95: {  	s16 =	sld [smem:$0x11];
	[sflag:s15] =	ssyncadd.s32 $0xFFFFFFFF  }
0x96: {  	s17 =	sld [smem:$0x14];
	(tm) =	ssettm $0x1  }
0x97: {  	s18 =	sld [smem:$0x3FFB];
	_ =	sdelay $0x3  }
0x98: {  	_ =	strace s18  }
0x99: {  	s4 =	sld [smem:$0x3FFC];
	_ =	sdelay $0x3  }
0x9a: {  	_ =	strace s4  }
0x9b: {  	s4 =	sld [smem:$0x3FFD];
	_ =	sdelay $0x3  }
0x9c: {  	_ =	strace s4  }
0x9d: {  	_ =	strace $0x8FFFFFFF  }
0x9e: {  	s19 =	sld [smem:$0x3FDB];
	_ =	sdelay $0x1  }
0x9f: {  	s5 =	simm.s32 $_scs_section_size  }
0xa0: {  	s6 =	simm.s32 $_size__tile_overlayer_lowered;
	s7 =	simm.s32 $_tile_overlayer_lowered  }
0xa1: {  	s22 =	simm.s32 $0x1BFF;
	s21 =	sshll.u32 s7, $0x1;
	s4 =	sadd.s32 s5, s19  }
0xa2: {  	s8 =	simm.s32 $0x0;
	s20 =	sshll.u32 s6, $0x1;
	s6 =	sadd.s32 s21, s4  }
0xa3: {  	[timem:s8], [sflag:s22] =	dma.local [hbm:s6], s20  }
0xa4: {  	_ =	swait.ge [sflag:s22], s20  }
0xa5: {  	s5 =	ssub.s32 $0x0, s20;
	[sflag:s22] =	ssyncset.done $0x0  }
0xa6: {  	[sflag:s22] =	ssyncadd.s32 s5;
	_ =	sdelay $0x1  }
0xa7: {  	s23 =	simm.s32 $0x1B8B  }
0xa8: {  	_ =	swait.ge [sflag:s23], $0x1  }
0xa9: {  	[sflag:s23] =	ssyncset.done $0x0  }
0xaa: {  	s25 =	simm.s32 $0x1B8E;
	s24 =	sld [smem:$0x3FFE];
	[sflag:s23] =	ssyncadd.s32 $0xFFFFFFFF  }
0xab: {  	s26 =	simm.s32 $execute0_lowered;
	[smem:$0x3FD2] =	sst s25  }
0xac: {  	s6 =	sshll.u32 s26, $0x1;
	_ =	strace $0x80000052;
	[dreg:$0x1] =	wrdreg $0xFFFFFFFF  }
0xad: {  	s28 =	simm.s32 $_size_execute0_lowered;
	s4 =	sadd.s32 s4, s6;
	[dreg:$0x0] =	wrdreg $0x0  }
0xae: {  	s6 =	sshll.u32 s28, $0x1;
	[dreg:$0x2] =	wrdreg s4  }
0xaf: {  	[dreg:$0x3] =	wrdreg s6  }
0xb0: {  	[dreg:$0x4] =	wrdreg $0xC0  }
0xb1: {  	_ =	task [dreg:s8], $0x5FFFF  }
0xb2: {  	[dreg:$0x1] =	wrdreg $0xFFFFFFFF  }
0xb3: {  	[dreg:$0x0] =	wrdreg $0x60  }
0xb4: {  	[dreg:$0x2] =	wrdreg s24  }
0xb5: {  	[dreg:$0x3] =	wrdreg s16  }
0xb6: {  	[dreg:$0x4] =	wrdreg s17  }
0xb7: {  	[dreg:$0x5] =	wrdreg $0x7C000  }
0xb8: {  	[dreg:$0x6] =	wrdreg $0x9  }
0xb9: {  	_ =	task.clear_ibuf [dreg:s8], $0x7FFFF;
	_ =	strace $0x90000052  }
0xba: {  	s29 =	simm.s32 $0x9;
	_ =	strace $0x80000054  }
0xbb: {  	_ =	swait.ge [sflag:s29], $0x1  }
0xbc: {  	[sflag:s29] =	ssyncadd.s32 $0xFFFFFFFF  }
0xbd: {  	_ =	strace $0x90000054  }
0xbe: {  	_ =	sfence  }
0xbf: {  	s30 =	sld [smem:$0x0];
	_ =	sdelay $0x2  }
0xc0: {  	s31 =	sshll.u32 s1, $0xD;
	s1 =	sshrl.u32 s1, $0x2  }
0xc1: {  	s3 =	sand.u32 $0x4000, s31;
	s1 =	sadd.s32 s1, s30  }
0xc2: {  	s0 =	sor.u32 s3, s0;
	s1 =	sshll.u32 s1, $0x11  }
0xc3: {  	s0 =	sor.u32 s1, s0  }
0xc4: {  	s0 =	sadd.s32 $0x8F2B, s0  }
0xc5: {  	[sflag:s0] =	ssyncadd.remote.s32 $0x1  }
0xc6: {  	_ =	sfence.sel $0xFFFF  }
0xc7: {  	[dreg:$0x0] =	wrdreg $0xFFFFFFFF;
	(pc) =	sbr.abs _section_cstart, $3  }
0xc8: {  	[dreg:$0x1] =	wrdreg $0xFFFFFFFF  }
0xc9: {  	_ =	task.clear_ibuf [dreg:s8], $0x2FFFF;
	_ =	strace $0x9FFFFFFF  }
0xca: {  	(tm) =	ssettm $0x7FFFFFFF  }
0xcb: {  	_ =	shalt  }
tec
execute0_lowered:
.L_overlay_start_1:
0x0: {  	(tag) =	ssettag $0x1  }
0x1: {  	s0 =	rddreg [dreg:$0x0]  }
0x2: {  	s3 =	rddreg [dreg:$0x3];
	s1 =	srdreg.scid  }
0x3: {  	s5 =	simm.s32 $0x0;
	s13 =	stileid.u32;
	s18 =	simm.s32 $0x3  }
0x4: {  	s19 =	simm.s32 $0x1000;
	s20 =	simm.s32 $0x50;
	s21 =	simm.s32 $0x1  }
0x5: {  	s22 =	simm.s32 $0x2;
	s23 =	simm.s32 $0x4800;
	s24 =	simm.s32 $0x7000  }
0x6: {  	s25 =	simm.s32 $0x0;
	s1 =	sand.u32 $0x1, s1;
	[smem:$0x7FF] =	sst s5  }
0x7: {  	s4 =	smul.u32 $0x1F400, s13;
	s6 =	sadd.s32 $0x8E00, s0;
	s7 =	sadd.s32 $0x30000, s0  }
0x8: {  	s8 =	sadd.s32 $0xEC400, s0;
	s9 =	sadd.s32 $0x100400, s0;
	s11 =	smul.u32 $0x7D000, s13  }
0x9: {  	s28 =	simm.s32 $0x0;
	s10 =	sadd.s32 $0x114400, s0;
	s2 =	smul.u32 $0x138800, s1  }
0xa: {  	s12 =	sshll.u32 s13, $0x1;
	p0 =	sgt.u32 s13, $0x9;
	_ =	strace $0x80000053  }
0xb: {  	s26 =	ssub.s32 $0x2, s1;
	s1 =	sor.u32 s1, s12;
	s2 =	sadd.s32 s4, s2  }
0xc: {  	s30 =	sshrl.u32 s11, $0x2;
	s11 =	smul.u32 $0x5000, s1;
	s2 =	sshrl.u32 s2, $0x3  }
0xd: {  	s29 =	sshrl.u32 s26, $0x1;
	s12 =	smul.u32 $0x7D, s1;
	s2 =	sadd.s32 s2, s0  }
0xe: {  	s1 =	sshll.u32 @!p0 s13, $0x6;
	s0 =	ssub.s32 s26, s29;
	s31 =	sadd.s32 $0x7E400, s2  }
0xf: {  	s4 =	sadd.s32 s30, s3;
	s0 =	smax.u32 s0, $0x1;
	[dreg:$0x5] =	wrdreg s31  }
0x10: {  	s15 =	sor.u32 @!p0 $0x1C03, s1;
	s16 =	sshrl.u32 @!p0 s4, $0x3;
	[dreg:$0x6] =	wrdreg s0  }
.LBB2_1:
0x11: {  	s0 =	rddreg [dreg:$0x2]  }
0x12: {  	[spmem:s16], [sflag:s15] =	dma.local @!p0 [hbm:s0], $0x3E80  }
0x13: {  	s0 =	simm.s32 @!p0 $0x3  }
0x14: {  	_ =	swait.ge @!p0 [sflag:s0], $0x3E80  }
0x15: {  	[sflag:s0] =	ssyncset.done @!p0 $0x0  }
0x16: {  	[sflag:s0] =	ssyncadd.s32 @!p0 $0xFFFFC180  }
0x17: {  	s1 =	simm.s32 $0x7800;
	s0 =	rddreg [dreg:$0x1]  }
0x18: {  	[tilespmem:s1], [sflag:$0x3] =	stream.linear.gather [hbm4b:s0+s5], $0x400, $0x38;
	[tilespmem:$0x1B480] =	vst v63  }
0x19: {  	_ =	swait.ge [sflag:s18], $0x400  }
0x1a: {  	[sflag:s18] =	ssyncset.done $0x0  }
0x1b: {  	[sflag:s18] =	ssyncadd.s32 $0xFFFFFC00  }
0x1c: {  	[bflag:$0x0] =	sbarrier.arrive $0xFFFF  }
0x1d: {  	s26 =	simm.s32 $0x0;
	v0 =	vld [tilespmem:$0x7800]  }
.LBB2_2:
0x1e: {  	s0 =	sshll.u32 s26, $0xC  }
0x1f: {  	s0 =	sadd.s32 s11, s0  }
0x20: {  	s0 =	sshrl.u32 s0, $0x3  }
0x21: {  	s1 =	sadd.s32 s8, s0  }
0x22: {  	[tilespmem:s28], [sflag:$0x3] =	stream.linear.gather [hbm4b:s1+s28], $0xC80, $0x38;
	[tilespmem:$0x1B480] =	vst v63  }
0x23: {  	_ =	swait.ge [sflag:s18], $0xC80  }
0x24: {  	[sflag:s18] =	ssyncset.done $0x0  }
0x25: {  	s0 =	sadd.s32 s9, s0;
	[sflag:s18] =	ssyncadd.s32 $0xFFFFF380  }
0x26: {  	[tilespmem:s19], [sflag:$0x3] =	stream.linear.gather [hbm4b:s0+s28], $0xC80, $0x38;
	[tilespmem:$0x1B480] =	vst v63  }
0x27: {  	s31 =	smul.u32 $0x19, s26;
	_ =	swait.ge [sflag:s18], $0xC80  }
0x28: {  	[sflag:s18] =	ssyncset.done $0x0  }
0x29: {  	s30 =	simm.s32 $0x0;
	s29 =	sadd.s32 s12, s31;
	[sflag:s18] =	ssyncadd.s32 $0xFFFFF380  }
.LBB2_3:
0x2a: {  	s0 =	sshll.u32 s30, $0x7;
	s1 =	simm.s32 $0x2000  }
0x2b: {  	[tilespmem:s1], [sflag:$0x1] =	stream.indirect.gather [hbm4b:s6+s20], $0x80, s0, s20, $0xb8;
	[tilespmem:$0x1B480] =	vst v63  }
0x2c: {  	s13 =	simm.s32 $0x4800;
	s31 =	sadd.s32 $0x1000, s0  }
0x2d: {  	[tilespmem:s13], [sflag:$0x2] =	stream.indirect.gather [hbm4b:s7+s20], $0x80, s31, s20, $0xb8;
	[tilespmem:$0x1B480] =	vst v63  }
0x2e: {  	_ =	swait.ge [sflag:s21], $0x2800  }
0x2f: {  	[sflag:s21] =	ssyncset.done $0x0  }
0x30: {  	[sflag:s21] =	ssyncadd.s32 $0xFFFFD800  }
0x31: {  	_ =	swait.ge [sflag:s22], $0x2800  }
0x32: {  	[sflag:s22] =	ssyncset.done $0x0  }
0x33: {  	[sflag:s22] =	ssyncadd.s32 $0xFFFFD800  }
0x34: {  	v1 =	vld [tilespmem:s13+$0x0]  }
0x35: {  	v2 =	vld [tilespmem:s1+$0x0];
	_ =	sdelay $0x4  }
0x36: {  	v1 =	vadd.f32 v1, v2;
	_ =	sdelay $0x1  }
0x37: {  	v2 =	vmul.f32 $2.000000030e-01, v1;
	_ =	sdelay $0x1  }
0x38: {  	v1 =	vmax.f32 v1, v2  }
0x39: {  	v1 =	vsub.f32 v1, v0;
	_ =	sdelay $0x1  }
0x3a: {  	v1 =	vmul.f32 $1.442695020e+00, v1;
	_ =	sdelay $0x1  }
0x3b: {  	(erf) = vpow2.f32 v1;
	_ =	sdelay $0x7  }
0x3c: {  	s14 =	sand.u32 $0x1E00, s28  }
0x3d: {  	s2 =	sand.u32 $0x70, s28;
	s1 =	sshrl.u32 s14, $0x2;
	v1 =	vpop (erf)  }
0x3e: {  	s17 =	sor.u32 s2, s1;
	[tilespmem:s13+$0x0] =	vst v1  }
0x3f: {  	s0 =	simm.s32 $0x4880;
	[tilespmem:s17+$0x7000] =	vst v1  }
0x40: {  	s2 =	simm.s32 $0x2080;
	v1 =	vld [tilespmem:s0+$0x0]  }
0x41: {  	v2 =	vld [tilespmem:s2+$0x0]  }
0x42: {  	s4 =	simm.s32 $0x40;
	s1 =	simm.s32 $0x0;
	s17 =	simm.s32 $0x80  }
.LBB2_4:
0x43: {  	p1 =	sne.s32 s17, $0x13C0;
	_ =	sdelay $0x2  }
0x44: {  	v1 =	vadd.f32 v1, v2;
	_ =	sdelay $0x1  }
0x45: {  	v2 =	vmul.f32 $2.000000030e-01, v1;
	_ =	sdelay $0x1  }
0x46: {  	v1 =	vmax.f32 v1, v2  }
0x47: {  	v1 =	vsub.f32 v1, v0;
	_ =	sdelay $0x1  }
0x48: {  	v1 =	vmul.f32 $1.442695020e+00, v1;
	_ =	sdelay $0x1  }
0x49: {  	(erf) = vpow2.f32 v1;
	_ =	sdelay $0x7  }
0x4a: {  	s13 =	sand.u32 $0x1E00, s4;
	s1 =	sadd.s32 $0x10, s1;
	s4 =	smov.u32 s17  }
0x4b: {  	s14 =	sand.u32 $0x70, s1;
	s13 =	sshrl.u32 s13, $0x2;
	v1 =	vpop (erf)  }
.Ltmp0:
0x4c: {  	s13 =	sor.u32 s14, s13;
	[tilespmem:s0+$0x0] =	vst v1;
	(pc) =	sbr.rel @p1 .LBB2_4-.Ltmp0, $4  }
0x4d: {  	s0 =	sadd.s32 $0x80, s0;
	[tilespmem:s13+$0x7000] =	vst v1  }
0x4e: {  	s2 =	sadd.s32 $0x80, s2;
	v1 =	vld [tilespmem:s0+$0x0]  }
0x4f: {  	v2 =	vld [tilespmem:s2+$0x0]  }
0x50: {  	s17 =	sadd.s32 $0x40, s17  }
0x51: {  	_ =	sdelay $0x2  }
0x52: {  	v1 =	vadd.f32 v1, v2;
	_ =	sdelay $0x1  }
0x53: {  	v2 =	vmul.f32 $2.000000030e-01, v1;
	_ =	sdelay $0x1  }
0x54: {  	v1 =	vmax.f32 v1, v2  }
0x55: {  	v1 =	vsub.f32 v1, v0;
	_ =	sdelay $0x1  }
0x56: {  	v1 =	vmul.f32 $1.442695020e+00, v1;
	_ =	sdelay $0x1  }
0x57: {  	(erf) = vpow2.f32 v1;
	_ =	sdelay $0x7  }
0x58: {  	s2 =	sand.u32 $0x1E00, s4;
	s1 =	sadd.s32 $0x10, s1  }
0x59: {  	s1 =	sand.u32 $0x70, s1;
	s2 =	sshrl.u32 s2, $0x2;
	v1 =	vpop (erf)  }
0x5a: {  	s17 =	sor.u32 s1, s2;
	[tilespmem:s0+$0x0] =	vst v1  }
0x5b: {  	[tilespmem:s17+$0x7000] =	vst v1  }
0x5c: {  	[spmem:s3] =	stream.indirect.scatter.add.f32 [tilespmem:s23], [sflag:$0x3], $0x80, s31, s20, $0xb8;
	[tilespmem:$0x1B480] =	vst v63  }
0x5d: {  	s31 =	sadd.s32 s30, s29;
	s30 =	sadd.s32 $0x1, s30;
	_ =	swait.ge [sflag:s18], $0x2800  }
0x5e: {  	s0 =	sshll.u32 s31, $0x8;
	p1 =	sne.s32 s30, $0x19;
	[sflag:s18] =	ssyncset.done $0x0  }
.Ltmp1:
0x5f: {  	s0 =	sadd.s32 s10, s0;
	[sflag:s18] =	ssyncadd.s32 $0xFFFFD800;
	(pc) =	sbr.rel @p1 .LBB2_3-.Ltmp1, $4  }
0x60: {  	[hbm4b:s0+s5] =	stream.linear.scatter [tilespmem:s24], [sflag:$0x3], $0x500, $0x38;
	[tilespmem:$0x1B480] =	vst v63  }
0x61: {  	_ =	swait.ge [sflag:s18], $0x500  }
0x62: {  	[sflag:s18] =	ssyncset.done $0x0  }
0x63: {  	[sflag:s18] =	ssyncadd.s32 $0xFFFFFB00  }
0x64: {  	s26 =	sadd.s32 $0x1, s26  }
0x65: {  	p1 =	sne.s32 s26, $0x5  }
.Ltmp2:
0x66: {  	_ = 	snop;
	(pc) =	sbr.rel @p1 .LBB2_2-.Ltmp2, $1  }
0x67: {  	_ =	sdelay $0x3  }
0x68: {  	[bflag:$0x0] =	sbarrier.arrive $0xFFFF  }
0x69: {  	s0 =	rddreg [dreg:$0x5]  }
0x6a: {  	[hbm:s0], [sflag:s15] =	dma.local @!p0 [spmem:s16], $0x3E80  }
0x6b: {  	s0 =	simm.s32 @!p0 $0x3  }
0x6c: {  	_ =	swait.ge @!p0 [sflag:s0], $0x3E80  }
0x6d: {  	s25 =	sadd.s32 $0x1, s25;
	s1 =	rddreg [dreg:$0x6]  }
0x6e: {  	p1 =	sne.s32 s25, s1  }
.Ltmp3:
0x6f: {  	_ = 	snop;
	(pc) =	sbr.rel @p1 .LBB2_1-.Ltmp3, $3  }
0x70: {  	_ =	sdelay $0x1  }
0x71: {  	[sflag:s0] =	ssyncset.done @!p0 $0x0  }
0x72: {  	[sflag:s0] =	ssyncadd.s32 @!p0 $0xFFFFC180  }
0x73: {  	_ =	sfence.sel $0x180000  }
0x74: {  	[bflag:$0x0] =	sbarrier.arrive $0xFFFF  }
0x75: {  	_ =	strace $0x90000053  }
0x76: {  	s0 =	stileid.u32;
	[bflag:$0x2] =	sbarrier.arrive $0xFFFF  }
0x77: {  	p0 =	sne.s32 s0, $0x0;
	s0 =	rddreg [dreg:$0x4]  }
0x78: {  	s0 =	sadd.s32 @!p0 $0x100000, s0  }
0x79: {  	[sflag:s0] =	ssyncadd.tile.s32 @!p0 $0x1;
	_ =	shalt  }
.Lfunc_end2:
_tile_overlayer_lowered:
.L_overlay_start_2:
0x7a: {  	(tag) =	ssettag $0x2  }
0x7b: {  	s0 =	rddreg [dreg:$0x0];
	s2 =	stileid.u32  }
0x7c: {  	s1 =	rddreg [dreg:$0x1];
	p0 =	sne.s32 s2, $0x0  }
0x7d: {  	s3 =	rddreg [dreg:$0x2];
	[bflag:$0x3] =	sbarrier.arrive $0xFFFF;
	s2 =	simm.s32 @!p0 $0x1C03  }
0x7e: {  	[timem:s3], [sflag:s2] =	dma.local @!p0 [hbm:s0], s1  }
0x7f: {  	s0 =	simm.s32 @!p0 $0x3  }
0x80: {  	_ =	swait.ge @!p0 [sflag:s0], s1  }
0x81: {  	s1 =	ssub.s32 @!p0 $0x0, s1;
	[sflag:s0] =	ssyncset.done @!p0 $0x0  }
0x82: {  	[sflag:s0] =	ssyncadd.s32 @!p0 s1  }
0x83: {  	[bflag:$0x3] =	sbarrier.arrive $0xFFFF  }
0x84: {  	_ =	shalt  }

// kernel: sc_gat2.11.cloned.1.call-start
scs
__scs_entry_jumppad:
0x0: {  	(pc) =	sbr.rel $0x88, $3  }
0x1: {  	(tag) =	ssettag $0x0;
	lr =	simm.s32 $0x1  }
0x2: {  	[smem:$0x3F68] =	sst lr;
	_ =	strace $0xD0000000  }
0x3: {  	_ = 	snop  }
0x4: {  	_ = 	snop  }
0x5: {  	_ = 	snop  }
0x6: {  	_ = 	snop  }
0x7: {  	_ = 	snop  }
__scs_overlays_trampoline_lowered:
0x8: {  	[smem:$0x3F77] =	sst s0  }
0x9: {  	[smem:$0x3F78] =	sst s1  }
0xa: {  	[smem:$0x3F79] =	sst s2  }
0xb: {  	[smem:$0x3F7A] =	sst s3  }
0xc: {  	[smem:$0x3F7B] =	sst s4  }
0xd: {  	[smem:$0x3F7C] =	sst s5  }
0xe: {  	[smem:$0x3F7D] =	sst s6  }
0xf: {  	[smem:$0x3F7E] =	sst s7  }
0x10: {  	[smem:$0x3F7F] =	sst s8  }
0x11: {  	[smem:$0x3F80] =	sst s9;
	s0 =	simm.s32 @!p0 $0x0  }
0x12: {  	s1 =	sld [smem:$0x3F66];
	s0 =	simm.s32 @p0 $0x1  }
0x13: {  	[smem:$0x3F81] =	sst s0;
	s0 =	simm.s32 @!p1 $0x0  }
0x14: {  	s2 =	sld [smem:$0x3F65];
	s0 =	simm.s32 @p1 $0x1  }
0x15: {  	[smem:$0x3F82] =	sst s0;
	s0 =	simm.s32 @!p2 $0x0  }
0x16: {  	s3 =	sld [smem:$0x3FDB];
	s0 =	simm.s32 @p2 $0x1  }
0x17: {  	s4 =	simm.s32 $0x1BF5;
	[smem:$0x3F84] =	sst s0  }
0x18: {  	s0 =	sld [smem:$0x3F67];
	_ =	swait.ge [sflag:s4], $0x0  }
0x19: {  	s7 =	sld [smem:$0x3F68]  }
0x1a: {  	s8 =	sadd.s32 $0xFFFFE003, lr  }
0x1b: {  	s9 =	sadd.s32 $0xFFFFFEF7, lr;
	s5 =	simm.s32 $0xFFFFFFFF;
	p2 =	slt.u32 s8, $0xFFFFF086  }
0x1c: {  	p1 =	slt.u32 s9, $0xF7A;
	s5 =	simm.s32 @!p2 $0x0  }
0x1d: {  	s5 =	simm.s32 @p1 $0x1;
	p0 =	seq.s32 s7, s2  }
0x1e: {  	s7 =	smul.u32 @!p0 $0xF7A, s2;
	p2 =	seq.s32 @!p0 s5, $0x0  }
0x1f: {  	s9 =	smul.u32 $0xF7A, s1;
	s8 =	simm.s32 @!p0 $0x1BF5;
	p2 =	por !p2, p0  }
0x20: {  	[sflag:s8] =	ssyncset.s32 @!p0 $0xFFFFF086;
	s6 =	sadd.s32 @!p0 s3, s7;
	s7 =	simm.s32 @!p0 $0x108  }
0x21: {  	s3 =	sadd.s32 s3, s9;
	s6 =	sadd.s32 @!p0 $0x88, s6;
	s7 =	simm.s32 @p2 $0x1082  }
0x22: {  	[simem:s7], [sflag:s8] =	dma.local @!p0 [hbm:s6], $0xF7A  }
0x23: {  	s9 =	sor.u32 $0xD0000000, s2;
	s6 =	simm.s32 $0x108;
	_ =	swait.ge @!p0 [sflag:s8], $0x0  }
0x24: {  	s3 =	sadd.s32 $0x88, s3;
	s6 =	simm.s32 @!p1 $0x1082;
	[sflag:s4] =	ssyncset.s32 $0xFFFFF086  }
0x25: {  	[simem:s6], [sflag:s4] =	dma.local [hbm:s3], $0xF7A  }
0x26: {  	[smem:$0x3F68] =	sst s1;
	(tag) =	ssettag s2;
	_ =	strace s9  }
0x27: {  	s1 =	sld [smem:$0x3F78]  }
0x28: {  	s2 =	sld [smem:$0x3F79]  }
0x29: {  	s4 =	sld [smem:$0x3F7B]  }
0x2a: {  	p0 =	seq.s32 s5, $0x0;
	s5 =	sld [smem:$0x3F7C]  }
0x2b: {  	s6 =	sld [smem:$0x3F7D]  }
0x2c: {  	s7 =	sld [smem:$0x3F7E]  }
0x2d: {  	s3 =	simm.s32 $0x108;
	s8 =	sld [smem:$0x3F7F]  }
0x2e: {  	s3 =	simm.s32 @!p0 $0x1082;
	s9 =	sld [smem:$0x3F80]  }
0x2f: {  	lr =	sadd.s32 s0, s3;
	s0 =	sld [smem:$0x3F77]  }
0x30: {  	s3 =	sld [smem:$0x3F7A]  }
0x31: {  	[smem:$0x3F83] =	sst s10  }
0x32: {  	s10 =	sld [smem:$0x3F81];
	_ =	sdelay $0x3  }
0x33: {  	p0 =	seq.s32 s10, $0x1;
	s10 =	sld [smem:$0x3F83];
	_ =	sdelay $0x3  }
0x34: {  	[smem:$0x3F83] =	sst s10  }
0x35: {  	s10 =	sld [smem:$0x3F82];
	_ =	sdelay $0x3  }
0x36: {  	p1 =	seq.s32 s10, $0x1;
	s10 =	sld [smem:$0x3F83];
	_ =	sdelay $0x3  }
0x37: {  	[smem:$0x3F83] =	sst s10  }
0x38: {  	s10 =	sld [smem:$0x3F84]  }
0x39: {  	_ = 	snop;
	(pc) =	sbr.ind lr, $3  }
0x3a: {  	_ = 	snop  }
0x3b: {  	_ = 	snop  }
0x3c: {  	p2 =	seq.s32 s10, $0x1;
	s10 =	sld [smem:$0x3F83]  }
0x3d: {  	_ =	shalt  }
0x3e: {  	_ =	shalt  }
0x3f: {  	_ =	shalt  }
0x40: {  	_ =	shalt  }
0x41: {  	_ =	shalt  }
0x42: {  	_ =	shalt  }
0x43: {  	_ =	shalt  }
0x44: {  	_ =	shalt  }
0x45: {  	_ =	shalt  }
0x46: {  	_ =	shalt  }
0x47: {  	_ =	shalt  }
0x48: {  	_ =	shalt  }
0x49: {  	_ =	shalt  }
0x4a: {  	_ =	shalt  }
0x4b: {  	_ =	shalt  }
0x4c: {  	_ =	shalt  }
0x4d: {  	_ =	shalt  }
0x4e: {  	_ =	shalt  }
0x4f: {  	_ =	shalt  }
0x50: {  	_ =	shalt  }
0x51: {  	_ =	shalt  }
0x52: {  	_ =	shalt  }
0x53: {  	_ =	shalt  }
0x54: {  	_ =	shalt  }
0x55: {  	_ =	shalt  }
0x56: {  	_ =	shalt  }
0x57: {  	_ =	shalt  }
0x58: {  	_ =	shalt  }
0x59: {  	_ =	shalt  }
0x5a: {  	_ =	shalt  }
0x5b: {  	_ =	shalt  }
0x5c: {  	_ =	shalt  }
0x5d: {  	_ =	shalt  }
0x5e: {  	_ =	shalt  }
0x5f: {  	_ =	shalt  }
0x60: {  	_ =	shalt  }
0x61: {  	_ =	shalt  }
0x62: {  	_ =	shalt  }
0x63: {  	_ =	shalt  }
0x64: {  	_ =	shalt  }
0x65: {  	_ =	shalt  }
0x66: {  	_ =	shalt  }
0x67: {  	_ =	shalt  }
0x68: {  	_ =	shalt  }
0x69: {  	_ =	shalt  }
0x6a: {  	_ =	shalt  }
0x6b: {  	_ =	shalt  }
0x6c: {  	_ =	shalt  }
0x6d: {  	_ =	shalt  }
0x6e: {  	_ =	shalt  }
0x6f: {  	_ =	shalt  }
0x70: {  	_ =	shalt  }
0x71: {  	_ =	shalt  }
0x72: {  	_ =	shalt  }
0x73: {  	_ =	shalt  }
0x74: {  	_ =	shalt  }
0x75: {  	_ =	shalt  }
0x76: {  	_ =	shalt  }
0x77: {  	_ =	shalt  }
0x78: {  	_ =	shalt  }
0x79: {  	_ =	shalt  }
0x7a: {  	_ =	shalt  }
0x7b: {  	_ =	shalt  }
0x7c: {  	_ =	shalt  }
0x7d: {  	_ =	shalt  }
0x7e: {  	_ =	shalt  }
0x7f: {  	_ =	shalt  }
0x80: {  	_ =	shalt  }
0x81: {  	_ =	shalt  }
0x82: {  	_ =	shalt  }
0x83: {  	_ =	shalt  }
0x84: {  	_ =	shalt  }
0x85: {  	_ =	shalt  }
0x86: {  	_ =	shalt  }
0x87: {  	_ =	shalt  }
.Lfunc_end0:
.L_simem_size_0:
called_computation.7_lowered:
.L_overlay_start_0:
0x88: {  	s2 =	sld [smem:$0x3FD9]  }
0x89: {  	s3 =	sld [smem:$0x3FFE];
	_ =	sdelay $0x1  }
0x8a: {  	s1 =	srdreg.scid  }
0x8b: {  	s0 =	sand.u32 $0x1, s1  }
0x8c: {  	s14 =	sshll.u32 s0, $0xA;
	s2 =	sadd.s32 s3, s2  }
0x8d: {  	s2 =	sadd.s32 s2, s14  }
0x8e: {  	[smem:$0x3F8F] =	sst s2  }
0x8f: {  	_ = 	snop  }
0x90: {  	s2 =	sld [smem:$0x3FD0];
	_ =	sdelay $0x2  }
0x91: {  	s15 =	simm.s32 $0xA;
	s4 =	simm.s32 $0x10  }
0x92: {  	[smem:s4], [sflag:s15] =	dma.local [hbm:s2], $0x1  }
0x93: {  	_ =	swait.eq [sflag:s15], $0x1  }
0x94: {  	[sflag:s15] =	ssyncset.done $0x0  }
0x95: {  	s16 =	sld [smem:$0x13];
	[sflag:s15] =	ssyncadd.s32 $0xFFFFFFFF  }
0x96: {  	s17 =	sld [smem:$0x14];
	(tm) =	ssettm $0x1  }
0x97: {  	s18 =	sld [smem:$0x3FFB];
	_ =	sdelay $0x3  }
0x98: {  	_ =	strace s18  }
0x99: {  	s4 =	sld [smem:$0x3FFC];
	_ =	sdelay $0x3  }
0x9a: {  	_ =	strace s4  }
0x9b: {  	s4 =	sld [smem:$0x3FFD];
	_ =	sdelay $0x3  }
0x9c: {  	_ =	strace s4  }
0x9d: {  	_ =	strace $0x8FFFFFFF  }
0x9e: {  	s19 =	sld [smem:$0x3FDB];
	_ =	sdelay $0x1  }
0x9f: {  	s5 =	simm.s32 $_scs_section_size  }
0xa0: {  	s6 =	simm.s32 $_size__tile_overlayer_lowered;
	s7 =	simm.s32 $_tile_overlayer_lowered  }
0xa1: {  	s22 =	simm.s32 $0x1BFF;
	s21 =	sshll.u32 s7, $0x1;
	s4 =	sadd.s32 s5, s19  }
0xa2: {  	s8 =	simm.s32 $0x0;
	s20 =	sshll.u32 s6, $0x1;
	s6 =	sadd.s32 s21, s4  }
0xa3: {  	[timem:s8], [sflag:s22] =	dma.local [hbm:s6], s20  }
0xa4: {  	_ =	swait.ge [sflag:s22], s20  }
0xa5: {  	s5 =	ssub.s32 $0x0, s20;
	[sflag:s22] =	ssyncset.done $0x0  }
0xa6: {  	[sflag:s22] =	ssyncadd.s32 s5;
	_ =	sdelay $0x1  }
0xa7: {  	s23 =	simm.s32 $0x1B8B  }
0xa8: {  	_ =	swait.ge [sflag:s23], $0x1  }
0xa9: {  	[sflag:s23] =	ssyncset.done $0x0  }
0xaa: {  	s25 =	simm.s32 $0x1B8E;
	s24 =	sld [smem:$0x3FFE];
	[sflag:s23] =	ssyncadd.s32 $0xFFFFFFFF  }
0xab: {  	s26 =	simm.s32 $execute0_lowered;
	[smem:$0x3FD2] =	sst s25  }
0xac: {  	s6 =	sshll.u32 s26, $0x1;
	_ =	strace $0x8000005B;
	[dreg:$0x1] =	wrdreg $0xFFFFFFFF  }
0xad: {  	s28 =	simm.s32 $_size_execute0_lowered;
	s4 =	sadd.s32 s4, s6;
	[dreg:$0x0] =	wrdreg $0x0  }
0xae: {  	s6 =	sshll.u32 s28, $0x1;
	[dreg:$0x2] =	wrdreg s4  }
0xaf: {  	[dreg:$0x3] =	wrdreg s6  }
0xb0: {  	[dreg:$0x4] =	wrdreg $0xC0  }
0xb1: {  	_ =	task [dreg:s8], $0x5FFFF  }
0xb2: {  	[dreg:$0x1] =	wrdreg $0xFFFFFFFF  }
0xb3: {  	[dreg:$0x0] =	wrdreg $0x60  }
0xb4: {  	[dreg:$0x2] =	wrdreg s16  }
0xb5: {  	[dreg:$0x3] =	wrdreg s24  }
0xb6: {  	[dreg:$0x4] =	wrdreg s17  }
0xb7: {  	[dreg:$0x5] =	wrdreg $0x50000  }
0xb8: {  	[dreg:$0x6] =	wrdreg $0x9  }
0xb9: {  	_ =	task.clear_ibuf [dreg:s8], $0x7FFFF;
	_ =	strace $0x9000005B  }
0xba: {  	s29 =	simm.s32 $0x9;
	_ =	strace $0x8000005D  }
0xbb: {  	_ =	swait.ge [sflag:s29], $0x1  }
0xbc: {  	[sflag:s29] =	ssyncadd.s32 $0xFFFFFFFF  }
0xbd: {  	_ =	strace $0x9000005D  }
0xbe: {  	_ =	sfence  }
0xbf: {  	s30 =	sld [smem:$0x0];
	_ =	sdelay $0x2  }
0xc0: {  	s31 =	sshll.u32 s1, $0xD;
	s1 =	sshrl.u32 s1, $0x2  }
0xc1: {  	s3 =	sand.u32 $0x4000, s31;
	s1 =	sadd.s32 s1, s30  }
0xc2: {  	s0 =	sor.u32 s3, s0;
	s1 =	sshll.u32 s1, $0x11  }
0xc3: {  	s0 =	sor.u32 s1, s0  }
0xc4: {  	s0 =	sadd.s32 $0x8F2B, s0  }
0xc5: {  	[sflag:s0] =	ssyncadd.remote.s32 $0x1  }
0xc6: {  	_ =	sfence.sel $0xFFFF  }
0xc7: {  	[dreg:$0x0] =	wrdreg $0xFFFFFFFF;
	(pc) =	sbr.abs _section_cstart, $3  }
0xc8: {  	[dreg:$0x1] =	wrdreg $0xFFFFFFFF  }
0xc9: {  	_ =	task.clear_ibuf [dreg:s8], $0x2FFFF;
	_ =	strace $0x9FFFFFFF  }
0xca: {  	(tm) =	ssettm $0x7FFFFFFF  }
0xcb: {  	_ =	shalt  }
tec
execute0_lowered:
.L_overlay_start_1:
0x0: {  	(tag) =	ssettag $0x1  }
0x1: {  	s1 =	rddreg [dreg:$0x0]  }
0x2: {  	s9 =	rddreg [dreg:$0x1]  }
0x3: {  	s2 =	rddreg [dreg:$0x2]  }
0x4: {  	s3 =	rddreg [dreg:$0x3]  }
0x5: {  	s4 =	srdreg.scid;
	s5 =	simm.s32 $0x0;
	s15 =	simm.s32 $0x2  }
0x6: {  	s16 =	simm.s32 $0x1000;
	s17 =	simm.s32 $0x50;
	s18 =	simm.s32 $0x2000  }
0x7: {  	s19 =	simm.s32 $0x4800;
	s20 =	simm.s32 $0x1;
	s10 =	sand.u32 $0x1, s4  }
0x8: {  	[smem:$0x7FF] =	sst s5;
	s6 =	sadd.s32 $0x114400, s9;
	s7 =	sadd.s32 $0xEC400, s9  }
0x9: {  	s4 =	stileid.u32;
	s8 =	sadd.s32 $0x100400, s9;
	s11 =	smul.u32 $0x138800, s10  }
0xa: {  	s12 =	smul.u32 $0x1F400, s4;
	_ =	strace $0x8000005C;
	s29 =	ssub.s32 $0x2, s10  }
0xb: {  	s13 =	smul.u32 $0x7D000, s4;
	s14 =	sshll.u32 s4, $0x1;
	p0 =	sgt.u32 s4, $0x9  }
0xc: {  	s30 =	sshrl.u32 s29, $0x1;
	s10 =	sor.u32 s10, s14;
	s11 =	sadd.s32 s12, s11  }
0xd: {  	s12 =	ssub.s32 s29, s30;
	s31 =	sshrl.u32 s13, $0x2;
	s13 =	sshll.u32 @!p0 s4, $0x6  }
0xe: {  	s11 =	sshrl.u32 s11, $0x3;
	s14 =	sadd.s32 s31, s3;
	s12 =	smax.u32 s12, $0x1  }
0xf: {  	s13 =	sor.u32 @!p0 $0x1C02, s13;
	s11 =	sadd.s32 s11, s9;
	s9 =	smul.u32 $0x5000, s10  }
0x10: {  	s10 =	smul.u32 $0x7D, s10;
	s14 =	sshrl.u32 @!p0 s14, $0x3;
	s11 =	sadd.s32 $0x20E400, s11  }
.LBB2_1:
0x11: {  	[spmem:s14], [sflag:s13] =	dma.local @!p0 [hbm:s2], $0x3E80  }
0x12: {  	s21 =	simm.s32 @!p0 $0x2  }
0x13: {  	_ =	swait.ge @!p0 [sflag:s21], $0x3E80  }
0x14: {  	[sflag:s21] =	ssyncset.done @!p0 $0x0  }
0x15: {  	[sflag:s21] =	ssyncadd.s32 @!p0 $0xFFFFC180  }
0x16: {  	s21 =	simm.s32 $0x0;
	[bflag:$0x0] =	sbarrier.arrive $0xFFFF  }
.LBB2_2:
0x17: {  	s22 =	sshll.u32 s21, $0xC  }
0x18: {  	s22 =	sadd.s32 s9, s22  }
0x19: {  	s23 =	sshrl.u32 s22, $0x3  }
0x1a: {  	s22 =	simm.s32 $0x0;
	s24 =	sadd.s32 s7, s23  }
0x1b: {  	[tilespmem:s22], [sflag:$0x2] =	stream.linear.gather [hbm4b:s24+s22], $0xC80, $0x38;
	[tilespmem:$0x18880] =	vst v63  }
0x1c: {  	_ =	swait.ge [sflag:s15], $0xC80  }
0x1d: {  	[sflag:s15] =	ssyncset.done $0x0  }
0x1e: {  	s23 =	sadd.s32 s8, s23;
	[sflag:s15] =	ssyncadd.s32 $0xFFFFF380  }
0x1f: {  	[tilespmem:s16], [sflag:$0x2] =	stream.linear.gather [hbm4b:s23+s22], $0xC80, $0x38;
	[tilespmem:$0x18880] =	vst v63  }
0x20: {  	s31 =	smul.u32 $0x19, s21;
	_ =	swait.ge [sflag:s15], $0xC80  }
0x21: {  	[sflag:s15] =	ssyncset.done $0x0  }
0x22: {  	s24 =	simm.s32 $0x0;
	s23 =	sadd.s32 s10, s31;
	[sflag:s15] =	ssyncadd.s32 $0xFFFFF380  }
.LBB2_3:
0x23: {  	s25 =	sshll.u32 s24, $0x7;
	s26 =	sadd.s32 s24, s23  }
0x24: {  	[tilespmem:s18], [sflag:$0x1] =	stream.indirect.gather [hbm4b:s1+s17], $0x80, s25, s17, $0xb8;
	[tilespmem:$0x18880] =	vst v63  }
0x25: {  	s26 =	sshll.u32 s26, $0x8  }
0x26: {  	s26 =	sadd.s32 s6, s26  }
0x27: {  	[tilespmem:s19], [sflag:$0x2] =	stream.linear.gather [hbm4b:s26+s22], $0x500, $0x38;
	[tilespmem:$0x18880] =	vst v63  }
0x28: {  	_ =	swait.ge [sflag:s15], $0x500  }
0x29: {  	[sflag:s15] =	ssyncset.done $0x0  }
0x2a: {  	[sflag:s15] =	ssyncadd.s32 $0xFFFFFB00  }
0x2b: {  	s0 =	sand.u32 $0x1E00, s22;
	_ =	swait.ge [sflag:s20], $0x2800  }
0x2c: {  	s28 =	sand.u32 $0x70, s22;
	s26 =	sshrl.u32 s0, $0x2;
	[sflag:s20] =	ssyncset.done $0x0  }
0x2d: {  	s26 =	sor.u32 s28, s26;
	[sflag:s20] =	ssyncadd.s32 $0xFFFFD800  }
0x2e: {  	v0 =	vld [tilespmem:s26+$0x4800]  }
0x2f: {  	s26 =	simm.s32 $0x2040  }
0x30: {  	v1 =	vld [tilespmem:s26+$0xFFFFFFC0]  }
0x31: {  	v2 =	vld [tilespmem:s26+$0xFFFFFFD0]  }
0x32: {  	v3 =	vld [tilespmem:s26+$0xFFFFFFE0]  }
0x33: {  	v4 =	vld [tilespmem:s26+$0xFFFFFFF0];
	v5 =	vbroadcast v0, $0x0  }
0x34: {  	v7 =	vld [tilespmem:s26+$0x0];
	v6 =	vbroadcast v0, $0x1  }
0x35: {  	v8 =	vld [tilespmem:s26+$0x10];
	v9 =	vbroadcast v0, $0x2;
	v1 =	vmul.f32 v5, v1  }
0x36: {  	v62 =	vld [tilespmem:s26+$0x20];
	v10 =	vbroadcast v0, $0x3;
	v2 =	vmul.f32 v2, v6  }
0x37: {  	v61 =	vld [tilespmem:s26+$0x30];
	v3 =	vmul.f32 v3, v9;
	[tilespmem:s26+$0xFFFFFFC0] =	vst v1;
	v1 =	vbroadcast v0, $0x4  }
0x38: {  	v63 =	vbroadcast v0, $0x5;
	v4 =	vmul.f32 v4, v10;
	[tilespmem:s26+$0xFFFFFFD0] =	vst v2  }
0x39: {  	v2 =	vbroadcast v0, $0x6;
	[tilespmem:s26+$0xFFFFFFE0] =	vst v3;
	v1 =	vmul.f32 v7, v1  }
0x3a: {  	v0 =	vbroadcast v0, $0x7;
	v3 =	vmul.f32 v8, v63;
	[tilespmem:s26+$0xFFFFFFF0] =	vst v4  }
0x3b: {  	s29 =	simm.s32 $0x10;
	s28 =	simm.s32 $0x40;
	[tilespmem:s26+$0x0] =	vst v1;
	v1 =	vmul.f32 v62, v2  }
0x3c: {  	s30 =	simm.s32 $0x80;
	s31 =	sand.u32 $0x1E00, s28;
	s28 =	simm.s32 $0x20C0;
	v0 =	vmul.f32 v61, v0;
	[tilespmem:s26+$0x10] =	vst v3  }
.LBB2_4:
0x3d: {  	p1 =	sne.s32 s30, $0x13C0;
	s0 =	sand.u32 $0x70, s29;
	s31 =	sshrl.u32 s31, $0x2;
	[tilespmem:s26+$0x20] =	vst v1  }
0x3e: {  	s0 =	sor.u32 s0, s31;
	v1 =	vld [tilespmem:s28+$0xFFFFFFF0];
	[tilespmem:s26+$0x30] =	vst v0;
	s26 =	smov.u32 s28  }
0x3f: {  	v0 =	vld [tilespmem:s0+$0x4800]  }
0x40: {  	v2 =	vld [tilespmem:s28+$0xFFFFFFD0]  }
0x41: {  	v3 =	vld [tilespmem:s28+$0xFFFFFFC0]  }
0x42: {  	v4 =	vld [tilespmem:s28+$0xFFFFFFE0]  }
0x43: {  	v5 =	vld [tilespmem:s28+$0x30]  }
0x44: {  	v6 =	vbroadcast v0, $0x0;
	v7 =	vbroadcast v0, $0x1;
	v8 =	vld [tilespmem:s28+$0x10]  }
0x45: {  	v9 =	vbroadcast v0, $0x2;
	v10 =	vbroadcast v0, $0x3;
	v11 =	vld [tilespmem:s28+$0x0]  }
0x46: {  	v3 =	vmul.f32 v6, v3;
	v2 =	vmul.f32 v2, v7;
	v6 =	vld [tilespmem:s28+$0x20]  }
0x47: {  	v1 =	vmul.f32 v1, v10;
	v4 =	vmul.f32 v4, v9  }
0x48: {  	v7 =	vbroadcast v0, $0x5;
	[tilespmem:s28+$0xFFFFFFC0] =	vst v3;
	v3 =	vbroadcast v0, $0x4  }
.Ltmp0:
0x49: {  	[tilespmem:s28+$0xFFFFFFD0] =	vst v2;
	v2 =	vbroadcast v0, $0x6;
	v0 =	vbroadcast v0, $0x7;
	(pc) =	sbr.rel @p1 .LBB2_4-.Ltmp0, $4  }
0x4a: {  	[tilespmem:s28+$0xFFFFFFE0] =	vst v4;
	v3 =	vmul.f32 v11, v3;
	v4 =	vmul.f32 v8, v7  }
0x4b: {  	[tilespmem:s28+$0xFFFFFFF0] =	vst v1;
	v1 =	vmul.f32 v6, v2;
	v0 =	vmul.f32 v5, v0  }
0x4c: {  	s29 =	sadd.s32 $0x10, s29;
	[tilespmem:s28+$0x0] =	vst v3  }
0x4d: {  	s31 =	sand.u32 $0x1E00, s30;
	s30 =	sadd.s32 $0x40, s30;
	s28 =	sadd.s32 $0x80, s28;
	[tilespmem:s26+$0x10] =	vst v4  }
0x4e: {  	s0 =	sand.u32 $0x70, s29;
	s30 =	sshrl.u32 s31, $0x2;
	[tilespmem:s26+$0x20] =	vst v1  }
0x4f: {  	[tilespmem:s26+$0x30] =	vst v0;
	s0 =	sor.u32 s0, s30  }
0x50: {  	v0 =	vld [tilespmem:s0+$0x4800];
	_ =	sdelay $0x1  }
0x51: {  	v57 =	vld [tilespmem:s28+$0xFFFFFFC0]  }
0x52: {  	v2 =	vld [tilespmem:s28+$0xFFFFFFD0]  }
0x53: {  	v3 =	vld [tilespmem:s28+$0xFFFFFFE0]  }
0x54: {  	v4 =	vld [tilespmem:s28+$0xFFFFFFF0];
	v5 =	vbroadcast v0, $0x0;
	v6 =	vbroadcast v0, $0x1  }
0x55: {  	v8 =	vld [tilespmem:s28+$0x10];
	v9 =	vbroadcast v0, $0x2;
	v58 =	vbroadcast v0, $0x3  }
0x56: {  	v10 =	vld [tilespmem:s28+$0x30];
	v60 =	vbroadcast v0, $0x4;
	v1 =	vmul.f32 v5, v57  }
0x57: {  	v7 =	vld [tilespmem:s28+$0x0];
	v61 =	vbroadcast v0, $0x5;
	v2 =	vmul.f32 v2, v6  }
0x58: {  	v59 =	vld [tilespmem:s28+$0x20];
	v62 =	vbroadcast v0, $0x6;
	v3 =	vmul.f32 v3, v9;
	[tilespmem:s28+$0xFFFFFFC0] =	vst v1  }
0x59: {  	v0 =	vbroadcast v0, $0x7;
	v4 =	vmul.f32 v4, v58;
	[tilespmem:s28+$0xFFFFFFD0] =	vst v2  }
0x5a: {  	v63 =	vmul.f32 v8, v61;
	[tilespmem:s28+$0xFFFFFFE0] =	vst v3  }
0x5b: {  	v0 =	vmul.f32 v10, v0;
	[tilespmem:s28+$0xFFFFFFF0] =	vst v4  }
0x5c: {  	v1 =	vmul.f32 v7, v60;
	[tilespmem:s28+$0x10] =	vst v63  }
0x5d: {  	s24 =	sadd.s32 $0x1, s24;
	v2 =	vmul.f32 v59, v62;
	[tilespmem:s28+$0x30] =	vst v0  }
0x5e: {  	p1 =	sne.s32 s24, $0x19;
	[tilespmem:s28+$0x0] =	vst v1  }
.Ltmp1:
0x5f: {  	s31 =	sadd.s32 $0x1000, s25;
	[tilespmem:s28+$0x20] =	vst v2;
	(pc) =	sbr.rel @p1 .LBB2_3-.Ltmp1, $4  }
0x60: {  	[spmem:s3] =	stream.indirect.scatter.add.f32 [tilespmem:s18], [sflag:$0x2], $0x80, s31, s17, $0xb8;
	[tilespmem:$0x18880] =	vst v63  }
0x61: {  	_ =	swait.ge [sflag:s15], $0x2800  }
0x62: {  	[sflag:s15] =	ssyncset.done $0x0  }
0x63: {  	[sflag:s15] =	ssyncadd.s32 $0xFFFFD800  }
0x64: {  	s21 =	sadd.s32 $0x1, s21  }
0x65: {  	p1 =	sne.s32 s21, $0x5  }
.Ltmp2:
0x66: {  	_ = 	snop;
	(pc) =	sbr.rel @p1 .LBB2_2-.Ltmp2, $1  }
0x67: {  	_ =	sdelay $0x3  }
0x68: {  	s5 =	sadd.s32 $0x1, s5  }
0x69: {  	p1 =	sne.s32 s5, s12  }
.Ltmp3:
0x6a: {  	[bflag:$0x0] =	sbarrier.arrive $0xFFFF;
	s0 =	simm.s32 @!p0 $0x2;
	(pc) =	sbr.rel @p1 .LBB2_1-.Ltmp3, $4  }
0x6b: {  	[hbm:s11], [sflag:s13] =	dma.local @!p0 [spmem:s14], $0x3E80  }
0x6c: {  	_ =	swait.ge @!p0 [sflag:s0], $0x3E80  }
0x6d: {  	[sflag:s0] =	ssyncset.done @!p0 $0x0  }
0x6e: {  	[sflag:s0] =	ssyncadd.s32 @!p0 $0xFFFFC180  }
0x6f: {  	_ =	sfence.sel $0x180000  }
0x70: {  	[bflag:$0x0] =	sbarrier.arrive $0xFFFF  }
0x71: {  	_ =	strace $0x9000005C  }
0x72: {  	[bflag:$0x2] =	sbarrier.arrive $0xFFFF  }
0x73: {  	p0 =	sne.s32 s4, $0x0;
	s0 =	rddreg [dreg:$0x4]  }
0x74: {  	s0 =	sadd.s32 @!p0 $0x100000, s0  }
0x75: {  	[sflag:s0] =	ssyncadd.tile.s32 @!p0 $0x1;
	_ =	shalt  }
.Lfunc_end2:
_tile_overlayer_lowered:
.L_overlay_start_2:
0x76: {  	(tag) =	ssettag $0x2  }
0x77: {  	s0 =	rddreg [dreg:$0x0];
	s2 =	stileid.u32  }
0x78: {  	s1 =	rddreg [dreg:$0x1];
	p0 =	sne.s32 s2, $0x0  }
0x79: {  	s3 =	rddreg [dreg:$0x2];
	[bflag:$0x3] =	sbarrier.arrive $0xFFFF;
	s2 =	simm.s32 @!p0 $0x1C02  }
0x7a: {  	[timem:s3], [sflag:s2] =	dma.local @!p0 [hbm:s0], s1  }
0x7b: {  	s0 =	simm.s32 @!p0 $0x2  }
0x7c: {  	_ =	swait.ge @!p0 [sflag:s0], s1  }
0x7d: {  	s1 =	ssub.s32 @!p0 $0x0, s1;
	[sflag:s0] =	ssyncset.done @!p0 $0x0  }
0x7e: {  	[sflag:s0] =	ssyncadd.s32 @!p0 s1  }
0x7f: {  	[bflag:$0x3] =	sbarrier.arrive $0xFFFF  }
0x80: {  	_ =	shalt  }

// kernel: sc_gat2.5.cloned.1.call-start
scs
__scs_entry_jumppad:
0x0: {  	(pc) =	sbr.rel $0x88, $3  }
0x1: {  	(tag) =	ssettag $0x0;
	lr =	simm.s32 $0x1  }
0x2: {  	[smem:$0x3F68] =	sst lr;
	_ =	strace $0xD0000000  }
0x3: {  	_ = 	snop  }
0x4: {  	_ = 	snop  }
0x5: {  	_ = 	snop  }
0x6: {  	_ = 	snop  }
0x7: {  	_ = 	snop  }
__scs_overlays_trampoline_lowered:
0x8: {  	[smem:$0x3F77] =	sst s0  }
0x9: {  	[smem:$0x3F78] =	sst s1  }
0xa: {  	[smem:$0x3F79] =	sst s2  }
0xb: {  	[smem:$0x3F7A] =	sst s3  }
0xc: {  	[smem:$0x3F7B] =	sst s4  }
0xd: {  	[smem:$0x3F7C] =	sst s5  }
0xe: {  	[smem:$0x3F7D] =	sst s6  }
0xf: {  	[smem:$0x3F7E] =	sst s7  }
0x10: {  	[smem:$0x3F7F] =	sst s8  }
0x11: {  	[smem:$0x3F80] =	sst s9;
	s0 =	simm.s32 @!p0 $0x0  }
0x12: {  	s1 =	sld [smem:$0x3F66];
	s0 =	simm.s32 @p0 $0x1  }
0x13: {  	[smem:$0x3F81] =	sst s0;
	s0 =	simm.s32 @!p1 $0x0  }
0x14: {  	s2 =	sld [smem:$0x3F65];
	s0 =	simm.s32 @p1 $0x1  }
0x15: {  	[smem:$0x3F82] =	sst s0;
	s0 =	simm.s32 @!p2 $0x0  }
0x16: {  	s3 =	sld [smem:$0x3FDB];
	s0 =	simm.s32 @p2 $0x1  }
0x17: {  	s4 =	simm.s32 $0x1BF5;
	[smem:$0x3F84] =	sst s0  }
0x18: {  	s0 =	sld [smem:$0x3F67];
	_ =	swait.ge [sflag:s4], $0x0  }
0x19: {  	s7 =	sld [smem:$0x3F68]  }
0x1a: {  	s8 =	sadd.s32 $0xFFFFE003, lr  }
0x1b: {  	s9 =	sadd.s32 $0xFFFFFEF7, lr;
	s5 =	simm.s32 $0xFFFFFFFF;
	p2 =	slt.u32 s8, $0xFFFFF086  }
0x1c: {  	p1 =	slt.u32 s9, $0xF7A;
	s5 =	simm.s32 @!p2 $0x0  }
0x1d: {  	s5 =	simm.s32 @p1 $0x1;
	p0 =	seq.s32 s7, s2  }
0x1e: {  	s7 =	smul.u32 @!p0 $0xF7A, s2;
	p2 =	seq.s32 @!p0 s5, $0x0  }
0x1f: {  	s9 =	smul.u32 $0xF7A, s1;
	s8 =	simm.s32 @!p0 $0x1BF5;
	p2 =	por !p2, p0  }
0x20: {  	[sflag:s8] =	ssyncset.s32 @!p0 $0xFFFFF086;
	s6 =	sadd.s32 @!p0 s3, s7;
	s7 =	simm.s32 @!p0 $0x108  }
0x21: {  	s3 =	sadd.s32 s3, s9;
	s6 =	sadd.s32 @!p0 $0x88, s6;
	s7 =	simm.s32 @p2 $0x1082  }
0x22: {  	[simem:s7], [sflag:s8] =	dma.local @!p0 [hbm:s6], $0xF7A  }
0x23: {  	s9 =	sor.u32 $0xD0000000, s2;
	s6 =	simm.s32 $0x108;
	_ =	swait.ge @!p0 [sflag:s8], $0x0  }
0x24: {  	s3 =	sadd.s32 $0x88, s3;
	s6 =	simm.s32 @!p1 $0x1082;
	[sflag:s4] =	ssyncset.s32 $0xFFFFF086  }
0x25: {  	[simem:s6], [sflag:s4] =	dma.local [hbm:s3], $0xF7A  }
0x26: {  	[smem:$0x3F68] =	sst s1;
	(tag) =	ssettag s2;
	_ =	strace s9  }
0x27: {  	s1 =	sld [smem:$0x3F78]  }
0x28: {  	s2 =	sld [smem:$0x3F79]  }
0x29: {  	s4 =	sld [smem:$0x3F7B]  }
0x2a: {  	p0 =	seq.s32 s5, $0x0;
	s5 =	sld [smem:$0x3F7C]  }
0x2b: {  	s6 =	sld [smem:$0x3F7D]  }
0x2c: {  	s7 =	sld [smem:$0x3F7E]  }
0x2d: {  	s3 =	simm.s32 $0x108;
	s8 =	sld [smem:$0x3F7F]  }
0x2e: {  	s3 =	simm.s32 @!p0 $0x1082;
	s9 =	sld [smem:$0x3F80]  }
0x2f: {  	lr =	sadd.s32 s0, s3;
	s0 =	sld [smem:$0x3F77]  }
0x30: {  	s3 =	sld [smem:$0x3F7A]  }
0x31: {  	[smem:$0x3F83] =	sst s10  }
0x32: {  	s10 =	sld [smem:$0x3F81];
	_ =	sdelay $0x3  }
0x33: {  	p0 =	seq.s32 s10, $0x1;
	s10 =	sld [smem:$0x3F83];
	_ =	sdelay $0x3  }
0x34: {  	[smem:$0x3F83] =	sst s10  }
0x35: {  	s10 =	sld [smem:$0x3F82];
	_ =	sdelay $0x3  }
0x36: {  	p1 =	seq.s32 s10, $0x1;
	s10 =	sld [smem:$0x3F83];
	_ =	sdelay $0x3  }
0x37: {  	[smem:$0x3F83] =	sst s10  }
0x38: {  	s10 =	sld [smem:$0x3F84]  }
0x39: {  	_ = 	snop;
	(pc) =	sbr.ind lr, $3  }
0x3a: {  	_ = 	snop  }
0x3b: {  	_ = 	snop  }
0x3c: {  	p2 =	seq.s32 s10, $0x1;
	s10 =	sld [smem:$0x3F83]  }
0x3d: {  	_ =	shalt  }
0x3e: {  	_ =	shalt  }
0x3f: {  	_ =	shalt  }
0x40: {  	_ =	shalt  }
0x41: {  	_ =	shalt  }
0x42: {  	_ =	shalt  }
0x43: {  	_ =	shalt  }
0x44: {  	_ =	shalt  }
0x45: {  	_ =	shalt  }
0x46: {  	_ =	shalt  }
0x47: {  	_ =	shalt  }
0x48: {  	_ =	shalt  }
0x49: {  	_ =	shalt  }
0x4a: {  	_ =	shalt  }
0x4b: {  	_ =	shalt  }
0x4c: {  	_ =	shalt  }
0x4d: {  	_ =	shalt  }
0x4e: {  	_ =	shalt  }
0x4f: {  	_ =	shalt  }
0x50: {  	_ =	shalt  }
0x51: {  	_ =	shalt  }
0x52: {  	_ =	shalt  }
0x53: {  	_ =	shalt  }
0x54: {  	_ =	shalt  }
0x55: {  	_ =	shalt  }
0x56: {  	_ =	shalt  }
0x57: {  	_ =	shalt  }
0x58: {  	_ =	shalt  }
0x59: {  	_ =	shalt  }
0x5a: {  	_ =	shalt  }
0x5b: {  	_ =	shalt  }
0x5c: {  	_ =	shalt  }
0x5d: {  	_ =	shalt  }
0x5e: {  	_ =	shalt  }
0x5f: {  	_ =	shalt  }
0x60: {  	_ =	shalt  }
0x61: {  	_ =	shalt  }
0x62: {  	_ =	shalt  }
0x63: {  	_ =	shalt  }
0x64: {  	_ =	shalt  }
0x65: {  	_ =	shalt  }
0x66: {  	_ =	shalt  }
0x67: {  	_ =	shalt  }
0x68: {  	_ =	shalt  }
0x69: {  	_ =	shalt  }
0x6a: {  	_ =	shalt  }
0x6b: {  	_ =	shalt  }
0x6c: {  	_ =	shalt  }
0x6d: {  	_ =	shalt  }
0x6e: {  	_ =	shalt  }
0x6f: {  	_ =	shalt  }
0x70: {  	_ =	shalt  }
0x71: {  	_ =	shalt  }
0x72: {  	_ =	shalt  }
0x73: {  	_ =	shalt  }
0x74: {  	_ =	shalt  }
0x75: {  	_ =	shalt  }
0x76: {  	_ =	shalt  }
0x77: {  	_ =	shalt  }
0x78: {  	_ =	shalt  }
0x79: {  	_ =	shalt  }
0x7a: {  	_ =	shalt  }
0x7b: {  	_ =	shalt  }
0x7c: {  	_ =	shalt  }
0x7d: {  	_ =	shalt  }
0x7e: {  	_ =	shalt  }
0x7f: {  	_ =	shalt  }
0x80: {  	_ =	shalt  }
0x81: {  	_ =	shalt  }
0x82: {  	_ =	shalt  }
0x83: {  	_ =	shalt  }
0x84: {  	_ =	shalt  }
0x85: {  	_ =	shalt  }
0x86: {  	_ =	shalt  }
0x87: {  	_ =	shalt  }
.Lfunc_end0:
.L_simem_size_0:
called_computation.3_lowered:
.L_overlay_start_0:
0x88: {  	s2 =	sld [smem:$0x3FD9]  }
0x89: {  	s3 =	sld [smem:$0x3FFE];
	_ =	sdelay $0x1  }
0x8a: {  	s1 =	srdreg.scid  }
0x8b: {  	s0 =	sand.u32 $0x1, s1  }
0x8c: {  	s14 =	sshll.u32 s0, $0xA;
	s2 =	sadd.s32 s3, s2  }
0x8d: {  	s2 =	sadd.s32 s2, s14  }
0x8e: {  	[smem:$0x3F8F] =	sst s2  }
0x8f: {  	_ = 	snop  }
0x90: {  	s2 =	sld [smem:$0x3FD0];
	_ =	sdelay $0x2  }
0x91: {  	s15 =	simm.s32 $0xA;
	s4 =	simm.s32 $0x10  }
0x92: {  	[smem:s4], [sflag:s15] =	dma.local [hbm:s2], $0x1  }
0x93: {  	_ =	swait.eq [sflag:s15], $0x1  }
0x94: {  	[sflag:s15] =	ssyncset.done $0x0  }
0x95: {  	s16 =	sld [smem:$0x13];
	[sflag:s15] =	ssyncadd.s32 $0xFFFFFFFF  }
0x96: {  	s17 =	sld [smem:$0x14];
	(tm) =	ssettm $0x1  }
0x97: {  	s18 =	sld [smem:$0x3FFB];
	_ =	sdelay $0x3  }
0x98: {  	_ =	strace s18  }
0x99: {  	s4 =	sld [smem:$0x3FFC];
	_ =	sdelay $0x3  }
0x9a: {  	_ =	strace s4  }
0x9b: {  	s4 =	sld [smem:$0x3FFD];
	_ =	sdelay $0x3  }
0x9c: {  	_ =	strace s4  }
0x9d: {  	_ =	strace $0x8FFFFFFF  }
0x9e: {  	s19 =	sld [smem:$0x3FDB];
	_ =	sdelay $0x1  }
0x9f: {  	s5 =	simm.s32 $_scs_section_size  }
0xa0: {  	s6 =	simm.s32 $_size__tile_overlayer_lowered;
	s7 =	simm.s32 $_tile_overlayer_lowered  }
0xa1: {  	s22 =	simm.s32 $0x1BFF;
	s21 =	sshll.u32 s7, $0x1;
	s4 =	sadd.s32 s5, s19  }
0xa2: {  	s8 =	simm.s32 $0x0;
	s20 =	sshll.u32 s6, $0x1;
	s6 =	sadd.s32 s21, s4  }
0xa3: {  	[timem:s8], [sflag:s22] =	dma.local [hbm:s6], s20  }
0xa4: {  	_ =	swait.ge [sflag:s22], s20  }
0xa5: {  	s5 =	ssub.s32 $0x0, s20;
	[sflag:s22] =	ssyncset.done $0x0  }
0xa6: {  	[sflag:s22] =	ssyncadd.s32 s5;
	_ =	sdelay $0x1  }
0xa7: {  	s23 =	simm.s32 $0x1B8B  }
0xa8: {  	_ =	swait.ge [sflag:s23], $0x1  }
0xa9: {  	[sflag:s23] =	ssyncset.done $0x0  }
0xaa: {  	s25 =	simm.s32 $0x1B8E;
	s24 =	sld [smem:$0x3FFE];
	[sflag:s23] =	ssyncadd.s32 $0xFFFFFFFF  }
0xab: {  	s26 =	simm.s32 $execute0_lowered;
	[smem:$0x3FD2] =	sst s25  }
0xac: {  	s6 =	sshll.u32 s26, $0x1;
	_ =	strace $0x8000004F;
	[dreg:$0x1] =	wrdreg $0xFFFFFFFF  }
0xad: {  	s28 =	simm.s32 $_size_execute0_lowered;
	s4 =	sadd.s32 s4, s6;
	[dreg:$0x0] =	wrdreg $0x0  }
0xae: {  	s6 =	sshll.u32 s28, $0x1;
	[dreg:$0x2] =	wrdreg s4  }
0xaf: {  	[dreg:$0x3] =	wrdreg s6  }
0xb0: {  	[dreg:$0x4] =	wrdreg $0xC0  }
0xb1: {  	_ =	task [dreg:s8], $0x5FFFF  }
0xb2: {  	[dreg:$0x1] =	wrdreg $0xFFFFFFFF  }
0xb3: {  	[dreg:$0x0] =	wrdreg $0x60  }
0xb4: {  	[dreg:$0x2] =	wrdreg s16  }
0xb5: {  	[dreg:$0x3] =	wrdreg s24  }
0xb6: {  	[dreg:$0x4] =	wrdreg s17  }
0xb7: {  	[dreg:$0x5] =	wrdreg $0x50000  }
0xb8: {  	[dreg:$0x6] =	wrdreg $0x9  }
0xb9: {  	_ =	task.clear_ibuf [dreg:s8], $0x7FFFF;
	_ =	strace $0x9000004F  }
0xba: {  	s29 =	simm.s32 $0x9;
	_ =	strace $0x80000051  }
0xbb: {  	_ =	swait.ge [sflag:s29], $0x1  }
0xbc: {  	[sflag:s29] =	ssyncadd.s32 $0xFFFFFFFF  }
0xbd: {  	_ =	strace $0x90000051  }
0xbe: {  	_ =	sfence  }
0xbf: {  	s30 =	sld [smem:$0x0];
	_ =	sdelay $0x2  }
0xc0: {  	s31 =	sshll.u32 s1, $0xD;
	s1 =	sshrl.u32 s1, $0x2  }
0xc1: {  	s3 =	sand.u32 $0x4000, s31;
	s1 =	sadd.s32 s1, s30  }
0xc2: {  	s0 =	sor.u32 s3, s0;
	s1 =	sshll.u32 s1, $0x11  }
0xc3: {  	s0 =	sor.u32 s1, s0  }
0xc4: {  	s0 =	sadd.s32 $0x8F2B, s0  }
0xc5: {  	[sflag:s0] =	ssyncadd.remote.s32 $0x1  }
0xc6: {  	_ =	sfence.sel $0xFFFF  }
0xc7: {  	[dreg:$0x0] =	wrdreg $0xFFFFFFFF;
	(pc) =	sbr.abs _section_cstart, $3  }
0xc8: {  	[dreg:$0x1] =	wrdreg $0xFFFFFFFF  }
0xc9: {  	_ =	task.clear_ibuf [dreg:s8], $0x2FFFF;
	_ =	strace $0x9FFFFFFF  }
0xca: {  	(tm) =	ssettm $0x7FFFFFFF  }
0xcb: {  	_ =	shalt  }
tec
execute0_lowered:
.L_overlay_start_1:
0x0: {  	(tag) =	ssettag $0x1  }
0x1: {  	s1 =	rddreg [dreg:$0x0]  }
0x2: {  	s9 =	rddreg [dreg:$0x1]  }
0x3: {  	s2 =	rddreg [dreg:$0x2]  }
0x4: {  	s3 =	rddreg [dreg:$0x3]  }
0x5: {  	s4 =	srdreg.scid;
	s5 =	simm.s32 $0x0;
	s15 =	simm.s32 $0x2  }
0x6: {  	s16 =	simm.s32 $0x1000;
	s17 =	simm.s32 $0x50;
	s18 =	simm.s32 $0x2000  }
0x7: {  	s19 =	simm.s32 $0x4800;
	s20 =	simm.s32 $0x1;
	s10 =	sand.u32 $0x1, s4  }
0x8: {  	[smem:$0x7FF] =	sst s5;
	s6 =	sadd.s32 $0x114400, s9;
	s7 =	sadd.s32 $0xEC400, s9  }
0x9: {  	s4 =	stileid.u32;
	s8 =	sadd.s32 $0x100400, s9;
	s11 =	smul.u32 $0x138800, s10  }
0xa: {  	s12 =	smul.u32 $0x1F400, s4;
	_ =	strace $0x80000050;
	s29 =	ssub.s32 $0x2, s10  }
0xb: {  	s13 =	smul.u32 $0x7D000, s4;
	s14 =	sshll.u32 s4, $0x1;
	p0 =	sgt.u32 s4, $0x9  }
0xc: {  	s30 =	sshrl.u32 s29, $0x1;
	s10 =	sor.u32 s10, s14;
	s11 =	sadd.s32 s12, s11  }
0xd: {  	s12 =	ssub.s32 s29, s30;
	s31 =	sshrl.u32 s13, $0x2;
	s13 =	sshll.u32 @!p0 s4, $0x6  }
0xe: {  	s11 =	sshrl.u32 s11, $0x3;
	s14 =	sadd.s32 s31, s3;
	s12 =	smax.u32 s12, $0x1  }
0xf: {  	s13 =	sor.u32 @!p0 $0x1C02, s13;
	s11 =	sadd.s32 s11, s9;
	s9 =	smul.u32 $0x5000, s10  }
0x10: {  	s10 =	smul.u32 $0x7D, s10;
	s14 =	sshrl.u32 @!p0 s14, $0x3;
	s11 =	sadd.s32 $0x20E400, s11  }
.LBB2_1:
0x11: {  	[spmem:s14], [sflag:s13] =	dma.local @!p0 [hbm:s2], $0x3E80  }
0x12: {  	s21 =	simm.s32 @!p0 $0x2  }
0x13: {  	_ =	swait.ge @!p0 [sflag:s21], $0x3E80  }
0x14: {  	[sflag:s21] =	ssyncset.done @!p0 $0x0  }
0x15: {  	[sflag:s21] =	ssyncadd.s32 @!p0 $0xFFFFC180  }
0x16: {  	s21 =	simm.s32 $0x0;
	[bflag:$0x0] =	sbarrier.arrive $0xFFFF  }
.LBB2_2:
0x17: {  	s22 =	sshll.u32 s21, $0xC  }
0x18: {  	s22 =	sadd.s32 s9, s22  }
0x19: {  	s23 =	sshrl.u32 s22, $0x3  }
0x1a: {  	s22 =	simm.s32 $0x0;
	s24 =	sadd.s32 s7, s23  }
0x1b: {  	[tilespmem:s22], [sflag:$0x2] =	stream.linear.gather [hbm4b:s24+s22], $0xC80, $0x38;
	[tilespmem:$0x18880] =	vst v63  }
0x1c: {  	_ =	swait.ge [sflag:s15], $0xC80  }
0x1d: {  	[sflag:s15] =	ssyncset.done $0x0  }
0x1e: {  	s23 =	sadd.s32 s8, s23;
	[sflag:s15] =	ssyncadd.s32 $0xFFFFF380  }
0x1f: {  	[tilespmem:s16], [sflag:$0x2] =	stream.linear.gather [hbm4b:s23+s22], $0xC80, $0x38;
	[tilespmem:$0x18880] =	vst v63  }
0x20: {  	s31 =	smul.u32 $0x19, s21;
	_ =	swait.ge [sflag:s15], $0xC80  }
0x21: {  	[sflag:s15] =	ssyncset.done $0x0  }
0x22: {  	s24 =	simm.s32 $0x0;
	s23 =	sadd.s32 s10, s31;
	[sflag:s15] =	ssyncadd.s32 $0xFFFFF380  }
.LBB2_3:
0x23: {  	s25 =	sshll.u32 s24, $0x7;
	s26 =	sadd.s32 s24, s23  }
0x24: {  	[tilespmem:s18], [sflag:$0x1] =	stream.indirect.gather [hbm4b:s1+s17], $0x80, s25, s17, $0xb8;
	[tilespmem:$0x18880] =	vst v63  }
0x25: {  	s26 =	sshll.u32 s26, $0x8  }
0x26: {  	s26 =	sadd.s32 s6, s26  }
0x27: {  	[tilespmem:s19], [sflag:$0x2] =	stream.linear.gather [hbm4b:s26+s22], $0x500, $0x38;
	[tilespmem:$0x18880] =	vst v63  }
0x28: {  	_ =	swait.ge [sflag:s15], $0x500  }
0x29: {  	[sflag:s15] =	ssyncset.done $0x0  }
0x2a: {  	[sflag:s15] =	ssyncadd.s32 $0xFFFFFB00  }
0x2b: {  	s0 =	sand.u32 $0x1E00, s22;
	_ =	swait.ge [sflag:s20], $0x2800  }
0x2c: {  	s28 =	sand.u32 $0x70, s22;
	s26 =	sshrl.u32 s0, $0x2;
	[sflag:s20] =	ssyncset.done $0x0  }
0x2d: {  	s26 =	sor.u32 s28, s26;
	[sflag:s20] =	ssyncadd.s32 $0xFFFFD800  }
0x2e: {  	v0 =	vld [tilespmem:s26+$0x4800]  }
0x2f: {  	s26 =	simm.s32 $0x2040  }
0x30: {  	v1 =	vld [tilespmem:s26+$0xFFFFFFC0]  }
0x31: {  	v2 =	vld [tilespmem:s26+$0xFFFFFFD0]  }
0x32: {  	v3 =	vld [tilespmem:s26+$0xFFFFFFE0]  }
0x33: {  	v4 =	vld [tilespmem:s26+$0xFFFFFFF0];
	v5 =	vbroadcast v0, $0x0  }
0x34: {  	v7 =	vld [tilespmem:s26+$0x0];
	v6 =	vbroadcast v0, $0x1  }
0x35: {  	v8 =	vld [tilespmem:s26+$0x10];
	v9 =	vbroadcast v0, $0x2;
	v1 =	vmul.f32 v5, v1  }
0x36: {  	v62 =	vld [tilespmem:s26+$0x20];
	v10 =	vbroadcast v0, $0x3;
	v2 =	vmul.f32 v2, v6  }
0x37: {  	v61 =	vld [tilespmem:s26+$0x30];
	v3 =	vmul.f32 v3, v9;
	[tilespmem:s26+$0xFFFFFFC0] =	vst v1;
	v1 =	vbroadcast v0, $0x4  }
0x38: {  	v63 =	vbroadcast v0, $0x5;
	v4 =	vmul.f32 v4, v10;
	[tilespmem:s26+$0xFFFFFFD0] =	vst v2  }
0x39: {  	v2 =	vbroadcast v0, $0x6;
	[tilespmem:s26+$0xFFFFFFE0] =	vst v3;
	v1 =	vmul.f32 v7, v1  }
0x3a: {  	v0 =	vbroadcast v0, $0x7;
	v3 =	vmul.f32 v8, v63;
	[tilespmem:s26+$0xFFFFFFF0] =	vst v4  }
0x3b: {  	s29 =	simm.s32 $0x10;
	s28 =	simm.s32 $0x40;
	[tilespmem:s26+$0x0] =	vst v1;
	v1 =	vmul.f32 v62, v2  }
0x3c: {  	s30 =	simm.s32 $0x80;
	s31 =	sand.u32 $0x1E00, s28;
	s28 =	simm.s32 $0x20C0;
	v0 =	vmul.f32 v61, v0;
	[tilespmem:s26+$0x10] =	vst v3  }
.LBB2_4:
0x3d: {  	p1 =	sne.s32 s30, $0x13C0;
	s0 =	sand.u32 $0x70, s29;
	s31 =	sshrl.u32 s31, $0x2;
	[tilespmem:s26+$0x20] =	vst v1  }
0x3e: {  	s0 =	sor.u32 s0, s31;
	v1 =	vld [tilespmem:s28+$0xFFFFFFF0];
	[tilespmem:s26+$0x30] =	vst v0;
	s26 =	smov.u32 s28  }
0x3f: {  	v0 =	vld [tilespmem:s0+$0x4800]  }
0x40: {  	v2 =	vld [tilespmem:s28+$0xFFFFFFD0]  }
0x41: {  	v3 =	vld [tilespmem:s28+$0xFFFFFFC0]  }
0x42: {  	v4 =	vld [tilespmem:s28+$0xFFFFFFE0]  }
0x43: {  	v5 =	vld [tilespmem:s28+$0x30]  }
0x44: {  	v6 =	vbroadcast v0, $0x0;
	v7 =	vbroadcast v0, $0x1;
	v8 =	vld [tilespmem:s28+$0x10]  }
0x45: {  	v9 =	vbroadcast v0, $0x2;
	v10 =	vbroadcast v0, $0x3;
	v11 =	vld [tilespmem:s28+$0x0]  }
0x46: {  	v3 =	vmul.f32 v6, v3;
	v2 =	vmul.f32 v2, v7;
	v6 =	vld [tilespmem:s28+$0x20]  }
0x47: {  	v1 =	vmul.f32 v1, v10;
	v4 =	vmul.f32 v4, v9  }
0x48: {  	v7 =	vbroadcast v0, $0x5;
	[tilespmem:s28+$0xFFFFFFC0] =	vst v3;
	v3 =	vbroadcast v0, $0x4  }
.Ltmp0:
0x49: {  	[tilespmem:s28+$0xFFFFFFD0] =	vst v2;
	v2 =	vbroadcast v0, $0x6;
	v0 =	vbroadcast v0, $0x7;
	(pc) =	sbr.rel @p1 .LBB2_4-.Ltmp0, $4  }
0x4a: {  	[tilespmem:s28+$0xFFFFFFE0] =	vst v4;
	v3 =	vmul.f32 v11, v3;
	v4 =	vmul.f32 v8, v7  }
0x4b: {  	[tilespmem:s28+$0xFFFFFFF0] =	vst v1;
	v1 =	vmul.f32 v6, v2;
	v0 =	vmul.f32 v5, v0  }
0x4c: {  	s29 =	sadd.s32 $0x10, s29;
	[tilespmem:s28+$0x0] =	vst v3  }
0x4d: {  	s31 =	sand.u32 $0x1E00, s30;
	s30 =	sadd.s32 $0x40, s30;
	s28 =	sadd.s32 $0x80, s28;
	[tilespmem:s26+$0x10] =	vst v4  }
0x4e: {  	s0 =	sand.u32 $0x70, s29;
	s30 =	sshrl.u32 s31, $0x2;
	[tilespmem:s26+$0x20] =	vst v1  }
0x4f: {  	[tilespmem:s26+$0x30] =	vst v0;
	s0 =	sor.u32 s0, s30  }
0x50: {  	v0 =	vld [tilespmem:s0+$0x4800];
	_ =	sdelay $0x1  }
0x51: {  	v57 =	vld [tilespmem:s28+$0xFFFFFFC0]  }
0x52: {  	v2 =	vld [tilespmem:s28+$0xFFFFFFD0]  }
0x53: {  	v3 =	vld [tilespmem:s28+$0xFFFFFFE0]  }
0x54: {  	v4 =	vld [tilespmem:s28+$0xFFFFFFF0];
	v5 =	vbroadcast v0, $0x0;
	v6 =	vbroadcast v0, $0x1  }
0x55: {  	v8 =	vld [tilespmem:s28+$0x10];
	v9 =	vbroadcast v0, $0x2;
	v58 =	vbroadcast v0, $0x3  }
0x56: {  	v10 =	vld [tilespmem:s28+$0x30];
	v60 =	vbroadcast v0, $0x4;
	v1 =	vmul.f32 v5, v57  }
0x57: {  	v7 =	vld [tilespmem:s28+$0x0];
	v61 =	vbroadcast v0, $0x5;
	v2 =	vmul.f32 v2, v6  }
0x58: {  	v59 =	vld [tilespmem:s28+$0x20];
	v62 =	vbroadcast v0, $0x6;
	v3 =	vmul.f32 v3, v9;
	[tilespmem:s28+$0xFFFFFFC0] =	vst v1  }
0x59: {  	v0 =	vbroadcast v0, $0x7;
	v4 =	vmul.f32 v4, v58;
	[tilespmem:s28+$0xFFFFFFD0] =	vst v2  }
0x5a: {  	v63 =	vmul.f32 v8, v61;
	[tilespmem:s28+$0xFFFFFFE0] =	vst v3  }
0x5b: {  	v0 =	vmul.f32 v10, v0;
	[tilespmem:s28+$0xFFFFFFF0] =	vst v4  }
0x5c: {  	v1 =	vmul.f32 v7, v60;
	[tilespmem:s28+$0x10] =	vst v63  }
0x5d: {  	s24 =	sadd.s32 $0x1, s24;
	v2 =	vmul.f32 v59, v62;
	[tilespmem:s28+$0x30] =	vst v0  }
0x5e: {  	p1 =	sne.s32 s24, $0x19;
	[tilespmem:s28+$0x0] =	vst v1  }
.Ltmp1:
0x5f: {  	s31 =	sadd.s32 $0x1000, s25;
	[tilespmem:s28+$0x20] =	vst v2;
	(pc) =	sbr.rel @p1 .LBB2_3-.Ltmp1, $4  }
0x60: {  	[spmem:s3] =	stream.indirect.scatter.add.f32 [tilespmem:s18], [sflag:$0x2], $0x80, s31, s17, $0xb8;
	[tilespmem:$0x18880] =	vst v63  }
0x61: {  	_ =	swait.ge [sflag:s15], $0x2800  }
0x62: {  	[sflag:s15] =	ssyncset.done $0x0  }
0x63: {  	[sflag:s15] =	ssyncadd.s32 $0xFFFFD800  }
0x64: {  	s21 =	sadd.s32 $0x1, s21  }
0x65: {  	p1 =	sne.s32 s21, $0x5  }
.Ltmp2:
0x66: {  	_ = 	snop;
	(pc) =	sbr.rel @p1 .LBB2_2-.Ltmp2, $1  }
0x67: {  	_ =	sdelay $0x3  }
0x68: {  	s5 =	sadd.s32 $0x1, s5  }
0x69: {  	p1 =	sne.s32 s5, s12  }
.Ltmp3:
0x6a: {  	[bflag:$0x0] =	sbarrier.arrive $0xFFFF;
	s0 =	simm.s32 @!p0 $0x2;
	(pc) =	sbr.rel @p1 .LBB2_1-.Ltmp3, $4  }
0x6b: {  	[hbm:s11], [sflag:s13] =	dma.local @!p0 [spmem:s14], $0x3E80  }
0x6c: {  	_ =	swait.ge @!p0 [sflag:s0], $0x3E80  }
0x6d: {  	[sflag:s0] =	ssyncset.done @!p0 $0x0  }
0x6e: {  	[sflag:s0] =	ssyncadd.s32 @!p0 $0xFFFFC180  }
0x6f: {  	_ =	sfence.sel $0x180000  }
0x70: {  	[bflag:$0x0] =	sbarrier.arrive $0xFFFF  }
0x71: {  	_ =	strace $0x90000050  }
0x72: {  	[bflag:$0x2] =	sbarrier.arrive $0xFFFF  }
0x73: {  	p0 =	sne.s32 s4, $0x0;
	s0 =	rddreg [dreg:$0x4]  }
0x74: {  	s0 =	sadd.s32 @!p0 $0x100000, s0  }
0x75: {  	[sflag:s0] =	ssyncadd.tile.s32 @!p0 $0x1;
	_ =	shalt  }
.Lfunc_end2:
_tile_overlayer_lowered:
.L_overlay_start_2:
0x76: {  	(tag) =	ssettag $0x2  }
0x77: {  	s0 =	rddreg [dreg:$0x0];
	s2 =	stileid.u32  }
0x78: {  	s1 =	rddreg [dreg:$0x1];
	p0 =	sne.s32 s2, $0x0  }
0x79: {  	s3 =	rddreg [dreg:$0x2];
	[bflag:$0x3] =	sbarrier.arrive $0xFFFF;
	s2 =	simm.s32 @!p0 $0x1C02  }
0x7a: {  	[timem:s3], [sflag:s2] =	dma.local @!p0 [hbm:s0], s1  }
0x7b: {  	s0 =	simm.s32 @!p0 $0x2  }
0x7c: {  	_ =	swait.ge @!p0 [sflag:s0], s1  }
0x7d: {  	s1 =	ssub.s32 @!p0 $0x0, s1;
	[sflag:s0] =	ssyncset.done @!p0 $0x0  }
0x7e: {  	[sflag:s0] =	ssyncadd.s32 @!p0 s1  }
0x7f: {  	[bflag:$0x3] =	sbarrier.arrive $0xFFFF  }
0x80: {  	_ =	shalt  }

// kernel: sc_gat2.8.cloned.1.call-start
scs
__scs_entry_jumppad:
0x0: {  	(pc) =	sbr.rel $0x88, $3  }
0x1: {  	(tag) =	ssettag $0x0;
	lr =	simm.s32 $0x1  }
0x2: {  	[smem:$0x3F68] =	sst lr;
	_ =	strace $0xD0000000  }
0x3: {  	_ = 	snop  }
0x4: {  	_ = 	snop  }
0x5: {  	_ = 	snop  }
0x6: {  	_ = 	snop  }
0x7: {  	_ = 	snop  }
__scs_overlays_trampoline_lowered:
0x8: {  	[smem:$0x3F77] =	sst s0  }
0x9: {  	[smem:$0x3F78] =	sst s1  }
0xa: {  	[smem:$0x3F79] =	sst s2  }
0xb: {  	[smem:$0x3F7A] =	sst s3  }
0xc: {  	[smem:$0x3F7B] =	sst s4  }
0xd: {  	[smem:$0x3F7C] =	sst s5  }
0xe: {  	[smem:$0x3F7D] =	sst s6  }
0xf: {  	[smem:$0x3F7E] =	sst s7  }
0x10: {  	[smem:$0x3F7F] =	sst s8  }
0x11: {  	[smem:$0x3F80] =	sst s9;
	s0 =	simm.s32 @!p0 $0x0  }
0x12: {  	s1 =	sld [smem:$0x3F66];
	s0 =	simm.s32 @p0 $0x1  }
0x13: {  	[smem:$0x3F81] =	sst s0;
	s0 =	simm.s32 @!p1 $0x0  }
0x14: {  	s2 =	sld [smem:$0x3F65];
	s0 =	simm.s32 @p1 $0x1  }
0x15: {  	[smem:$0x3F82] =	sst s0;
	s0 =	simm.s32 @!p2 $0x0  }
0x16: {  	s3 =	sld [smem:$0x3FDB];
	s0 =	simm.s32 @p2 $0x1  }
0x17: {  	s4 =	simm.s32 $0x1BF5;
	[smem:$0x3F84] =	sst s0  }
0x18: {  	s0 =	sld [smem:$0x3F67];
	_ =	swait.ge [sflag:s4], $0x0  }
0x19: {  	s7 =	sld [smem:$0x3F68]  }
0x1a: {  	s8 =	sadd.s32 $0xFFFFE003, lr  }
0x1b: {  	s9 =	sadd.s32 $0xFFFFFEF7, lr;
	s5 =	simm.s32 $0xFFFFFFFF;
	p2 =	slt.u32 s8, $0xFFFFF086  }
0x1c: {  	p1 =	slt.u32 s9, $0xF7A;
	s5 =	simm.s32 @!p2 $0x0  }
0x1d: {  	s5 =	simm.s32 @p1 $0x1;
	p0 =	seq.s32 s7, s2  }
0x1e: {  	s7 =	smul.u32 @!p0 $0xF7A, s2;
	p2 =	seq.s32 @!p0 s5, $0x0  }
0x1f: {  	s9 =	smul.u32 $0xF7A, s1;
	s8 =	simm.s32 @!p0 $0x1BF5;
	p2 =	por !p2, p0  }
0x20: {  	[sflag:s8] =	ssyncset.s32 @!p0 $0xFFFFF086;
	s6 =	sadd.s32 @!p0 s3, s7;
	s7 =	simm.s32 @!p0 $0x108  }
0x21: {  	s3 =	sadd.s32 s3, s9;
	s6 =	sadd.s32 @!p0 $0x88, s6;
	s7 =	simm.s32 @p2 $0x1082  }
0x22: {  	[simem:s7], [sflag:s8] =	dma.local @!p0 [hbm:s6], $0xF7A  }
0x23: {  	s9 =	sor.u32 $0xD0000000, s2;
	s6 =	simm.s32 $0x108;
	_ =	swait.ge @!p0 [sflag:s8], $0x0  }
0x24: {  	s3 =	sadd.s32 $0x88, s3;
	s6 =	simm.s32 @!p1 $0x1082;
	[sflag:s4] =	ssyncset.s32 $0xFFFFF086  }
0x25: {  	[simem:s6], [sflag:s4] =	dma.local [hbm:s3], $0xF7A  }
0x26: {  	[smem:$0x3F68] =	sst s1;
	(tag) =	ssettag s2;
	_ =	strace s9  }
0x27: {  	s1 =	sld [smem:$0x3F78]  }
0x28: {  	s2 =	sld [smem:$0x3F79]  }
0x29: {  	s4 =	sld [smem:$0x3F7B]  }
0x2a: {  	p0 =	seq.s32 s5, $0x0;
	s5 =	sld [smem:$0x3F7C]  }
0x2b: {  	s6 =	sld [smem:$0x3F7D]  }
0x2c: {  	s7 =	sld [smem:$0x3F7E]  }
0x2d: {  	s3 =	simm.s32 $0x108;
	s8 =	sld [smem:$0x3F7F]  }
0x2e: {  	s3 =	simm.s32 @!p0 $0x1082;
	s9 =	sld [smem:$0x3F80]  }
0x2f: {  	lr =	sadd.s32 s0, s3;
	s0 =	sld [smem:$0x3F77]  }
0x30: {  	s3 =	sld [smem:$0x3F7A]  }
0x31: {  	[smem:$0x3F83] =	sst s10  }
0x32: {  	s10 =	sld [smem:$0x3F81];
	_ =	sdelay $0x3  }
0x33: {  	p0 =	seq.s32 s10, $0x1;
	s10 =	sld [smem:$0x3F83];
	_ =	sdelay $0x3  }
0x34: {  	[smem:$0x3F83] =	sst s10  }
0x35: {  	s10 =	sld [smem:$0x3F82];
	_ =	sdelay $0x3  }
0x36: {  	p1 =	seq.s32 s10, $0x1;
	s10 =	sld [smem:$0x3F83];
	_ =	sdelay $0x3  }
0x37: {  	[smem:$0x3F83] =	sst s10  }
0x38: {  	s10 =	sld [smem:$0x3F84]  }
0x39: {  	_ = 	snop;
	(pc) =	sbr.ind lr, $3  }
0x3a: {  	_ = 	snop  }
0x3b: {  	_ = 	snop  }
0x3c: {  	p2 =	seq.s32 s10, $0x1;
	s10 =	sld [smem:$0x3F83]  }
0x3d: {  	_ =	shalt  }
0x3e: {  	_ =	shalt  }
0x3f: {  	_ =	shalt  }
0x40: {  	_ =	shalt  }
0x41: {  	_ =	shalt  }
0x42: {  	_ =	shalt  }
0x43: {  	_ =	shalt  }
0x44: {  	_ =	shalt  }
0x45: {  	_ =	shalt  }
0x46: {  	_ =	shalt  }
0x47: {  	_ =	shalt  }
0x48: {  	_ =	shalt  }
0x49: {  	_ =	shalt  }
0x4a: {  	_ =	shalt  }
0x4b: {  	_ =	shalt  }
0x4c: {  	_ =	shalt  }
0x4d: {  	_ =	shalt  }
0x4e: {  	_ =	shalt  }
0x4f: {  	_ =	shalt  }
0x50: {  	_ =	shalt  }
0x51: {  	_ =	shalt  }
0x52: {  	_ =	shalt  }
0x53: {  	_ =	shalt  }
0x54: {  	_ =	shalt  }
0x55: {  	_ =	shalt  }
0x56: {  	_ =	shalt  }
0x57: {  	_ =	shalt  }
0x58: {  	_ =	shalt  }
0x59: {  	_ =	shalt  }
0x5a: {  	_ =	shalt  }
0x5b: {  	_ =	shalt  }
0x5c: {  	_ =	shalt  }
0x5d: {  	_ =	shalt  }
0x5e: {  	_ =	shalt  }
0x5f: {  	_ =	shalt  }
0x60: {  	_ =	shalt  }
0x61: {  	_ =	shalt  }
0x62: {  	_ =	shalt  }
0x63: {  	_ =	shalt  }
0x64: {  	_ =	shalt  }
0x65: {  	_ =	shalt  }
0x66: {  	_ =	shalt  }
0x67: {  	_ =	shalt  }
0x68: {  	_ =	shalt  }
0x69: {  	_ =	shalt  }
0x6a: {  	_ =	shalt  }
0x6b: {  	_ =	shalt  }
0x6c: {  	_ =	shalt  }
0x6d: {  	_ =	shalt  }
0x6e: {  	_ =	shalt  }
0x6f: {  	_ =	shalt  }
0x70: {  	_ =	shalt  }
0x71: {  	_ =	shalt  }
0x72: {  	_ =	shalt  }
0x73: {  	_ =	shalt  }
0x74: {  	_ =	shalt  }
0x75: {  	_ =	shalt  }
0x76: {  	_ =	shalt  }
0x77: {  	_ =	shalt  }
0x78: {  	_ =	shalt  }
0x79: {  	_ =	shalt  }
0x7a: {  	_ =	shalt  }
0x7b: {  	_ =	shalt  }
0x7c: {  	_ =	shalt  }
0x7d: {  	_ =	shalt  }
0x7e: {  	_ =	shalt  }
0x7f: {  	_ =	shalt  }
0x80: {  	_ =	shalt  }
0x81: {  	_ =	shalt  }
0x82: {  	_ =	shalt  }
0x83: {  	_ =	shalt  }
0x84: {  	_ =	shalt  }
0x85: {  	_ =	shalt  }
0x86: {  	_ =	shalt  }
0x87: {  	_ =	shalt  }
.Lfunc_end0:
.L_simem_size_0:
called_computation.5_lowered:
.L_overlay_start_0:
0x88: {  	s2 =	sld [smem:$0x3FD9]  }
0x89: {  	s3 =	sld [smem:$0x3FFE];
	_ =	sdelay $0x1  }
0x8a: {  	s1 =	srdreg.scid  }
0x8b: {  	s0 =	sand.u32 $0x1, s1  }
0x8c: {  	s14 =	sshll.u32 s0, $0xA;
	s2 =	sadd.s32 s3, s2  }
0x8d: {  	s2 =	sadd.s32 s2, s14  }
0x8e: {  	[smem:$0x3F8F] =	sst s2  }
0x8f: {  	_ = 	snop  }
0x90: {  	s2 =	sld [smem:$0x3FD0];
	_ =	sdelay $0x2  }
0x91: {  	s15 =	simm.s32 $0xA;
	s4 =	simm.s32 $0x10  }
0x92: {  	[smem:s4], [sflag:s15] =	dma.local [hbm:s2], $0x1  }
0x93: {  	_ =	swait.eq [sflag:s15], $0x1  }
0x94: {  	[sflag:s15] =	ssyncset.done $0x0  }
0x95: {  	s16 =	sld [smem:$0x13];
	[sflag:s15] =	ssyncadd.s32 $0xFFFFFFFF  }
0x96: {  	s17 =	sld [smem:$0x14];
	(tm) =	ssettm $0x1  }
0x97: {  	s18 =	sld [smem:$0x3FFB];
	_ =	sdelay $0x3  }
0x98: {  	_ =	strace s18  }
0x99: {  	s4 =	sld [smem:$0x3FFC];
	_ =	sdelay $0x3  }
0x9a: {  	_ =	strace s4  }
0x9b: {  	s4 =	sld [smem:$0x3FFD];
	_ =	sdelay $0x3  }
0x9c: {  	_ =	strace s4  }
0x9d: {  	_ =	strace $0x8FFFFFFF  }
0x9e: {  	s19 =	sld [smem:$0x3FDB];
	_ =	sdelay $0x1  }
0x9f: {  	s5 =	simm.s32 $_scs_section_size  }
0xa0: {  	s6 =	simm.s32 $_size__tile_overlayer_lowered;
	s7 =	simm.s32 $_tile_overlayer_lowered  }
0xa1: {  	s22 =	simm.s32 $0x1BFF;
	s21 =	sshll.u32 s7, $0x1;
	s4 =	sadd.s32 s5, s19  }
0xa2: {  	s8 =	simm.s32 $0x0;
	s20 =	sshll.u32 s6, $0x1;
	s6 =	sadd.s32 s21, s4  }
0xa3: {  	[timem:s8], [sflag:s22] =	dma.local [hbm:s6], s20  }
0xa4: {  	_ =	swait.ge [sflag:s22], s20  }
0xa5: {  	s5 =	ssub.s32 $0x0, s20;
	[sflag:s22] =	ssyncset.done $0x0  }
0xa6: {  	[sflag:s22] =	ssyncadd.s32 s5;
	_ =	sdelay $0x1  }
0xa7: {  	s23 =	simm.s32 $0x1B8B  }
0xa8: {  	_ =	swait.ge [sflag:s23], $0x1  }
0xa9: {  	[sflag:s23] =	ssyncset.done $0x0  }
0xaa: {  	s25 =	simm.s32 $0x1B8E;
	s24 =	sld [smem:$0x3FFE];
	[sflag:s23] =	ssyncadd.s32 $0xFFFFFFFF  }
0xab: {  	s26 =	simm.s32 $execute0_lowered;
	[smem:$0x3FD2] =	sst s25  }
0xac: {  	s6 =	sshll.u32 s26, $0x1;
	_ =	strace $0x80000055;
	[dreg:$0x1] =	wrdreg $0xFFFFFFFF  }
0xad: {  	s28 =	simm.s32 $_size_execute0_lowered;
	s4 =	sadd.s32 s4, s6;
	[dreg:$0x0] =	wrdreg $0x0  }
0xae: {  	s6 =	sshll.u32 s28, $0x1;
	[dreg:$0x2] =	wrdreg s4  }
0xaf: {  	[dreg:$0x3] =	wrdreg s6  }
0xb0: {  	[dreg:$0x4] =	wrdreg $0xC0  }
0xb1: {  	_ =	task [dreg:s8], $0x5FFFF  }
0xb2: {  	[dreg:$0x1] =	wrdreg $0xFFFFFFFF  }
0xb3: {  	[dreg:$0x0] =	wrdreg $0x60  }
0xb4: {  	[dreg:$0x2] =	wrdreg s16  }
0xb5: {  	[dreg:$0x3] =	wrdreg s24  }
0xb6: {  	[dreg:$0x4] =	wrdreg s17  }
0xb7: {  	[dreg:$0x5] =	wrdreg $0x50000  }
0xb8: {  	[dreg:$0x6] =	wrdreg $0x9  }
0xb9: {  	_ =	task.clear_ibuf [dreg:s8], $0x7FFFF;
	_ =	strace $0x90000055  }
0xba: {  	s29 =	simm.s32 $0x9;
	_ =	strace $0x80000057  }
0xbb: {  	_ =	swait.ge [sflag:s29], $0x1  }
0xbc: {  	[sflag:s29] =	ssyncadd.s32 $0xFFFFFFFF  }
0xbd: {  	_ =	strace $0x90000057  }
0xbe: {  	_ =	sfence  }
0xbf: {  	s30 =	sld [smem:$0x0];
	_ =	sdelay $0x2  }
0xc0: {  	s31 =	sshll.u32 s1, $0xD;
	s1 =	sshrl.u32 s1, $0x2  }
0xc1: {  	s3 =	sand.u32 $0x4000, s31;
	s1 =	sadd.s32 s1, s30  }
0xc2: {  	s0 =	sor.u32 s3, s0;
	s1 =	sshll.u32 s1, $0x11  }
0xc3: {  	s0 =	sor.u32 s1, s0  }
0xc4: {  	s0 =	sadd.s32 $0x8F2B, s0  }
0xc5: {  	[sflag:s0] =	ssyncadd.remote.s32 $0x1  }
0xc6: {  	_ =	sfence.sel $0xFFFF  }
0xc7: {  	[dreg:$0x0] =	wrdreg $0xFFFFFFFF;
	(pc) =	sbr.abs _section_cstart, $3  }
0xc8: {  	[dreg:$0x1] =	wrdreg $0xFFFFFFFF  }
0xc9: {  	_ =	task.clear_ibuf [dreg:s8], $0x2FFFF;
	_ =	strace $0x9FFFFFFF  }
0xca: {  	(tm) =	ssettm $0x7FFFFFFF  }
0xcb: {  	_ =	shalt  }
tec
execute0_lowered:
.L_overlay_start_1:
0x0: {  	(tag) =	ssettag $0x1  }
0x1: {  	s1 =	rddreg [dreg:$0x0]  }
0x2: {  	s9 =	rddreg [dreg:$0x1]  }
0x3: {  	s2 =	rddreg [dreg:$0x2]  }
0x4: {  	s3 =	rddreg [dreg:$0x3]  }
0x5: {  	s4 =	srdreg.scid;
	s5 =	simm.s32 $0x0;
	s15 =	simm.s32 $0x2  }
0x6: {  	s16 =	simm.s32 $0x1000;
	s17 =	simm.s32 $0x50;
	s18 =	simm.s32 $0x2000  }
0x7: {  	s19 =	simm.s32 $0x4800;
	s20 =	simm.s32 $0x1;
	s10 =	sand.u32 $0x1, s4  }
0x8: {  	[smem:$0x7FF] =	sst s5;
	s6 =	sadd.s32 $0x114400, s9;
	s7 =	sadd.s32 $0xEC400, s9  }
0x9: {  	s4 =	stileid.u32;
	s8 =	sadd.s32 $0x100400, s9;
	s11 =	smul.u32 $0x138800, s10  }
0xa: {  	s12 =	smul.u32 $0x1F400, s4;
	_ =	strace $0x80000056;
	s29 =	ssub.s32 $0x2, s10  }
0xb: {  	s13 =	smul.u32 $0x7D000, s4;
	s14 =	sshll.u32 s4, $0x1;
	p0 =	sgt.u32 s4, $0x9  }
0xc: {  	s30 =	sshrl.u32 s29, $0x1;
	s10 =	sor.u32 s10, s14;
	s11 =	sadd.s32 s12, s11  }
0xd: {  	s12 =	ssub.s32 s29, s30;
	s31 =	sshrl.u32 s13, $0x2;
	s13 =	sshll.u32 @!p0 s4, $0x6  }
0xe: {  	s11 =	sshrl.u32 s11, $0x3;
	s14 =	sadd.s32 s31, s3;
	s12 =	smax.u32 s12, $0x1  }
0xf: {  	s13 =	sor.u32 @!p0 $0x1C02, s13;
	s11 =	sadd.s32 s11, s9;
	s9 =	smul.u32 $0x5000, s10  }
0x10: {  	s10 =	smul.u32 $0x7D, s10;
	s14 =	sshrl.u32 @!p0 s14, $0x3;
	s11 =	sadd.s32 $0x20E400, s11  }
.LBB2_1:
0x11: {  	[spmem:s14], [sflag:s13] =	dma.local @!p0 [hbm:s2], $0x3E80  }
0x12: {  	s21 =	simm.s32 @!p0 $0x2  }
0x13: {  	_ =	swait.ge @!p0 [sflag:s21], $0x3E80  }
0x14: {  	[sflag:s21] =	ssyncset.done @!p0 $0x0  }
0x15: {  	[sflag:s21] =	ssyncadd.s32 @!p0 $0xFFFFC180  }
0x16: {  	s21 =	simm.s32 $0x0;
	[bflag:$0x0] =	sbarrier.arrive $0xFFFF  }
.LBB2_2:
0x17: {  	s22 =	sshll.u32 s21, $0xC  }
0x18: {  	s22 =	sadd.s32 s9, s22  }
0x19: {  	s23 =	sshrl.u32 s22, $0x3  }
0x1a: {  	s22 =	simm.s32 $0x0;
	s24 =	sadd.s32 s7, s23  }
0x1b: {  	[tilespmem:s22], [sflag:$0x2] =	stream.linear.gather [hbm4b:s24+s22], $0xC80, $0x38;
	[tilespmem:$0x18880] =	vst v63  }
0x1c: {  	_ =	swait.ge [sflag:s15], $0xC80  }
0x1d: {  	[sflag:s15] =	ssyncset.done $0x0  }
0x1e: {  	s23 =	sadd.s32 s8, s23;
	[sflag:s15] =	ssyncadd.s32 $0xFFFFF380  }
0x1f: {  	[tilespmem:s16], [sflag:$0x2] =	stream.linear.gather [hbm4b:s23+s22], $0xC80, $0x38;
	[tilespmem:$0x18880] =	vst v63  }
0x20: {  	s31 =	smul.u32 $0x19, s21;
	_ =	swait.ge [sflag:s15], $0xC80  }
0x21: {  	[sflag:s15] =	ssyncset.done $0x0  }
0x22: {  	s24 =	simm.s32 $0x0;
	s23 =	sadd.s32 s10, s31;
	[sflag:s15] =	ssyncadd.s32 $0xFFFFF380  }
.LBB2_3:
0x23: {  	s25 =	sshll.u32 s24, $0x7;
	s26 =	sadd.s32 s24, s23  }
0x24: {  	[tilespmem:s18], [sflag:$0x1] =	stream.indirect.gather [hbm4b:s1+s17], $0x80, s25, s17, $0xb8;
	[tilespmem:$0x18880] =	vst v63  }
0x25: {  	s26 =	sshll.u32 s26, $0x8  }
0x26: {  	s26 =	sadd.s32 s6, s26  }
0x27: {  	[tilespmem:s19], [sflag:$0x2] =	stream.linear.gather [hbm4b:s26+s22], $0x500, $0x38;
	[tilespmem:$0x18880] =	vst v63  }
0x28: {  	_ =	swait.ge [sflag:s15], $0x500  }
0x29: {  	[sflag:s15] =	ssyncset.done $0x0  }
0x2a: {  	[sflag:s15] =	ssyncadd.s32 $0xFFFFFB00  }
0x2b: {  	s0 =	sand.u32 $0x1E00, s22;
	_ =	swait.ge [sflag:s20], $0x2800  }
0x2c: {  	s28 =	sand.u32 $0x70, s22;
	s26 =	sshrl.u32 s0, $0x2;
	[sflag:s20] =	ssyncset.done $0x0  }
0x2d: {  	s26 =	sor.u32 s28, s26;
	[sflag:s20] =	ssyncadd.s32 $0xFFFFD800  }
0x2e: {  	v0 =	vld [tilespmem:s26+$0x4800]  }
0x2f: {  	s26 =	simm.s32 $0x2040  }
0x30: {  	v1 =	vld [tilespmem:s26+$0xFFFFFFC0]  }
0x31: {  	v2 =	vld [tilespmem:s26+$0xFFFFFFD0]  }
0x32: {  	v3 =	vld [tilespmem:s26+$0xFFFFFFE0]  }
0x33: {  	v4 =	vld [tilespmem:s26+$0xFFFFFFF0];
	v5 =	vbroadcast v0, $0x0  }
0x34: {  	v7 =	vld [tilespmem:s26+$0x0];
	v6 =	vbroadcast v0, $0x1  }
0x35: {  	v8 =	vld [tilespmem:s26+$0x10];
	v9 =	vbroadcast v0, $0x2;
	v1 =	vmul.f32 v5, v1  }
0x36: {  	v62 =	vld [tilespmem:s26+$0x20];
	v10 =	vbroadcast v0, $0x3;
	v2 =	vmul.f32 v2, v6  }
0x37: {  	v61 =	vld [tilespmem:s26+$0x30];
	v3 =	vmul.f32 v3, v9;
	[tilespmem:s26+$0xFFFFFFC0] =	vst v1;
	v1 =	vbroadcast v0, $0x4  }
0x38: {  	v63 =	vbroadcast v0, $0x5;
	v4 =	vmul.f32 v4, v10;
	[tilespmem:s26+$0xFFFFFFD0] =	vst v2  }
0x39: {  	v2 =	vbroadcast v0, $0x6;
	[tilespmem:s26+$0xFFFFFFE0] =	vst v3;
	v1 =	vmul.f32 v7, v1  }
0x3a: {  	v0 =	vbroadcast v0, $0x7;
	v3 =	vmul.f32 v8, v63;
	[tilespmem:s26+$0xFFFFFFF0] =	vst v4  }
0x3b: {  	s29 =	simm.s32 $0x10;
	s28 =	simm.s32 $0x40;
	[tilespmem:s26+$0x0] =	vst v1;
	v1 =	vmul.f32 v62, v2  }
0x3c: {  	s30 =	simm.s32 $0x80;
	s31 =	sand.u32 $0x1E00, s28;
	s28 =	simm.s32 $0x20C0;
	v0 =	vmul.f32 v61, v0;
	[tilespmem:s26+$0x10] =	vst v3  }
.LBB2_4:
0x3d: {  	p1 =	sne.s32 s30, $0x13C0;
	s0 =	sand.u32 $0x70, s29;
	s31 =	sshrl.u32 s31, $0x2;
	[tilespmem:s26+$0x20] =	vst v1  }
0x3e: {  	s0 =	sor.u32 s0, s31;
	v1 =	vld [tilespmem:s28+$0xFFFFFFF0];
	[tilespmem:s26+$0x30] =	vst v0;
	s26 =	smov.u32 s28  }
0x3f: {  	v0 =	vld [tilespmem:s0+$0x4800]  }
0x40: {  	v2 =	vld [tilespmem:s28+$0xFFFFFFD0]  }
0x41: {  	v3 =	vld [tilespmem:s28+$0xFFFFFFC0]  }
0x42: {  	v4 =	vld [tilespmem:s28+$0xFFFFFFE0]  }
0x43: {  	v5 =	vld [tilespmem:s28+$0x30]  }
0x44: {  	v6 =	vbroadcast v0, $0x0;
	v7 =	vbroadcast v0, $0x1;
	v8 =	vld [tilespmem:s28+$0x10]  }
0x45: {  	v9 =	vbroadcast v0, $0x2;
	v10 =	vbroadcast v0, $0x3;
	v11 =	vld [tilespmem:s28+$0x0]  }
0x46: {  	v3 =	vmul.f32 v6, v3;
	v2 =	vmul.f32 v2, v7;
	v6 =	vld [tilespmem:s28+$0x20]  }
0x47: {  	v1 =	vmul.f32 v1, v10;
	v4 =	vmul.f32 v4, v9  }
0x48: {  	v7 =	vbroadcast v0, $0x5;
	[tilespmem:s28+$0xFFFFFFC0] =	vst v3;
	v3 =	vbroadcast v0, $0x4  }
.Ltmp0:
0x49: {  	[tilespmem:s28+$0xFFFFFFD0] =	vst v2;
	v2 =	vbroadcast v0, $0x6;
	v0 =	vbroadcast v0, $0x7;
	(pc) =	sbr.rel @p1 .LBB2_4-.Ltmp0, $4  }
0x4a: {  	[tilespmem:s28+$0xFFFFFFE0] =	vst v4;
	v3 =	vmul.f32 v11, v3;
	v4 =	vmul.f32 v8, v7  }
0x4b: {  	[tilespmem:s28+$0xFFFFFFF0] =	vst v1;
	v1 =	vmul.f32 v6, v2;
	v0 =	vmul.f32 v5, v0  }
0x4c: {  	s29 =	sadd.s32 $0x10, s29;
	[tilespmem:s28+$0x0] =	vst v3  }
0x4d: {  	s31 =	sand.u32 $0x1E00, s30;
	s30 =	sadd.s32 $0x40, s30;
	s28 =	sadd.s32 $0x80, s28;
	[tilespmem:s26+$0x10] =	vst v4  }
0x4e: {  	s0 =	sand.u32 $0x70, s29;
	s30 =	sshrl.u32 s31, $0x2;
	[tilespmem:s26+$0x20] =	vst v1  }
0x4f: {  	[tilespmem:s26+$0x30] =	vst v0;
	s0 =	sor.u32 s0, s30  }
0x50: {  	v0 =	vld [tilespmem:s0+$0x4800];
	_ =	sdelay $0x1  }
0x51: {  	v57 =	vld [tilespmem:s28+$0xFFFFFFC0]  }
0x52: {  	v2 =	vld [tilespmem:s28+$0xFFFFFFD0]  }
0x53: {  	v3 =	vld [tilespmem:s28+$0xFFFFFFE0]  }
0x54: {  	v4 =	vld [tilespmem:s28+$0xFFFFFFF0];
	v5 =	vbroadcast v0, $0x0;
	v6 =	vbroadcast v0, $0x1  }
0x55: {  	v8 =	vld [tilespmem:s28+$0x10];
	v9 =	vbroadcast v0, $0x2;
	v58 =	vbroadcast v0, $0x3  }
0x56: {  	v10 =	vld [tilespmem:s28+$0x30];
	v60 =	vbroadcast v0, $0x4;
	v1 =	vmul.f32 v5, v57  }
0x57: {  	v7 =	vld [tilespmem:s28+$0x0];
	v61 =	vbroadcast v0, $0x5;
	v2 =	vmul.f32 v2, v6  }
0x58: {  	v59 =	vld [tilespmem:s28+$0x20];
	v62 =	vbroadcast v0, $0x6;
	v3 =	vmul.f32 v3, v9;
	[tilespmem:s28+$0xFFFFFFC0] =	vst v1  }
0x59: {  	v0 =	vbroadcast v0, $0x7;
	v4 =	vmul.f32 v4, v58;
	[tilespmem:s28+$0xFFFFFFD0] =	vst v2  }
0x5a: {  	v63 =	vmul.f32 v8, v61;
	[tilespmem:s28+$0xFFFFFFE0] =	vst v3  }
0x5b: {  	v0 =	vmul.f32 v10, v0;
	[tilespmem:s28+$0xFFFFFFF0] =	vst v4  }
0x5c: {  	v1 =	vmul.f32 v7, v60;
	[tilespmem:s28+$0x10] =	vst v63  }
0x5d: {  	s24 =	sadd.s32 $0x1, s24;
	v2 =	vmul.f32 v59, v62;
	[tilespmem:s28+$0x30] =	vst v0  }
0x5e: {  	p1 =	sne.s32 s24, $0x19;
	[tilespmem:s28+$0x0] =	vst v1  }
.Ltmp1:
0x5f: {  	s31 =	sadd.s32 $0x1000, s25;
	[tilespmem:s28+$0x20] =	vst v2;
	(pc) =	sbr.rel @p1 .LBB2_3-.Ltmp1, $4  }
0x60: {  	[spmem:s3] =	stream.indirect.scatter.add.f32 [tilespmem:s18], [sflag:$0x2], $0x80, s31, s17, $0xb8;
	[tilespmem:$0x18880] =	vst v63  }
0x61: {  	_ =	swait.ge [sflag:s15], $0x2800  }
0x62: {  	[sflag:s15] =	ssyncset.done $0x0  }
0x63: {  	[sflag:s15] =	ssyncadd.s32 $0xFFFFD800  }
0x64: {  	s21 =	sadd.s32 $0x1, s21  }
0x65: {  	p1 =	sne.s32 s21, $0x5  }
.Ltmp2:
0x66: {  	_ = 	snop;
	(pc) =	sbr.rel @p1 .LBB2_2-.Ltmp2, $1  }
0x67: {  	_ =	sdelay $0x3  }
0x68: {  	s5 =	sadd.s32 $0x1, s5  }
0x69: {  	p1 =	sne.s32 s5, s12  }
.Ltmp3:
0x6a: {  	[bflag:$0x0] =	sbarrier.arrive $0xFFFF;
	s0 =	simm.s32 @!p0 $0x2;
	(pc) =	sbr.rel @p1 .LBB2_1-.Ltmp3, $4  }
0x6b: {  	[hbm:s11], [sflag:s13] =	dma.local @!p0 [spmem:s14], $0x3E80  }
0x6c: {  	_ =	swait.ge @!p0 [sflag:s0], $0x3E80  }
0x6d: {  	[sflag:s0] =	ssyncset.done @!p0 $0x0  }
0x6e: {  	[sflag:s0] =	ssyncadd.s32 @!p0 $0xFFFFC180  }
0x6f: {  	_ =	sfence.sel $0x180000  }
0x70: {  	[bflag:$0x0] =	sbarrier.arrive $0xFFFF  }
0x71: {  	_ =	strace $0x90000056  }
0x72: {  	[bflag:$0x2] =	sbarrier.arrive $0xFFFF  }
0x73: {  	p0 =	sne.s32 s4, $0x0;
	s0 =	rddreg [dreg:$0x4]  }
0x74: {  	s0 =	sadd.s32 @!p0 $0x100000, s0  }
0x75: {  	[sflag:s0] =	ssyncadd.tile.s32 @!p0 $0x1;
	_ =	shalt  }
.Lfunc_end2:
_tile_overlayer_lowered:
.L_overlay_start_2:
0x76: {  	(tag) =	ssettag $0x2  }
0x77: {  	s0 =	rddreg [dreg:$0x0];
	s2 =	stileid.u32  }
0x78: {  	s1 =	rddreg [dreg:$0x1];
	p0 =	sne.s32 s2, $0x0  }
0x79: {  	s3 =	rddreg [dreg:$0x2];
	[bflag:$0x3] =	sbarrier.arrive $0xFFFF;
	s2 =	simm.s32 @!p0 $0x1C02  }
0x7a: {  	[timem:s3], [sflag:s2] =	dma.local @!p0 [hbm:s0], s1  }
0x7b: {  	s0 =	simm.s32 @!p0 $0x2  }
0x7c: {  	_ =	swait.ge @!p0 [sflag:s0], s1  }
0x7d: {  	s1 =	ssub.s32 @!p0 $0x0, s1;
	[sflag:s0] =	ssyncset.done @!p0 $0x0  }
0x7e: {  	[sflag:s0] =	ssyncadd.s32 @!p0 s1  }
0x7f: {  	[bflag:$0x3] =	sbarrier.arrive $0xFFFF  }
0x80: {  	_ =	shalt  }

// kernel: sc_gcn.3.cloned.1.call-start
scs
__scs_entry_jumppad:
0x0: {  	(pc) =	sbr.rel $0x88, $3  }
0x1: {  	(tag) =	ssettag $0x0;
	lr =	simm.s32 $0x1  }
0x2: {  	[smem:$0x3F68] =	sst lr;
	_ =	strace $0xD0000000  }
0x3: {  	_ = 	snop  }
0x4: {  	_ = 	snop  }
0x5: {  	_ = 	snop  }
0x6: {  	_ = 	snop  }
0x7: {  	_ = 	snop  }
__scs_overlays_trampoline_lowered:
0x8: {  	[smem:$0x3F77] =	sst s0  }
0x9: {  	[smem:$0x3F78] =	sst s1  }
0xa: {  	[smem:$0x3F79] =	sst s2  }
0xb: {  	[smem:$0x3F7A] =	sst s3  }
0xc: {  	[smem:$0x3F7B] =	sst s4  }
0xd: {  	[smem:$0x3F7C] =	sst s5  }
0xe: {  	[smem:$0x3F7D] =	sst s6  }
0xf: {  	[smem:$0x3F7E] =	sst s7  }
0x10: {  	[smem:$0x3F7F] =	sst s8  }
0x11: {  	[smem:$0x3F80] =	sst s9;
	s0 =	simm.s32 @!p0 $0x0  }
0x12: {  	s1 =	sld [smem:$0x3F66];
	s0 =	simm.s32 @p0 $0x1  }
0x13: {  	[smem:$0x3F81] =	sst s0;
	s0 =	simm.s32 @!p1 $0x0  }
0x14: {  	s2 =	sld [smem:$0x3F65];
	s0 =	simm.s32 @p1 $0x1  }
0x15: {  	[smem:$0x3F82] =	sst s0;
	s0 =	simm.s32 @!p2 $0x0  }
0x16: {  	s3 =	sld [smem:$0x3FDB];
	s0 =	simm.s32 @p2 $0x1  }
0x17: {  	s4 =	simm.s32 $0x1BF5;
	[smem:$0x3F84] =	sst s0  }
0x18: {  	s0 =	sld [smem:$0x3F67];
	_ =	swait.ge [sflag:s4], $0x0  }
0x19: {  	s7 =	sld [smem:$0x3F68]  }
0x1a: {  	s8 =	sadd.s32 $0xFFFFE003, lr  }
0x1b: {  	s9 =	sadd.s32 $0xFFFFFEF7, lr;
	s5 =	simm.s32 $0xFFFFFFFF;
	p2 =	slt.u32 s8, $0xFFFFF086  }
0x1c: {  	p1 =	slt.u32 s9, $0xF7A;
	s5 =	simm.s32 @!p2 $0x0  }
0x1d: {  	s5 =	simm.s32 @p1 $0x1;
	p0 =	seq.s32 s7, s2  }
0x1e: {  	s7 =	smul.u32 @!p0 $0xF7A, s2;
	p2 =	seq.s32 @!p0 s5, $0x0  }
0x1f: {  	s9 =	smul.u32 $0xF7A, s1;
	s8 =	simm.s32 @!p0 $0x1BF5;
	p2 =	por !p2, p0  }
0x20: {  	[sflag:s8] =	ssyncset.s32 @!p0 $0xFFFFF086;
	s6 =	sadd.s32 @!p0 s3, s7;
	s7 =	simm.s32 @!p0 $0x108  }
0x21: {  	s3 =	sadd.s32 s3, s9;
	s6 =	sadd.s32 @!p0 $0x88, s6;
	s7 =	simm.s32 @p2 $0x1082  }
0x22: {  	[simem:s7], [sflag:s8] =	dma.local @!p0 [hbm:s6], $0xF7A  }
0x23: {  	s9 =	sor.u32 $0xD0000000, s2;
	s6 =	simm.s32 $0x108;
	_ =	swait.ge @!p0 [sflag:s8], $0x0  }
0x24: {  	s3 =	sadd.s32 $0x88, s3;
	s6 =	simm.s32 @!p1 $0x1082;
	[sflag:s4] =	ssyncset.s32 $0xFFFFF086  }
0x25: {  	[simem:s6], [sflag:s4] =	dma.local [hbm:s3], $0xF7A  }
0x26: {  	[smem:$0x3F68] =	sst s1;
	(tag) =	ssettag s2;
	_ =	strace s9  }
0x27: {  	s1 =	sld [smem:$0x3F78]  }
0x28: {  	s2 =	sld [smem:$0x3F79]  }
0x29: {  	s4 =	sld [smem:$0x3F7B]  }
0x2a: {  	p0 =	seq.s32 s5, $0x0;
	s5 =	sld [smem:$0x3F7C]  }
0x2b: {  	s6 =	sld [smem:$0x3F7D]  }
0x2c: {  	s7 =	sld [smem:$0x3F7E]  }
0x2d: {  	s3 =	simm.s32 $0x108;
	s8 =	sld [smem:$0x3F7F]  }
0x2e: {  	s3 =	simm.s32 @!p0 $0x1082;
	s9 =	sld [smem:$0x3F80]  }
0x2f: {  	lr =	sadd.s32 s0, s3;
	s0 =	sld [smem:$0x3F77]  }
0x30: {  	s3 =	sld [smem:$0x3F7A]  }
0x31: {  	[smem:$0x3F83] =	sst s10  }
0x32: {  	s10 =	sld [smem:$0x3F81];
	_ =	sdelay $0x3  }
0x33: {  	p0 =	seq.s32 s10, $0x1;
	s10 =	sld [smem:$0x3F83];
	_ =	sdelay $0x3  }
0x34: {  	[smem:$0x3F83] =	sst s10  }
0x35: {  	s10 =	sld [smem:$0x3F82];
	_ =	sdelay $0x3  }
0x36: {  	p1 =	seq.s32 s10, $0x1;
	s10 =	sld [smem:$0x3F83];
	_ =	sdelay $0x3  }
0x37: {  	[smem:$0x3F83] =	sst s10  }
0x38: {  	s10 =	sld [smem:$0x3F84]  }
0x39: {  	_ = 	snop;
	(pc) =	sbr.ind lr, $3  }
0x3a: {  	_ = 	snop  }
0x3b: {  	_ = 	snop  }
0x3c: {  	p2 =	seq.s32 s10, $0x1;
	s10 =	sld [smem:$0x3F83]  }
0x3d: {  	_ =	shalt  }
0x3e: {  	_ =	shalt  }
0x3f: {  	_ =	shalt  }
0x40: {  	_ =	shalt  }
0x41: {  	_ =	shalt  }
0x42: {  	_ =	shalt  }
0x43: {  	_ =	shalt  }
0x44: {  	_ =	shalt  }
0x45: {  	_ =	shalt  }
0x46: {  	_ =	shalt  }
0x47: {  	_ =	shalt  }
0x48: {  	_ =	shalt  }
0x49: {  	_ =	shalt  }
0x4a: {  	_ =	shalt  }
0x4b: {  	_ =	shalt  }
0x4c: {  	_ =	shalt  }
0x4d: {  	_ =	shalt  }
0x4e: {  	_ =	shalt  }
0x4f: {  	_ =	shalt  }
0x50: {  	_ =	shalt  }
0x51: {  	_ =	shalt  }
0x52: {  	_ =	shalt  }
0x53: {  	_ =	shalt  }
0x54: {  	_ =	shalt  }
0x55: {  	_ =	shalt  }
0x56: {  	_ =	shalt  }
0x57: {  	_ =	shalt  }
0x58: {  	_ =	shalt  }
0x59: {  	_ =	shalt  }
0x5a: {  	_ =	shalt  }
0x5b: {  	_ =	shalt  }
0x5c: {  	_ =	shalt  }
0x5d: {  	_ =	shalt  }
0x5e: {  	_ =	shalt  }
0x5f: {  	_ =	shalt  }
0x60: {  	_ =	shalt  }
0x61: {  	_ =	shalt  }
0x62: {  	_ =	shalt  }
0x63: {  	_ =	shalt  }
0x64: {  	_ =	shalt  }
0x65: {  	_ =	shalt  }
0x66: {  	_ =	shalt  }
0x67: {  	_ =	shalt  }
0x68: {  	_ =	shalt  }
0x69: {  	_ =	shalt  }
0x6a: {  	_ =	shalt  }
0x6b: {  	_ =	shalt  }
0x6c: {  	_ =	shalt  }
0x6d: {  	_ =	shalt  }
0x6e: {  	_ =	shalt  }
0x6f: {  	_ =	shalt  }
0x70: {  	_ =	shalt  }
0x71: {  	_ =	shalt  }
0x72: {  	_ =	shalt  }
0x73: {  	_ =	shalt  }
0x74: {  	_ =	shalt  }
0x75: {  	_ =	shalt  }
0x76: {  	_ =	shalt  }
0x77: {  	_ =	shalt  }
0x78: {  	_ =	shalt  }
0x79: {  	_ =	shalt  }
0x7a: {  	_ =	shalt  }
0x7b: {  	_ =	shalt  }
0x7c: {  	_ =	shalt  }
0x7d: {  	_ =	shalt  }
0x7e: {  	_ =	shalt  }
0x7f: {  	_ =	shalt  }
0x80: {  	_ =	shalt  }
0x81: {  	_ =	shalt  }
0x82: {  	_ =	shalt  }
0x83: {  	_ =	shalt  }
0x84: {  	_ =	shalt  }
0x85: {  	_ =	shalt  }
0x86: {  	_ =	shalt  }
0x87: {  	_ =	shalt  }
.Lfunc_end0:
.L_simem_size_0:
called_computation.1_lowered:
.L_overlay_start_0:
0x88: {  	s2 =	sld [smem:$0x3FD9]  }
0x89: {  	s3 =	sld [smem:$0x3FFE];
	_ =	sdelay $0x1  }
0x8a: {  	s1 =	srdreg.scid  }
0x8b: {  	s0 =	sand.u32 $0x1, s1  }
0x8c: {  	s14 =	sshll.u32 s0, $0xA;
	s2 =	sadd.s32 s3, s2  }
0x8d: {  	s2 =	sadd.s32 s2, s14  }
0x8e: {  	[smem:$0x3F8F] =	sst s2  }
0x8f: {  	_ = 	snop  }
0x90: {  	s2 =	sld [smem:$0x3FD0];
	_ =	sdelay $0x2  }
0x91: {  	s15 =	simm.s32 $0xA;
	s4 =	simm.s32 $0x10  }
0x92: {  	[smem:s4], [sflag:s15] =	dma.local [hbm:s2], $0x1  }
0x93: {  	_ =	swait.eq [sflag:s15], $0x1  }
0x94: {  	[sflag:s15] =	ssyncset.done $0x0  }
0x95: {  	s16 =	sld [smem:$0x13];
	[sflag:s15] =	ssyncadd.s32 $0xFFFFFFFF  }
0x96: {  	s17 =	sld [smem:$0x14];
	(tm) =	ssettm $0x1  }
0x97: {  	s18 =	sld [smem:$0x3FFB];
	_ =	sdelay $0x3  }
0x98: {  	_ =	strace s18  }
0x99: {  	s4 =	sld [smem:$0x3FFC];
	_ =	sdelay $0x3  }
0x9a: {  	_ =	strace s4  }
0x9b: {  	s4 =	sld [smem:$0x3FFD];
	_ =	sdelay $0x3  }
0x9c: {  	_ =	strace s4  }
0x9d: {  	_ =	strace $0x8FFFFFFF  }
0x9e: {  	s19 =	sld [smem:$0x3FDB];
	_ =	sdelay $0x1  }
0x9f: {  	s5 =	simm.s32 $_scs_section_size  }
0xa0: {  	s6 =	simm.s32 $_size__tile_overlayer_lowered;
	s7 =	simm.s32 $_tile_overlayer_lowered  }
0xa1: {  	s22 =	simm.s32 $0x1BFF;
	s21 =	sshll.u32 s7, $0x1;
	s4 =	sadd.s32 s5, s19  }
0xa2: {  	s8 =	simm.s32 $0x0;
	s20 =	sshll.u32 s6, $0x1;
	s6 =	sadd.s32 s21, s4  }
0xa3: {  	[timem:s8], [sflag:s22] =	dma.local [hbm:s6], s20  }
0xa4: {  	_ =	swait.ge [sflag:s22], s20  }
0xa5: {  	s5 =	ssub.s32 $0x0, s20;
	[sflag:s22] =	ssyncset.done $0x0  }
0xa6: {  	[sflag:s22] =	ssyncadd.s32 s5;
	_ =	sdelay $0x1  }
0xa7: {  	s23 =	simm.s32 $0x1B8B  }
0xa8: {  	_ =	swait.ge [sflag:s23], $0x1  }
0xa9: {  	[sflag:s23] =	ssyncset.done $0x0  }
0xaa: {  	s25 =	simm.s32 $0x1B8E;
	s24 =	sld [smem:$0x3FFE];
	[sflag:s23] =	ssyncadd.s32 $0xFFFFFFFF  }
0xab: {  	s26 =	simm.s32 $execute0_lowered;
	[smem:$0x3FD2] =	sst s25  }
0xac: {  	s6 =	sshll.u32 s26, $0x1;
	_ =	strace $0x80000049;
	[dreg:$0x1] =	wrdreg $0xFFFFFFFF  }
0xad: {  	s28 =	simm.s32 $_size_execute0_lowered;
	s4 =	sadd.s32 s4, s6;
	[dreg:$0x0] =	wrdreg $0x0  }
0xae: {  	s6 =	sshll.u32 s28, $0x1;
	[dreg:$0x2] =	wrdreg s4  }
0xaf: {  	[dreg:$0x3] =	wrdreg s6  }
0xb0: {  	[dreg:$0x4] =	wrdreg $0xC0  }
0xb1: {  	_ =	task [dreg:s8], $0x5FFFF  }
0xb2: {  	[dreg:$0x1] =	wrdreg $0xFFFFFFFF  }
0xb3: {  	[dreg:$0x0] =	wrdreg $0x60  }
0xb4: {  	[dreg:$0x2] =	wrdreg s16  }
0xb5: {  	[dreg:$0x3] =	wrdreg s24  }
0xb6: {  	[dreg:$0x4] =	wrdreg s17  }
0xb7: {  	[dreg:$0x5] =	wrdreg $0xA8000  }
0xb8: {  	[dreg:$0x6] =	wrdreg $0x9  }
0xb9: {  	_ =	task.clear_ibuf [dreg:s8], $0x7FFFF;
	_ =	strace $0x90000049  }
0xba: {  	s29 =	simm.s32 $0x9;
	_ =	strace $0x8000004B  }
0xbb: {  	_ =	swait.ge [sflag:s29], $0x1  }
0xbc: {  	[sflag:s29] =	ssyncadd.s32 $0xFFFFFFFF  }
0xbd: {  	_ =	strace $0x9000004B  }
0xbe: {  	_ =	sfence  }
0xbf: {  	s30 =	sld [smem:$0x0];
	_ =	sdelay $0x2  }
0xc0: {  	s31 =	sshll.u32 s1, $0xD;
	s1 =	sshrl.u32 s1, $0x2  }
0xc1: {  	s3 =	sand.u32 $0x4000, s31;
	s1 =	sadd.s32 s1, s30  }
0xc2: {  	s0 =	sor.u32 s3, s0;
	s1 =	sshll.u32 s1, $0x11  }
0xc3: {  	s0 =	sor.u32 s1, s0  }
0xc4: {  	s0 =	sadd.s32 $0x8F2B, s0  }
0xc5: {  	[sflag:s0] =	ssyncadd.remote.s32 $0x1  }
0xc6: {  	_ =	sfence.sel $0xFFFF  }
0xc7: {  	[dreg:$0x0] =	wrdreg $0xFFFFFFFF;
	(pc) =	sbr.abs _section_cstart, $3  }
0xc8: {  	[dreg:$0x1] =	wrdreg $0xFFFFFFFF  }
0xc9: {  	_ =	task.clear_ibuf [dreg:s8], $0x2FFFF;
	_ =	strace $0x9FFFFFFF  }
0xca: {  	(tm) =	ssettm $0x7FFFFFFF  }
0xcb: {  	_ =	shalt  }
tec
execute0_lowered:
.L_overlay_start_1:
0x0: {  	(tag) =	ssettag $0x1  }
0x1: {  	s1 =	rddreg [dreg:$0x0]  }
0x2: {  	s6 =	rddreg [dreg:$0x1]  }
0x3: {  	s2 =	rddreg [dreg:$0x2]  }
0x4: {  	s3 =	rddreg [dreg:$0x3]  }
0x5: {  	s0 =	rddreg [dreg:$0x4];
	s5 =	simm.s32 $0x0;
	s4 =	srdreg.scid  }
0x6: {  	s13 =	simm.s32 $0x4000;
	s14 =	simm.s32 $0x50;
	s15 =	simm.s32 $0x8000  }
0x7: {  	s16 =	simm.s32 $0x1;
	[smem:$0x7FF] =	sst s5;
	s7 =	sand.u32 $0x1, s4  }
0x8: {  	s17 =	simm.s32 $0x0;
	s4 =	stileid.u32;
	s8 =	smul.u32 $0x138800, s7  }
0x9: {  	s9 =	sshll.u32 s4, $0xC;
	s10 =	sshll.u32 s7, $0xB;
	s11 =	smul.u32 $0x1F400, s4  }
0xa: {  	_ =	strace $0x8000004A;
	s7 =	ssub.s32 $0x2, s7;
	s29 =	smul.u32 $0x7D000, s4  }
0xb: {  	p0 =	sgt.u32 s4, $0x9;
	s9 =	sor.u32 s10, s9;
	s30 =	sshrl.u32 s7, $0x1  }
0xc: {  	s10 =	sshll.u32 @!p0 s4, $0x6;
	s8 =	sadd.s32 s11, s8;
	s9 =	sadd.s32 s9, s6  }
0xd: {  	s11 =	ssub.s32 s7, s30;
	s31 =	sshrl.u32 s29, $0x2;
	s10 =	sor.u32 @!p0 $0x1C02, s10  }
0xe: {  	s8 =	sshrl.u32 s8, $0x3;
	s12 =	sadd.s32 s31, s3;
	s7 =	sadd.s32 $0x8E00, s9  }
0xf: {  	s8 =	sadd.s32 s8, s6;
	s6 =	sadd.s32 $0x67000, s9;
	s9 =	smax.u32 s11, $0x1  }
0x10: {  	s11 =	sshrl.u32 @!p0 s12, $0x3;
	s12 =	simm.s32 $0x2;
	s8 =	sadd.s32 $0x9E200, s8  }
.LBB2_1:
0x11: {  	[spmem:s11], [sflag:s10] =	dma.local @!p0 [hbm:s2], $0x3E80  }
0x12: {  	s18 =	simm.s32 @!p0 $0x2  }
0x13: {  	_ =	swait.ge @!p0 [sflag:s18], $0x3E80  }
0x14: {  	[sflag:s18] =	ssyncset.done @!p0 $0x0  }
0x15: {  	[sflag:s18] =	ssyncadd.s32 @!p0 $0xFFFFC180  }
0x16: {  	[tilespmem:s5], [sflag:$0x2] =	stream.linear.gather [hbm4b:s6+s5], $0x3E80, $0x38;
	[tilespmem:$0x1E080] =	vst v63  }
0x17: {  	_ =	swait.ge [sflag:s12], $0x3E80  }
0x18: {  	[sflag:s12] =	ssyncset.done $0x0  }
0x19: {  	[sflag:s12] =	ssyncadd.s32 $0xFFFFC180  }
0x1a: {  	[tilespmem:s13], [sflag:$0x2] =	stream.linear.gather [hbm4b:s7+s5], $0x3E80, $0x38;
	[tilespmem:$0x1E080] =	vst v63  }
0x1b: {  	_ =	swait.ge [sflag:s12], $0x3E80  }
0x1c: {  	[sflag:s12] =	ssyncset.done $0x0  }
0x1d: {  	[sflag:s12] =	ssyncadd.s32 $0xFFFFC180  }
0x1e: {  	s30 =	simm.s32 $0x0;
	[bflag:$0x0] =	sbarrier.arrive $0xFFFF  }
0x1f: {  	[tilespmem:s15], [sflag:$0x1] =	stream.indirect.gather [hbm4b:s1+s14], $0x80, s30, s14, $0xb8;
	[tilespmem:$0x1E080] =	vst v63  }
0x20: {  	_ =	swait.ge [sflag:s16], $0x2800  }
0x21: {  	[sflag:s16] =	ssyncset.done $0x0  }
0x22: {  	s31 =	simm.s32 $0x4000;
	[sflag:s16] =	ssyncadd.s32 $0xFFFFD800  }
0x23: {  	[spmem:s3] =	stream.indirect.scatter.add.f32 [tilespmem:s15], [sflag:$0x2], $0x80, s31, s14, $0xb8;
	[tilespmem:$0x1E080] =	vst v63  }
0x24: {  	_ =	swait.ge [sflag:s12], $0x2800  }
0x25: {  	s19 =	simm.s32 $0x400;
	s18 =	simm.s32 $0x200;
	[sflag:s12] =	ssyncset.done $0x0  }
.LBB2_2:
0x26: {  	s20 =	sshra.s32 s18, $0x2  }
0x27: {  	[sflag:s12] =	ssyncadd.s32 $0xFFFFD800;
	s18 =	smov.u32 s19;
	s21 =	sadd.s32 $0x200, s19  }
0x28: {  	[tilespmem:s15], [sflag:$0x1] =	stream.indirect.gather [hbm4b:s1+s14], $0x80, s20, s14, $0xb8;
	[tilespmem:$0x1E080] =	vst v63  }
0x29: {  	p1 =	sne.s32 s19, $0xF800;
	_ =	swait.ge [sflag:s16], $0x2800  }
.Ltmp0:
0x2a: {  	[sflag:s16] =	ssyncset.done $0x0;
	(pc) =	sbr.rel @p1 .LBB2_2-.Ltmp0, $4  }
0x2b: {  	s19 =	sadd.s32 $0x4000, s20;
	[sflag:s16] =	ssyncadd.s32 $0xFFFFD800  }
0x2c: {  	[spmem:s3] =	stream.indirect.scatter.add.f32 [tilespmem:s15], [sflag:$0x2], $0x80, s19, s14, $0xb8;
	[tilespmem:$0x1E080] =	vst v63  }
0x2d: {  	_ =	swait.ge [sflag:s12], $0x2800  }
0x2e: {  	s19 =	smov.u32 s21;
	[sflag:s12] =	ssyncset.done $0x0  }
0x2f: {  	s18 =	sshra.s32 s18, $0x2;
	[sflag:s12] =	ssyncadd.s32 $0xFFFFD800  }
0x30: {  	[tilespmem:s15], [sflag:$0x1] =	stream.indirect.gather [hbm4b:s1+s14], $0x80, s18, s14, $0xb8;
	[tilespmem:$0x1E080] =	vst v63  }
0x31: {  	_ =	swait.ge [sflag:s16], $0x2800  }
0x32: {  	[sflag:s16] =	ssyncset.done $0x0  }
0x33: {  	s18 =	sadd.s32 $0x4000, s18;
	[sflag:s16] =	ssyncadd.s32 $0xFFFFD800  }
0x34: {  	[spmem:s3] =	stream.indirect.scatter.add.f32 [tilespmem:s15], [sflag:$0x2], $0x80, s18, s14, $0xb8;
	[tilespmem:$0x1E080] =	vst v63  }
0x35: {  	_ =	swait.ge [sflag:s12], $0x2800  }
0x36: {  	s17 =	sadd.s32 $0x1, s17;
	[sflag:s12] =	ssyncset.done $0x0  }
0x37: {  	p1 =	sne.s32 s17, s9;
	[sflag:s12] =	ssyncadd.s32 $0xFFFFD800  }
.Ltmp1:
0x38: {  	s18 =	simm.s32 @!p0 $0x2;
	[bflag:$0x0] =	sbarrier.arrive $0xFFFF;
	(pc) =	sbr.rel @p1 .LBB2_1-.Ltmp1, $4  }
0x39: {  	[hbm:s8], [sflag:s10] =	dma.local @!p0 [spmem:s11], $0x3E80  }
0x3a: {  	_ =	swait.ge @!p0 [sflag:s18], $0x3E80  }
0x3b: {  	[sflag:s18] =	ssyncset.done @!p0 $0x0  }
0x3c: {  	[sflag:s18] =	ssyncadd.s32 @!p0 $0xFFFFC180  }
0x3d: {  	_ =	sfence.sel $0x180000  }
0x3e: {  	[bflag:$0x0] =	sbarrier.arrive $0xFFFF  }
0x3f: {  	p0 =	sne.s32 s4, $0x0;
	_ =	strace $0x9000004A  }
0x40: {  	s0 =	sadd.s32 @!p0 $0x100000, s0;
	[bflag:$0x2] =	sbarrier.arrive $0xFFFF  }
0x41: {  	[sflag:s0] =	ssyncadd.tile.s32 @!p0 $0x1;
	_ =	shalt  }
.Lfunc_end2:
_tile_overlayer_lowered:
.L_overlay_start_2:
0x42: {  	(tag) =	ssettag $0x2  }
0x43: {  	s0 =	rddreg [dreg:$0x0];
	s2 =	stileid.u32  }
0x44: {  	s1 =	rddreg [dreg:$0x1];
	p0 =	sne.s32 s2, $0x0  }
0x45: {  	s3 =	rddreg [dreg:$0x2];
	[bflag:$0x3] =	sbarrier.arrive $0xFFFF;
	s2 =	simm.s32 @!p0 $0x1C02  }
0x46: {  	[timem:s3], [sflag:s2] =	dma.local @!p0 [hbm:s0], s1  }
0x47: {  	s0 =	simm.s32 @!p0 $0x2  }
0x48: {  	_ =	swait.ge @!p0 [sflag:s0], s1  }
0x49: {  	s1 =	ssub.s32 @!p0 $0x0, s1;
	[sflag:s0] =	ssyncset.done @!p0 $0x0  }
0x4a: {  	[sflag:s0] =	ssyncadd.s32 @!p0 s1  }
0x4b: {  	[bflag:$0x3] =	sbarrier.arrive $0xFFFF  }
0x4c: {  	_ =	shalt  }

</sc_bundles>
